<compile_context>
chip_gen: v7x
topology: tpu7x:2x2x1
jax: 0.10.2.dev20260603
libtpu: 0.0.44.dev20260713+nightly
codegen_flags: <defaults>
</compile_context>

<pallas_src>
import functools
import math

import jax
import jax.numpy as jnp
from jax import lax
from jax.experimental import pallas as pl
from jax.experimental.pallas import tpu as pltpu
from jax.experimental.pallas import tpu_sc as plsc

CUTOFF = 5.0
KE = 14.3996
N_MOL = 500

NC = 2
NS = 16
L = 16
SUP = 1024
IDX_CHUNK = 128
MOL_PAD = 512

_LOG_CUT = math.log(CUTOFF)
_LN2 = 0.6931471805599453
_SQRT2 = 1.4142135623730951


def _vlog(x):
    bits = lax.bitcast_convert_type(x, jnp.int32)
    e = (bits >> 23) - 127
    m = lax.bitcast_convert_type((bits & 0x007FFFFF) | 0x3F800000, jnp.float32)
    big = m > _SQRT2
    m = jnp.where(big, m * 0.5, m)
    ef = e.astype(jnp.float32) + jnp.where(big, 1.0, 0.0)
    s = (m - 1.0) / (m + 1.0)
    s2 = s * s
    p = 2.0 + s2 * (0.6666666666666666 + s2 * (0.4 + s2 * 0.2857142857142857))
    return ef * _LN2 + s * p


def _make_sc_kernel(n_atoms, a_pad, ept):
    nfull = ept // SUP
    tail = ept - nfull * SUP
    if nfull < 2 or nfull % 2 != 0 or tail % L != 0:
        raise NotImplementedError("pipeline assumes even nfull >= 2")
    a_slice = a_pad // NS
    mesh = plsc.VectorSubcoreMesh(
        core_axis_name="c", subcore_axis_name="s", num_cores=NC, num_subcores=NS
    )

    @functools.partial(
        pl.kernel,
        out_type=jax.ShapeDtypeStruct((NC * MOL_PAD,), jnp.float32),
        mesh=mesh,
        compiler_params=pltpu.CompilerParams(
            needs_layout_passes=False, use_tc_tiling_on_sc=False),
        scratch_types=[
            pltpu.VMEM((SUP,), jnp.int32),
            pltpu.VMEM((SUP,), jnp.int32),
            pltpu.VMEM((SUP, 4), jnp.float32),
            pltpu.VMEM((SUP, 4), jnp.float32),
            pltpu.VMEM((SUP,), jnp.float32),
            pltpu.VMEM((SUP,), jnp.float32),
            pltpu.VMEM((SUP,), jnp.float32),
            pltpu.VMEM((SUP,), jnp.int32),
            pltpu.VMEM((SUP,), jnp.int32),
            pltpu.VMEM((SUP, 4), jnp.float32),
            pltpu.VMEM((SUP, 4), jnp.float32),
            pltpu.VMEM((SUP,), jnp.float32),
            pltpu.VMEM((SUP,), jnp.float32),
            pltpu.VMEM((SUP,), jnp.float32),
            pltpu.VMEM((a_pad,), jnp.float32),
            pltpu.VMEM((8, IDX_CHUNK), jnp.int32),
            pltpu.VMEM((a_slice,), jnp.float32),
            pltpu.VMEM((a_slice,), jnp.int32),
            pltpu.VMEM((MOL_PAD,), jnp.float32),
            pltpu.VMEM((NS * MOL_PAD,), jnp.float32),
            pltpu.VMEM_SHARED((a_pad,), jnp.float32),
            pltpu.VMEM_SHARED((NS * MOL_PAD,), jnp.float32),
            pltpu.SemaphoreType.DMA,
            pltpu.SemaphoreType.DMA,
            pltpu.SemaphoreType.DMA,
            pltpu.SemaphoreType.DMA,
            pltpu.SemaphoreType.DMA,
            pltpu.SemaphoreType.DMA,
        ],
    )
    def born_sc(atoms_h, ii_h, jj_h, rx_h, ry_h, rz_h, im_h, iota_h, out_h,
                *refs):
        (ii_b0, jj_b0, ri_b0, rj_b0, rx_b0, ry_b0, rz_b0,
         ii_b1, jj_b1, ri_b1, rj_b1, rx_b1, ry_b1, rz_b1,
         y_loc, idxa_b, acc_b, im_b, mol_b, molsum_b,
         sh_yacc, sh_mol,
         sem_idx0, sem_idx1, sem_r0, sem_r1, sem_gat0, sem_gat1) = refs
        IIB = (ii_b0, ii_b1)
        JJB = (jj_b0, jj_b1)
        RIB = (ri_b0, ri_b1)
        RJB = (rj_b0, rj_b1)
        RXB = (rx_b0, rx_b1)
        RYB = (ry_b0, ry_b1)
        RZB = (rz_b0, rz_b1)
        SEMI = (sem_idx0, sem_idx1)
        SEMR = (sem_r0, sem_r1)
        SEMG = (sem_gat0, sem_gat1)
        sem_lin = sem_idx0
        sem_gat = sem_gat0
        cid = lax.axis_index("c")
        sid = lax.axis_index("s")
        w = cid * NS + sid
        zero16 = jnp.zeros((L,), jnp.float32)
        lane = lax.iota(jnp.int32, L)
        c0 = jnp.zeros((L,), jnp.int32)
        c1 = c0 + 1
        c2 = c0 + 2

        def zero_y(i, _):
            y_loc[pl.ds(i * L, L)] = zero16
            return 0

        lax.fori_loop(0, a_pad // L, zero_y, 0)

        def zero_mol(i, _):
            mol_b[pl.ds(i * L, L)] = zero16
            return 0

        lax.fori_loop(0, MOL_PAD // L, zero_mol, 0)

        ebase = w * ept

        def lin_copies(g, b, sz):
            base = ebase + g * SUP
            sl = pl.ds(base, sz)
            d = pl.ds(0, sz)
            return (
                (ii_h.at[sl], IIB[b].at[d], SEMI[b]),
                (jj_h.at[sl], JJB[b].at[d], SEMI[b]),
                (rx_h.at[sl], RXB[b].at[d], SEMR[b]),
                (ry_h.at[sl], RYB[b].at[d], SEMR[b]),
                (rz_h.at[sl], RZB[b].at[d], SEMR[b]),
            )

        def gat_copies(b, sz):
            out = []
            for t in range(0, sz, IDX_CHUNK):
                c = min(IDX_CHUNK, sz - t)
                s = pl.ds(t, c)
                out.append((atoms_h.at[IIB[b].at[s]], RIB[b].at[s], SEMG[b]))
                out.append((atoms_h.at[JJB[b].at[s]], RJB[b].at[s], SEMG[b]))
            return out

        def issue_lin(g, b, sz=SUP):
            for src, dst, sem in lin_copies(g, b, sz):
                pltpu.async_copy(src, dst, sem)

        def wait_idx(g, b, sz=SUP):
            for src, dst, sem in lin_copies(g, b, sz)[:2]:
                pltpu.make_async_copy(src, dst, sem).wait()

        def wait_r(g, b, sz=SUP):
            for src, dst, sem in lin_copies(g, b, sz)[2:]:
                pltpu.make_async_copy(src, dst, sem).wait()

        def issue_gat(b, sz=SUP):
            for src, dst, sem in gat_copies(b, sz):
                pltpu.async_copy(src, dst, sem)

        def wait_gat(b, sz=SUP):
            for src, dst, sem in gat_copies(b, sz):
                pltpu.make_async_copy(src, dst, sem).wait()

        def compute(b, sz=SUP):
            ii_b, ri_b, rj_b = IIB[b], RIB[b], RJB[b]
            rx_b, ry_b, rz_b = RXB[b], RYB[b], RZB[b]

            def step(k, _):
                kbase = k * L
                kk = pl.ds(kbase, L)
                ii = ii_b[kk]
                rows = lane + kbase
                qi = plsc.load_gather(ri_b, [rows, c0])
                ni = plsc.load_gather(ri_b, [rows, c1])
                r0i = plsc.load_gather(ri_b, [rows, c2])
                qj = plsc.load_gather(rj_b, [rows, c0])
                nj = plsc.load_gather(rj_b, [rows, c1])
                r0j = plsc.load_gather(rj_b, [rows, c2])
                x = rx_b[kk]
                y = ry_b[kk]
                z = rz_b[kk]
                d2 = x * x + y * y + z * z
                n = ni + 0.5 * nj
                r0 = r0i + 0.5 * r0j
                q = jnp.abs(qi * qj)
                b_ = q * jnp.exp((n - 1.0) * _vlog(r0)) / n
                h = 0.5 * _vlog(d2)
                pot = b_ * (jnp.exp(-n * h) - jnp.exp(-n * _LOG_CUT))
                pot = jnp.where(d2 <= CUTOFF * CUTOFF, pot, 0.0)
                plsc.addupdate_scatter(y_loc, [ii], pot)
                return 0

            lax.fori_loop(0, sz // L, step, 0)

        issue_lin(0, 0)
        wait_idx(0, 0)
        issue_gat(0)
        issue_lin(1, 1)

        def pair_body(p, _):
            g = 2 * p
            for b in (0, 1):
                gg = g + b
                nb = 1 - b
                wait_idx(gg + 1, nb)
                issue_gat(nb)
                wait_r(gg, b)
                wait_gat(b)
                compute(b)
                issue_lin(gg + 2, b)

            return 0

        lax.fori_loop(0, (nfull - 2) // 2, pair_body, 0)
        wait_idx(nfull - 1, 1)
        issue_gat(1)
        wait_r(nfull - 2, 0)
        wait_gat(0)
        compute(0)
        wait_r(nfull - 1, 1)
        wait_gat(1)
        compute(1)
        if tail:
            issue_lin(nfull, 0, tail)
            wait_idx(nfull, 0, tail)
            issue_gat(0, tail)
            wait_r(nfull, 0, tail)
            wait_gat(0, tail)
            compute(0, tail)

        @pl.when(sid == 0)
        def _():
            pltpu.sync_copy(y_loc, sh_yacc)

        plsc.subcore_barrier()

        @pl.when(sid != 0)
        def _():
            def add_loop(c, _):
                pltpu.async_copy(
                    iota_h.at[pl.ds(c * 8, 8)], idxa_b, sem_lin).wait()
                adds = []
                for r in range(8):
                    adds.append(pltpu.async_copy(
                        y_loc.at[pl.ds((c * 8 + r) * IDX_CHUNK, IDX_CHUNK)],
                        sh_yacc.at[idxa_b.at[r]], sem_gat, add=True))
                for a in adds:
                    a.wait()
                return 0

            lax.fori_loop(0, a_pad // (8 * IDX_CHUNK), add_loop, 0)

        plsc.subcore_barrier()
        abase = sid * a_slice
        pltpu.sync_copy(sh_yacc.at[pl.ds(abase, a_slice)], acc_b)

        pltpu.sync_copy(im_h.at[pl.ds(abase, a_slice)], im_b)

        def mol_loop(k, _):
            kk = pl.ds(k * L, L)
            plsc.addupdate_scatter(mol_b, [im_b[kk]], acc_b[kk])
            return 0

        lax.fori_loop(0, a_slice // L, mol_loop, 0)

        pltpu.sync_copy(mol_b, sh_mol.at[pl.ds(sid * MOL_PAD, MOL_PAD)])
        plsc.subcore_barrier()

        @pl.when(sid == 0)
        def _():
            pltpu.sync_copy(sh_mol, molsum_b)

            def fin_loop(k, _):
                kbase = k * L

                def srow(s, acc):
                    return acc + molsum_b[pl.ds(s * MOL_PAD + kbase, L)]

                acc = lax.fori_loop(1, NS, srow, molsum_b[pl.ds(kbase, L)])
                mol_b[pl.ds(kbase, L)] = acc * (0.5 * KE)
                return 0

            lax.fori_loop(0, MOL_PAD // L, fin_loop, 0)
            pltpu.sync_copy(mol_b, out_h.at[pl.ds(cid * MOL_PAD, MOL_PAD)])

    return born_sc


def kernel(partial_charges, Z, ns, r0s, idx_m, Rij, idx_i, idx_j):
    n_atoms = Z.shape[0]
    n_edges = idx_i.shape[0]
    a_pad = ((n_atoms + NS * L - 1) // (NS * L)) * (NS * L)
    nw = NC * NS
    if n_edges % nw != 0:
        raise NotImplementedError("edge count must divide over 32 tiles")
    ept = n_edges // nw

    q = jnp.squeeze(partial_charges, -1)
    atoms4 = jnp.stack([q, ns, r0s, jnp.zeros_like(q)], axis=1)
    imp = jnp.pad(idx_m, (0, a_pad - n_atoms))
    iota2 = jnp.arange(a_pad, dtype=jnp.int32).reshape(a_pad // IDX_CHUNK,
                                                       IDX_CHUNK)

    out = _make_sc_kernel(n_atoms, a_pad, ept)(
        atoms4, idx_i, idx_j, Rij[:, 0], Rij[:, 1], Rij[:, 2], imp, iota2)
    return out[:N_MOL] + out[MOL_PAD:MOL_PAD + N_MOL]

# --- scband reference (transcript-rebuilt; emitter-appended) ---
"""Pipeline reference for scband-energy-born-54623394071051 (READ-ONLY COPY).

The authoritative reference and input builder live on the scoring server;
editing this copy changes nothing except your own understanding.
"""

import jax, jax.numpy as jnp
import numpy as np

N_ATOMS = 50000
N_EDGES = 1600000
N_MOL = 500
CUTOFF = 5.0
KE = 14.3996


def setup_inputs(seed: int = 0) -> dict:
    key = jax.random.key(seed)
    k1, k2, k3, k4, k5, k6, k7, k8 = jax.random.split(key, 8)
    partial_charges = jax.random.normal(k1, (N_ATOMS, 1), dtype=jnp.float32)
    Z = jax.random.randint(k2, (N_ATOMS,), 0, 100, dtype=jnp.int32)
    ns = jax.random.uniform(k3, (N_ATOMS,), dtype=jnp.float32)
    r0s = jax.random.uniform(k4, (N_ATOMS,), dtype=jnp.float32)
    idx_m = jnp.sort(jax.random.randint(k5, (N_ATOMS,), 0, N_MOL, dtype=jnp.int32))
    Rij = jax.random.normal(k6, (N_EDGES, 3), dtype=jnp.float32)
    idx_i = jax.random.randint(k7, (N_EDGES,), 0, N_ATOMS, dtype=jnp.int32)
    idx_j = jax.random.randint(k8, (N_EDGES,), 0, N_ATOMS, dtype=jnp.int32)
    return {"partial_charges": partial_charges, "Z": Z, "ns": ns, "r0s": r0s,
            "idx_m": idx_m, "Rij": Rij, "idx_i": idx_i, "idx_j": idx_j}


def reference(partial_charges, Z, ns, r0s, idx_m, Rij, idx_i, idx_j):
    q = jnp.squeeze(partial_charges, -1)
    q_ij = jnp.abs(q[idx_i] * q[idx_j])
    d_ij = jnp.linalg.norm(Rij, axis=1)
    n_ij = ns[idx_i] + ns[idx_j] / 2
    r0_ij = r0s[idx_i] + r0s[idx_j] / 2
    B_ij = 1 * q_ij * r0_ij ** (n_ij - 1) / n_ij
    n_atoms = Z.shape[0]
    n_molecules = N_MOL
    potential = B_ij * (1.0 / d_ij ** n_ij - 1.0 / CUTOFF ** n_ij)
    potential = jnp.where(d_ij <= CUTOFF, potential, jnp.zeros_like(potential))
    y = jnp.zeros((n_atoms,), dtype=potential.dtype).at[idx_i].add(potential)
    y = jnp.zeros((n_molecules,), dtype=y.dtype).at[idx_m].add(y)
    y = 0.5 * KE * y
    return y

if __name__ == "__main__":
    import jax
    _d = setup_inputs()
    print(jax.jit(kernel)(*tuple(_d.values())))

</pallas_src>

<mosaic_0001>
#map = affine_map<(d0, d1) -> (0, 0)>
#map1 = affine_map<(d0, d1) -> (0)>
module attributes {stable_mosaic.version = 14 : i64} {
  func.func @born_sc(%arg0: i32, %arg1: i32, %arg2: memref<50000x4xf32, #tpu.memory_space<hbm>>, %arg3: memref<1600000xi32, #tpu.memory_space<hbm>>, %arg4: memref<1600000xi32, #tpu.memory_space<hbm>>, %arg5: memref<1600000xf32, #tpu.memory_space<hbm>>, %arg6: memref<1600000xf32, #tpu.memory_space<hbm>>, %arg7: memref<1600000xf32, #tpu.memory_space<hbm>>, %arg8: memref<50176xi32, #tpu.memory_space<hbm>>, %arg9: memref<392x128xi32, #tpu.memory_space<hbm>>, %arg10: memref<1024xf32, #tpu.memory_space<hbm>>, %arg11: memref<1024xi32, #tpu.memory_space<vmem>>, %arg12: memref<1024xi32, #tpu.memory_space<vmem>>, %arg13: memref<1024x4xf32, #tpu.memory_space<vmem>>, %arg14: memref<1024x4xf32, #tpu.memory_space<vmem>>, %arg15: memref<1024xf32, #tpu.memory_space<vmem>>, %arg16: memref<1024xf32, #tpu.memory_space<vmem>>, %arg17: memref<1024xf32, #tpu.memory_space<vmem>>, %arg18: memref<1024xi32, #tpu.memory_space<vmem>>, %arg19: memref<1024xi32, #tpu.memory_space<vmem>>, %arg20: memref<1024x4xf32, #tpu.memory_space<vmem>>, %arg21: memref<1024x4xf32, #tpu.memory_space<vmem>>, %arg22: memref<1024xf32, #tpu.memory_space<vmem>>, %arg23: memref<1024xf32, #tpu.memory_space<vmem>>, %arg24: memref<1024xf32, #tpu.memory_space<vmem>>, %arg25: memref<50176xf32, #tpu.memory_space<vmem>>, %arg26: memref<8x128xi32, #tpu.memory_space<vmem>>, %arg27: memref<3136xf32, #tpu.memory_space<vmem>>, %arg28: memref<3136xi32, #tpu.memory_space<vmem>>, %arg29: memref<512xf32, #tpu.memory_space<vmem>>, %arg30: memref<8192xf32, #tpu.memory_space<vmem>>, %arg31: memref<50176xf32, #tpu.memory_space<vmem_shared>>, %arg32: memref<8192xf32, #tpu.memory_space<vmem_shared>>, %arg33: memref<!tpu.dma_semaphore, #tpu.memory_space<semaphore_mem>>, %arg34: memref<!tpu.dma_semaphore, #tpu.memory_space<semaphore_mem>>, %arg35: memref<!tpu.dma_semaphore, #tpu.memory_space<semaphore_mem>>, %arg36: memref<!tpu.dma_semaphore, #tpu.memory_space<semaphore_mem>>, %arg37: memref<!tpu.dma_semaphore, #tpu.memory_space<semaphore_mem>>, %arg38: memref<!tpu.dma_semaphore, #tpu.memory_space<semaphore_mem>>) attributes {dimension_semantics = [#tpu.dimension_semantics<core_parallel>, #tpu.dimension_semantics<subcore_parallel>], iteration_bounds = array<i64: 2, 16>, scalar_prefetch = 0 : i64, scratch_operands = 28 : i64, tpu.core_type = #tpu.core_type<sc_vector_subcore>, window_params = [{transform_indices = #map}, {transform_indices = #map1}, {transform_indices = #map1}, {transform_indices = #map1}, {transform_indices = #map1}, {transform_indices = #map1}, {transform_indices = #map1}, {transform_indices = #map}, {transform_indices = #map1}]} {
    %mul3A = arith.constant 16 : i32
    %mul3A_0 = arith.muli %arg0, %mul3A : i32
    %add3A = arith.addi %mul3A_0, %arg1 : i32
    %broadcast_in_dim3A = arith.constant 0.000000e+00 : f32
    %broadcast_in_dim3A_1 = vector.broadcast %broadcast_in_dim3A : f32 to vector<16xf32>
    %iota3A = tpu.iota {dimensions = array<i32: 0>} : vector<16xi32>
    %broadcast_in_dim3A_2 = arith.constant 0 : i32
    %broadcast_in_dim3A_3 = vector.broadcast %broadcast_in_dim3A_2 : i32 to vector<16xi32>
    %add3A_4 = arith.constant 1 : i32
    %add3A_5 = vector.broadcast %add3A_4 : i32 to vector<16xi32>
    %add3A_6 = arith.addi %broadcast_in_dim3A_3, %add3A_5 : vector<16xi32>
    %add3A_7 = arith.constant 2 : i32
    %add3A_8 = vector.broadcast %add3A_7 : i32 to vector<16xi32>
    %add3A_9 = arith.addi %broadcast_in_dim3A_3, %add3A_8 : vector<16xi32>
    %scan3A = arith.constant 0 : i32
    %scan3A_10 = arith.constant 0 : i32
    %scan3A_11 = arith.constant 3136 : i32
    %scan3A_12 = arith.addi %scan3A_10, %scan3A_11 : i32
    %scan3A_13 = arith.constant 1 : i32
    %scan3A_14 = scf.for %scan3A_1009 = %scan3A_10 to %scan3A_12 step %scan3A_13 iter_args(%scan3A_1010 = %scan3A) -> (i32)  : i32 {
      %mul3A_1011 = arith.constant 16 : i32
      %mul3A_1012 = arith.muli %scan3A_1009, %mul3A_1011 : i32
      %swap3A = arith.index_cast %mul3A_1012 : i32 to index
      %swap3A_1013 = tpu.vector_load %arg25[%swap3A] {strides = array<i32>} : memref<50176xf32, #tpu.memory_space<vmem>>, vector<16xf32>,
      tpu.vector_store %arg25[%swap3A], %broadcast_in_dim3A_1 {strides = array<i32>} : memref<50176xf32, #tpu.memory_space<vmem>>, vector<16xf32>,
      %scan3A_1014 = arith.constant 0 : i32
      scf.yield %scan3A_1014 : i32
    }
    %scan3A_15 = arith.constant 3136 : i32
    %scan3A_16 = arith.constant 0 : i32
    %scan3A_17 = arith.constant 0 : i32
    %scan3A_18 = arith.constant 32 : i32
    %scan3A_19 = arith.addi %scan3A_17, %scan3A_18 : i32
    %scan3A_20 = arith.constant 1 : i32
    %scan3A_21 = scf.for %scan3A_1009 = %scan3A_17 to %scan3A_19 step %scan3A_20 iter_args(%scan3A_1010 = %scan3A_16) -> (i32)  : i32 {
      %mul3A_1011 = arith.constant 16 : i32
      %mul3A_1012 = arith.muli %scan3A_1009, %mul3A_1011 : i32
      %swap3A = arith.index_cast %mul3A_1012 : i32 to index
      %swap3A_1013 = tpu.vector_load %arg29[%swap3A] {strides = array<i32>} : memref<512xf32, #tpu.memory_space<vmem>>, vector<16xf32>,
      tpu.vector_store %arg29[%swap3A], %broadcast_in_dim3A_1 {strides = array<i32>} : memref<512xf32, #tpu.memory_space<vmem>>, vector<16xf32>,
      %scan3A_1014 = arith.constant 0 : i32
      scf.yield %scan3A_1014 : i32
    }
    %scan3A_22 = arith.constant 32 : i32
    %mul3A_23 = arith.constant 50000 : i32
    %mul3A_24 = arith.muli %add3A, %mul3A_23 : i32
    %add3A_25 = arith.constant 0 : i32
    %add3A_26 = arith.addi %mul3A_24, %add3A_25 : i32
    %dma_start3A = arith.constant 0 : i32
    %dma_start3A_27 = tpu.memref_slice %arg11[%dma_start3A] : memref<1024xi32, #tpu.memory_space<vmem>> -> memref<1024xi32, #tpu.memory_space<vmem>>
    %dma_start3A_28 = tpu.memref_slice %arg3[%add3A_26] : memref<1600000xi32, #tpu.memory_space<hbm>> -> memref<1024xi32, #tpu.memory_space<hbm>>
    %dma_start3A_29 = arith.constant 0 : i32
    %dma_start3A_30 = tpu.memref_slice %arg11[%dma_start3A_29] : memref<1024xi32, #tpu.memory_space<vmem>> -> memref<1024xi32, #tpu.memory_space<vmem>>
    %dma_start3A_31 = tpu.memref_slice %arg3[%add3A_26] : memref<1600000xi32, #tpu.memory_space<hbm>> -> memref<1024xi32, #tpu.memory_space<hbm>>
    tpu.enqueue_dma source(%dma_start3A_31 : memref<1024xi32, #tpu.memory_space<hbm>>) target(%dma_start3A_30 : memref<1024xi32, #tpu.memory_space<vmem>>) target_semaphore(%arg33 : memref<!tpu.dma_semaphore, #tpu.memory_space<semaphore_mem>>)
    %dma_start3A_32 = arith.constant 0 : i32
    %dma_start3A_33 = tpu.memref_slice %arg12[%dma_start3A_32] : memref<1024xi32, #tpu.memory_space<vmem>> -> memref<1024xi32, #tpu.memory_space<vmem>>
    %dma_start3A_34 = tpu.memref_slice %arg4[%add3A_26] : memref<1600000xi32, #tpu.memory_space<hbm>> -> memref<1024xi32, #tpu.memory_space<hbm>>
    %dma_start3A_35 = arith.constant 0 : i32
    %dma_start3A_36 = tpu.memref_slice %arg12[%dma_start3A_35] : memref<1024xi32, #tpu.memory_space<vmem>> -> memref<1024xi32, #tpu.memory_space<vmem>>
    %dma_start3A_37 = tpu.memref_slice %arg4[%add3A_26] : memref<1600000xi32, #tpu.memory_space<hbm>> -> memref<1024xi32, #tpu.memory_space<hbm>>
    tpu.enqueue_dma source(%dma_start3A_37 : memref<1024xi32, #tpu.memory_space<hbm>>) target(%dma_start3A_36 : memref<1024xi32, #tpu.memory_space<vmem>>) target_semaphore(%arg33 : memref<!tpu.dma_semaphore, #tpu.memory_space<semaphore_mem>>)
    %dma_start3A_38 = arith.constant 0 : i32
    %dma_start3A_39 = tpu.memref_slice %arg15[%dma_start3A_38] : memref<1024xf32, #tpu.memory_space<vmem>> -> memref<1024xf32, #tpu.memory_space<vmem>>
    %dma_start3A_40 = tpu.memref_slice %arg5[%add3A_26] : memref<1600000xf32, #tpu.memory_space<hbm>> -> memref<1024xf32, #tpu.memory_space<hbm>>
    %dma_start3A_41 = arith.constant 0 : i32
    %dma_start3A_42 = tpu.memref_slice %arg15[%dma_start3A_41] : memref<1024xf32, #tpu.memory_space<vmem>> -> memref<1024xf32, #tpu.memory_space<vmem>>
    %dma_start3A_43 = tpu.memref_slice %arg5[%add3A_26] : memref<1600000xf32, #tpu.memory_space<hbm>> -> memref<1024xf32, #tpu.memory_space<hbm>>
    tpu.enqueue_dma source(%dma_start3A_43 : memref<1024xf32, #tpu.memory_space<hbm>>) target(%dma_start3A_42 : memref<1024xf32, #tpu.memory_space<vmem>>) target_semaphore(%arg35 : memref<!tpu.dma_semaphore, #tpu.memory_space<semaphore_mem>>)
    %dma_start3A_44 = arith.constant 0 : i32
    %dma_start3A_45 = tpu.memref_slice %arg16[%dma_start3A_44] : memref<1024xf32, #tpu.memory_space<vmem>> -> memref<1024xf32, #tpu.memory_space<vmem>>
    %dma_start3A_46 = tpu.memref_slice %arg6[%add3A_26] : memref<1600000xf32, #tpu.memory_space<hbm>> -> memref<1024xf32, #tpu.memory_space<hbm>>
    %dma_start3A_47 = arith.constant 0 : i32
    %dma_start3A_48 = tpu.memref_slice %arg16[%dma_start3A_47] : memref<1024xf32, #tpu.memory_space<vmem>> -> memref<1024xf32, #tpu.memory_space<vmem>>
    %dma_start3A_49 = tpu.memref_slice %arg6[%add3A_26] : memref<1600000xf32, #tpu.memory_space<hbm>> -> memref<1024xf32, #tpu.memory_space<hbm>>
    tpu.enqueue_dma source(%dma_start3A_49 : memref<1024xf32, #tpu.memory_space<hbm>>) target(%dma_start3A_48 : memref<1024xf32, #tpu.memory_space<vmem>>) target_semaphore(%arg35 : memref<!tpu.dma_semaphore, #tpu.memory_space<semaphore_mem>>)
    %dma_start3A_50 = arith.constant 0 : i32
    %dma_start3A_51 = tpu.memref_slice %arg17[%dma_start3A_50] : memref<1024xf32, #tpu.memory_space<vmem>> -> memref<1024xf32, #tpu.memory_space<vmem>>
    %dma_start3A_52 = tpu.memref_slice %arg7[%add3A_26] : memref<1600000xf32, #tpu.memory_space<hbm>> -> memref<1024xf32, #tpu.memory_space<hbm>>
    %dma_start3A_53 = arith.constant 0 : i32
    %dma_start3A_54 = tpu.memref_slice %arg17[%dma_start3A_53] : memref<1024xf32, #tpu.memory_space<vmem>> -> memref<1024xf32, #tpu.memory_space<vmem>>
    %dma_start3A_55 = tpu.memref_slice %arg7[%add3A_26] : memref<1600000xf32, #tpu.memory_space<hbm>> -> memref<1024xf32, #tpu.memory_space<hbm>>
    tpu.enqueue_dma source(%dma_start3A_55 : memref<1024xf32, #tpu.memory_space<hbm>>) target(%dma_start3A_54 : memref<1024xf32, #tpu.memory_space<vmem>>) target_semaphore(%arg35 : memref<!tpu.dma_semaphore, #tpu.memory_space<semaphore_mem>>)
    %add3A_56 = arith.constant 0 : i32
    %add3A_57 = arith.addi %mul3A_24, %add3A_56 : i32
    %dma_wait3A = arith.constant 0 : i32
    %dma_wait3A_58 = tpu.memref_slice %arg11[%dma_wait3A] : memref<1024xi32, #tpu.memory_space<vmem>> -> memref<1024xi32, #tpu.memory_space<vmem>>
    %dma_wait3A_59 = tpu.memref_slice %arg3[%add3A_57] : memref<1600000xi32, #tpu.memory_space<hbm>> -> memref<1024xi32, #tpu.memory_space<hbm>>
    %dma_wait3A_60 = arith.constant 0 : i32
    %dma_wait3A_61 = tpu.memref_slice %arg11[%dma_wait3A_60] : memref<1024xi32, #tpu.memory_space<vmem>> -> memref<1024xi32, #tpu.memory_space<vmem>>
    %dma_wait3A_62 = tpu.memref_slice %arg3[%add3A_57] : memref<1600000xi32, #tpu.memory_space<hbm>> -> memref<1024xi32, #tpu.memory_space<hbm>>
    tpu.wait_dma2 semaphore(%arg33 : memref<!tpu.dma_semaphore, #tpu.memory_space<semaphore_mem>>) src(%dma_wait3A_62 : memref<1024xi32, #tpu.memory_space<hbm>>) dst(%dma_wait3A_61 : memref<1024xi32, #tpu.memory_space<vmem>>)
    %dma_wait3A_63 = arith.constant 0 : i32
    %dma_wait3A_64 = tpu.memref_slice %arg12[%dma_wait3A_63] : memref<1024xi32, #tpu.memory_space<vmem>> -> memref<1024xi32, #tpu.memory_space<vmem>>
    %dma_wait3A_65 = tpu.memref_slice %arg4[%add3A_57] : memref<1600000xi32, #tpu.memory_space<hbm>> -> memref<1024xi32, #tpu.memory_space<hbm>>
    %dma_wait3A_66 = arith.constant 0 : i32
    %dma_wait3A_67 = tpu.memref_slice %arg12[%dma_wait3A_66] : memref<1024xi32, #tpu.memory_space<vmem>> -> memref<1024xi32, #tpu.memory_space<vmem>>
    %dma_wait3A_68 = tpu.memref_slice %arg4[%add3A_57] : memref<1600000xi32, #tpu.memory_space<hbm>> -> memref<1024xi32, #tpu.memory_space<hbm>>
    tpu.wait_dma2 semaphore(%arg33 : memref<!tpu.dma_semaphore, #tpu.memory_space<semaphore_mem>>) src(%dma_wait3A_68 : memref<1024xi32, #tpu.memory_space<hbm>>) dst(%dma_wait3A_67 : memref<1024xi32, #tpu.memory_space<vmem>>)
    %dma_start3A_69 = arith.constant 0 : i32
    %dma_start3A_70 = arith.constant 0 : i32
    %dma_start3A_71 = tpu.memref_slice %arg13[%dma_start3A_69, %dma_start3A_70] : memref<1024x4xf32, #tpu.memory_space<vmem>> -> memref<128x4xf32, #tpu.memory_space<vmem>>
    %dma_start3A_72 = arith.constant 0 : i32
    %dma_start3A_73 = tpu.memref_slice %arg11[%dma_start3A_72] : memref<1024xi32, #tpu.memory_space<vmem>> -> memref<128xi32, #tpu.memory_space<vmem>>
    %dma_start3A_74 = arith.constant 0 : i32
    %dma_start3A_75 = arith.constant 0 : i32
    %dma_start3A_76 = tpu.memref_slice %arg2[%dma_start3A_74, %dma_start3A_75] : memref<50000x4xf32, #tpu.memory_space<hbm>> -> memref<50000x4xf32, #tpu.memory_space<hbm>>
    tpu.enqueue_indirect_dma source(%dma_start3A_76 : memref<50000x4xf32, #tpu.memory_space<hbm>>) target(%dma_start3A_71 : memref<128x4xf32, #tpu.memory_space<vmem>>) offsets(%dma_start3A_73 : memref<128xi32, #tpu.memory_space<vmem>>) semaphore(%arg37 : memref<!tpu.dma_semaphore, #tpu.memory_space<semaphore_mem>>)
    %dma_start3A_77 = arith.constant 0 : i32
    %dma_start3A_78 = arith.constant 0 : i32
    %dma_start3A_79 = tpu.memref_slice %arg14[%dma_start3A_77, %dma_start3A_78] : memref<1024x4xf32, #tpu.memory_space<vmem>> -> memref<128x4xf32, #tpu.memory_space<vmem>>
    %dma_start3A_80 = arith.constant 0 : i32
    %dma_start3A_81 = tpu.memref_slice %arg12[%dma_start3A_80] : memref<1024xi32, #tpu.memory_space<vmem>> -> memref<128xi32, #tpu.memory_space<vmem>>
    %dma_start3A_82 = arith.constant 0 : i32
    %dma_start3A_83 = arith.constant 0 : i32
    %dma_start3A_84 = tpu.memref_slice %arg2[%dma_start3A_82, %dma_start3A_83] : memref<50000x4xf32, #tpu.memory_space<hbm>> -> memref<50000x4xf32, #tpu.memory_space<hbm>>
    tpu.enqueue_indirect_dma source(%dma_start3A_84 : memref<50000x4xf32, #tpu.memory_space<hbm>>) target(%dma_start3A_79 : memref<128x4xf32, #tpu.memory_space<vmem>>) offsets(%dma_start3A_81 : memref<128xi32, #tpu.memory_space<vmem>>) semaphore(%arg37 : memref<!tpu.dma_semaphore, #tpu.memory_space<semaphore_mem>>)
    %dma_start3A_85 = arith.constant 128 : i32
    %dma_start3A_86 = arith.constant 0 : i32
    %dma_start3A_87 = tpu.memref_slice %arg13[%dma_start3A_85, %dma_start3A_86] : memref<1024x4xf32, #tpu.memory_space<vmem>> -> memref<128x4xf32, #tpu.memory_space<vmem>>
    %dma_start3A_88 = arith.constant 128 : i32
    %dma_start3A_89 = tpu.memref_slice %arg11[%dma_start3A_88] : memref<1024xi32, #tpu.memory_space<vmem>> -> memref<128xi32, #tpu.memory_space<vmem>>
    %dma_start3A_90 = arith.constant 0 : i32
    %dma_start3A_91 = arith.constant 0 : i32
    %dma_start3A_92 = tpu.memref_slice %arg2[%dma_start3A_90, %dma_start3A_91] : memref<50000x4xf32, #tpu.memory_space<hbm>> -> memref<50000x4xf32, #tpu.memory_space<hbm>>
    tpu.enqueue_indirect_dma source(%dma_start3A_92 : memref<50000x4xf32, #tpu.memory_space<hbm>>) target(%dma_start3A_87 : memref<128x4xf32, #tpu.memory_space<vmem>>) offsets(%dma_start3A_89 : memref<128xi32, #tpu.memory_space<vmem>>) semaphore(%arg37 : memref<!tpu.dma_semaphore, #tpu.memory_space<semaphore_mem>>)
    %dma_start3A_93 = arith.constant 128 : i32
    %dma_start3A_94 = arith.constant 0 : i32
    %dma_start3A_95 = tpu.memref_slice %arg14[%dma_start3A_93, %dma_start3A_94] : memref<1024x4xf32, #tpu.memory_space<vmem>> -> memref<128x4xf32, #tpu.memory_space<vmem>>
    %dma_start3A_96 = arith.constant 128 : i32
    %dma_start3A_97 = tpu.memref_slice %arg12[%dma_start3A_96] : memref<1024xi32, #tpu.memory_space<vmem>> -> memref<128xi32, #tpu.memory_space<vmem>>
    %dma_start3A_98 = arith.constant 0 : i32
    %dma_start3A_99 = arith.constant 0 : i32
    %dma_start3A_100 = tpu.memref_slice %arg2[%dma_start3A_98, %dma_start3A_99] : memref<50000x4xf32, #tpu.memory_space<hbm>> -> memref<50000x4xf32, #tpu.memory_space<hbm>>
    tpu.enqueue_indirect_dma source(%dma_start3A_100 : memref<50000x4xf32, #tpu.memory_space<hbm>>) target(%dma_start3A_95 : memref<128x4xf32, #tpu.memory_space<vmem>>) offsets(%dma_start3A_97 : memref<128xi32, #tpu.memory_space<vmem>>) semaphore(%arg37 : memref<!tpu.dma_semaphore, #tpu.memory_space<semaphore_mem>>)
    %dma_start3A_101 = arith.constant 256 : i32
    %dma_start3A_102 = arith.constant 0 : i32
    %dma_start3A_103 = tpu.memref_slice %arg13[%dma_start3A_101, %dma_start3A_102] : memref<1024x4xf32, #tpu.memory_space<vmem>> -> memref<128x4xf32, #tpu.memory_space<vmem>>
    %dma_start3A_104 = arith.constant 256 : i32
    %dma_start3A_105 = tpu.memref_slice %arg11[%dma_start3A_104] : memref<1024xi32, #tpu.memory_space<vmem>> -> memref<128xi32, #tpu.memory_space<vmem>>
    %dma_start3A_106 = arith.constant 0 : i32
    %dma_start3A_107 = arith.constant 0 : i32
    %dma_start3A_108 = tpu.memref_slice %arg2[%dma_start3A_106, %dma_start3A_107] : memref<50000x4xf32, #tpu.memory_space<hbm>> -> memref<50000x4xf32, #tpu.memory_space<hbm>>
    tpu.enqueue_indirect_dma source(%dma_start3A_108 : memref<50000x4xf32, #tpu.memory_space<hbm>>) target(%dma_start3A_103 : memref<128x4xf32, #tpu.memory_space<vmem>>) offsets(%dma_start3A_105 : memref<128xi32, #tpu.memory_space<vmem>>) semaphore(%arg37 : memref<!tpu.dma_semaphore, #tpu.memory_space<semaphore_mem>>)
    %dma_start3A_109 = arith.constant 256 : i32
    %dma_start3A_110 = arith.constant 0 : i32
    %dma_start3A_111 = tpu.memref_slice %arg14[%dma_start3A_109, %dma_start3A_110] : memref<1024x4xf32, #tpu.memory_space<vmem>> -> memref<128x4xf32, #tpu.memory_space<vmem>>
    %dma_start3A_112 = arith.constant 256 : i32
    %dma_start3A_113 = tpu.memref_slice %arg12[%dma_start3A_112] : memref<1024xi32, #tpu.memory_space<vmem>> -> memref<128xi32, #tpu.memory_space<vmem>>
    %dma_start3A_114 = arith.constant 0 : i32
    %dma_start3A_115 = arith.constant 0 : i32
    %dma_start3A_116 = tpu.memref_slice %arg2[%dma_start3A_114, %dma_start3A_115] : memref<50000x4xf32, #tpu.memory_space<hbm>> -> memref<50000x4xf32, #tpu.memory_space<hbm>>
    tpu.enqueue_indirect_dma source(%dma_start3A_116 : memref<50000x4xf32, #tpu.memory_space<hbm>>) target(%dma_start3A_111 : memref<128x4xf32, #tpu.memory_space<vmem>>) offsets(%dma_start3A_113 : memref<128xi32, #tpu.memory_space<vmem>>) semaphore(%arg37 : memref<!tpu.dma_semaphore, #tpu.memory_space<semaphore_mem>>)
    %dma_start3A_117 = arith.constant 384 : i32
    %dma_start3A_118 = arith.constant 0 : i32
    %dma_start3A_119 = tpu.memref_slice %arg13[%dma_start3A_117, %dma_start3A_118] : memref<1024x4xf32, #tpu.memory_space<vmem>> -> memref<128x4xf32, #tpu.memory_space<vmem>>
    %dma_start3A_120 = arith.constant 384 : i32
    %dma_start3A_121 = tpu.memref_slice %arg11[%dma_start3A_120] : memref<1024xi32, #tpu.memory_space<vmem>> -> memref<128xi32, #tpu.memory_space<vmem>>
    %dma_start3A_122 = arith.constant 0 : i32
    %dma_start3A_123 = arith.constant 0 : i32
    %dma_start3A_124 = tpu.memref_slice %arg2[%dma_start3A_122, %dma_start3A_123] : memref<50000x4xf32, #tpu.memory_space<hbm>> -> memref<50000x4xf32, #tpu.memory_space<hbm>>
    tpu.enqueue_indirect_dma source(%dma_start3A_124 : memref<50000x4xf32, #tpu.memory_space<hbm>>) target(%dma_start3A_119 : memref<128x4xf32, #tpu.memory_space<vmem>>) offsets(%dma_start3A_121 : memref<128xi32, #tpu.memory_space<vmem>>) semaphore(%arg37 : memref<!tpu.dma_semaphore, #tpu.memory_space<semaphore_mem>>)
    %dma_start3A_125 = arith.constant 384 : i32
    %dma_start3A_126 = arith.constant 0 : i32
    %dma_start3A_127 = tpu.memref_slice %arg14[%dma_start3A_125, %dma_start3A_126] : memref<1024x4xf32, #tpu.memory_space<vmem>> -> memref<128x4xf32, #tpu.memory_space<vmem>>
    %dma_start3A_128 = arith.constant 384 : i32
    %dma_start3A_129 = tpu.memref_slice %arg12[%dma_start3A_128] : memref<1024xi32, #tpu.memory_space<vmem>> -> memref<128xi32, #tpu.memory_space<vmem>>
    %dma_start3A_130 = arith.constant 0 : i32
    %dma_start3A_131 = arith.constant 0 : i32
    %dma_start3A_132 = tpu.memref_slice %arg2[%dma_start3A_130, %dma_start3A_131] : memref<50000x4xf32, #tpu.memory_space<hbm>> -> memref<50000x4xf32, #tpu.memory_space<hbm>>
    tpu.enqueue_indirect_dma source(%dma_start3A_132 : memref<50000x4xf32, #tpu.memory_space<hbm>>) target(%dma_start3A_127 : memref<128x4xf32, #tpu.memory_space<vmem>>) offsets(%dma_start3A_129 : memref<128xi32, #tpu.memory_space<vmem>>) semaphore(%arg37 : memref<!tpu.dma_semaphore, #tpu.memory_space<semaphore_mem>>)
    %dma_start3A_133 = arith.constant 512 : i32
    %dma_start3A_134 = arith.constant 0 : i32
    %dma_start3A_135 = tpu.memref_slice %arg13[%dma_start3A_133, %dma_start3A_134] : memref<1024x4xf32, #tpu.memory_space<vmem>> -> memref<128x4xf32, #tpu.memory_space<vmem>>
    %dma_start3A_136 = arith.constant 512 : i32
    %dma_start3A_137 = tpu.memref_slice %arg11[%dma_start3A_136] : memref<1024xi32, #tpu.memory_space<vmem>> -> memref<128xi32, #tpu.memory_space<vmem>>
    %dma_start3A_138 = arith.constant 0 : i32
    %dma_start3A_139 = arith.constant 0 : i32
    %dma_start3A_140 = tpu.memref_slice %arg2[%dma_start3A_138, %dma_start3A_139] : memref<50000x4xf32, #tpu.memory_space<hbm>> -> memref<50000x4xf32, #tpu.memory_space<hbm>>
    tpu.enqueue_indirect_dma source(%dma_start3A_140 : memref<50000x4xf32, #tpu.memory_space<hbm>>) target(%dma_start3A_135 : memref<128x4xf32, #tpu.memory_space<vmem>>) offsets(%dma_start3A_137 : memref<128xi32, #tpu.memory_space<vmem>>) semaphore(%arg37 : memref<!tpu.dma_semaphore, #tpu.memory_space<semaphore_mem>>)
    %dma_start3A_141 = arith.constant 512 : i32
    %dma_start3A_142 = arith.constant 0 : i32
    %dma_start3A_143 = tpu.memref_slice %arg14[%dma_start3A_141, %dma_start3A_142] : memref<1024x4xf32, #tpu.memory_space<vmem>> -> memref<128x4xf32, #tpu.memory_space<vmem>>
    %dma_start3A_144 = arith.constant 512 : i32
    %dma_start3A_145 = tpu.memref_slice %arg12[%dma_start3A_144] : memref<1024xi32, #tpu.memory_space<vmem>> -> memref<128xi32, #tpu.memory_space<vmem>>
    %dma_start3A_146 = arith.constant 0 : i32
    %dma_start3A_147 = arith.constant 0 : i32
    %dma_start3A_148 = tpu.memref_slice %arg2[%dma_start3A_146, %dma_start3A_147] : memref<50000x4xf32, #tpu.memory_space<hbm>> -> memref<50000x4xf32, #tpu.memory_space<hbm>>
    tpu.enqueue_indirect_dma source(%dma_start3A_148 : memref<50000x4xf32, #tpu.memory_space<hbm>>) target(%dma_start3A_143 : memref<128x4xf32, #tpu.memory_space<vmem>>) offsets(%dma_start3A_145 : memref<128xi32, #tpu.memory_space<vmem>>) semaphore(%arg37 : memref<!tpu.dma_semaphore, #tpu.memory_space<semaphore_mem>>)
    %dma_start3A_149 = arith.constant 640 : i32
    %dma_start3A_150 = arith.constant 0 : i32
    %dma_start3A_151 = tpu.memref_slice %arg13[%dma_start3A_149, %dma_start3A_150] : memref<1024x4xf32, #tpu.memory_space<vmem>> -> memref<128x4xf32, #tpu.memory_space<vmem>>
    %dma_start3A_152 = arith.constant 640 : i32
    %dma_start3A_153 = tpu.memref_slice %arg11[%dma_start3A_152] : memref<1024xi32, #tpu.memory_space<vmem>> -> memref<128xi32, #tpu.memory_space<vmem>>
    %dma_start3A_154 = arith.constant 0 : i32
    %dma_start3A_155 = arith.constant 0 : i32
    %dma_start3A_156 = tpu.memref_slice %arg2[%dma_start3A_154, %dma_start3A_155] : memref<50000x4xf32, #tpu.memory_space<hbm>> -> memref<50000x4xf32, #tpu.memory_space<hbm>>
    tpu.enqueue_indirect_dma source(%dma_start3A_156 : memref<50000x4xf32, #tpu.memory_space<hbm>>) target(%dma_start3A_151 : memref<128x4xf32, #tpu.memory_space<vmem>>) offsets(%dma_start3A_153 : memref<128xi32, #tpu.memory_space<vmem>>) semaphore(%arg37 : memref<!tpu.dma_semaphore, #tpu.memory_space<semaphore_mem>>)
    %dma_start3A_157 = arith.constant 640 : i32
    %dma_start3A_158 = arith.constant 0 : i32
    %dma_start3A_159 = tpu.memref_slice %arg14[%dma_start3A_157, %dma_start3A_158] : memref<1024x4xf32, #tpu.memory_space<vmem>> -> memref<128x4xf32, #tpu.memory_space<vmem>>
    %dma_start3A_160 = arith.constant 640 : i32
    %dma_start3A_161 = tpu.memref_slice %arg12[%dma_start3A_160] : memref<1024xi32, #tpu.memory_space<vmem>> -> memref<128xi32, #tpu.memory_space<vmem>>
    %dma_start3A_162 = arith.constant 0 : i32
    %dma_start3A_163 = arith.constant 0 : i32
    %dma_start3A_164 = tpu.memref_slice %arg2[%dma_start3A_162, %dma_start3A_163] : memref<50000x4xf32, #tpu.memory_space<hbm>> -> memref<50000x4xf32, #tpu.memory_space<hbm>>
    tpu.enqueue_indirect_dma source(%dma_start3A_164 : memref<50000x4xf32, #tpu.memory_space<hbm>>) target(%dma_start3A_159 : memref<128x4xf32, #tpu.memory_space<vmem>>) offsets(%dma_start3A_161 : memref<128xi32, #tpu.memory_space<vmem>>) semaphore(%arg37 : memref<!tpu.dma_semaphore, #tpu.memory_space<semaphore_mem>>)
    %dma_start3A_165 = arith.constant 768 : i32
    %dma_start3A_166 = arith.constant 0 : i32
    %dma_start3A_167 = tpu.memref_slice %arg13[%dma_start3A_165, %dma_start3A_166] : memref<1024x4xf32, #tpu.memory_space<vmem>> -> memref<128x4xf32, #tpu.memory_space<vmem>>
    %dma_start3A_168 = arith.constant 768 : i32
    %dma_start3A_169 = tpu.memref_slice %arg11[%dma_start3A_168] : memref<1024xi32, #tpu.memory_space<vmem>> -> memref<128xi32, #tpu.memory_space<vmem>>
    %dma_start3A_170 = arith.constant 0 : i32
    %dma_start3A_171 = arith.constant 0 : i32
    %dma_start3A_172 = tpu.memref_slice %arg2[%dma_start3A_170, %dma_start3A_171] : memref<50000x4xf32, #tpu.memory_space<hbm>> -> memref<50000x4xf32, #tpu.memory_space<hbm>>
    tpu.enqueue_indirect_dma source(%dma_start3A_172 : memref<50000x4xf32, #tpu.memory_space<hbm>>) target(%dma_start3A_167 : memref<128x4xf32, #tpu.memory_space<vmem>>) offsets(%dma_start3A_169 : memref<128xi32, #tpu.memory_space<vmem>>) semaphore(%arg37 : memref<!tpu.dma_semaphore, #tpu.memory_space<semaphore_mem>>)
    %dma_start3A_173 = arith.constant 768 : i32
    %dma_start3A_174 = arith.constant 0 : i32
    %dma_start3A_175 = tpu.memref_slice %arg14[%dma_start3A_173, %dma_start3A_174] : memref<1024x4xf32, #tpu.memory_space<vmem>> -> memref<128x4xf32, #tpu.memory_space<vmem>>
    %dma_start3A_176 = arith.constant 768 : i32
    %dma_start3A_177 = tpu.memref_slice %arg12[%dma_start3A_176] : memref<1024xi32, #tpu.memory_space<vmem>> -> memref<128xi32, #tpu.memory_space<vmem>>
    %dma_start3A_178 = arith.constant 0 : i32
    %dma_start3A_179 = arith.constant 0 : i32
    %dma_start3A_180 = tpu.memref_slice %arg2[%dma_start3A_178, %dma_start3A_179] : memref<50000x4xf32, #tpu.memory_space<hbm>> -> memref<50000x4xf32, #tpu.memory_space<hbm>>
    tpu.enqueue_indirect_dma source(%dma_start3A_180 : memref<50000x4xf32, #tpu.memory_space<hbm>>) target(%dma_start3A_175 : memref<128x4xf32, #tpu.memory_space<vmem>>) offsets(%dma_start3A_177 : memref<128xi32, #tpu.memory_space<vmem>>) semaphore(%arg37 : memref<!tpu.dma_semaphore, #tpu.memory_space<semaphore_mem>>)
    %dma_start3A_181 = arith.constant 896 : i32
    %dma_start3A_182 = arith.constant 0 : i32
    %dma_start3A_183 = tpu.memref_slice %arg13[%dma_start3A_181, %dma_start3A_182] : memref<1024x4xf32, #tpu.memory_space<vmem>> -> memref<128x4xf32, #tpu.memory_space<vmem>>
    %dma_start3A_184 = arith.constant 896 : i32
    %dma_start3A_185 = tpu.memref_slice %arg11[%dma_start3A_184] : memref<1024xi32, #tpu.memory_space<vmem>> -> memref<128xi32, #tpu.memory_space<vmem>>
    %dma_start3A_186 = arith.constant 0 : i32
    %dma_start3A_187 = arith.constant 0 : i32
    %dma_start3A_188 = tpu.memref_slice %arg2[%dma_start3A_186, %dma_start3A_187] : memref<50000x4xf32, #tpu.memory_space<hbm>> -> memref<50000x4xf32, #tpu.memory_space<hbm>>
    tpu.enqueue_indirect_dma source(%dma_start3A_188 : memref<50000x4xf32, #tpu.memory_space<hbm>>) target(%dma_start3A_183 : memref<128x4xf32, #tpu.memory_space<vmem>>) offsets(%dma_start3A_185 : memref<128xi32, #tpu.memory_space<vmem>>) semaphore(%arg37 : memref<!tpu.dma_semaphore, #tpu.memory_space<semaphore_mem>>)
    %dma_start3A_189 = arith.constant 896 : i32
    %dma_start3A_190 = arith.constant 0 : i32
    %dma_start3A_191 = tpu.memref_slice %arg14[%dma_start3A_189, %dma_start3A_190] : memref<1024x4xf32, #tpu.memory_space<vmem>> -> memref<128x4xf32, #tpu.memory_space<vmem>>
    %dma_start3A_192 = arith.constant 896 : i32
    %dma_start3A_193 = tpu.memref_slice %arg12[%dma_start3A_192] : memref<1024xi32, #tpu.memory_space<vmem>> -> memref<128xi32, #tpu.memory_space<vmem>>
    %dma_start3A_194 = arith.constant 0 : i32
    %dma_start3A_195 = arith.constant 0 : i32
    %dma_start3A_196 = tpu.memref_slice %arg2[%dma_start3A_194, %dma_start3A_195] : memref<50000x4xf32, #tpu.memory_space<hbm>> -> memref<50000x4xf32, #tpu.memory_space<hbm>>
    tpu.enqueue_indirect_dma source(%dma_start3A_196 : memref<50000x4xf32, #tpu.memory_space<hbm>>) target(%dma_start3A_191 : memref<128x4xf32, #tpu.memory_space<vmem>>) offsets(%dma_start3A_193 : memref<128xi32, #tpu.memory_space<vmem>>) semaphore(%arg37 : memref<!tpu.dma_semaphore, #tpu.memory_space<semaphore_mem>>)
    %add3A_197 = arith.constant 1024 : i32
    %add3A_198 = arith.addi %mul3A_24, %add3A_197 : i32
    %dma_start3A_199 = arith.constant 0 : i32
    %dma_start3A_200 = tpu.memref_slice %arg18[%dma_start3A_199] : memref<1024xi32, #tpu.memory_space<vmem>> -> memref<1024xi32, #tpu.memory_space<vmem>>
    %dma_start3A_201 = tpu.memref_slice %arg3[%add3A_198] : memref<1600000xi32, #tpu.memory_space<hbm>> -> memref<1024xi32, #tpu.memory_space<hbm>>
    %dma_start3A_202 = arith.constant 0 : i32
    %dma_start3A_203 = tpu.memref_slice %arg18[%dma_start3A_202] : memref<1024xi32, #tpu.memory_space<vmem>> -> memref<1024xi32, #tpu.memory_space<vmem>>
    %dma_start3A_204 = tpu.memref_slice %arg3[%add3A_198] : memref<1600000xi32, #tpu.memory_space<hbm>> -> memref<1024xi32, #tpu.memory_space<hbm>>
    tpu.enqueue_dma source(%dma_start3A_204 : memref<1024xi32, #tpu.memory_space<hbm>>) target(%dma_start3A_203 : memref<1024xi32, #tpu.memory_space<vmem>>) target_semaphore(%arg34 : memref<!tpu.dma_semaphore, #tpu.memory_space<semaphore_mem>>)
    %dma_start3A_205 = arith.constant 0 : i32
    %dma_start3A_206 = tpu.memref_slice %arg19[%dma_start3A_205] : memref<1024xi32, #tpu.memory_space<vmem>> -> memref<1024xi32, #tpu.memory_space<vmem>>
    %dma_start3A_207 = tpu.memref_slice %arg4[%add3A_198] : memref<1600000xi32, #tpu.memory_space<hbm>> -> memref<1024xi32, #tpu.memory_space<hbm>>
    %dma_start3A_208 = arith.constant 0 : i32
    %dma_start3A_209 = tpu.memref_slice %arg19[%dma_start3A_208] : memref<1024xi32, #tpu.memory_space<vmem>> -> memref<1024xi32, #tpu.memory_space<vmem>>
    %dma_start3A_210 = tpu.memref_slice %arg4[%add3A_198] : memref<1600000xi32, #tpu.memory_space<hbm>> -> memref<1024xi32, #tpu.memory_space<hbm>>
    tpu.enqueue_dma source(%dma_start3A_210 : memref<1024xi32, #tpu.memory_space<hbm>>) target(%dma_start3A_209 : memref<1024xi32, #tpu.memory_space<vmem>>) target_semaphore(%arg34 : memref<!tpu.dma_semaphore, #tpu.memory_space<semaphore_mem>>)
    %dma_start3A_211 = arith.constant 0 : i32
    %dma_start3A_212 = tpu.memref_slice %arg22[%dma_start3A_211] : memref<1024xf32, #tpu.memory_space<vmem>> -> memref<1024xf32, #tpu.memory_space<vmem>>
    %dma_start3A_213 = tpu.memref_slice %arg5[%add3A_198] : memref<1600000xf32, #tpu.memory_space<hbm>> -> memref<1024xf32, #tpu.memory_space<hbm>>
    %dma_start3A_214 = arith.constant 0 : i32
    %dma_start3A_215 = tpu.memref_slice %arg22[%dma_start3A_214] : memref<1024xf32, #tpu.memory_space<vmem>> -> memref<1024xf32, #tpu.memory_space<vmem>>
    %dma_start3A_216 = tpu.memref_slice %arg5[%add3A_198] : memref<1600000xf32, #tpu.memory_space<hbm>> -> memref<1024xf32, #tpu.memory_space<hbm>>
    tpu.enqueue_dma source(%dma_start3A_216 : memref<1024xf32, #tpu.memory_space<hbm>>) target(%dma_start3A_215 : memref<1024xf32, #tpu.memory_space<vmem>>) target_semaphore(%arg36 : memref<!tpu.dma_semaphore, #tpu.memory_space<semaphore_mem>>)
    %dma_start3A_217 = arith.constant 0 : i32
    %dma_start3A_218 = tpu.memref_slice %arg23[%dma_start3A_217] : memref<1024xf32, #tpu.memory_space<vmem>> -> memref<1024xf32, #tpu.memory_space<vmem>>
    %dma_start3A_219 = tpu.memref_slice %arg6[%add3A_198] : memref<1600000xf32, #tpu.memory_space<hbm>> -> memref<1024xf32, #tpu.memory_space<hbm>>
    %dma_start3A_220 = arith.constant 0 : i32
    %dma_start3A_221 = tpu.memref_slice %arg23[%dma_start3A_220] : memref<1024xf32, #tpu.memory_space<vmem>> -> memref<1024xf32, #tpu.memory_space<vmem>>
    %dma_start3A_222 = tpu.memref_slice %arg6[%add3A_198] : memref<1600000xf32, #tpu.memory_space<hbm>> -> memref<1024xf32, #tpu.memory_space<hbm>>
    tpu.enqueue_dma source(%dma_start3A_222 : memref<1024xf32, #tpu.memory_space<hbm>>) target(%dma_start3A_221 : memref<1024xf32, #tpu.memory_space<vmem>>) target_semaphore(%arg36 : memref<!tpu.dma_semaphore, #tpu.memory_space<semaphore_mem>>)
    %dma_start3A_223 = arith.constant 0 : i32
    %dma_start3A_224 = tpu.memref_slice %arg24[%dma_start3A_223] : memref<1024xf32, #tpu.memory_space<vmem>> -> memref<1024xf32, #tpu.memory_space<vmem>>
    %dma_start3A_225 = tpu.memref_slice %arg7[%add3A_198] : memref<1600000xf32, #tpu.memory_space<hbm>> -> memref<1024xf32, #tpu.memory_space<hbm>>
    %dma_start3A_226 = arith.constant 0 : i32
    %dma_start3A_227 = tpu.memref_slice %arg24[%dma_start3A_226] : memref<1024xf32, #tpu.memory_space<vmem>> -> memref<1024xf32, #tpu.memory_space<vmem>>
    %dma_start3A_228 = tpu.memref_slice %arg7[%add3A_198] : memref<1600000xf32, #tpu.memory_space<hbm>> -> memref<1024xf32, #tpu.memory_space<hbm>>
    tpu.enqueue_dma source(%dma_start3A_228 : memref<1024xf32, #tpu.memory_space<hbm>>) target(%dma_start3A_227 : memref<1024xf32, #tpu.memory_space<vmem>>) target_semaphore(%arg36 : memref<!tpu.dma_semaphore, #tpu.memory_space<semaphore_mem>>)
    %scan3A_229 = arith.constant 0 : i32
    %scan3A_230 = arith.constant 0 : i32
    %scan3A_231 = arith.constant 23 : i32
    %scan3A_232 = arith.addi %scan3A_230, %scan3A_231 : i32
    %scan3A_233 = arith.constant 1 : i32
    %scan3A_234 = scf.for %scan3A_1009 = %scan3A_230 to %scan3A_232 step %scan3A_233 iter_args(%scan3A_1010 = %scan3A_229) -> (i32)  : i32 {
      %mul3A_1011 = arith.constant 2 : i32
      %mul3A_1012 = arith.muli %mul3A_1011, %scan3A_1009 : i32
      %add3A_1013 = arith.constant 0 : i32
      %add3A_1014 = arith.addi %mul3A_1012, %add3A_1013 : i32
      %add3A_1015 = arith.constant 1 : i32
      %add3A_1016 = arith.addi %add3A_1014, %add3A_1015 : i32
      %mul3A_1017 = arith.constant 1024 : i32
      %mul3A_1018 = arith.muli %add3A_1016, %mul3A_1017 : i32
      %add3A_1019 = arith.addi %mul3A_24, %mul3A_1018 : i32
      %dma_wait3A_1020 = arith.constant 0 : i32
      %dma_wait3A_1021 = tpu.memref_slice %arg18[%dma_wait3A_1020] : memref<1024xi32, #tpu.memory_space<vmem>> -> memref<1024xi32, #tpu.memory_space<vmem>>
      %dma_wait3A_1022 = tpu.memref_slice %arg3[%add3A_1019] : memref<1600000xi32, #tpu.memory_space<hbm>> -> memref<1024xi32, #tpu.memory_space<hbm>>
      %dma_wait3A_1023 = arith.constant 0 : i32
      %dma_wait3A_1024 = tpu.memref_slice %arg18[%dma_wait3A_1023] : memref<1024xi32, #tpu.memory_space<vmem>> -> memref<1024xi32, #tpu.memory_space<vmem>>
      %dma_wait3A_1025 = tpu.memref_slice %arg3[%add3A_1019] : memref<1600000xi32, #tpu.memory_space<hbm>> -> memref<1024xi32, #tpu.memory_space<hbm>>
      tpu.wait_dma2 semaphore(%arg34 : memref<!tpu.dma_semaphore, #tpu.memory_space<semaphore_mem>>) src(%dma_wait3A_1025 : memref<1024xi32, #tpu.memory_space<hbm>>) dst(%dma_wait3A_1024 : memref<1024xi32, #tpu.memory_space<vmem>>)
      %dma_wait3A_1026 = arith.constant 0 : i32
      %dma_wait3A_1027 = tpu.memref_slice %arg19[%dma_wait3A_1026] : memref<1024xi32, #tpu.memory_space<vmem>> -> memref<1024xi32, #tpu.memory_space<vmem>>
      %dma_wait3A_1028 = tpu.memref_slice %arg4[%add3A_1019] : memref<1600000xi32, #tpu.memory_space<hbm>> -> memref<1024xi32, #tpu.memory_space<hbm>>
      %dma_wait3A_1029 = arith.constant 0 : i32
      %dma_wait3A_1030 = tpu.memref_slice %arg19[%dma_wait3A_1029] : memref<1024xi32, #tpu.memory_space<vmem>> -> memref<1024xi32, #tpu.memory_space<vmem>>
      %dma_wait3A_1031 = tpu.memref_slice %arg4[%add3A_1019] : memref<1600000xi32, #tpu.memory_space<hbm>> -> memref<1024xi32, #tpu.memory_space<hbm>>
      tpu.wait_dma2 semaphore(%arg34 : memref<!tpu.dma_semaphore, #tpu.memory_space<semaphore_mem>>) src(%dma_wait3A_1031 : memref<1024xi32, #tpu.memory_space<hbm>>) dst(%dma_wait3A_1030 : memref<1024xi32, #tpu.memory_space<vmem>>)
      %dma_start3A_1032 = arith.constant 0 : i32
      %dma_start3A_1033 = arith.constant 0 : i32
      %dma_start3A_1034 = tpu.memref_slice %arg20[%dma_start3A_1032, %dma_start3A_1033] : memref<1024x4xf32, #tpu.memory_space<vmem>> -> memref<128x4xf32, #tpu.memory_space<vmem>>
      %dma_start3A_1035 = arith.constant 0 : i32
      %dma_start3A_1036 = tpu.memref_slice %arg18[%dma_start3A_1035] : memref<1024xi32, #tpu.memory_space<vmem>> -> memref<128xi32, #tpu.memory_space<vmem>>
      %dma_start3A_1037 = arith.constant 0 : i32
      %dma_start3A_1038 = arith.constant 0 : i32
      %dma_start3A_1039 = tpu.memref_slice %arg2[%dma_start3A_1037, %dma_start3A_1038] : memref<50000x4xf32, #tpu.memory_space<hbm>> -> memref<50000x4xf32, #tpu.memory_space<hbm>>
      tpu.enqueue_indirect_dma source(%dma_start3A_1039 : memref<50000x4xf32, #tpu.memory_space<hbm>>) target(%dma_start3A_1034 : memref<128x4xf32, #tpu.memory_space<vmem>>) offsets(%dma_start3A_1036 : memref<128xi32, #tpu.memory_space<vmem>>) semaphore(%arg38 : memref<!tpu.dma_semaphore, #tpu.memory_space<semaphore_mem>>)
      %dma_start3A_1040 = arith.constant 0 : i32
      %dma_start3A_1041 = arith.constant 0 : i32
      %dma_start3A_1042 = tpu.memref_slice %arg21[%dma_start3A_1040, %dma_start3A_1041] : memref<1024x4xf32, #tpu.memory_space<vmem>> -> memref<128x4xf32, #tpu.memory_space<vmem>>
      %dma_start3A_1043 = arith.constant 0 : i32
      %dma_start3A_1044 = tpu.memref_slice %arg19[%dma_start3A_1043] : memref<1024xi32, #tpu.memory_space<vmem>> -> memref<128xi32, #tpu.memory_space<vmem>>
      %dma_start3A_1045 = arith.constant 0 : i32
      %dma_start3A_1046 = arith.constant 0 : i32
      %dma_start3A_1047 = tpu.memref_slice %arg2[%dma_start3A_1045, %dma_start3A_1046] : memref<50000x4xf32, #tpu.memory_space<hbm>> -> memref<50000x4xf32, #tpu.memory_space<hbm>>
      tpu.enqueue_indirect_dma source(%dma_start3A_1047 : memref<50000x4xf32, #tpu.memory_space<hbm>>) target(%dma_start3A_1042 : memref<128x4xf32, #tpu.memory_space<vmem>>) offsets(%dma_start3A_1044 : memref<128xi32, #tpu.memory_space<vmem>>) semaphore(%arg38 : memref<!tpu.dma_semaphore, #tpu.memory_space<semaphore_mem>>)
      %dma_start3A_1048 = arith.constant 128 : i32
      %dma_start3A_1049 = arith.constant 0 : i32
      %dma_start3A_1050 = tpu.memref_slice %arg20[%dma_start3A_1048, %dma_start3A_1049] : memref<1024x4xf32, #tpu.memory_space<vmem>> -> memref<128x4xf32, #tpu.memory_space<vmem>>
      %dma_start3A_1051 = arith.constant 128 : i32
      %dma_start3A_1052 = tpu.memref_slice %arg18[%dma_start3A_1051] : memref<1024xi32, #tpu.memory_space<vmem>> -> memref<128xi32, #tpu.memory_space<vmem>>
      %dma_start3A_1053 = arith.constant 0 : i32
      %dma_start3A_1054 = arith.constant 0 : i32
      %dma_start3A_1055 = tpu.memref_slice %arg2[%dma_start3A_1053, %dma_start3A_1054] : memref<50000x4xf32, #tpu.memory_space<hbm>> -> memref<50000x4xf32, #tpu.memory_space<hbm>>
      tpu.enqueue_indirect_dma source(%dma_start3A_1055 : memref<50000x4xf32, #tpu.memory_space<hbm>>) target(%dma_start3A_1050 : memref<128x4xf32, #tpu.memory_space<vmem>>) offsets(%dma_start3A_1052 : memref<128xi32, #tpu.memory_space<vmem>>) semaphore(%arg38 : memref<!tpu.dma_semaphore, #tpu.memory_space<semaphore_mem>>)
      %dma_start3A_1056 = arith.constant 128 : i32
      %dma_start3A_1057 = arith.constant 0 : i32
      %dma_start3A_1058 = tpu.memref_slice %arg21[%dma_start3A_1056, %dma_start3A_1057] : memref<1024x4xf32, #tpu.memory_space<vmem>> -> memref<128x4xf32, #tpu.memory_space<vmem>>
      %dma_start3A_1059 = arith.constant 128 : i32
      %dma_start3A_1060 = tpu.memref_slice %arg19[%dma_start3A_1059] : memref<1024xi32, #tpu.memory_space<vmem>> -> memref<128xi32, #tpu.memory_space<vmem>>
      %dma_start3A_1061 = arith.constant 0 : i32
      %dma_start3A_1062 = arith.constant 0 : i32
      %dma_start3A_1063 = tpu.memref_slice %arg2[%dma_start3A_1061, %dma_start3A_1062] : memref<50000x4xf32, #tpu.memory_space<hbm>> -> memref<50000x4xf32, #tpu.memory_space<hbm>>
      tpu.enqueue_indirect_dma source(%dma_start3A_1063 : memref<50000x4xf32, #tpu.memory_space<hbm>>) target(%dma_start3A_1058 : memref<128x4xf32, #tpu.memory_space<vmem>>) offsets(%dma_start3A_1060 : memref<128xi32, #tpu.memory_space<vmem>>) semaphore(%arg38 : memref<!tpu.dma_semaphore, #tpu.memory_space<semaphore_mem>>)
      %dma_start3A_1064 = arith.constant 256 : i32
      %dma_start3A_1065 = arith.constant 0 : i32
      %dma_start3A_1066 = tpu.memref_slice %arg20[%dma_start3A_1064, %dma_start3A_1065] : memref<1024x4xf32, #tpu.memory_space<vmem>> -> memref<128x4xf32, #tpu.memory_space<vmem>>
      %dma_start3A_1067 = arith.constant 256 : i32
      %dma_start3A_1068 = tpu.memref_slice %arg18[%dma_start3A_1067] : memref<1024xi32, #tpu.memory_space<vmem>> -> memref<128xi32, #tpu.memory_space<vmem>>
      %dma_start3A_1069 = arith.constant 0 : i32
      %dma_start3A_1070 = arith.constant 0 : i32
      %dma_start3A_1071 = tpu.memref_slice %arg2[%dma_start3A_1069, %dma_start3A_1070] : memref<50000x4xf32, #tpu.memory_space<hbm>> -> memref<50000x4xf32, #tpu.memory_space<hbm>>
      tpu.enqueue_indirect_dma source(%dma_start3A_1071 : memref<50000x4xf32, #tpu.memory_space<hbm>>) target(%dma_start3A_1066 : memref<128x4xf32, #tpu.memory_space<vmem>>) offsets(%dma_start3A_1068 : memref<128xi32, #tpu.memory_space<vmem>>) semaphore(%arg38 : memref<!tpu.dma_semaphore, #tpu.memory_space<semaphore_mem>>)
      %dma_start3A_1072 = arith.constant 256 : i32
      %dma_start3A_1073 = arith.constant 0 : i32
      %dma_start3A_1074 = tpu.memref_slice %arg21[%dma_start3A_1072, %dma_start3A_1073] : memref<1024x4xf32, #tpu.memory_space<vmem>> -> memref<128x4xf32, #tpu.memory_space<vmem>>
      %dma_start3A_1075 = arith.constant 256 : i32
      %dma_start3A_1076 = tpu.memref_slice %arg19[%dma_start3A_1075] : memref<1024xi32, #tpu.memory_space<vmem>> -> memref<128xi32, #tpu.memory_space<vmem>>
      %dma_start3A_1077 = arith.constant 0 : i32
      %dma_start3A_1078 = arith.constant 0 : i32
      %dma_start3A_1079 = tpu.memref_slice %arg2[%dma_start3A_1077, %dma_start3A_1078] : memref<50000x4xf32, #tpu.memory_space<hbm>> -> memref<50000x4xf32, #tpu.memory_space<hbm>>
      tpu.enqueue_indirect_dma source(%dma_start3A_1079 : memref<50000x4xf32, #tpu.memory_space<hbm>>) target(%dma_start3A_1074 : memref<128x4xf32, #tpu.memory_space<vmem>>) offsets(%dma_start3A_1076 : memref<128xi32, #tpu.memory_space<vmem>>) semaphore(%arg38 : memref<!tpu.dma_semaphore, #tpu.memory_space<semaphore_mem>>)
      %dma_start3A_1080 = arith.constant 384 : i32
      %dma_start3A_1081 = arith.constant 0 : i32
      %dma_start3A_1082 = tpu.memref_slice %arg20[%dma_start3A_1080, %dma_start3A_1081] : memref<1024x4xf32, #tpu.memory_space<vmem>> -> memref<128x4xf32, #tpu.memory_space<vmem>>
      %dma_start3A_1083 = arith.constant 384 : i32
      %dma_start3A_1084 = tpu.memref_slice %arg18[%dma_start3A_1083] : memref<1024xi32, #tpu.memory_space<vmem>> -> memref<128xi32, #tpu.memory_space<vmem>>
      %dma_start3A_1085 = arith.constant 0 : i32
      %dma_start3A_1086 = arith.constant 0 : i32
      %dma_start3A_1087 = tpu.memref_slice %arg2[%dma_start3A_1085, %dma_start3A_1086] : memref<50000x4xf32, #tpu.memory_space<hbm>> -> memref<50000x4xf32, #tpu.memory_space<hbm>>
      tpu.enqueue_indirect_dma source(%dma_start3A_1087 : memref<50000x4xf32, #tpu.memory_space<hbm>>) target(%dma_start3A_1082 : memref<128x4xf32, #tpu.memory_space<vmem>>) offsets(%dma_start3A_1084 : memref<128xi32, #tpu.memory_space<vmem>>) semaphore(%arg38 : memref<!tpu.dma_semaphore, #tpu.memory_space<semaphore_mem>>)
      %dma_start3A_1088 = arith.constant 384 : i32
      %dma_start3A_1089 = arith.constant 0 : i32
      %dma_start3A_1090 = tpu.memref_slice %arg21[%dma_start3A_1088, %dma_start3A_1089] : memref<1024x4xf32, #tpu.memory_space<vmem>> -> memref<128x4xf32, #tpu.memory_space<vmem>>
      %dma_start3A_1091 = arith.constant 384 : i32
      %dma_start3A_1092 = tpu.memref_slice %arg19[%dma_start3A_1091] : memref<1024xi32, #tpu.memory_space<vmem>> -> memref<128xi32, #tpu.memory_space<vmem>>
      %dma_start3A_1093 = arith.constant 0 : i32
      %dma_start3A_1094 = arith.constant 0 : i32
      %dma_start3A_1095 = tpu.memref_slice %arg2[%dma_start3A_1093, %dma_start3A_1094] : memref<50000x4xf32, #tpu.memory_space<hbm>> -> memref<50000x4xf32, #tpu.memory_space<hbm>>
      tpu.enqueue_indirect_dma source(%dma_start3A_1095 : memref<50000x4xf32, #tpu.memory_space<hbm>>) target(%dma_start3A_1090 : memref<128x4xf32, #tpu.memory_space<vmem>>) offsets(%dma_start3A_1092 : memref<128xi32, #tpu.memory_space<vmem>>) semaphore(%arg38 : memref<!tpu.dma_semaphore, #tpu.memory_space<semaphore_mem>>)
      %dma_start3A_1096 = arith.constant 512 : i32
      %dma_start3A_1097 = arith.constant 0 : i32
      %dma_start3A_1098 = tpu.memref_slice %arg20[%dma_start3A_1096, %dma_start3A_1097] : memref<1024x4xf32, #tpu.memory_space<vmem>> -> memref<128x4xf32, #tpu.memory_space<vmem>>
      %dma_start3A_1099 = arith.constant 512 : i32
      %dma_start3A_1100 = tpu.memref_slice %arg18[%dma_start3A_1099] : memref<1024xi32, #tpu.memory_space<vmem>> -> memref<128xi32, #tpu.memory_space<vmem>>
      %dma_start3A_1101 = arith.constant 0 : i32
      %dma_start3A_1102 = arith.constant 0 : i32
      %dma_start3A_1103 = tpu.memref_slice %arg2[%dma_start3A_1101, %dma_start3A_1102] : memref<50000x4xf32, #tpu.memory_space<hbm>> -> memref<50000x4xf32, #tpu.memory_space<hbm>>
      tpu.enqueue_indirect_dma source(%dma_start3A_1103 : memref<50000x4xf32, #tpu.memory_space<hbm>>) target(%dma_start3A_1098 : memref<128x4xf32, #tpu.memory_space<vmem>>) offsets(%dma_start3A_1100 : memref<128xi32, #tpu.memory_space<vmem>>) semaphore(%arg38 : memref<!tpu.dma_semaphore, #tpu.memory_space<semaphore_mem>>)
      %dma_start3A_1104 = arith.constant 512 : i32
      %dma_start3A_1105 = arith.constant 0 : i32
      %dma_start3A_1106 = tpu.memref_slice %arg21[%dma_start3A_1104, %dma_start3A_1105] : memref<1024x4xf32, #tpu.memory_space<vmem>> -> memref<128x4xf32, #tpu.memory_space<vmem>>
      %dma_start3A_1107 = arith.constant 512 : i32
      %dma_start3A_1108 = tpu.memref_slice %arg19[%dma_start3A_1107] : memref<1024xi32, #tpu.memory_space<vmem>> -> memref<128xi32, #tpu.memory_space<vmem>>
      %dma_start3A_1109 = arith.constant 0 : i32
      %dma_start3A_1110 = arith.constant 0 : i32
      %dma_start3A_1111 = tpu.memref_slice %arg2[%dma_start3A_1109, %dma_start3A_1110] : memref<50000x4xf32, #tpu.memory_space<hbm>> -> memref<50000x4xf32, #tpu.memory_space<hbm>>
      tpu.enqueue_indirect_dma source(%dma_start3A_1111 : memref<50000x4xf32, #tpu.memory_space<hbm>>) target(%dma_start3A_1106 : memref<128x4xf32, #tpu.memory_space<vmem>>) offsets(%dma_start3A_1108 : memref<128xi32, #tpu.memory_space<vmem>>) semaphore(%arg38 : memref<!tpu.dma_semaphore, #tpu.memory_space<semaphore_mem>>)
      %dma_start3A_1112 = arith.constant 640 : i32
      %dma_start3A_1113 = arith.constant 0 : i32
      %dma_start3A_1114 = tpu.memref_slice %arg20[%dma_start3A_1112, %dma_start3A_1113] : memref<1024x4xf32, #tpu.memory_space<vmem>> -> memref<128x4xf32, #tpu.memory_space<vmem>>
      %dma_start3A_1115 = arith.constant 640 : i32
      %dma_start3A_1116 = tpu.memref_slice %arg18[%dma_start3A_1115] : memref<1024xi32, #tpu.memory_space<vmem>> -> memref<128xi32, #tpu.memory_space<vmem>>
      %dma_start3A_1117 = arith.constant 0 : i32
      %dma_start3A_1118 = arith.constant 0 : i32
      %dma_start3A_1119 = tpu.memref_slice %arg2[%dma_start3A_1117, %dma_start3A_1118] : memref<50000x4xf32, #tpu.memory_space<hbm>> -> memref<50000x4xf32, #tpu.memory_space<hbm>>
      tpu.enqueue_indirect_dma source(%dma_start3A_1119 : memref<50000x4xf32, #tpu.memory_space<hbm>>) target(%dma_start3A_1114 : memref<128x4xf32, #tpu.memory_space<vmem>>) offsets(%dma_start3A_1116 : memref<128xi32, #tpu.memory_space<vmem>>) semaphore(%arg38 : memref<!tpu.dma_semaphore, #tpu.memory_space<semaphore_mem>>)
      %dma_start3A_1120 = arith.constant 640 : i32
      %dma_start3A_1121 = arith.constant 0 : i32
      %dma_start3A_1122 = tpu.memref_slice %arg21[%dma_start3A_1120, %dma_start3A_1121] : memref<1024x4xf32, #tpu.memory_space<vmem>> -> memref<128x4xf32, #tpu.memory_space<vmem>>
      %dma_start3A_1123 = arith.constant 640 : i32
      %dma_start3A_1124 = tpu.memref_slice %arg19[%dma_start3A_1123] : memref<1024xi32, #tpu.memory_space<vmem>> -> memref<128xi32, #tpu.memory_space<vmem>>
      %dma_start3A_1125 = arith.constant 0 : i32
      %dma_start3A_1126 = arith.constant 0 : i32
      %dma_start3A_1127 = tpu.memref_slice %arg2[%dma_start3A_1125, %dma_start3A_1126] : memref<50000x4xf32, #tpu.memory_space<hbm>> -> memref<50000x4xf32, #tpu.memory_space<hbm>>
      tpu.enqueue_indirect_dma source(%dma_start3A_1127 : memref<50000x4xf32, #tpu.memory_space<hbm>>) target(%dma_start3A_1122 : memref<128x4xf32, #tpu.memory_space<vmem>>) offsets(%dma_start3A_1124 : memref<128xi32, #tpu.memory_space<vmem>>) semaphore(%arg38 : memref<!tpu.dma_semaphore, #tpu.memory_space<semaphore_mem>>)
      %dma_start3A_1128 = arith.constant 768 : i32
      %dma_start3A_1129 = arith.constant 0 : i32
      %dma_start3A_1130 = tpu.memref_slice %arg20[%dma_start3A_1128, %dma_start3A_1129] : memref<1024x4xf32, #tpu.memory_space<vmem>> -> memref<128x4xf32, #tpu.memory_space<vmem>>
      %dma_start3A_1131 = arith.constant 768 : i32
      %dma_start3A_1132 = tpu.memref_slice %arg18[%dma_start3A_1131] : memref<1024xi32, #tpu.memory_space<vmem>> -> memref<128xi32, #tpu.memory_space<vmem>>
      %dma_start3A_1133 = arith.constant 0 : i32
      %dma_start3A_1134 = arith.constant 0 : i32
      %dma_start3A_1135 = tpu.memref_slice %arg2[%dma_start3A_1133, %dma_start3A_1134] : memref<50000x4xf32, #tpu.memory_space<hbm>> -> memref<50000x4xf32, #tpu.memory_space<hbm>>
      tpu.enqueue_indirect_dma source(%dma_start3A_1135 : memref<50000x4xf32, #tpu.memory_space<hbm>>) target(%dma_start3A_1130 : memref<128x4xf32, #tpu.memory_space<vmem>>) offsets(%dma_start3A_1132 : memref<128xi32, #tpu.memory_space<vmem>>) semaphore(%arg38 : memref<!tpu.dma_semaphore, #tpu.memory_space<semaphore_mem>>)
      %dma_start3A_1136 = arith.constant 768 : i32
      %dma_start3A_1137 = arith.constant 0 : i32
      %dma_start3A_1138 = tpu.memref_slice %arg21[%dma_start3A_1136, %dma_start3A_1137] : memref<1024x4xf32, #tpu.memory_space<vmem>> -> memref<128x4xf32, #tpu.memory_space<vmem>>
      %dma_start3A_1139 = arith.constant 768 : i32
      %dma_start3A_1140 = tpu.memref_slice %arg19[%dma_start3A_1139] : memref<1024xi32, #tpu.memory_space<vmem>> -> memref<128xi32, #tpu.memory_space<vmem>>
      %dma_start3A_1141 = arith.constant 0 : i32
      %dma_start3A_1142 = arith.constant 0 : i32
      %dma_start3A_1143 = tpu.memref_slice %arg2[%dma_start3A_1141, %dma_start3A_1142] : memref<50000x4xf32, #tpu.memory_space<hbm>> -> memref<50000x4xf32, #tpu.memory_space<hbm>>
      tpu.enqueue_indirect_dma source(%dma_start3A_1143 : memref<50000x4xf32, #tpu.memory_space<hbm>>) target(%dma_start3A_1138 : memref<128x4xf32, #tpu.memory_space<vmem>>) offsets(%dma_start3A_1140 : memref<128xi32, #tpu.memory_space<vmem>>) semaphore(%arg38 : memref<!tpu.dma_semaphore, #tpu.memory_space<semaphore_mem>>)
      %dma_start3A_1144 = arith.constant 896 : i32
      %dma_start3A_1145 = arith.constant 0 : i32
      %dma_start3A_1146 = tpu.memref_slice %arg20[%dma_start3A_1144, %dma_start3A_1145] : memref<1024x4xf32, #tpu.memory_space<vmem>> -> memref<128x4xf32, #tpu.memory_space<vmem>>
      %dma_start3A_1147 = arith.constant 896 : i32
      %dma_start3A_1148 = tpu.memref_slice %arg18[%dma_start3A_1147] : memref<1024xi32, #tpu.memory_space<vmem>> -> memref<128xi32, #tpu.memory_space<vmem>>
      %dma_start3A_1149 = arith.constant 0 : i32
      %dma_start3A_1150 = arith.constant 0 : i32
      %dma_start3A_1151 = tpu.memref_slice %arg2[%dma_start3A_1149, %dma_start3A_1150] : memref<50000x4xf32, #tpu.memory_space<hbm>> -> memref<50000x4xf32, #tpu.memory_space<hbm>>
      tpu.enqueue_indirect_dma source(%dma_start3A_1151 : memref<50000x4xf32, #tpu.memory_space<hbm>>) target(%dma_start3A_1146 : memref<128x4xf32, #tpu.memory_space<vmem>>) offsets(%dma_start3A_1148 : memref<128xi32, #tpu.memory_space<vmem>>) semaphore(%arg38 : memref<!tpu.dma_semaphore, #tpu.memory_space<semaphore_mem>>)
      %dma_start3A_1152 = arith.constant 896 : i32
      %dma_start3A_1153 = arith.constant 0 : i32
      %dma_start3A_1154 = tpu.memref_slice %arg21[%dma_start3A_1152, %dma_start3A_1153] : memref<1024x4xf32, #tpu.memory_space<vmem>> -> memref<128x4xf32, #tpu.memory_space<vmem>>
      %dma_start3A_1155 = arith.constant 896 : i32
      %dma_start3A_1156 = tpu.memref_slice %arg19[%dma_start3A_1155] : memref<1024xi32, #tpu.memory_space<vmem>> -> memref<128xi32, #tpu.memory_space<vmem>>
      %dma_start3A_1157 = arith.constant 0 : i32
      %dma_start3A_1158 = arith.constant 0 : i32
      %dma_start3A_1159 = tpu.memref_slice %arg2[%dma_start3A_1157, %dma_start3A_1158] : memref<50000x4xf32, #tpu.memory_space<hbm>> -> memref<50000x4xf32, #tpu.memory_space<hbm>>
      tpu.enqueue_indirect_dma source(%dma_start3A_1159 : memref<50000x4xf32, #tpu.memory_space<hbm>>) target(%dma_start3A_1154 : memref<128x4xf32, #tpu.memory_space<vmem>>) offsets(%dma_start3A_1156 : memref<128xi32, #tpu.memory_space<vmem>>) semaphore(%arg38 : memref<!tpu.dma_semaphore, #tpu.memory_space<semaphore_mem>>)
      %mul3A_1160 = arith.constant 1024 : i32
      %mul3A_1161 = arith.muli %add3A_1014, %mul3A_1160 : i32
      %add3A_1162 = arith.addi %mul3A_24, %mul3A_1161 : i32
      %dma_wait3A_1163 = arith.constant 0 : i32
      %dma_wait3A_1164 = tpu.memref_slice %arg15[%dma_wait3A_1163] : memref<1024xf32, #tpu.memory_space<vmem>> -> memref<1024xf32, #tpu.memory_space<vmem>>
      %dma_wait3A_1165 = tpu.memref_slice %arg5[%add3A_1162] : memref<1600000xf32, #tpu.memory_space<hbm>> -> memref<1024xf32, #tpu.memory_space<hbm>>
      %dma_wait3A_1166 = arith.constant 0 : i32
      %dma_wait3A_1167 = tpu.memref_slice %arg15[%dma_wait3A_1166] : memref<1024xf32, #tpu.memory_space<vmem>> -> memref<1024xf32, #tpu.memory_space<vmem>>
      %dma_wait3A_1168 = tpu.memref_slice %arg5[%add3A_1162] : memref<1600000xf32, #tpu.memory_space<hbm>> -> memref<1024xf32, #tpu.memory_space<hbm>>
      tpu.wait_dma2 semaphore(%arg35 : memref<!tpu.dma_semaphore, #tpu.memory_space<semaphore_mem>>) src(%dma_wait3A_1168 : memref<1024xf32, #tpu.memory_space<hbm>>) dst(%dma_wait3A_1167 : memref<1024xf32, #tpu.memory_space<vmem>>)
      %dma_wait3A_1169 = arith.constant 0 : i32
      %dma_wait3A_1170 = tpu.memref_slice %arg16[%dma_wait3A_1169] : memref<1024xf32, #tpu.memory_space<vmem>> -> memref<1024xf32, #tpu.memory_space<vmem>>
      %dma_wait3A_1171 = tpu.memref_slice %arg6[%add3A_1162] : memref<1600000xf32, #tpu.memory_space<hbm>> -> memref<1024xf32, #tpu.memory_space<hbm>>
      %dma_wait3A_1172 = arith.constant 0 : i32
      %dma_wait3A_1173 = tpu.memref_slice %arg16[%dma_wait3A_1172] : memref<1024xf32, #tpu.memory_space<vmem>> -> memref<1024xf32, #tpu.memory_space<vmem>>
      %dma_wait3A_1174 = tpu.memref_slice %arg6[%add3A_1162] : memref<1600000xf32, #tpu.memory_space<hbm>> -> memref<1024xf32, #tpu.memory_space<hbm>>
      tpu.wait_dma2 semaphore(%arg35 : memref<!tpu.dma_semaphore, #tpu.memory_space<semaphore_mem>>) src(%dma_wait3A_1174 : memref<1024xf32, #tpu.memory_space<hbm>>) dst(%dma_wait3A_1173 : memref<1024xf32, #tpu.memory_space<vmem>>)
      %dma_wait3A_1175 = arith.constant 0 : i32
      %dma_wait3A_1176 = tpu.memref_slice %arg17[%dma_wait3A_1175] : memref<1024xf32, #tpu.memory_space<vmem>> -> memref<1024xf32, #tpu.memory_space<vmem>>
      %dma_wait3A_1177 = tpu.memref_slice %arg7[%add3A_1162] : memref<1600000xf32, #tpu.memory_space<hbm>> -> memref<1024xf32, #tpu.memory_space<hbm>>
      %dma_wait3A_1178 = arith.constant 0 : i32
      %dma_wait3A_1179 = tpu.memref_slice %arg17[%dma_wait3A_1178] : memref<1024xf32, #tpu.memory_space<vmem>> -> memref<1024xf32, #tpu.memory_space<vmem>>
      %dma_wait3A_1180 = tpu.memref_slice %arg7[%add3A_1162] : memref<1600000xf32, #tpu.memory_space<hbm>> -> memref<1024xf32, #tpu.memory_space<hbm>>
      tpu.wait_dma2 semaphore(%arg35 : memref<!tpu.dma_semaphore, #tpu.memory_space<semaphore_mem>>) src(%dma_wait3A_1180 : memref<1024xf32, #tpu.memory_space<hbm>>) dst(%dma_wait3A_1179 : memref<1024xf32, #tpu.memory_space<vmem>>)
      %dma_wait3A_1181 = arith.constant 0 : i32
      %dma_wait3A_1182 = arith.constant 0 : i32
      %dma_wait3A_1183 = tpu.memref_slice %arg13[%dma_wait3A_1181, %dma_wait3A_1182] : memref<1024x4xf32, #tpu.memory_space<vmem>> -> memref<128x4xf32, #tpu.memory_space<vmem>>
      %dma_wait3A_1184 = arith.constant 0 : i32
      %dma_wait3A_1185 = tpu.memref_slice %arg11[%dma_wait3A_1184] : memref<1024xi32, #tpu.memory_space<vmem>> -> memref<128xi32, #tpu.memory_space<vmem>>
      %dma_wait3A_1186 = arith.constant 0 : i32
      %dma_wait3A_1187 = arith.constant 0 : i32
      %dma_wait3A_1188 = tpu.memref_slice %arg2[%dma_wait3A_1186, %dma_wait3A_1187] : memref<50000x4xf32, #tpu.memory_space<hbm>> -> memref<50000x4xf32, #tpu.memory_space<hbm>>
      tpu.wait_indirect_dma semaphore(%arg37 : memref<!tpu.dma_semaphore, #tpu.memory_space<semaphore_mem>>) src(%dma_wait3A_1188 : memref<50000x4xf32, #tpu.memory_space<hbm>>) dst(%dma_wait3A_1183 : memref<128x4xf32, #tpu.memory_space<vmem>>)
      %dma_wait3A_1189 = arith.constant 0 : i32
      %dma_wait3A_1190 = arith.constant 0 : i32
      %dma_wait3A_1191 = tpu.memref_slice %arg14[%dma_wait3A_1189, %dma_wait3A_1190] : memref<1024x4xf32, #tpu.memory_space<vmem>> -> memref<128x4xf32, #tpu.memory_space<vmem>>
      %dma_wait3A_1192 = arith.constant 0 : i32
      %dma_wait3A_1193 = tpu.memref_slice %arg12[%dma_wait3A_1192] : memref<1024xi32, #tpu.memory_space<vmem>> -> memref<128xi32, #tpu.memory_space<vmem>>
      %dma_wait3A_1194 = arith.constant 0 : i32
      %dma_wait3A_1195 = arith.constant 0 : i32
      %dma_wait3A_1196 = tpu.memref_slice %arg2[%dma_wait3A_1194, %dma_wait3A_1195] : memref<50000x4xf32, #tpu.memory_space<hbm>> -> memref<50000x4xf32, #tpu.memory_space<hbm>>
      tpu.wait_indirect_dma semaphore(%arg37 : memref<!tpu.dma_semaphore, #tpu.memory_space<semaphore_mem>>) src(%dma_wait3A_1196 : memref<50000x4xf32, #tpu.memory_space<hbm>>) dst(%dma_wait3A_1191 : memref<128x4xf32, #tpu.memory_space<vmem>>)
      %dma_wait3A_1197 = arith.constant 128 : i32
      %dma_wait3A_1198 = arith.constant 0 : i32
      %dma_wait3A_1199 = tpu.memref_slice %arg13[%dma_wait3A_1197, %dma_wait3A_1198] : memref<1024x4xf32, #tpu.memory_space<vmem>> -> memref<128x4xf32, #tpu.memory_space<vmem>>
      %dma_wait3A_1200 = arith.constant 128 : i32
      %dma_wait3A_1201 = tpu.memref_slice %arg11[%dma_wait3A_1200] : memref<1024xi32, #tpu.memory_space<vmem>> -> memref<128xi32, #tpu.memory_space<vmem>>
      %dma_wait3A_1202 = arith.constant 0 : i32
      %dma_wait3A_1203 = arith.constant 0 : i32
      %dma_wait3A_1204 = tpu.memref_slice %arg2[%dma_wait3A_1202, %dma_wait3A_1203] : memref<50000x4xf32, #tpu.memory_space<hbm>> -> memref<50000x4xf32, #tpu.memory_space<hbm>>
      tpu.wait_indirect_dma semaphore(%arg37 : memref<!tpu.dma_semaphore, #tpu.memory_space<semaphore_mem>>) src(%dma_wait3A_1204 : memref<50000x4xf32, #tpu.memory_space<hbm>>) dst(%dma_wait3A_1199 : memref<128x4xf32, #tpu.memory_space<vmem>>)
      %dma_wait3A_1205 = arith.constant 128 : i32
      %dma_wait3A_1206 = arith.constant 0 : i32
      %dma_wait3A_1207 = tpu.memref_slice %arg14[%dma_wait3A_1205, %dma_wait3A_1206] : memref<1024x4xf32, #tpu.memory_space<vmem>> -> memref<128x4xf32, #tpu.memory_space<vmem>>
      %dma_wait3A_1208 = arith.constant 128 : i32
      %dma_wait3A_1209 = tpu.memref_slice %arg12[%dma_wait3A_1208] : memref<1024xi32, #tpu.memory_space<vmem>> -> memref<128xi32, #tpu.memory_space<vmem>>
      %dma_wait3A_1210 = arith.constant 0 : i32
      %dma_wait3A_1211 = arith.constant 0 : i32
      %dma_wait3A_1212 = tpu.memref_slice %arg2[%dma_wait3A_1210, %dma_wait3A_1211] : memref<50000x4xf32, #tpu.memory_space<hbm>> -> memref<50000x4xf32, #tpu.memory_space<hbm>>
      tpu.wait_indirect_dma semaphore(%arg37 : memref<!tpu.dma_semaphore, #tpu.memory_space<semaphore_mem>>) src(%dma_wait3A_1212 : memref<50000x4xf32, #tpu.memory_space<hbm>>) dst(%dma_wait3A_1207 : memref<128x4xf32, #tpu.memory_space<vmem>>)
      %dma_wait3A_1213 = arith.constant 256 : i32
      %dma_wait3A_1214 = arith.constant 0 : i32
      %dma_wait3A_1215 = tpu.memref_slice %arg13[%dma_wait3A_1213, %dma_wait3A_1214] : memref<1024x4xf32, #tpu.memory_space<vmem>> -> memref<128x4xf32, #tpu.memory_space<vmem>>
      %dma_wait3A_1216 = arith.constant 256 : i32
      %dma_wait3A_1217 = tpu.memref_slice %arg11[%dma_wait3A_1216] : memref<1024xi32, #tpu.memory_space<vmem>> -> memref<128xi32, #tpu.memory_space<vmem>>
      %dma_wait3A_1218 = arith.constant 0 : i32
      %dma_wait3A_1219 = arith.constant 0 : i32
      %dma_wait3A_1220 = tpu.memref_slice %arg2[%dma_wait3A_1218, %dma_wait3A_1219] : memref<50000x4xf32, #tpu.memory_space<hbm>> -> memref<50000x4xf32, #tpu.memory_space<hbm>>
      tpu.wait_indirect_dma semaphore(%arg37 : memref<!tpu.dma_semaphore, #tpu.memory_space<semaphore_mem>>) src(%dma_wait3A_1220 : memref<50000x4xf32, #tpu.memory_space<hbm>>) dst(%dma_wait3A_1215 : memref<128x4xf32, #tpu.memory_space<vmem>>)
      %dma_wait3A_1221 = arith.constant 256 : i32
      %dma_wait3A_1222 = arith.constant 0 : i32
      %dma_wait3A_1223 = tpu.memref_slice %arg14[%dma_wait3A_1221, %dma_wait3A_1222] : memref<1024x4xf32, #tpu.memory_space<vmem>> -> memref<128x4xf32, #tpu.memory_space<vmem>>
      %dma_wait3A_1224 = arith.constant 256 : i32
      %dma_wait3A_1225 = tpu.memref_slice %arg12[%dma_wait3A_1224] : memref<1024xi32, #tpu.memory_space<vmem>> -> memref<128xi32, #tpu.memory_space<vmem>>
      %dma_wait3A_1226 = arith.constant 0 : i32
      %dma_wait3A_1227 = arith.constant 0 : i32
      %dma_wait3A_1228 = tpu.memref_slice %arg2[%dma_wait3A_1226, %dma_wait3A_1227] : memref<50000x4xf32, #tpu.memory_space<hbm>> -> memref<50000x4xf32, #tpu.memory_space<hbm>>
      tpu.wait_indirect_dma semaphore(%arg37 : memref<!tpu.dma_semaphore, #tpu.memory_space<semaphore_mem>>) src(%dma_wait3A_1228 : memref<50000x4xf32, #tpu.memory_space<hbm>>) dst(%dma_wait3A_1223 : memref<128x4xf32, #tpu.memory_space<vmem>>)
      %dma_wait3A_1229 = arith.constant 384 : i32
      %dma_wait3A_1230 = arith.constant 0 : i32
      %dma_wait3A_1231 = tpu.memref_slice %arg13[%dma_wait3A_1229, %dma_wait3A_1230] : memref<1024x4xf32, #tpu.memory_space<vmem>> -> memref<128x4xf32, #tpu.memory_space<vmem>>
      %dma_wait3A_1232 = arith.constant 384 : i32
      %dma_wait3A_1233 = tpu.memref_slice %arg11[%dma_wait3A_1232] : memref<1024xi32, #tpu.memory_space<vmem>> -> memref<128xi32, #tpu.memory_space<vmem>>
      %dma_wait3A_1234 = arith.constant 0 : i32
      %dma_wait3A_1235 = arith.constant 0 : i32
      %dma_wait3A_1236 = tpu.memref_slice %arg2[%dma_wait3A_1234, %dma_wait3A_1235] : memref<50000x4xf32, #tpu.memory_space<hbm>> -> memref<50000x4xf32, #tpu.memory_space<hbm>>
      tpu.wait_indirect_dma semaphore(%arg37 : memref<!tpu.dma_semaphore, #tpu.memory_space<semaphore_mem>>) src(%dma_wait3A_1236 : memref<50000x4xf32, #tpu.memory_space<hbm>>) dst(%dma_wait3A_1231 : memref<128x4xf32, #tpu.memory_space<vmem>>)
      %dma_wait3A_1237 = arith.constant 384 : i32
      %dma_wait3A_1238 = arith.constant 0 : i32
      %dma_wait3A_1239 = tpu.memref_slice %arg14[%dma_wait3A_1237, %dma_wait3A_1238] : memref<1024x4xf32, #tpu.memory_space<vmem>> -> memref<128x4xf32, #tpu.memory_space<vmem>>
      %dma_wait3A_1240 = arith.constant 384 : i32
      %dma_wait3A_1241 = tpu.memref_slice %arg12[%dma_wait3A_1240] : memref<1024xi32, #tpu.memory_space<vmem>> -> memref<128xi32, #tpu.memory_space<vmem>>
      %dma_wait3A_1242 = arith.constant 0 : i32
      %dma_wait3A_1243 = arith.constant 0 : i32
      %dma_wait3A_1244 = tpu.memref_slice %arg2[%dma_wait3A_1242, %dma_wait3A_1243] : memref<50000x4xf32, #tpu.memory_space<hbm>> -> memref<50000x4xf32, #tpu.memory_space<hbm>>
      tpu.wait_indirect_dma semaphore(%arg37 : memref<!tpu.dma_semaphore, #tpu.memory_space<semaphore_mem>>) src(%dma_wait3A_1244 : memref<50000x4xf32, #tpu.memory_space<hbm>>) dst(%dma_wait3A_1239 : memref<128x4xf32, #tpu.memory_space<vmem>>)
      %dma_wait3A_1245 = arith.constant 512 : i32
      %dma_wait3A_1246 = arith.constant 0 : i32
      %dma_wait3A_1247 = tpu.memref_slice %arg13[%dma_wait3A_1245, %dma_wait3A_1246] : memref<1024x4xf32, #tpu.memory_space<vmem>> -> memref<128x4xf32, #tpu.memory_space<vmem>>
      %dma_wait3A_1248 = arith.constant 512 : i32
      %dma_wait3A_1249 = tpu.memref_slice %arg11[%dma_wait3A_1248] : memref<1024xi32, #tpu.memory_space<vmem>> -> memref<128xi32, #tpu.memory_space<vmem>>
      %dma_wait3A_1250 = arith.constant 0 : i32
      %dma_wait3A_1251 = arith.constant 0 : i32
      %dma_wait3A_1252 = tpu.memref_slice %arg2[%dma_wait3A_1250, %dma_wait3A_1251] : memref<50000x4xf32, #tpu.memory_space<hbm>> -> memref<50000x4xf32, #tpu.memory_space<hbm>>
      tpu.wait_indirect_dma semaphore(%arg37 : memref<!tpu.dma_semaphore, #tpu.memory_space<semaphore_mem>>) src(%dma_wait3A_1252 : memref<50000x4xf32, #tpu.memory_space<hbm>>) dst(%dma_wait3A_1247 : memref<128x4xf32, #tpu.memory_space<vmem>>)
      %dma_wait3A_1253 = arith.constant 512 : i32
      %dma_wait3A_1254 = arith.constant 0 : i32
      %dma_wait3A_1255 = tpu.memref_slice %arg14[%dma_wait3A_1253, %dma_wait3A_1254] : memref<1024x4xf32, #tpu.memory_space<vmem>> -> memref<128x4xf32, #tpu.memory_space<vmem>>
      %dma_wait3A_1256 = arith.constant 512 : i32
      %dma_wait3A_1257 = tpu.memref_slice %arg12[%dma_wait3A_1256] : memref<1024xi32, #tpu.memory_space<vmem>> -> memref<128xi32, #tpu.memory_space<vmem>>
      %dma_wait3A_1258 = arith.constant 0 : i32
      %dma_wait3A_1259 = arith.constant 0 : i32
      %dma_wait3A_1260 = tpu.memref_slice %arg2[%dma_wait3A_1258, %dma_wait3A_1259] : memref<50000x4xf32, #tpu.memory_space<hbm>> -> memref<50000x4xf32, #tpu.memory_space<hbm>>
      tpu.wait_indirect_dma semaphore(%arg37 : memref<!tpu.dma_semaphore, #tpu.memory_space<semaphore_mem>>) src(%dma_wait3A_1260 : memref<50000x4xf32, #tpu.memory_space<hbm>>) dst(%dma_wait3A_1255 : memref<128x4xf32, #tpu.memory_space<vmem>>)
      %dma_wait3A_1261 = arith.constant 640 : i32
      %dma_wait3A_1262 = arith.constant 0 : i32
      %dma_wait3A_1263 = tpu.memref_slice %arg13[%dma_wait3A_1261, %dma_wait3A_1262] : memref<1024x4xf32, #tpu.memory_space<vmem>> -> memref<128x4xf32, #tpu.memory_space<vmem>>
      %dma_wait3A_1264 = arith.constant 640 : i32
      %dma_wait3A_1265 = tpu.memref_slice %arg11[%dma_wait3A_1264] : memref<1024xi32, #tpu.memory_space<vmem>> -> memref<128xi32, #tpu.memory_space<vmem>>
      %dma_wait3A_1266 = arith.constant 0 : i32
      %dma_wait3A_1267 = arith.constant 0 : i32
      %dma_wait3A_1268 = tpu.memref_slice %arg2[%dma_wait3A_1266, %dma_wait3A_1267] : memref<50000x4xf32, #tpu.memory_space<hbm>> -> memref<50000x4xf32, #tpu.memory_space<hbm>>
      tpu.wait_indirect_dma semaphore(%arg37 : memref<!tpu.dma_semaphore, #tpu.memory_space<semaphore_mem>>) src(%dma_wait3A_1268 : memref<50000x4xf32, #tpu.memory_space<hbm>>) dst(%dma_wait3A_1263 : memref<128x4xf32, #tpu.memory_space<vmem>>)
      %dma_wait3A_1269 = arith.constant 640 : i32
      %dma_wait3A_1270 = arith.constant 0 : i32
      %dma_wait3A_1271 = tpu.memref_slice %arg14[%dma_wait3A_1269, %dma_wait3A_1270] : memref<1024x4xf32, #tpu.memory_space<vmem>> -> memref<128x4xf32, #tpu.memory_space<vmem>>
      %dma_wait3A_1272 = arith.constant 640 : i32
      %dma_wait3A_1273 = tpu.memref_slice %arg12[%dma_wait3A_1272] : memref<1024xi32, #tpu.memory_space<vmem>> -> memref<128xi32, #tpu.memory_space<vmem>>
      %dma_wait3A_1274 = arith.constant 0 : i32
      %dma_wait3A_1275 = arith.constant 0 : i32
      %dma_wait3A_1276 = tpu.memref_slice %arg2[%dma_wait3A_1274, %dma_wait3A_1275] : memref<50000x4xf32, #tpu.memory_space<hbm>> -> memref<50000x4xf32, #tpu.memory_space<hbm>>
      tpu.wait_indirect_dma semaphore(%arg37 : memref<!tpu.dma_semaphore, #tpu.memory_space<semaphore_mem>>) src(%dma_wait3A_1276 : memref<50000x4xf32, #tpu.memory_space<hbm>>) dst(%dma_wait3A_1271 : memref<128x4xf32, #tpu.memory_space<vmem>>)
      %dma_wait3A_1277 = arith.constant 768 : i32
      %dma_wait3A_1278 = arith.constant 0 : i32
      %dma_wait3A_1279 = tpu.memref_slice %arg13[%dma_wait3A_1277, %dma_wait3A_1278] : memref<1024x4xf32, #tpu.memory_space<vmem>> -> memref<128x4xf32, #tpu.memory_space<vmem>>
      %dma_wait3A_1280 = arith.constant 768 : i32
      %dma_wait3A_1281 = tpu.memref_slice %arg11[%dma_wait3A_1280] : memref<1024xi32, #tpu.memory_space<vmem>> -> memref<128xi32, #tpu.memory_space<vmem>>
      %dma_wait3A_1282 = arith.constant 0 : i32
      %dma_wait3A_1283 = arith.constant 0 : i32
      %dma_wait3A_1284 = tpu.memref_slice %arg2[%dma_wait3A_1282, %dma_wait3A_1283] : memref<50000x4xf32, #tpu.memory_space<hbm>> -> memref<50000x4xf32, #tpu.memory_space<hbm>>
      tpu.wait_indirect_dma semaphore(%arg37 : memref<!tpu.dma_semaphore, #tpu.memory_space<semaphore_mem>>) src(%dma_wait3A_1284 : memref<50000x4xf32, #tpu.memory_space<hbm>>) dst(%dma_wait3A_1279 : memref<128x4xf32, #tpu.memory_space<vmem>>)
      %dma_wait3A_1285 = arith.constant 768 : i32
      %dma_wait3A_1286 = arith.constant 0 : i32
      %dma_wait3A_1287 = tpu.memref_slice %arg14[%dma_wait3A_1285, %dma_wait3A_1286] : memref<1024x4xf32, #tpu.memory_space<vmem>> -> memref<128x4xf32, #tpu.memory_space<vmem>>
      %dma_wait3A_1288 = arith.constant 768 : i32
      %dma_wait3A_1289 = tpu.memref_slice %arg12[%dma_wait3A_1288] : memref<1024xi32, #tpu.memory_space<vmem>> -> memref<128xi32, #tpu.memory_space<vmem>>
      %dma_wait3A_1290 = arith.constant 0 : i32
      %dma_wait3A_1291 = arith.constant 0 : i32
      %dma_wait3A_1292 = tpu.memref_slice %arg2[%dma_wait3A_1290, %dma_wait3A_1291] : memref<50000x4xf32, #tpu.memory_space<hbm>> -> memref<50000x4xf32, #tpu.memory_space<hbm>>
      tpu.wait_indirect_dma semaphore(%arg37 : memref<!tpu.dma_semaphore, #tpu.memory_space<semaphore_mem>>) src(%dma_wait3A_1292 : memref<50000x4xf32, #tpu.memory_space<hbm>>) dst(%dma_wait3A_1287 : memref<128x4xf32, #tpu.memory_space<vmem>>)
      %dma_wait3A_1293 = arith.constant 896 : i32
      %dma_wait3A_1294 = arith.constant 0 : i32
      %dma_wait3A_1295 = tpu.memref_slice %arg13[%dma_wait3A_1293, %dma_wait3A_1294] : memref<1024x4xf32, #tpu.memory_space<vmem>> -> memref<128x4xf32, #tpu.memory_space<vmem>>
      %dma_wait3A_1296 = arith.constant 896 : i32
      %dma_wait3A_1297 = tpu.memref_slice %arg11[%dma_wait3A_1296] : memref<1024xi32, #tpu.memory_space<vmem>> -> memref<128xi32, #tpu.memory_space<vmem>>
      %dma_wait3A_1298 = arith.constant 0 : i32
      %dma_wait3A_1299 = arith.constant 0 : i32
      %dma_wait3A_1300 = tpu.memref_slice %arg2[%dma_wait3A_1298, %dma_wait3A_1299] : memref<50000x4xf32, #tpu.memory_space<hbm>> -> memref<50000x4xf32, #tpu.memory_space<hbm>>
      tpu.wait_indirect_dma semaphore(%arg37 : memref<!tpu.dma_semaphore, #tpu.memory_space<semaphore_mem>>) src(%dma_wait3A_1300 : memref<50000x4xf32, #tpu.memory_space<hbm>>) dst(%dma_wait3A_1295 : memref<128x4xf32, #tpu.memory_space<vmem>>)
      %dma_wait3A_1301 = arith.constant 896 : i32
      %dma_wait3A_1302 = arith.constant 0 : i32
      %dma_wait3A_1303 = tpu.memref_slice %arg14[%dma_wait3A_1301, %dma_wait3A_1302] : memref<1024x4xf32, #tpu.memory_space<vmem>> -> memref<128x4xf32, #tpu.memory_space<vmem>>
      %dma_wait3A_1304 = arith.constant 896 : i32
      %dma_wait3A_1305 = tpu.memref_slice %arg12[%dma_wait3A_1304] : memref<1024xi32, #tpu.memory_space<vmem>> -> memref<128xi32, #tpu.memory_space<vmem>>
      %dma_wait3A_1306 = arith.constant 0 : i32
      %dma_wait3A_1307 = arith.constant 0 : i32
      %dma_wait3A_1308 = tpu.memref_slice %arg2[%dma_wait3A_1306, %dma_wait3A_1307] : memref<50000x4xf32, #tpu.memory_space<hbm>> -> memref<50000x4xf32, #tpu.memory_space<hbm>>
      tpu.wait_indirect_dma semaphore(%arg37 : memref<!tpu.dma_semaphore, #tpu.memory_space<semaphore_mem>>) src(%dma_wait3A_1308 : memref<50000x4xf32, #tpu.memory_space<hbm>>) dst(%dma_wait3A_1303 : memref<128x4xf32, #tpu.memory_space<vmem>>)
      %scan3A_1309 = arith.constant 0 : i32
      %scan3A_1310 = arith.constant 0 : i32
      %scan3A_1311 = arith.constant 64 : i32
      %scan3A_1312 = arith.addi %scan3A_1310, %scan3A_1311 : i32
      %scan3A_1313 = arith.constant 1 : i32
      %scan3A_1314 = scf.for %scan3A_1690 = %scan3A_1310 to %scan3A_1312 step %scan3A_1313 iter_args(%scan3A_1691 = %scan3A_1309) -> (i32)  : i32 {
        %mul3A_1692 = arith.constant 16 : i32
        %mul3A_1693 = arith.muli %scan3A_1690, %mul3A_1692 : i32
        %get3A = arith.index_cast %mul3A_1693 : i32 to index
        %get3A_1694 = tpu.vector_load %arg11[%get3A] {strides = array<i32>} : memref<1024xi32, #tpu.memory_space<vmem>>, vector<16xi32>,
        %add3A_1695 = vector.broadcast %mul3A_1693 : i32 to vector<16xi32>
        %add3A_1696 = arith.addi %iota3A, %add3A_1695 : vector<16xi32>
        %gather3A = tpu.vector_load_idx %arg13[%add3A_1696, %broadcast_in_dim3A_3] : memref<1024x4xf32, #tpu.memory_space<vmem>>[vector<16xi32>, vector<16xi32>], vector<16xf32>,
        %gather3A_1697 = tpu.vector_load_idx %arg13[%add3A_1696, %add3A_6] : memref<1024x4xf32, #tpu.memory_space<vmem>>[vector<16xi32>, vector<16xi32>], vector<16xf32>,
        %gather3A_1698 = tpu.vector_load_idx %arg13[%add3A_1696, %add3A_9] : memref<1024x4xf32, #tpu.memory_space<vmem>>[vector<16xi32>, vector<16xi32>], vector<16xf32>,
        %gather3A_1699 = tpu.vector_load_idx %arg14[%add3A_1696, %broadcast_in_dim3A_3] : memref<1024x4xf32, #tpu.memory_space<vmem>>[vector<16xi32>, vector<16xi32>], vector<16xf32>,
        %gather3A_1700 = tpu.vector_load_idx %arg14[%add3A_1696, %add3A_6] : memref<1024x4xf32, #tpu.memory_space<vmem>>[vector<16xi32>, vector<16xi32>], vector<16xf32>,
        %gather3A_1701 = tpu.vector_load_idx %arg14[%add3A_1696, %add3A_9] : memref<1024x4xf32, #tpu.memory_space<vmem>>[vector<16xi32>, vector<16xi32>], vector<16xf32>,
        %get3A_1702 = arith.index_cast %mul3A_1693 : i32 to index
        %get3A_1703 = tpu.vector_load %arg15[%get3A_1702] {strides = array<i32>} : memref<1024xf32, #tpu.memory_space<vmem>>, vector<16xf32>,
        %get3A_1704 = arith.index_cast %mul3A_1693 : i32 to index
        %get3A_1705 = tpu.vector_load %arg16[%get3A_1704] {strides = array<i32>} : memref<1024xf32, #tpu.memory_space<vmem>>, vector<16xf32>,
        %get3A_1706 = arith.index_cast %mul3A_1693 : i32 to index
        %get3A_1707 = tpu.vector_load %arg17[%get3A_1706] {strides = array<i32>} : memref<1024xf32, #tpu.memory_space<vmem>>, vector<16xf32>,
        %mul3A_1708 = arith.mulf %get3A_1703, %get3A_1703 : vector<16xf32>
        %mul3A_1709 = arith.mulf %get3A_1705, %get3A_1705 : vector<16xf32>
        %add3A_1710 = arith.addf %mul3A_1708, %mul3A_1709 : vector<16xf32>
        %mul3A_1711 = arith.mulf %get3A_1707, %get3A_1707 : vector<16xf32>
        %add3A_1712 = arith.addf %add3A_1710, %mul3A_1711 : vector<16xf32>
        %mul3A_1713 = arith.constant 5.000000e-01 : f32
        %mul3A_1714 = vector.broadcast %mul3A_1713 : f32 to vector<16xf32>
        %mul3A_1715 = arith.mulf %mul3A_1714, %gather3A_1700 : vector<16xf32>
        %add3A_1716 = arith.addf %gather3A_1697, %mul3A_1715 : vector<16xf32>
        %mul3A_1717 = arith.constant 5.000000e-01 : f32
        %mul3A_1718 = vector.broadcast %mul3A_1717 : f32 to vector<16xf32>
        %mul3A_1719 = arith.mulf %mul3A_1718, %gather3A_1701 : vector<16xf32>
        %add3A_1720 = arith.addf %gather3A_1698, %mul3A_1719 : vector<16xf32>
        %mul3A_1721 = arith.mulf %gather3A, %gather3A_1699 : vector<16xf32>
        %abs3A = math.absf %mul3A_1721 : vector<16xf32>
        %sub3A = arith.constant 1.000000e+00 : f32
        %sub3A_1722 = vector.broadcast %sub3A : f32 to vector<16xf32>
        %sub3A_1723 = arith.subf %add3A_1716, %sub3A_1722 : vector<16xf32>
        %bitcast_convert_type3A = tpu.bitcast %add3A_1720 : vector<16xf32> -> vector<16xi32>
        %shift_right_arithmetic3A = arith.constant 23 : i32
        %shift_right_arithmetic3A_1724 = vector.broadcast %shift_right_arithmetic3A : i32 to vector<16xi32>
        %shift_right_arithmetic3A_1725 = arith.shrsi %bitcast_convert_type3A, %shift_right_arithmetic3A_1724 : vector<16xi32>
        %sub3A_1726 = arith.constant 127 : i32
        %sub3A_1727 = vector.broadcast %sub3A_1726 : i32 to vector<16xi32>
        %sub3A_1728 = arith.subi %shift_right_arithmetic3A_1725, %sub3A_1727 : vector<16xi32>
        %and3A = arith.constant 8388607 : i32
        %and3A_1729 = vector.broadcast %and3A : i32 to vector<16xi32>
        %and3A_1730 = arith.andi %bitcast_convert_type3A, %and3A_1729 : vector<16xi32>
        %or3A = arith.constant 1065353216 : i32
        %or3A_1731 = vector.broadcast %or3A : i32 to vector<16xi32>
        %or3A_1732 = arith.ori %and3A_1730, %or3A_1731 : vector<16xi32>
        %bitcast_convert_type3A_1733 = tpu.bitcast %or3A_1732 : vector<16xi32> -> vector<16xf32>
        %gt3A = arith.constant 1.41421354 : f32
        %gt3A_1734 = vector.broadcast %gt3A : f32 to vector<16xf32>
        %gt3A_1735 = arith.cmpf ogt, %bitcast_convert_type3A_1733, %gt3A_1734 : vector<16xf32>
        %mul3A_1736 = arith.constant 5.000000e-01 : f32
        %mul3A_1737 = vector.broadcast %mul3A_1736 : f32 to vector<16xf32>
        %mul3A_1738 = arith.mulf %bitcast_convert_type3A_1733, %mul3A_1737 : vector<16xf32>
        %select_n3A = arith.select %gt3A_1735, %mul3A_1738, %bitcast_convert_type3A_1733 : vector<16xi1>, vector<16xf32>
        %convert_element_type3A_1739 = arith.sitofp %sub3A_1728 : vector<16xi32> to vector<16xf32>
        %jit3A = arith.constant 1.000000e+00 : f32
        %jit3A_1740 = arith.constant 0.000000e+00 : f32
        %broadcast_in_dim3A_1741 = vector.broadcast %jit3A : f32 to vector<16xf32>
        %broadcast_in_dim3A_1742 = vector.broadcast %jit3A_1740 : f32 to vector<16xf32>
        %select_n3A_1743 = arith.select %gt3A_1735, %broadcast_in_dim3A_1741, %broadcast_in_dim3A_1742 : vector<16xi1>, vector<16xf32>
        %add3A_1744 = arith.addf %convert_element_type3A_1739, %select_n3A_1743 : vector<16xf32>
        %sub3A_1745 = arith.constant 1.000000e+00 : f32
        %sub3A_1746 = vector.broadcast %sub3A_1745 : f32 to vector<16xf32>
        %sub3A_1747 = arith.subf %select_n3A, %sub3A_1746 : vector<16xf32>
        %add3A_1748 = arith.constant 1.000000e+00 : f32
        %add3A_1749 = vector.broadcast %add3A_1748 : f32 to vector<16xf32>
        %add3A_1750 = arith.addf %select_n3A, %add3A_1749 : vector<16xf32>
        %div3A = arith.divf %sub3A_1747, %add3A_1750 : vector<16xf32>
        %mul3A_1751 = arith.mulf %div3A, %div3A : vector<16xf32>
        %mul3A_1752 = arith.constant 0.285714298 : f32
        %mul3A_1753 = vector.broadcast %mul3A_1752 : f32 to vector<16xf32>
        %mul3A_1754 = arith.mulf %mul3A_1751, %mul3A_1753 : vector<16xf32>
        %add3A_1755 = arith.constant 4.000000e-01 : f32
        %add3A_1756 = vector.broadcast %add3A_1755 : f32 to vector<16xf32>
        %add3A_1757 = arith.addf %add3A_1756, %mul3A_1754 : vector<16xf32>
        %mul3A_1758 = arith.mulf %mul3A_1751, %add3A_1757 : vector<16xf32>
        %add3A_1759 = arith.constant 0.666666686 : f32
        %add3A_1760 = vector.broadcast %add3A_1759 : f32 to vector<16xf32>
        %add3A_1761 = arith.addf %add3A_1760, %mul3A_1758 : vector<16xf32>
        %mul3A_1762 = arith.mulf %mul3A_1751, %add3A_1761 : vector<16xf32>
        %add3A_1763 = arith.constant 2.000000e+00 : f32
        %add3A_1764 = vector.broadcast %add3A_1763 : f32 to vector<16xf32>
        %add3A_1765 = arith.addf %add3A_1764, %mul3A_1762 : vector<16xf32>
        %mul3A_1766 = arith.constant 0.693147182 : f32
        %mul3A_1767 = vector.broadcast %mul3A_1766 : f32 to vector<16xf32>
        %mul3A_1768 = arith.mulf %add3A_1744, %mul3A_1767 : vector<16xf32>
        %mul3A_1769 = arith.mulf %div3A, %add3A_1765 : vector<16xf32>
        %add3A_1770 = arith.addf %mul3A_1768, %mul3A_1769 : vector<16xf32>
        %mul3A_1771 = arith.mulf %sub3A_1723, %add3A_1770 : vector<16xf32>
        %exp3A = math.exp %mul3A_1771 : vector<16xf32>
        %mul3A_1772 = arith.mulf %abs3A, %exp3A : vector<16xf32>
        %div3A_1773 = arith.divf %mul3A_1772, %add3A_1716 : vector<16xf32>
        %bitcast_convert_type3A_1774 = tpu.bitcast %add3A_1712 : vector<16xf32> -> vector<16xi32>
        %shift_right_arithmetic3A_1775 = arith.constant 23 : i32
        %shift_right_arithmetic3A_1776 = vector.broadcast %shift_right_arithmetic3A_1775 : i32 to vector<16xi32>
        %shift_right_arithmetic3A_1777 = arith.shrsi %bitcast_convert_type3A_1774, %shift_right_arithmetic3A_1776 : vector<16xi32>
        %sub3A_1778 = arith.constant 127 : i32
        %sub3A_1779 = vector.broadcast %sub3A_1778 : i32 to vector<16xi32>
        %sub3A_1780 = arith.subi %shift_right_arithmetic3A_1777, %sub3A_1779 : vector<16xi32>
        %and3A_1781 = arith.constant 8388607 : i32
        %and3A_1782 = vector.broadcast %and3A_1781 : i32 to vector<16xi32>
        %and3A_1783 = arith.andi %bitcast_convert_type3A_1774, %and3A_1782 : vector<16xi32>
        %or3A_1784 = arith.constant 1065353216 : i32
        %or3A_1785 = vector.broadcast %or3A_1784 : i32 to vector<16xi32>
        %or3A_1786 = arith.ori %and3A_1783, %or3A_1785 : vector<16xi32>
        %bitcast_convert_type3A_1787 = tpu.bitcast %or3A_1786 : vector<16xi32> -> vector<16xf32>
        %gt3A_1788 = arith.constant 1.41421354 : f32
        %gt3A_1789 = vector.broadcast %gt3A_1788 : f32 to vector<16xf32>
        %gt3A_1790 = arith.cmpf ogt, %bitcast_convert_type3A_1787, %gt3A_1789 : vector<16xf32>
        %mul3A_1791 = arith.constant 5.000000e-01 : f32
        %mul3A_1792 = vector.broadcast %mul3A_1791 : f32 to vector<16xf32>
        %mul3A_1793 = arith.mulf %bitcast_convert_type3A_1787, %mul3A_1792 : vector<16xf32>
        %select_n3A_1794 = arith.select %gt3A_1790, %mul3A_1793, %bitcast_convert_type3A_1787 : vector<16xi1>, vector<16xf32>
        %convert_element_type3A_1795 = arith.sitofp %sub3A_1780 : vector<16xi32> to vector<16xf32>
        %jit3A_1796 = arith.constant 1.000000e+00 : f32
        %jit3A_1797 = arith.constant 0.000000e+00 : f32
        %broadcast_in_dim3A_1798 = vector.broadcast %jit3A_1796 : f32 to vector<16xf32>
        %broadcast_in_dim3A_1799 = vector.broadcast %jit3A_1797 : f32 to vector<16xf32>
        %select_n3A_1800 = arith.select %gt3A_1790, %broadcast_in_dim3A_1798, %broadcast_in_dim3A_1799 : vector<16xi1>, vector<16xf32>
        %add3A_1801 = arith.addf %convert_element_type3A_1795, %select_n3A_1800 : vector<16xf32>
        %sub3A_1802 = arith.constant 1.000000e+00 : f32
        %sub3A_1803 = vector.broadcast %sub3A_1802 : f32 to vector<16xf32>
        %sub3A_1804 = arith.subf %select_n3A_1794, %sub3A_1803 : vector<16xf32>
        %add3A_1805 = arith.constant 1.000000e+00 : f32
        %add3A_1806 = vector.broadcast %add3A_1805 : f32 to vector<16xf32>
        %add3A_1807 = arith.addf %select_n3A_1794, %add3A_1806 : vector<16xf32>
        %div3A_1808 = arith.divf %sub3A_1804, %add3A_1807 : vector<16xf32>
        %mul3A_1809 = arith.mulf %div3A_1808, %div3A_1808 : vector<16xf32>
        %mul3A_1810 = arith.constant 0.285714298 : f32
        %mul3A_1811 = vector.broadcast %mul3A_1810 : f32 to vector<16xf32>
        %mul3A_1812 = arith.mulf %mul3A_1809, %mul3A_1811 : vector<16xf32>
        %add3A_1813 = arith.constant 4.000000e-01 : f32
        %add3A_1814 = vector.broadcast %add3A_1813 : f32 to vector<16xf32>
        %add3A_1815 = arith.addf %add3A_1814, %mul3A_1812 : vector<16xf32>
        %mul3A_1816 = arith.mulf %mul3A_1809, %add3A_1815 : vector<16xf32>
        %add3A_1817 = arith.constant 0.666666686 : f32
        %add3A_1818 = vector.broadcast %add3A_1817 : f32 to vector<16xf32>
        %add3A_1819 = arith.addf %add3A_1818, %mul3A_1816 : vector<16xf32>
        %mul3A_1820 = arith.mulf %mul3A_1809, %add3A_1819 : vector<16xf32>
        %add3A_1821 = arith.constant 2.000000e+00 : f32
        %add3A_1822 = vector.broadcast %add3A_1821 : f32 to vector<16xf32>
        %add3A_1823 = arith.addf %add3A_1822, %mul3A_1820 : vector<16xf32>
        %mul3A_1824 = arith.constant 0.693147182 : f32
        %mul3A_1825 = vector.broadcast %mul3A_1824 : f32 to vector<16xf32>
        %mul3A_1826 = arith.mulf %add3A_1801, %mul3A_1825 : vector<16xf32>
        %mul3A_1827 = arith.mulf %div3A_1808, %add3A_1823 : vector<16xf32>
        %add3A_1828 = arith.addf %mul3A_1826, %mul3A_1827 : vector<16xf32>
        %mul3A_1829 = arith.constant 5.000000e-01 : f32
        %mul3A_1830 = vector.broadcast %mul3A_1829 : f32 to vector<16xf32>
        %mul3A_1831 = arith.mulf %mul3A_1830, %add3A_1828 : vector<16xf32>
        %neg3A = arith.constant 0.000000e+00 : f32
        %neg3A_1832 = vector.broadcast %neg3A : f32 to vector<16xf32>
        %neg3A_1833 = arith.subf %neg3A_1832, %add3A_1716 : vector<16xf32>
        %mul3A_1834 = arith.mulf %neg3A_1833, %mul3A_1831 : vector<16xf32>
        %exp3A_1835 = math.exp %mul3A_1834 : vector<16xf32>
        %neg3A_1836 = arith.constant 0.000000e+00 : f32
        %neg3A_1837 = vector.broadcast %neg3A_1836 : f32 to vector<16xf32>
        %neg3A_1838 = arith.subf %neg3A_1837, %add3A_1716 : vector<16xf32>
        %mul3A_1839 = arith.constant 1.60943794 : f32
        %mul3A_1840 = vector.broadcast %mul3A_1839 : f32 to vector<16xf32>
        %mul3A_1841 = arith.mulf %neg3A_1838, %mul3A_1840 : vector<16xf32>
        %exp3A_1842 = math.exp %mul3A_1841 : vector<16xf32>
        %sub3A_1843 = arith.subf %exp3A_1835, %exp3A_1842 : vector<16xf32>
        %mul3A_1844 = arith.mulf %div3A_1773, %sub3A_1843 : vector<16xf32>
        %le3A = arith.constant 2.500000e+01 : f32
        %le3A_1845 = vector.broadcast %le3A : f32 to vector<16xf32>
        %le3A_1846 = arith.cmpf ole, %add3A_1712, %le3A_1845 : vector<16xf32>
        %jit3A_1847 = arith.constant 0.000000e+00 : f32
        %broadcast_in_dim3A_1848 = vector.broadcast %jit3A_1847 : f32 to vector<16xf32>
        %select_n3A_1849 = arith.select %le3A_1846, %mul3A_1844, %broadcast_in_dim3A_1848 : vector<16xi1>, vector<16xf32>
        tpu.vector_store_idx %arg25[%get3A_1694], %select_n3A_1849 {add = true} : memref<50176xf32, #tpu.memory_space<vmem>>[vector<16xi32>], vector<16xf32>,
        %scan3A_1850 = arith.constant 0 : i32
        scf.yield %scan3A_1850 : i32
      }
      %scan3A_1315 = arith.constant 64 : i32
      %add3A_1316 = arith.constant 2 : i32
      %add3A_1317 = arith.addi %add3A_1014, %add3A_1316 : i32
      %mul3A_1318 = arith.constant 1024 : i32
      %mul3A_1319 = arith.muli %add3A_1317, %mul3A_1318 : i32
      %add3A_1320 = arith.addi %mul3A_24, %mul3A_1319 : i32
      %dma_start3A_1321 = arith.constant 0 : i32
      %dma_start3A_1322 = tpu.memref_slice %arg11[%dma_start3A_1321] : memref<1024xi32, #tpu.memory_space<vmem>> -> memref<1024xi32, #tpu.memory_space<vmem>>
      %dma_start3A_1323 = tpu.memref_slice %arg3[%add3A_1320] : memref<1600000xi32, #tpu.memory_space<hbm>> -> memref<1024xi32, #tpu.memory_space<hbm>>
      %dma_start3A_1324 = arith.constant 0 : i32
      %dma_start3A_1325 = tpu.memref_slice %arg11[%dma_start3A_1324] : memref<1024xi32, #tpu.memory_space<vmem>> -> memref<1024xi32, #tpu.memory_space<vmem>>
      %dma_start3A_1326 = tpu.memref_slice %arg3[%add3A_1320] : memref<1600000xi32, #tpu.memory_space<hbm>> -> memref<1024xi32, #tpu.memory_space<hbm>>
      tpu.enqueue_dma source(%dma_start3A_1326 : memref<1024xi32, #tpu.memory_space<hbm>>) target(%dma_start3A_1325 : memref<1024xi32, #tpu.memory_space<vmem>>) target_semaphore(%arg33 : memref<!tpu.dma_semaphore, #tpu.memory_space<semaphore_mem>>)
      %dma_start3A_1327 = arith.constant 0 : i32
      %dma_start3A_1328 = tpu.memref_slice %arg12[%dma_start3A_1327] : memref<1024xi32, #tpu.memory_space<vmem>> -> memref<1024xi32, #tpu.memory_space<vmem>>
      %dma_start3A_1329 = tpu.memref_slice %arg4[%add3A_1320] : memref<1600000xi32, #tpu.memory_space<hbm>> -> memref<1024xi32, #tpu.memory_space<hbm>>
      %dma_start3A_1330 = arith.constant 0 : i32
      %dma_start3A_1331 = tpu.memref_slice %arg12[%dma_start3A_1330] : memref<1024xi32, #tpu.memory_space<vmem>> -> memref<1024xi32, #tpu.memory_space<vmem>>
      %dma_start3A_1332 = tpu.memref_slice %arg4[%add3A_1320] : memref<1600000xi32, #tpu.memory_space<hbm>> -> memref<1024xi32, #tpu.memory_space<hbm>>
      tpu.enqueue_dma source(%dma_start3A_1332 : memref<1024xi32, #tpu.memory_space<hbm>>) target(%dma_start3A_1331 : memref<1024xi32, #tpu.memory_space<vmem>>) target_semaphore(%arg33 : memref<!tpu.dma_semaphore, #tpu.memory_space<semaphore_mem>>)
      %dma_start3A_1333 = arith.constant 0 : i32
      %dma_start3A_1334 = tpu.memref_slice %arg15[%dma_start3A_1333] : memref<1024xf32, #tpu.memory_space<vmem>> -> memref<1024xf32, #tpu.memory_space<vmem>>
      %dma_start3A_1335 = tpu.memref_slice %arg5[%add3A_1320] : memref<1600000xf32, #tpu.memory_space<hbm>> -> memref<1024xf32, #tpu.memory_space<hbm>>
      %dma_start3A_1336 = arith.constant 0 : i32
      %dma_start3A_1337 = tpu.memref_slice %arg15[%dma_start3A_1336] : memref<1024xf32, #tpu.memory_space<vmem>> -> memref<1024xf32, #tpu.memory_space<vmem>>
      %dma_start3A_1338 = tpu.memref_slice %arg5[%add3A_1320] : memref<1600000xf32, #tpu.memory_space<hbm>> -> memref<1024xf32, #tpu.memory_space<hbm>>
      tpu.enqueue_dma source(%dma_start3A_1338 : memref<1024xf32, #tpu.memory_space<hbm>>) target(%dma_start3A_1337 : memref<1024xf32, #tpu.memory_space<vmem>>) target_semaphore(%arg35 : memref<!tpu.dma_semaphore, #tpu.memory_space<semaphore_mem>>)
      %dma_start3A_1339 = arith.constant 0 : i32
      %dma_start3A_1340 = tpu.memref_slice %arg16[%dma_start3A_1339] : memref<1024xf32, #tpu.memory_space<vmem>> -> memref<1024xf32, #tpu.memory_space<vmem>>
      %dma_start3A_1341 = tpu.memref_slice %arg6[%add3A_1320] : memref<1600000xf32, #tpu.memory_space<hbm>> -> memref<1024xf32, #tpu.memory_space<hbm>>
      %dma_start3A_1342 = arith.constant 0 : i32
      %dma_start3A_1343 = tpu.memref_slice %arg16[%dma_start3A_1342] : memref<1024xf32, #tpu.memory_space<vmem>> -> memref<1024xf32, #tpu.memory_space<vmem>>
      %dma_start3A_1344 = tpu.memref_slice %arg6[%add3A_1320] : memref<1600000xf32, #tpu.memory_space<hbm>> -> memref<1024xf32, #tpu.memory_space<hbm>>
      tpu.enqueue_dma source(%dma_start3A_1344 : memref<1024xf32, #tpu.memory_space<hbm>>) target(%dma_start3A_1343 : memref<1024xf32, #tpu.memory_space<vmem>>) target_semaphore(%arg35 : memref<!tpu.dma_semaphore, #tpu.memory_space<semaphore_mem>>)
      %dma_start3A_1345 = arith.constant 0 : i32
      %dma_start3A_1346 = tpu.memref_slice %arg17[%dma_start3A_1345] : memref<1024xf32, #tpu.memory_space<vmem>> -> memref<1024xf32, #tpu.memory_space<vmem>>
      %dma_start3A_1347 = tpu.memref_slice %arg7[%add3A_1320] : memref<1600000xf32, #tpu.memory_space<hbm>> -> memref<1024xf32, #tpu.memory_space<hbm>>
      %dma_start3A_1348 = arith.constant 0 : i32
      %dma_start3A_1349 = tpu.memref_slice %arg17[%dma_start3A_1348] : memref<1024xf32, #tpu.memory_space<vmem>> -> memref<1024xf32, #tpu.memory_space<vmem>>
      %dma_start3A_1350 = tpu.memref_slice %arg7[%add3A_1320] : memref<1600000xf32, #tpu.memory_space<hbm>> -> memref<1024xf32, #tpu.memory_space<hbm>>
      tpu.enqueue_dma source(%dma_start3A_1350 : memref<1024xf32, #tpu.memory_space<hbm>>) target(%dma_start3A_1349 : memref<1024xf32, #tpu.memory_space<vmem>>) target_semaphore(%arg35 : memref<!tpu.dma_semaphore, #tpu.memory_space<semaphore_mem>>)
      %add3A_1351 = arith.constant 1 : i32
      %add3A_1352 = arith.addi %mul3A_1012, %add3A_1351 : i32
      %add3A_1353 = arith.constant 1 : i32
      %add3A_1354 = arith.addi %add3A_1352, %add3A_1353 : i32
      %mul3A_1355 = arith.constant 1024 : i32
      %mul3A_1356 = arith.muli %add3A_1354, %mul3A_1355 : i32
      %add3A_1357 = arith.addi %mul3A_24, %mul3A_1356 : i32
      %dma_wait3A_1358 = arith.constant 0 : i32
      %dma_wait3A_1359 = tpu.memref_slice %arg11[%dma_wait3A_1358] : memref<1024xi32, #tpu.memory_space<vmem>> -> memref<1024xi32, #tpu.memory_space<vmem>>
      %dma_wait3A_1360 = tpu.memref_slice %arg3[%add3A_1357] : memref<1600000xi32, #tpu.memory_space<hbm>> -> memref<1024xi32, #tpu.memory_space<hbm>>
      %dma_wait3A_1361 = arith.constant 0 : i32
      %dma_wait3A_1362 = tpu.memref_slice %arg11[%dma_wait3A_1361] : memref<1024xi32, #tpu.memory_space<vmem>> -> memref<1024xi32, #tpu.memory_space<vmem>>
      %dma_wait3A_1363 = tpu.memref_slice %arg3[%add3A_1357] : memref<1600000xi32, #tpu.memory_space<hbm>> -> memref<1024xi32, #tpu.memory_space<hbm>>
      tpu.wait_dma2 semaphore(%arg33 : memref<!tpu.dma_semaphore, #tpu.memory_space<semaphore_mem>>) src(%dma_wait3A_1363 : memref<1024xi32, #tpu.memory_space<hbm>>) dst(%dma_wait3A_1362 : memref<1024xi32, #tpu.memory_space<vmem>>)
      %dma_wait3A_1364 = arith.constant 0 : i32
      %dma_wait3A_1365 = tpu.memref_slice %arg12[%dma_wait3A_1364] : memref<1024xi32, #tpu.memory_space<vmem>> -> memref<1024xi32, #tpu.memory_space<vmem>>
      %dma_wait3A_1366 = tpu.memref_slice %arg4[%add3A_1357] : memref<1600000xi32, #tpu.memory_space<hbm>> -> memref<1024xi32, #tpu.memory_space<hbm>>
      %dma_wait3A_1367 = arith.constant 0 : i32
      %dma_wait3A_1368 = tpu.memref_slice %arg12[%dma_wait3A_1367] : memref<1024xi32, #tpu.memory_space<vmem>> -> memref<1024xi32, #tpu.memory_space<vmem>>
      %dma_wait3A_1369 = tpu.memref_slice %arg4[%add3A_1357] : memref<1600000xi32, #tpu.memory_space<hbm>> -> memref<1024xi32, #tpu.memory_space<hbm>>
      tpu.wait_dma2 semaphore(%arg33 : memref<!tpu.dma_semaphore, #tpu.memory_space<semaphore_mem>>) src(%dma_wait3A_1369 : memref<1024xi32, #tpu.memory_space<hbm>>) dst(%dma_wait3A_1368 : memref<1024xi32, #tpu.memory_space<vmem>>)
      %dma_start3A_1370 = arith.constant 0 : i32
      %dma_start3A_1371 = arith.constant 0 : i32
      %dma_start3A_1372 = tpu.memref_slice %arg13[%dma_start3A_1370, %dma_start3A_1371] : memref<1024x4xf32, #tpu.memory_space<vmem>> -> memref<128x4xf32, #tpu.memory_space<vmem>>
      %dma_start3A_1373 = arith.constant 0 : i32
      %dma_start3A_1374 = tpu.memref_slice %arg11[%dma_start3A_1373] : memref<1024xi32, #tpu.memory_space<vmem>> -> memref<128xi32, #tpu.memory_space<vmem>>
      %dma_start3A_1375 = arith.constant 0 : i32
      %dma_start3A_1376 = arith.constant 0 : i32
      %dma_start3A_1377 = tpu.memref_slice %arg2[%dma_start3A_1375, %dma_start3A_1376] : memref<50000x4xf32, #tpu.memory_space<hbm>> -> memref<50000x4xf32, #tpu.memory_space<hbm>>
      tpu.enqueue_indirect_dma source(%dma_start3A_1377 : memref<50000x4xf32, #tpu.memory_space<hbm>>) target(%dma_start3A_1372 : memref<128x4xf32, #tpu.memory_space<vmem>>) offsets(%dma_start3A_1374 : memref<128xi32, #tpu.memory_space<vmem>>) semaphore(%arg37 : memref<!tpu.dma_semaphore, #tpu.memory_space<semaphore_mem>>)
      %dma_start3A_1378 = arith.constant 0 : i32
      %dma_start3A_1379 = arith.constant 0 : i32
      %dma_start3A_1380 = tpu.memref_slice %arg14[%dma_start3A_1378, %dma_start3A_1379] : memref<1024x4xf32, #tpu.memory_space<vmem>> -> memref<128x4xf32, #tpu.memory_space<vmem>>
      %dma_start3A_1381 = arith.constant 0 : i32
      %dma_start3A_1382 = tpu.memref_slice %arg12[%dma_start3A_1381] : memref<1024xi32, #tpu.memory_space<vmem>> -> memref<128xi32, #tpu.memory_space<vmem>>
      %dma_start3A_1383 = arith.constant 0 : i32
      %dma_start3A_1384 = arith.constant 0 : i32
      %dma_start3A_1385 = tpu.memref_slice %arg2[%dma_start3A_1383, %dma_start3A_1384] : memref<50000x4xf32, #tpu.memory_space<hbm>> -> memref<50000x4xf32, #tpu.memory_space<hbm>>
      tpu.enqueue_indirect_dma source(%dma_start3A_1385 : memref<50000x4xf32, #tpu.memory_space<hbm>>) target(%dma_start3A_1380 : memref<128x4xf32, #tpu.memory_space<vmem>>) offsets(%dma_start3A_1382 : memref<128xi32, #tpu.memory_space<vmem>>) semaphore(%arg37 : memref<!tpu.dma_semaphore, #tpu.memory_space<semaphore_mem>>)
      %dma_start3A_1386 = arith.constant 128 : i32
      %dma_start3A_1387 = arith.constant 0 : i32
      %dma_start3A_1388 = tpu.memref_slice %arg13[%dma_start3A_1386, %dma_start3A_1387] : memref<1024x4xf32, #tpu.memory_space<vmem>> -> memref<128x4xf32, #tpu.memory_space<vmem>>
      %dma_start3A_1389 = arith.constant 128 : i32
      %dma_start3A_1390 = tpu.memref_slice %arg11[%dma_start3A_1389] : memref<1024xi32, #tpu.memory_space<vmem>> -> memref<128xi32, #tpu.memory_space<vmem>>
      %dma_start3A_1391 = arith.constant 0 : i32
      %dma_start3A_1392 = arith.constant 0 : i32
      %dma_start3A_1393 = tpu.memref_slice %arg2[%dma_start3A_1391, %dma_start3A_1392] : memref<50000x4xf32, #tpu.memory_space<hbm>> -> memref<50000x4xf32, #tpu.memory_space<hbm>>
      tpu.enqueue_indirect_dma source(%dma_start3A_1393 : memref<50000x4xf32, #tpu.memory_space<hbm>>) target(%dma_start3A_1388 : memref<128x4xf32, #tpu.memory_space<vmem>>) offsets(%dma_start3A_1390 : memref<128xi32, #tpu.memory_space<vmem>>) semaphore(%arg37 : memref<!tpu.dma_semaphore, #tpu.memory_space<semaphore_mem>>)
      %dma_start3A_1394 = arith.constant 128 : i32
      %dma_start3A_1395 = arith.constant 0 : i32
      %dma_start3A_1396 = tpu.memref_slice %arg14[%dma_start3A_1394, %dma_start3A_1395] : memref<1024x4xf32, #tpu.memory_space<vmem>> -> memref<128x4xf32, #tpu.memory_space<vmem>>
      %dma_start3A_1397 = arith.constant 128 : i32
      %dma_start3A_1398 = tpu.memref_slice %arg12[%dma_start3A_1397] : memref<1024xi32, #tpu.memory_space<vmem>> -> memref<128xi32, #tpu.memory_space<vmem>>
      %dma_start3A_1399 = arith.constant 0 : i32
      %dma_start3A_1400 = arith.constant 0 : i32
      %dma_start3A_1401 = tpu.memref_slice %arg2[%dma_start3A_1399, %dma_start3A_1400] : memref<50000x4xf32, #tpu.memory_space<hbm>> -> memref<50000x4xf32, #tpu.memory_space<hbm>>
      tpu.enqueue_indirect_dma source(%dma_start3A_1401 : memref<50000x4xf32, #tpu.memory_space<hbm>>) target(%dma_start3A_1396 : memref<128x4xf32, #tpu.memory_space<vmem>>) offsets(%dma_start3A_1398 : memref<128xi32, #tpu.memory_space<vmem>>) semaphore(%arg37 : memref<!tpu.dma_semaphore, #tpu.memory_space<semaphore_mem>>)
      %dma_start3A_1402 = arith.constant 256 : i32
      %dma_start3A_1403 = arith.constant 0 : i32
      %dma_start3A_1404 = tpu.memref_slice %arg13[%dma_start3A_1402, %dma_start3A_1403] : memref<1024x4xf32, #tpu.memory_space<vmem>> -> memref<128x4xf32, #tpu.memory_space<vmem>>
      %dma_start3A_1405 = arith.constant 256 : i32
      %dma_start3A_1406 = tpu.memref_slice %arg11[%dma_start3A_1405] : memref<1024xi32, #tpu.memory_space<vmem>> -> memref<128xi32, #tpu.memory_space<vmem>>
      %dma_start3A_1407 = arith.constant 0 : i32
      %dma_start3A_1408 = arith.constant 0 : i32
      %dma_start3A_1409 = tpu.memref_slice %arg2[%dma_start3A_1407, %dma_start3A_1408] : memref<50000x4xf32, #tpu.memory_space<hbm>> -> memref<50000x4xf32, #tpu.memory_space<hbm>>
      tpu.enqueue_indirect_dma source(%dma_start3A_1409 : memref<50000x4xf32, #tpu.memory_space<hbm>>) target(%dma_start3A_1404 : memref<128x4xf32, #tpu.memory_space<vmem>>) offsets(%dma_start3A_1406 : memref<128xi32, #tpu.memory_space<vmem>>) semaphore(%arg37 : memref<!tpu.dma_semaphore, #tpu.memory_space<semaphore_mem>>)
      %dma_start3A_1410 = arith.constant 256 : i32
      %dma_start3A_1411 = arith.constant 0 : i32
      %dma_start3A_1412 = tpu.memref_slice %arg14[%dma_start3A_1410, %dma_start3A_1411] : memref<1024x4xf32, #tpu.memory_space<vmem>> -> memref<128x4xf32, #tpu.memory_space<vmem>>
      %dma_start3A_1413 = arith.constant 256 : i32
      %dma_start3A_1414 = tpu.memref_slice %arg12[%dma_start3A_1413] : memref<1024xi32, #tpu.memory_space<vmem>> -> memref<128xi32, #tpu.memory_space<vmem>>
      %dma_start3A_1415 = arith.constant 0 : i32
      %dma_start3A_1416 = arith.constant 0 : i32
      %dma_start3A_1417 = tpu.memref_slice %arg2[%dma_start3A_1415, %dma_start3A_1416] : memref<50000x4xf32, #tpu.memory_space<hbm>> -> memref<50000x4xf32, #tpu.memory_space<hbm>>
      tpu.enqueue_indirect_dma source(%dma_start3A_1417 : memref<50000x4xf32, #tpu.memory_space<hbm>>) target(%dma_start3A_1412 : memref<128x4xf32, #tpu.memory_space<vmem>>) offsets(%dma_start3A_1414 : memref<128xi32, #tpu.memory_space<vmem>>) semaphore(%arg37 : memref<!tpu.dma_semaphore, #tpu.memory_space<semaphore_mem>>)
      %dma_start3A_1418 = arith.constant 384 : i32
      %dma_start3A_1419 = arith.constant 0 : i32
      %dma_start3A_1420 = tpu.memref_slice %arg13[%dma_start3A_1418, %dma_start3A_1419] : memref<1024x4xf32, #tpu.memory_space<vmem>> -> memref<128x4xf32, #tpu.memory_space<vmem>>
      %dma_start3A_1421 = arith.constant 384 : i32
      %dma_start3A_1422 = tpu.memref_slice %arg11[%dma_start3A_1421] : memref<1024xi32, #tpu.memory_space<vmem>> -> memref<128xi32, #tpu.memory_space<vmem>>
      %dma_start3A_1423 = arith.constant 0 : i32
      %dma_start3A_1424 = arith.constant 0 : i32
      %dma_start3A_1425 = tpu.memref_slice %arg2[%dma_start3A_1423, %dma_start3A_1424] : memref<50000x4xf32, #tpu.memory_space<hbm>> -> memref<50000x4xf32, #tpu.memory_space<hbm>>
      tpu.enqueue_indirect_dma source(%dma_start3A_1425 : memref<50000x4xf32, #tpu.memory_space<hbm>>) target(%dma_start3A_1420 : memref<128x4xf32, #tpu.memory_space<vmem>>) offsets(%dma_start3A_1422 : memref<128xi32, #tpu.memory_space<vmem>>) semaphore(%arg37 : memref<!tpu.dma_semaphore, #tpu.memory_space<semaphore_mem>>)
      %dma_start3A_1426 = arith.constant 384 : i32
      %dma_start3A_1427 = arith.constant 0 : i32
      %dma_start3A_1428 = tpu.memref_slice %arg14[%dma_start3A_1426, %dma_start3A_1427] : memref<1024x4xf32, #tpu.memory_space<vmem>> -> memref<128x4xf32, #tpu.memory_space<vmem>>
      %dma_start3A_1429 = arith.constant 384 : i32
      %dma_start3A_1430 = tpu.memref_slice %arg12[%dma_start3A_1429] : memref<1024xi32, #tpu.memory_space<vmem>> -> memref<128xi32, #tpu.memory_space<vmem>>
      %dma_start3A_1431 = arith.constant 0 : i32
      %dma_start3A_1432 = arith.constant 0 : i32
      %dma_start3A_1433 = tpu.memref_slice %arg2[%dma_start3A_1431, %dma_start3A_1432] : memref<50000x4xf32, #tpu.memory_space<hbm>> -> memref<50000x4xf32, #tpu.memory_space<hbm>>
      tpu.enqueue_indirect_dma source(%dma_start3A_1433 : memref<50000x4xf32, #tpu.memory_space<hbm>>) target(%dma_start3A_1428 : memref<128x4xf32, #tpu.memory_space<vmem>>) offsets(%dma_start3A_1430 : memref<128xi32, #tpu.memory_space<vmem>>) semaphore(%arg37 : memref<!tpu.dma_semaphore, #tpu.memory_space<semaphore_mem>>)
      %dma_start3A_1434 = arith.constant 512 : i32
      %dma_start3A_1435 = arith.constant 0 : i32
      %dma_start3A_1436 = tpu.memref_slice %arg13[%dma_start3A_1434, %dma_start3A_1435] : memref<1024x4xf32, #tpu.memory_space<vmem>> -> memref<128x4xf32, #tpu.memory_space<vmem>>
      %dma_start3A_1437 = arith.constant 512 : i32
      %dma_start3A_1438 = tpu.memref_slice %arg11[%dma_start3A_1437] : memref<1024xi32, #tpu.memory_space<vmem>> -> memref<128xi32, #tpu.memory_space<vmem>>
      %dma_start3A_1439 = arith.constant 0 : i32
      %dma_start3A_1440 = arith.constant 0 : i32
      %dma_start3A_1441 = tpu.memref_slice %arg2[%dma_start3A_1439, %dma_start3A_1440] : memref<50000x4xf32, #tpu.memory_space<hbm>> -> memref<50000x4xf32, #tpu.memory_space<hbm>>
      tpu.enqueue_indirect_dma source(%dma_start3A_1441 : memref<50000x4xf32, #tpu.memory_space<hbm>>) target(%dma_start3A_1436 : memref<128x4xf32, #tpu.memory_space<vmem>>) offsets(%dma_start3A_1438 : memref<128xi32, #tpu.memory_space<vmem>>) semaphore(%arg37 : memref<!tpu.dma_semaphore, #tpu.memory_space<semaphore_mem>>)
      %dma_start3A_1442 = arith.constant 512 : i32
      %dma_start3A_1443 = arith.constant 0 : i32
      %dma_start3A_1444 = tpu.memref_slice %arg14[%dma_start3A_1442, %dma_start3A_1443] : memref<1024x4xf32, #tpu.memory_space<vmem>> -> memref<128x4xf32, #tpu.memory_space<vmem>>
      %dma_start3A_1445 = arith.constant 512 : i32
      %dma_start3A_1446 = tpu.memref_slice %arg12[%dma_start3A_1445] : memref<1024xi32, #tpu.memory_space<vmem>> -> memref<128xi32, #tpu.memory_space<vmem>>
      %dma_start3A_1447 = arith.constant 0 : i32
      %dma_start3A_1448 = arith.constant 0 : i32
      %dma_start3A_1449 = tpu.memref_slice %arg2[%dma_start3A_1447, %dma_start3A_1448] : memref<50000x4xf32, #tpu.memory_space<hbm>> -> memref<50000x4xf32, #tpu.memory_space<hbm>>
      tpu.enqueue_indirect_dma source(%dma_start3A_1449 : memref<50000x4xf32, #tpu.memory_space<hbm>>) target(%dma_start3A_1444 : memref<128x4xf32, #tpu.memory_space<vmem>>) offsets(%dma_start3A_1446 : memref<128xi32, #tpu.memory_space<vmem>>) semaphore(%arg37 : memref<!tpu.dma_semaphore, #tpu.memory_space<semaphore_mem>>)
      %dma_start3A_1450 = arith.constant 640 : i32
      %dma_start3A_1451 = arith.constant 0 : i32
      %dma_start3A_1452 = tpu.memref_slice %arg13[%dma_start3A_1450, %dma_start3A_1451] : memref<1024x4xf32, #tpu.memory_space<vmem>> -> memref<128x4xf32, #tpu.memory_space<vmem>>
      %dma_start3A_1453 = arith.constant 640 : i32
      %dma_start3A_1454 = tpu.memref_slice %arg11[%dma_start3A_1453] : memref<1024xi32, #tpu.memory_space<vmem>> -> memref<128xi32, #tpu.memory_space<vmem>>
      %dma_start3A_1455 = arith.constant 0 : i32
      %dma_start3A_1456 = arith.constant 0 : i32
      %dma_start3A_1457 = tpu.memref_slice %arg2[%dma_start3A_1455, %dma_start3A_1456] : memref<50000x4xf32, #tpu.memory_space<hbm>> -> memref<50000x4xf32, #tpu.memory_space<hbm>>
      tpu.enqueue_indirect_dma source(%dma_start3A_1457 : memref<50000x4xf32, #tpu.memory_space<hbm>>) target(%dma_start3A_1452 : memref<128x4xf32, #tpu.memory_space<vmem>>) offsets(%dma_start3A_1454 : memref<128xi32, #tpu.memory_space<vmem>>) semaphore(%arg37 : memref<!tpu.dma_semaphore, #tpu.memory_space<semaphore_mem>>)
      %dma_start3A_1458 = arith.constant 640 : i32
      %dma_start3A_1459 = arith.constant 0 : i32
      %dma_start3A_1460 = tpu.memref_slice %arg14[%dma_start3A_1458, %dma_start3A_1459] : memref<1024x4xf32, #tpu.memory_space<vmem>> -> memref<128x4xf32, #tpu.memory_space<vmem>>
      %dma_start3A_1461 = arith.constant 640 : i32
      %dma_start3A_1462 = tpu.memref_slice %arg12[%dma_start3A_1461] : memref<1024xi32, #tpu.memory_space<vmem>> -> memref<128xi32, #tpu.memory_space<vmem>>
      %dma_start3A_1463 = arith.constant 0 : i32
      %dma_start3A_1464 = arith.constant 0 : i32
      %dma_start3A_1465 = tpu.memref_slice %arg2[%dma_start3A_1463, %dma_start3A_1464] : memref<50000x4xf32, #tpu.memory_space<hbm>> -> memref<50000x4xf32, #tpu.memory_space<hbm>>
      tpu.enqueue_indirect_dma source(%dma_start3A_1465 : memref<50000x4xf32, #tpu.memory_space<hbm>>) target(%dma_start3A_1460 : memref<128x4xf32, #tpu.memory_space<vmem>>) offsets(%dma_start3A_1462 : memref<128xi32, #tpu.memory_space<vmem>>) semaphore(%arg37 : memref<!tpu.dma_semaphore, #tpu.memory_space<semaphore_mem>>)
      %dma_start3A_1466 = arith.constant 768 : i32
      %dma_start3A_1467 = arith.constant 0 : i32
      %dma_start3A_1468 = tpu.memref_slice %arg13[%dma_start3A_1466, %dma_start3A_1467] : memref<1024x4xf32, #tpu.memory_space<vmem>> -> memref<128x4xf32, #tpu.memory_space<vmem>>
      %dma_start3A_1469 = arith.constant 768 : i32
      %dma_start3A_1470 = tpu.memref_slice %arg11[%dma_start3A_1469] : memref<1024xi32, #tpu.memory_space<vmem>> -> memref<128xi32, #tpu.memory_space<vmem>>
      %dma_start3A_1471 = arith.constant 0 : i32
      %dma_start3A_1472 = arith.constant 0 : i32
      %dma_start3A_1473 = tpu.memref_slice %arg2[%dma_start3A_1471, %dma_start3A_1472] : memref<50000x4xf32, #tpu.memory_space<hbm>> -> memref<50000x4xf32, #tpu.memory_space<hbm>>
      tpu.enqueue_indirect_dma source(%dma_start3A_1473 : memref<50000x4xf32, #tpu.memory_space<hbm>>) target(%dma_start3A_1468 : memref<128x4xf32, #tpu.memory_space<vmem>>) offsets(%dma_start3A_1470 : memref<128xi32, #tpu.memory_space<vmem>>) semaphore(%arg37 : memref<!tpu.dma_semaphore, #tpu.memory_space<semaphore_mem>>)
      %dma_start3A_1474 = arith.constant 768 : i32
      %dma_start3A_1475 = arith.constant 0 : i32
      %dma_start3A_1476 = tpu.memref_slice %arg14[%dma_start3A_1474, %dma_start3A_1475] : memref<1024x4xf32, #tpu.memory_space<vmem>> -> memref<128x4xf32, #tpu.memory_space<vmem>>
      %dma_start3A_1477 = arith.constant 768 : i32
      %dma_start3A_1478 = tpu.memref_slice %arg12[%dma_start3A_1477] : memref<1024xi32, #tpu.memory_space<vmem>> -> memref<128xi32, #tpu.memory_space<vmem>>
      %dma_start3A_1479 = arith.constant 0 : i32
      %dma_start3A_1480 = arith.constant 0 : i32
      %dma_start3A_1481 = tpu.memref_slice %arg2[%dma_start3A_1479, %dma_start3A_1480] : memref<50000x4xf32, #tpu.memory_space<hbm>> -> memref<50000x4xf32, #tpu.memory_space<hbm>>
      tpu.enqueue_indirect_dma source(%dma_start3A_1481 : memref<50000x4xf32, #tpu.memory_space<hbm>>) target(%dma_start3A_1476 : memref<128x4xf32, #tpu.memory_space<vmem>>) offsets(%dma_start3A_1478 : memref<128xi32, #tpu.memory_space<vmem>>) semaphore(%arg37 : memref<!tpu.dma_semaphore, #tpu.memory_space<semaphore_mem>>)
      %dma_start3A_1482 = arith.constant 896 : i32
      %dma_start3A_1483 = arith.constant 0 : i32
      %dma_start3A_1484 = tpu.memref_slice %arg13[%dma_start3A_1482, %dma_start3A_1483] : memref<1024x4xf32, #tpu.memory_space<vmem>> -> memref<128x4xf32, #tpu.memory_space<vmem>>
      %dma_start3A_1485 = arith.constant 896 : i32
      %dma_start3A_1486 = tpu.memref_slice %arg11[%dma_start3A_1485] : memref<1024xi32, #tpu.memory_space<vmem>> -> memref<128xi32, #tpu.memory_space<vmem>>
      %dma_start3A_1487 = arith.constant 0 : i32
      %dma_start3A_1488 = arith.constant 0 : i32
      %dma_start3A_1489 = tpu.memref_slice %arg2[%dma_start3A_1487, %dma_start3A_1488] : memref<50000x4xf32, #tpu.memory_space<hbm>> -> memref<50000x4xf32, #tpu.memory_space<hbm>>
      tpu.enqueue_indirect_dma source(%dma_start3A_1489 : memref<50000x4xf32, #tpu.memory_space<hbm>>) target(%dma_start3A_1484 : memref<128x4xf32, #tpu.memory_space<vmem>>) offsets(%dma_start3A_1486 : memref<128xi32, #tpu.memory_space<vmem>>) semaphore(%arg37 : memref<!tpu.dma_semaphore, #tpu.memory_space<semaphore_mem>>)
      %dma_start3A_1490 = arith.constant 896 : i32
      %dma_start3A_1491 = arith.constant 0 : i32
      %dma_start3A_1492 = tpu.memref_slice %arg14[%dma_start3A_1490, %dma_start3A_1491] : memref<1024x4xf32, #tpu.memory_space<vmem>> -> memref<128x4xf32, #tpu.memory_space<vmem>>
      %dma_start3A_1493 = arith.constant 896 : i32
      %dma_start3A_1494 = tpu.memref_slice %arg12[%dma_start3A_1493] : memref<1024xi32, #tpu.memory_space<vmem>> -> memref<128xi32, #tpu.memory_space<vmem>>
      %dma_start3A_1495 = arith.constant 0 : i32
      %dma_start3A_1496 = arith.constant 0 : i32
      %dma_start3A_1497 = tpu.memref_slice %arg2[%dma_start3A_1495, %dma_start3A_1496] : memref<50000x4xf32, #tpu.memory_space<hbm>> -> memref<50000x4xf32, #tpu.memory_space<hbm>>
      tpu.enqueue_indirect_dma source(%dma_start3A_1497 : memref<50000x4xf32, #tpu.memory_space<hbm>>) target(%dma_start3A_1492 : memref<128x4xf32, #tpu.memory_space<vmem>>) offsets(%dma_start3A_1494 : memref<128xi32, #tpu.memory_space<vmem>>) semaphore(%arg37 : memref<!tpu.dma_semaphore, #tpu.memory_space<semaphore_mem>>)
      %mul3A_1498 = arith.constant 1024 : i32
      %mul3A_1499 = arith.muli %add3A_1352, %mul3A_1498 : i32
      %add3A_1500 = arith.addi %mul3A_24, %mul3A_1499 : i32
      %dma_wait3A_1501 = arith.constant 0 : i32
      %dma_wait3A_1502 = tpu.memref_slice %arg22[%dma_wait3A_1501] : memref<1024xf32, #tpu.memory_space<vmem>> -> memref<1024xf32, #tpu.memory_space<vmem>>
      %dma_wait3A_1503 = tpu.memref_slice %arg5[%add3A_1500] : memref<1600000xf32, #tpu.memory_space<hbm>> -> memref<1024xf32, #tpu.memory_space<hbm>>
      %dma_wait3A_1504 = arith.constant 0 : i32
      %dma_wait3A_1505 = tpu.memref_slice %arg22[%dma_wait3A_1504] : memref<1024xf32, #tpu.memory_space<vmem>> -> memref<1024xf32, #tpu.memory_space<vmem>>
      %dma_wait3A_1506 = tpu.memref_slice %arg5[%add3A_1500] : memref<1600000xf32, #tpu.memory_space<hbm>> -> memref<1024xf32, #tpu.memory_space<hbm>>
      tpu.wait_dma2 semaphore(%arg36 : memref<!tpu.dma_semaphore, #tpu.memory_space<semaphore_mem>>) src(%dma_wait3A_1506 : memref<1024xf32, #tpu.memory_space<hbm>>) dst(%dma_wait3A_1505 : memref<1024xf32, #tpu.memory_space<vmem>>)
      %dma_wait3A_1507 = arith.constant 0 : i32
      %dma_wait3A_1508 = tpu.memref_slice %arg23[%dma_wait3A_1507] : memref<1024xf32, #tpu.memory_space<vmem>> -> memref<1024xf32, #tpu.memory_space<vmem>>
      %dma_wait3A_1509 = tpu.memref_slice %arg6[%add3A_1500] : memref<1600000xf32, #tpu.memory_space<hbm>> -> memref<1024xf32, #tpu.memory_space<hbm>>
      %dma_wait3A_1510 = arith.constant 0 : i32
      %dma_wait3A_1511 = tpu.memref_slice %arg23[%dma_wait3A_1510] : memref<1024xf32, #tpu.memory_space<vmem>> -> memref<1024xf32, #tpu.memory_space<vmem>>
      %dma_wait3A_1512 = tpu.memref_slice %arg6[%add3A_1500] : memref<1600000xf32, #tpu.memory_space<hbm>> -> memref<1024xf32, #tpu.memory_space<hbm>>
      tpu.wait_dma2 semaphore(%arg36 : memref<!tpu.dma_semaphore, #tpu.memory_space<semaphore_mem>>) src(%dma_wait3A_1512 : memref<1024xf32, #tpu.memory_space<hbm>>) dst(%dma_wait3A_1511 : memref<1024xf32, #tpu.memory_space<vmem>>)
      %dma_wait3A_1513 = arith.constant 0 : i32
      %dma_wait3A_1514 = tpu.memref_slice %arg24[%dma_wait3A_1513] : memref<1024xf32, #tpu.memory_space<vmem>> -> memref<1024xf32, #tpu.memory_space<vmem>>
      %dma_wait3A_1515 = tpu.memref_slice %arg7[%add3A_1500] : memref<1600000xf32, #tpu.memory_space<hbm>> -> memref<1024xf32, #tpu.memory_space<hbm>>
      %dma_wait3A_1516 = arith.constant 0 : i32
      %dma_wait3A_1517 = tpu.memref_slice %arg24[%dma_wait3A_1516] : memref<1024xf32, #tpu.memory_space<vmem>> -> memref<1024xf32, #tpu.memory_space<vmem>>
      %dma_wait3A_1518 = tpu.memref_slice %arg7[%add3A_1500] : memref<1600000xf32, #tpu.memory_space<hbm>> -> memref<1024xf32, #tpu.memory_space<hbm>>
      tpu.wait_dma2 semaphore(%arg36 : memref<!tpu.dma_semaphore, #tpu.memory_space<semaphore_mem>>) src(%dma_wait3A_1518 : memref<1024xf32, #tpu.memory_space<hbm>>) dst(%dma_wait3A_1517 : memref<1024xf32, #tpu.memory_space<vmem>>)
      %dma_wait3A_1519 = arith.constant 0 : i32
      %dma_wait3A_1520 = arith.constant 0 : i32
      %dma_wait3A_1521 = tpu.memref_slice %arg20[%dma_wait3A_1519, %dma_wait3A_1520] : memref<1024x4xf32, #tpu.memory_space<vmem>> -> memref<128x4xf32, #tpu.memory_space<vmem>>
      %dma_wait3A_1522 = arith.constant 0 : i32
      %dma_wait3A_1523 = tpu.memref_slice %arg18[%dma_wait3A_1522] : memref<1024xi32, #tpu.memory_space<vmem>> -> memref<128xi32, #tpu.memory_space<vmem>>
      %dma_wait3A_1524 = arith.constant 0 : i32
      %dma_wait3A_1525 = arith.constant 0 : i32
      %dma_wait3A_1526 = tpu.memref_slice %arg2[%dma_wait3A_1524, %dma_wait3A_1525] : memref<50000x4xf32, #tpu.memory_space<hbm>> -> memref<50000x4xf32, #tpu.memory_space<hbm>>
      tpu.wait_indirect_dma semaphore(%arg38 : memref<!tpu.dma_semaphore, #tpu.memory_space<semaphore_mem>>) src(%dma_wait3A_1526 : memref<50000x4xf32, #tpu.memory_space<hbm>>) dst(%dma_wait3A_1521 : memref<128x4xf32, #tpu.memory_space<vmem>>)
      %dma_wait3A_1527 = arith.constant 0 : i32
      %dma_wait3A_1528 = arith.constant 0 : i32
      %dma_wait3A_1529 = tpu.memref_slice %arg21[%dma_wait3A_1527, %dma_wait3A_1528] : memref<1024x4xf32, #tpu.memory_space<vmem>> -> memref<128x4xf32, #tpu.memory_space<vmem>>
      %dma_wait3A_1530 = arith.constant 0 : i32
      %dma_wait3A_1531 = tpu.memref_slice %arg19[%dma_wait3A_1530] : memref<1024xi32, #tpu.memory_space<vmem>> -> memref<128xi32, #tpu.memory_space<vmem>>
      %dma_wait3A_1532 = arith.constant 0 : i32
      %dma_wait3A_1533 = arith.constant 0 : i32
      %dma_wait3A_1534 = tpu.memref_slice %arg2[%dma_wait3A_1532, %dma_wait3A_1533] : memref<50000x4xf32, #tpu.memory_space<hbm>> -> memref<50000x4xf32, #tpu.memory_space<hbm>>
      tpu.wait_indirect_dma semaphore(%arg38 : memref<!tpu.dma_semaphore, #tpu.memory_space<semaphore_mem>>) src(%dma_wait3A_1534 : memref<50000x4xf32, #tpu.memory_space<hbm>>) dst(%dma_wait3A_1529 : memref<128x4xf32, #tpu.memory_space<vmem>>)
      %dma_wait3A_1535 = arith.constant 128 : i32
      %dma_wait3A_1536 = arith.constant 0 : i32
      %dma_wait3A_1537 = tpu.memref_slice %arg20[%dma_wait3A_1535, %dma_wait3A_1536] : memref<1024x4xf32, #tpu.memory_space<vmem>> -> memref<128x4xf32, #tpu.memory_space<vmem>>
      %dma_wait3A_1538 = arith.constant 128 : i32
      %dma_wait3A_1539 = tpu.memref_slice %arg18[%dma_wait3A_1538] : memref<1024xi32, #tpu.memory_space<vmem>> -> memref<128xi32, #tpu.memory_space<vmem>>
      %dma_wait3A_1540 = arith.constant 0 : i32
      %dma_wait3A_1541 = arith.constant 0 : i32
      %dma_wait3A_1542 = tpu.memref_slice %arg2[%dma_wait3A_1540, %dma_wait3A_1541] : memref<50000x4xf32, #tpu.memory_space<hbm>> -> memref<50000x4xf32, #tpu.memory_space<hbm>>
      tpu.wait_indirect_dma semaphore(%arg38 : memref<!tpu.dma_semaphore, #tpu.memory_space<semaphore_mem>>) src(%dma_wait3A_1542 : memref<50000x4xf32, #tpu.memory_space<hbm>>) dst(%dma_wait3A_1537 : memref<128x4xf32, #tpu.memory_space<vmem>>)
      %dma_wait3A_1543 = arith.constant 128 : i32
      %dma_wait3A_1544 = arith.constant 0 : i32
      %dma_wait3A_1545 = tpu.memref_slice %arg21[%dma_wait3A_1543, %dma_wait3A_1544] : memref<1024x4xf32, #tpu.memory_space<vmem>> -> memref<128x4xf32, #tpu.memory_space<vmem>>
      %dma_wait3A_1546 = arith.constant 128 : i32
      %dma_wait3A_1547 = tpu.memref_slice %arg19[%dma_wait3A_1546] : memref<1024xi32, #tpu.memory_space<vmem>> -> memref<128xi32, #tpu.memory_space<vmem>>
      %dma_wait3A_1548 = arith.constant 0 : i32
      %dma_wait3A_1549 = arith.constant 0 : i32
      %dma_wait3A_1550 = tpu.memref_slice %arg2[%dma_wait3A_1548, %dma_wait3A_1549] : memref<50000x4xf32, #tpu.memory_space<hbm>> -> memref<50000x4xf32, #tpu.memory_space<hbm>>
      tpu.wait_indirect_dma semaphore(%arg38 : memref<!tpu.dma_semaphore, #tpu.memory_space<semaphore_mem>>) src(%dma_wait3A_1550 : memref<50000x4xf32, #tpu.memory_space<hbm>>) dst(%dma_wait3A_1545 : memref<128x4xf32, #tpu.memory_space<vmem>>)
      %dma_wait3A_1551 = arith.constant 256 : i32
      %dma_wait3A_1552 = arith.constant 0 : i32
      %dma_wait3A_1553 = tpu.memref_slice %arg20[%dma_wait3A_1551, %dma_wait3A_1552] : memref<1024x4xf32, #tpu.memory_space<vmem>> -> memref<128x4xf32, #tpu.memory_space<vmem>>
      %dma_wait3A_1554 = arith.constant 256 : i32
      %dma_wait3A_1555 = tpu.memref_slice %arg18[%dma_wait3A_1554] : memref<1024xi32, #tpu.memory_space<vmem>> -> memref<128xi32, #tpu.memory_space<vmem>>
      %dma_wait3A_1556 = arith.constant 0 : i32
      %dma_wait3A_1557 = arith.constant 0 : i32
      %dma_wait3A_1558 = tpu.memref_slice %arg2[%dma_wait3A_1556, %dma_wait3A_1557] : memref<50000x4xf32, #tpu.memory_space<hbm>> -> memref<50000x4xf32, #tpu.memory_space<hbm>>
      tpu.wait_indirect_dma semaphore(%arg38 : memref<!tpu.dma_semaphore, #tpu.memory_space<semaphore_mem>>) src(%dma_wait3A_1558 : memref<50000x4xf32, #tpu.memory_space<hbm>>) dst(%dma_wait3A_1553 : memref<128x4xf32, #tpu.memory_space<vmem>>)
      %dma_wait3A_1559 = arith.constant 256 : i32
      %dma_wait3A_1560 = arith.constant 0 : i32
      %dma_wait3A_1561 = tpu.memref_slice %arg21[%dma_wait3A_1559, %dma_wait3A_1560] : memref<1024x4xf32, #tpu.memory_space<vmem>> -> memref<128x4xf32, #tpu.memory_space<vmem>>
      %dma_wait3A_1562 = arith.constant 256 : i32
      %dma_wait3A_1563 = tpu.memref_slice %arg19[%dma_wait3A_1562] : memref<1024xi32, #tpu.memory_space<vmem>> -> memref<128xi32, #tpu.memory_space<vmem>>
      %dma_wait3A_1564 = arith.constant 0 : i32
      %dma_wait3A_1565 = arith.constant 0 : i32
      %dma_wait3A_1566 = tpu.memref_slice %arg2[%dma_wait3A_1564, %dma_wait3A_1565] : memref<50000x4xf32, #tpu.memory_space<hbm>> -> memref<50000x4xf32, #tpu.memory_space<hbm>>
      tpu.wait_indirect_dma semaphore(%arg38 : memref<!tpu.dma_semaphore, #tpu.memory_space<semaphore_mem>>) src(%dma_wait3A_1566 : memref<50000x4xf32, #tpu.memory_space<hbm>>) dst(%dma_wait3A_1561 : memref<128x4xf32, #tpu.memory_space<vmem>>)
      %dma_wait3A_1567 = arith.constant 384 : i32
      %dma_wait3A_1568 = arith.constant 0 : i32
      %dma_wait3A_1569 = tpu.memref_slice %arg20[%dma_wait3A_1567, %dma_wait3A_1568] : memref<1024x4xf32, #tpu.memory_space<vmem>> -> memref<128x4xf32, #tpu.memory_space<vmem>>
      %dma_wait3A_1570 = arith.constant 384 : i32
      %dma_wait3A_1571 = tpu.memref_slice %arg18[%dma_wait3A_1570] : memref<1024xi32, #tpu.memory_space<vmem>> -> memref<128xi32, #tpu.memory_space<vmem>>
      %dma_wait3A_1572 = arith.constant 0 : i32
      %dma_wait3A_1573 = arith.constant 0 : i32
      %dma_wait3A_1574 = tpu.memref_slice %arg2[%dma_wait3A_1572, %dma_wait3A_1573] : memref<50000x4xf32, #tpu.memory_space<hbm>> -> memref<50000x4xf32, #tpu.memory_space<hbm>>
      tpu.wait_indirect_dma semaphore(%arg38 : memref<!tpu.dma_semaphore, #tpu.memory_space<semaphore_mem>>) src(%dma_wait3A_1574 : memref<50000x4xf32, #tpu.memory_space<hbm>>) dst(%dma_wait3A_1569 : memref<128x4xf32, #tpu.memory_space<vmem>>)
      %dma_wait3A_1575 = arith.constant 384 : i32
      %dma_wait3A_1576 = arith.constant 0 : i32
      %dma_wait3A_1577 = tpu.memref_slice %arg21[%dma_wait3A_1575, %dma_wait3A_1576] : memref<1024x4xf32, #tpu.memory_space<vmem>> -> memref<128x4xf32, #tpu.memory_space<vmem>>
      %dma_wait3A_1578 = arith.constant 384 : i32
      %dma_wait3A_1579 = tpu.memref_slice %arg19[%dma_wait3A_1578] : memref<1024xi32, #tpu.memory_space<vmem>> -> memref<128xi32, #tpu.memory_space<vmem>>
      %dma_wait3A_1580 = arith.constant 0 : i32
      %dma_wait3A_1581 = arith.constant 0 : i32
      %dma_wait3A_1582 = tpu.memref_slice %arg2[%dma_wait3A_1580, %dma_wait3A_1581] : memref<50000x4xf32, #tpu.memory_space<hbm>> -> memref<50000x4xf32, #tpu.memory_space<hbm>>
      tpu.wait_indirect_dma semaphore(%arg38 : memref<!tpu.dma_semaphore, #tpu.memory_space<semaphore_mem>>) src(%dma_wait3A_1582 : memref<50000x4xf32, #tpu.memory_space<hbm>>) dst(%dma_wait3A_1577 : memref<128x4xf32, #tpu.memory_space<vmem>>)
      %dma_wait3A_1583 = arith.constant 512 : i32
      %dma_wait3A_1584 = arith.constant 0 : i32
      %dma_wait3A_1585 = tpu.memref_slice %arg20[%dma_wait3A_1583, %dma_wait3A_1584] : memref<1024x4xf32, #tpu.memory_space<vmem>> -> memref<128x4xf32, #tpu.memory_space<vmem>>
      %dma_wait3A_1586 = arith.constant 512 : i32
      %dma_wait3A_1587 = tpu.memref_slice %arg18[%dma_wait3A_1586] : memref<1024xi32, #tpu.memory_space<vmem>> -> memref<128xi32, #tpu.memory_space<vmem>>
      %dma_wait3A_1588 = arith.constant 0 : i32
      %dma_wait3A_1589 = arith.constant 0 : i32
      %dma_wait3A_1590 = tpu.memref_slice %arg2[%dma_wait3A_1588, %dma_wait3A_1589] : memref<50000x4xf32, #tpu.memory_space<hbm>> -> memref<50000x4xf32, #tpu.memory_space<hbm>>
      tpu.wait_indirect_dma semaphore(%arg38 : memref<!tpu.dma_semaphore, #tpu.memory_space<semaphore_mem>>) src(%dma_wait3A_1590 : memref<50000x4xf32, #tpu.memory_space<hbm>>) dst(%dma_wait3A_1585 : memref<128x4xf32, #tpu.memory_space<vmem>>)
      %dma_wait3A_1591 = arith.constant 512 : i32
      %dma_wait3A_1592 = arith.constant 0 : i32
      %dma_wait3A_1593 = tpu.memref_slice %arg21[%dma_wait3A_1591, %dma_wait3A_1592] : memref<1024x4xf32, #tpu.memory_space<vmem>> -> memref<128x4xf32, #tpu.memory_space<vmem>>
      %dma_wait3A_1594 = arith.constant 512 : i32
      %dma_wait3A_1595 = tpu.memref_slice %arg19[%dma_wait3A_1594] : memref<1024xi32, #tpu.memory_space<vmem>> -> memref<128xi32, #tpu.memory_space<vmem>>
      %dma_wait3A_1596 = arith.constant 0 : i32
      %dma_wait3A_1597 = arith.constant 0 : i32
      %dma_wait3A_1598 = tpu.memref_slice %arg2[%dma_wait3A_1596, %dma_wait3A_1597] : memref<50000x4xf32, #tpu.memory_space<hbm>> -> memref<50000x4xf32, #tpu.memory_space<hbm>>
      tpu.wait_indirect_dma semaphore(%arg38 : memref<!tpu.dma_semaphore, #tpu.memory_space<semaphore_mem>>) src(%dma_wait3A_1598 : memref<50000x4xf32, #tpu.memory_space<hbm>>) dst(%dma_wait3A_1593 : memref<128x4xf32, #tpu.memory_space<vmem>>)
      %dma_wait3A_1599 = arith.constant 640 : i32
      %dma_wait3A_1600 = arith.constant 0 : i32
      %dma_wait3A_1601 = tpu.memref_slice %arg20[%dma_wait3A_1599, %dma_wait3A_1600] : memref<1024x4xf32, #tpu.memory_space<vmem>> -> memref<128x4xf32, #tpu.memory_space<vmem>>
      %dma_wait3A_1602 = arith.constant 640 : i32
      %dma_wait3A_1603 = tpu.memref_slice %arg18[%dma_wait3A_1602] : memref<1024xi32, #tpu.memory_space<vmem>> -> memref<128xi32, #tpu.memory_space<vmem>>
      %dma_wait3A_1604 = arith.constant 0 : i32
      %dma_wait3A_1605 = arith.constant 0 : i32
      %dma_wait3A_1606 = tpu.memref_slice %arg2[%dma_wait3A_1604, %dma_wait3A_1605] : memref<50000x4xf32, #tpu.memory_space<hbm>> -> memref<50000x4xf32, #tpu.memory_space<hbm>>
      tpu.wait_indirect_dma semaphore(%arg38 : memref<!tpu.dma_semaphore, #tpu.memory_space<semaphore_mem>>) src(%dma_wait3A_1606 : memref<50000x4xf32, #tpu.memory_space<hbm>>) dst(%dma_wait3A_1601 : memref<128x4xf32, #tpu.memory_space<vmem>>)
      %dma_wait3A_1607 = arith.constant 640 : i32
      %dma_wait3A_1608 = arith.constant 0 : i32
      %dma_wait3A_1609 = tpu.memref_slice %arg21[%dma_wait3A_1607, %dma_wait3A_1608] : memref<1024x4xf32, #tpu.memory_space<vmem>> -> memref<128x4xf32, #tpu.memory_space<vmem>>
      %dma_wait3A_1610 = arith.constant 640 : i32
      %dma_wait3A_1611 = tpu.memref_slice %arg19[%dma_wait3A_1610] : memref<1024xi32, #tpu.memory_space<vmem>> -> memref<128xi32, #tpu.memory_space<vmem>>
      %dma_wait3A_1612 = arith.constant 0 : i32
      %dma_wait3A_1613 = arith.constant 0 : i32
      %dma_wait3A_1614 = tpu.memref_slice %arg2[%dma_wait3A_1612, %dma_wait3A_1613] : memref<50000x4xf32, #tpu.memory_space<hbm>> -> memref<50000x4xf32, #tpu.memory_space<hbm>>
      tpu.wait_indirect_dma semaphore(%arg38 : memref<!tpu.dma_semaphore, #tpu.memory_space<semaphore_mem>>) src(%dma_wait3A_1614 : memref<50000x4xf32, #tpu.memory_space<hbm>>) dst(%dma_wait3A_1609 : memref<128x4xf32, #tpu.memory_space<vmem>>)
      %dma_wait3A_1615 = arith.constant 768 : i32
      %dma_wait3A_1616 = arith.constant 0 : i32
      %dma_wait3A_1617 = tpu.memref_slice %arg20[%dma_wait3A_1615, %dma_wait3A_1616] : memref<1024x4xf32, #tpu.memory_space<vmem>> -> memref<128x4xf32, #tpu.memory_space<vmem>>
      %dma_wait3A_1618 = arith.constant 768 : i32
      %dma_wait3A_1619 = tpu.memref_slice %arg18[%dma_wait3A_1618] : memref<1024xi32, #tpu.memory_space<vmem>> -> memref<128xi32, #tpu.memory_space<vmem>>
      %dma_wait3A_1620 = arith.constant 0 : i32
      %dma_wait3A_1621 = arith.constant 0 : i32
      %dma_wait3A_1622 = tpu.memref_slice %arg2[%dma_wait3A_1620, %dma_wait3A_1621] : memref<50000x4xf32, #tpu.memory_space<hbm>> -> memref<50000x4xf32, #tpu.memory_space<hbm>>
      tpu.wait_indirect_dma semaphore(%arg38 : memref<!tpu.dma_semaphore, #tpu.memory_space<semaphore_mem>>) src(%dma_wait3A_1622 : memref<50000x4xf32, #tpu.memory_space<hbm>>) dst(%dma_wait3A_1617 : memref<128x4xf32, #tpu.memory_space<vmem>>)
      %dma_wait3A_1623 = arith.constant 768 : i32
      %dma_wait3A_1624 = arith.constant 0 : i32
      %dma_wait3A_1625 = tpu.memref_slice %arg21[%dma_wait3A_1623, %dma_wait3A_1624] : memref<1024x4xf32, #tpu.memory_space<vmem>> -> memref<128x4xf32, #tpu.memory_space<vmem>>
      %dma_wait3A_1626 = arith.constant 768 : i32
      %dma_wait3A_1627 = tpu.memref_slice %arg19[%dma_wait3A_1626] : memref<1024xi32, #tpu.memory_space<vmem>> -> memref<128xi32, #tpu.memory_space<vmem>>
      %dma_wait3A_1628 = arith.constant 0 : i32
      %dma_wait3A_1629 = arith.constant 0 : i32
      %dma_wait3A_1630 = tpu.memref_slice %arg2[%dma_wait3A_1628, %dma_wait3A_1629] : memref<50000x4xf32, #tpu.memory_space<hbm>> -> memref<50000x4xf32, #tpu.memory_space<hbm>>
      tpu.wait_indirect_dma semaphore(%arg38 : memref<!tpu.dma_semaphore, #tpu.memory_space<semaphore_mem>>) src(%dma_wait3A_1630 : memref<50000x4xf32, #tpu.memory_space<hbm>>) dst(%dma_wait3A_1625 : memref<128x4xf32, #tpu.memory_space<vmem>>)
      %dma_wait3A_1631 = arith.constant 896 : i32
      %dma_wait3A_1632 = arith.constant 0 : i32
      %dma_wait3A_1633 = tpu.memref_slice %arg20[%dma_wait3A_1631, %dma_wait3A_1632] : memref<1024x4xf32, #tpu.memory_space<vmem>> -> memref<128x4xf32, #tpu.memory_space<vmem>>
      %dma_wait3A_1634 = arith.constant 896 : i32
      %dma_wait3A_1635 = tpu.memref_slice %arg18[%dma_wait3A_1634] : memref<1024xi32, #tpu.memory_space<vmem>> -> memref<128xi32, #tpu.memory_space<vmem>>
      %dma_wait3A_1636 = arith.constant 0 : i32
      %dma_wait3A_1637 = arith.constant 0 : i32
      %dma_wait3A_1638 = tpu.memref_slice %arg2[%dma_wait3A_1636, %dma_wait3A_1637] : memref<50000x4xf32, #tpu.memory_space<hbm>> -> memref<50000x4xf32, #tpu.memory_space<hbm>>
      tpu.wait_indirect_dma semaphore(%arg38 : memref<!tpu.dma_semaphore, #tpu.memory_space<semaphore_mem>>) src(%dma_wait3A_1638 : memref<50000x4xf32, #tpu.memory_space<hbm>>) dst(%dma_wait3A_1633 : memref<128x4xf32, #tpu.memory_space<vmem>>)
      %dma_wait3A_1639 = arith.constant 896 : i32
      %dma_wait3A_1640 = arith.constant 0 : i32
      %dma_wait3A_1641 = tpu.memref_slice %arg21[%dma_wait3A_1639, %dma_wait3A_1640] : memref<1024x4xf32, #tpu.memory_space<vmem>> -> memref<128x4xf32, #tpu.memory_space<vmem>>
      %dma_wait3A_1642 = arith.constant 896 : i32
      %dma_wait3A_1643 = tpu.memref_slice %arg19[%dma_wait3A_1642] : memref<1024xi32, #tpu.memory_space<vmem>> -> memref<128xi32, #tpu.memory_space<vmem>>
      %dma_wait3A_1644 = arith.constant 0 : i32
      %dma_wait3A_1645 = arith.constant 0 : i32
      %dma_wait3A_1646 = tpu.memref_slice %arg2[%dma_wait3A_1644, %dma_wait3A_1645] : memref<50000x4xf32, #tpu.memory_space<hbm>> -> memref<50000x4xf32, #tpu.memory_space<hbm>>
      tpu.wait_indirect_dma semaphore(%arg38 : memref<!tpu.dma_semaphore, #tpu.memory_space<semaphore_mem>>) src(%dma_wait3A_1646 : memref<50000x4xf32, #tpu.memory_space<hbm>>) dst(%dma_wait3A_1641 : memref<128x4xf32, #tpu.memory_space<vmem>>)
      %scan3A_1647 = arith.constant 0 : i32
      %scan3A_1648 = arith.constant 0 : i32
      %scan3A_1649 = arith.constant 64 : i32
      %scan3A_1650 = arith.addi %scan3A_1648, %scan3A_1649 : i32
      %scan3A_1651 = arith.constant 1 : i32
      %scan3A_1652 = scf.for %scan3A_1690 = %scan3A_1648 to %scan3A_1650 step %scan3A_1651 iter_args(%scan3A_1691 = %scan3A_1647) -> (i32)  : i32 {
        %mul3A_1692 = arith.constant 16 : i32
        %mul3A_1693 = arith.muli %scan3A_1690, %mul3A_1692 : i32
        %get3A = arith.index_cast %mul3A_1693 : i32 to index
        %get3A_1694 = tpu.vector_load %arg18[%get3A] {strides = array<i32>} : memref<1024xi32, #tpu.memory_space<vmem>>, vector<16xi32>,
        %add3A_1695 = vector.broadcast %mul3A_1693 : i32 to vector<16xi32>
        %add3A_1696 = arith.addi %iota3A, %add3A_1695 : vector<16xi32>
        %gather3A = tpu.vector_load_idx %arg20[%add3A_1696, %broadcast_in_dim3A_3] : memref<1024x4xf32, #tpu.memory_space<vmem>>[vector<16xi32>, vector<16xi32>], vector<16xf32>,
        %gather3A_1697 = tpu.vector_load_idx %arg20[%add3A_1696, %add3A_6] : memref<1024x4xf32, #tpu.memory_space<vmem>>[vector<16xi32>, vector<16xi32>], vector<16xf32>,
        %gather3A_1698 = tpu.vector_load_idx %arg20[%add3A_1696, %add3A_9] : memref<1024x4xf32, #tpu.memory_space<vmem>>[vector<16xi32>, vector<16xi32>], vector<16xf32>,
        %gather3A_1699 = tpu.vector_load_idx %arg21[%add3A_1696, %broadcast_in_dim3A_3] : memref<1024x4xf32, #tpu.memory_space<vmem>>[vector<16xi32>, vector<16xi32>], vector<16xf32>,
        %gather3A_1700 = tpu.vector_load_idx %arg21[%add3A_1696, %add3A_6] : memref<1024x4xf32, #tpu.memory_space<vmem>>[vector<16xi32>, vector<16xi32>], vector<16xf32>,
        %gather3A_1701 = tpu.vector_load_idx %arg21[%add3A_1696, %add3A_9] : memref<1024x4xf32, #tpu.memory_space<vmem>>[vector<16xi32>, vector<16xi32>], vector<16xf32>,
        %get3A_1702 = arith.index_cast %mul3A_1693 : i32 to index
        %get3A_1703 = tpu.vector_load %arg22[%get3A_1702] {strides = array<i32>} : memref<1024xf32, #tpu.memory_space<vmem>>, vector<16xf32>,
        %get3A_1704 = arith.index_cast %mul3A_1693 : i32 to index
        %get3A_1705 = tpu.vector_load %arg23[%get3A_1704] {strides = array<i32>} : memref<1024xf32, #tpu.memory_space<vmem>>, vector<16xf32>,
        %get3A_1706 = arith.index_cast %mul3A_1693 : i32 to index
        %get3A_1707 = tpu.vector_load %arg24[%get3A_1706] {strides = array<i32>} : memref<1024xf32, #tpu.memory_space<vmem>>, vector<16xf32>,
        %mul3A_1708 = arith.mulf %get3A_1703, %get3A_1703 : vector<16xf32>
        %mul3A_1709 = arith.mulf %get3A_1705, %get3A_1705 : vector<16xf32>
        %add3A_1710 = arith.addf %mul3A_1708, %mul3A_1709 : vector<16xf32>
        %mul3A_1711 = arith.mulf %get3A_1707, %get3A_1707 : vector<16xf32>
        %add3A_1712 = arith.addf %add3A_1710, %mul3A_1711 : vector<16xf32>
        %mul3A_1713 = arith.constant 5.000000e-01 : f32
        %mul3A_1714 = vector.broadcast %mul3A_1713 : f32 to vector<16xf32>
        %mul3A_1715 = arith.mulf %mul3A_1714, %gather3A_1700 : vector<16xf32>
        %add3A_1716 = arith.addf %gather3A_1697, %mul3A_1715 : vector<16xf32>
        %mul3A_1717 = arith.constant 5.000000e-01 : f32
        %mul3A_1718 = vector.broadcast %mul3A_1717 : f32 to vector<16xf32>
        %mul3A_1719 = arith.mulf %mul3A_1718, %gather3A_1701 : vector<16xf32>
        %add3A_1720 = arith.addf %gather3A_1698, %mul3A_1719 : vector<16xf32>
        %mul3A_1721 = arith.mulf %gather3A, %gather3A_1699 : vector<16xf32>
        %abs3A = math.absf %mul3A_1721 : vector<16xf32>
        %sub3A = arith.constant 1.000000e+00 : f32
        %sub3A_1722 = vector.broadcast %sub3A : f32 to vector<16xf32>
        %sub3A_1723 = arith.subf %add3A_1716, %sub3A_1722 : vector<16xf32>
        %bitcast_convert_type3A = tpu.bitcast %add3A_1720 : vector<16xf32> -> vector<16xi32>
        %shift_right_arithmetic3A = arith.constant 23 : i32
        %shift_right_arithmetic3A_1724 = vector.broadcast %shift_right_arithmetic3A : i32 to vector<16xi32>
        %shift_right_arithmetic3A_1725 = arith.shrsi %bitcast_convert_type3A, %shift_right_arithmetic3A_1724 : vector<16xi32>
        %sub3A_1726 = arith.constant 127 : i32
        %sub3A_1727 = vector.broadcast %sub3A_1726 : i32 to vector<16xi32>
        %sub3A_1728 = arith.subi %shift_right_arithmetic3A_1725, %sub3A_1727 : vector<16xi32>
        %and3A = arith.constant 8388607 : i32
        %and3A_1729 = vector.broadcast %and3A : i32 to vector<16xi32>
        %and3A_1730 = arith.andi %bitcast_convert_type3A, %and3A_1729 : vector<16xi32>
        %or3A = arith.constant 1065353216 : i32
        %or3A_1731 = vector.broadcast %or3A : i32 to vector<16xi32>
        %or3A_1732 = arith.ori %and3A_1730, %or3A_1731 : vector<16xi32>
        %bitcast_convert_type3A_1733 = tpu.bitcast %or3A_1732 : vector<16xi32> -> vector<16xf32>
        %gt3A = arith.constant 1.41421354 : f32
        %gt3A_1734 = vector.broadcast %gt3A : f32 to vector<16xf32>
        %gt3A_1735 = arith.cmpf ogt, %bitcast_convert_type3A_1733, %gt3A_1734 : vector<16xf32>
        %mul3A_1736 = arith.constant 5.000000e-01 : f32
        %mul3A_1737 = vector.broadcast %mul3A_1736 : f32 to vector<16xf32>
        %mul3A_1738 = arith.mulf %bitcast_convert_type3A_1733, %mul3A_1737 : vector<16xf32>
        %select_n3A = arith.select %gt3A_1735, %mul3A_1738, %bitcast_convert_type3A_1733 : vector<16xi1>, vector<16xf32>
        %convert_element_type3A_1739 = arith.sitofp %sub3A_1728 : vector<16xi32> to vector<16xf32>
        %jit3A = arith.constant 1.000000e+00 : f32
        %jit3A_1740 = arith.constant 0.000000e+00 : f32
        %broadcast_in_dim3A_1741 = vector.broadcast %jit3A : f32 to vector<16xf32>
        %broadcast_in_dim3A_1742 = vector.broadcast %jit3A_1740 : f32 to vector<16xf32>
        %select_n3A_1743 = arith.select %gt3A_1735, %broadcast_in_dim3A_1741, %broadcast_in_dim3A_1742 : vector<16xi1>, vector<16xf32>
        %add3A_1744 = arith.addf %convert_element_type3A_1739, %select_n3A_1743 : vector<16xf32>
        %sub3A_1745 = arith.constant 1.000000e+00 : f32
        %sub3A_1746 = vector.broadcast %sub3A_1745 : f32 to vector<16xf32>
        %sub3A_1747 = arith.subf %select_n3A, %sub3A_1746 : vector<16xf32>
        %add3A_1748 = arith.constant 1.000000e+00 : f32
        %add3A_1749 = vector.broadcast %add3A_1748 : f32 to vector<16xf32>
        %add3A_1750 = arith.addf %select_n3A, %add3A_1749 : vector<16xf32>
        %div3A = arith.divf %sub3A_1747, %add3A_1750 : vector<16xf32>
        %mul3A_1751 = arith.mulf %div3A, %div3A : vector<16xf32>
        %mul3A_1752 = arith.constant 0.285714298 : f32
        %mul3A_1753 = vector.broadcast %mul3A_1752 : f32 to vector<16xf32>
        %mul3A_1754 = arith.mulf %mul3A_1751, %mul3A_1753 : vector<16xf32>
        %add3A_1755 = arith.constant 4.000000e-01 : f32
        %add3A_1756 = vector.broadcast %add3A_1755 : f32 to vector<16xf32>
        %add3A_1757 = arith.addf %add3A_1756, %mul3A_1754 : vector<16xf32>
        %mul3A_1758 = arith.mulf %mul3A_1751, %add3A_1757 : vector<16xf32>
        %add3A_1759 = arith.constant 0.666666686 : f32
        %add3A_1760 = vector.broadcast %add3A_1759 : f32 to vector<16xf32>
        %add3A_1761 = arith.addf %add3A_1760, %mul3A_1758 : vector<16xf32>
        %mul3A_1762 = arith.mulf %mul3A_1751, %add3A_1761 : vector<16xf32>
        %add3A_1763 = arith.constant 2.000000e+00 : f32
        %add3A_1764 = vector.broadcast %add3A_1763 : f32 to vector<16xf32>
        %add3A_1765 = arith.addf %add3A_1764, %mul3A_1762 : vector<16xf32>
        %mul3A_1766 = arith.constant 0.693147182 : f32
        %mul3A_1767 = vector.broadcast %mul3A_1766 : f32 to vector<16xf32>
        %mul3A_1768 = arith.mulf %add3A_1744, %mul3A_1767 : vector<16xf32>
        %mul3A_1769 = arith.mulf %div3A, %add3A_1765 : vector<16xf32>
        %add3A_1770 = arith.addf %mul3A_1768, %mul3A_1769 : vector<16xf32>
        %mul3A_1771 = arith.mulf %sub3A_1723, %add3A_1770 : vector<16xf32>
        %exp3A = math.exp %mul3A_1771 : vector<16xf32>
        %mul3A_1772 = arith.mulf %abs3A, %exp3A : vector<16xf32>
        %div3A_1773 = arith.divf %mul3A_1772, %add3A_1716 : vector<16xf32>
        %bitcast_convert_type3A_1774 = tpu.bitcast %add3A_1712 : vector<16xf32> -> vector<16xi32>
        %shift_right_arithmetic3A_1775 = arith.constant 23 : i32
        %shift_right_arithmetic3A_1776 = vector.broadcast %shift_right_arithmetic3A_1775 : i32 to vector<16xi32>
        %shift_right_arithmetic3A_1777 = arith.shrsi %bitcast_convert_type3A_1774, %shift_right_arithmetic3A_1776 : vector<16xi32>
        %sub3A_1778 = arith.constant 127 : i32
        %sub3A_1779 = vector.broadcast %sub3A_1778 : i32 to vector<16xi32>
        %sub3A_1780 = arith.subi %shift_right_arithmetic3A_1777, %sub3A_1779 : vector<16xi32>
        %and3A_1781 = arith.constant 8388607 : i32
        %and3A_1782 = vector.broadcast %and3A_1781 : i32 to vector<16xi32>
        %and3A_1783 = arith.andi %bitcast_convert_type3A_1774, %and3A_1782 : vector<16xi32>
        %or3A_1784 = arith.constant 1065353216 : i32
        %or3A_1785 = vector.broadcast %or3A_1784 : i32 to vector<16xi32>
        %or3A_1786 = arith.ori %and3A_1783, %or3A_1785 : vector<16xi32>
        %bitcast_convert_type3A_1787 = tpu.bitcast %or3A_1786 : vector<16xi32> -> vector<16xf32>
        %gt3A_1788 = arith.constant 1.41421354 : f32
        %gt3A_1789 = vector.broadcast %gt3A_1788 : f32 to vector<16xf32>
        %gt3A_1790 = arith.cmpf ogt, %bitcast_convert_type3A_1787, %gt3A_1789 : vector<16xf32>
        %mul3A_1791 = arith.constant 5.000000e-01 : f32
        %mul3A_1792 = vector.broadcast %mul3A_1791 : f32 to vector<16xf32>
        %mul3A_1793 = arith.mulf %bitcast_convert_type3A_1787, %mul3A_1792 : vector<16xf32>
        %select_n3A_1794 = arith.select %gt3A_1790, %mul3A_1793, %bitcast_convert_type3A_1787 : vector<16xi1>, vector<16xf32>
        %convert_element_type3A_1795 = arith.sitofp %sub3A_1780 : vector<16xi32> to vector<16xf32>
        %jit3A_1796 = arith.constant 1.000000e+00 : f32
        %jit3A_1797 = arith.constant 0.000000e+00 : f32
        %broadcast_in_dim3A_1798 = vector.broadcast %jit3A_1796 : f32 to vector<16xf32>
        %broadcast_in_dim3A_1799 = vector.broadcast %jit3A_1797 : f32 to vector<16xf32>
        %select_n3A_1800 = arith.select %gt3A_1790, %broadcast_in_dim3A_1798, %broadcast_in_dim3A_1799 : vector<16xi1>, vector<16xf32>
        %add3A_1801 = arith.addf %convert_element_type3A_1795, %select_n3A_1800 : vector<16xf32>
        %sub3A_1802 = arith.constant 1.000000e+00 : f32
        %sub3A_1803 = vector.broadcast %sub3A_1802 : f32 to vector<16xf32>
        %sub3A_1804 = arith.subf %select_n3A_1794, %sub3A_1803 : vector<16xf32>
        %add3A_1805 = arith.constant 1.000000e+00 : f32
        %add3A_1806 = vector.broadcast %add3A_1805 : f32 to vector<16xf32>
        %add3A_1807 = arith.addf %select_n3A_1794, %add3A_1806 : vector<16xf32>
        %div3A_1808 = arith.divf %sub3A_1804, %add3A_1807 : vector<16xf32>
        %mul3A_1809 = arith.mulf %div3A_1808, %div3A_1808 : vector<16xf32>
        %mul3A_1810 = arith.constant 0.285714298 : f32
        %mul3A_1811 = vector.broadcast %mul3A_1810 : f32 to vector<16xf32>
        %mul3A_1812 = arith.mulf %mul3A_1809, %mul3A_1811 : vector<16xf32>
        %add3A_1813 = arith.constant 4.000000e-01 : f32
        %add3A_1814 = vector.broadcast %add3A_1813 : f32 to vector<16xf32>
        %add3A_1815 = arith.addf %add3A_1814, %mul3A_1812 : vector<16xf32>
        %mul3A_1816 = arith.mulf %mul3A_1809, %add3A_1815 : vector<16xf32>
        %add3A_1817 = arith.constant 0.666666686 : f32
        %add3A_1818 = vector.broadcast %add3A_1817 : f32 to vector<16xf32>
        %add3A_1819 = arith.addf %add3A_1818, %mul3A_1816 : vector<16xf32>
        %mul3A_1820 = arith.mulf %mul3A_1809, %add3A_1819 : vector<16xf32>
        %add3A_1821 = arith.constant 2.000000e+00 : f32
        %add3A_1822 = vector.broadcast %add3A_1821 : f32 to vector<16xf32>
        %add3A_1823 = arith.addf %add3A_1822, %mul3A_1820 : vector<16xf32>
        %mul3A_1824 = arith.constant 0.693147182 : f32
        %mul3A_1825 = vector.broadcast %mul3A_1824 : f32 to vector<16xf32>
        %mul3A_1826 = arith.mulf %add3A_1801, %mul3A_1825 : vector<16xf32>
        %mul3A_1827 = arith.mulf %div3A_1808, %add3A_1823 : vector<16xf32>
        %add3A_1828 = arith.addf %mul3A_1826, %mul3A_1827 : vector<16xf32>
        %mul3A_1829 = arith.constant 5.000000e-01 : f32
        %mul3A_1830 = vector.broadcast %mul3A_1829 : f32 to vector<16xf32>
        %mul3A_1831 = arith.mulf %mul3A_1830, %add3A_1828 : vector<16xf32>
        %neg3A = arith.constant 0.000000e+00 : f32
        %neg3A_1832 = vector.broadcast %neg3A : f32 to vector<16xf32>
        %neg3A_1833 = arith.subf %neg3A_1832, %add3A_1716 : vector<16xf32>
        %mul3A_1834 = arith.mulf %neg3A_1833, %mul3A_1831 : vector<16xf32>
        %exp3A_1835 = math.exp %mul3A_1834 : vector<16xf32>
        %neg3A_1836 = arith.constant 0.000000e+00 : f32
        %neg3A_1837 = vector.broadcast %neg3A_1836 : f32 to vector<16xf32>
        %neg3A_1838 = arith.subf %neg3A_1837, %add3A_1716 : vector<16xf32>
        %mul3A_1839 = arith.constant 1.60943794 : f32
        %mul3A_1840 = vector.broadcast %mul3A_1839 : f32 to vector<16xf32>
        %mul3A_1841 = arith.mulf %neg3A_1838, %mul3A_1840 : vector<16xf32>
        %exp3A_1842 = math.exp %mul3A_1841 : vector<16xf32>
        %sub3A_1843 = arith.subf %exp3A_1835, %exp3A_1842 : vector<16xf32>
        %mul3A_1844 = arith.mulf %div3A_1773, %sub3A_1843 : vector<16xf32>
        %le3A = arith.constant 2.500000e+01 : f32
        %le3A_1845 = vector.broadcast %le3A : f32 to vector<16xf32>
        %le3A_1846 = arith.cmpf ole, %add3A_1712, %le3A_1845 : vector<16xf32>
        %jit3A_1847 = arith.constant 0.000000e+00 : f32
        %broadcast_in_dim3A_1848 = vector.broadcast %jit3A_1847 : f32 to vector<16xf32>
        %select_n3A_1849 = arith.select %le3A_1846, %mul3A_1844, %broadcast_in_dim3A_1848 : vector<16xi1>, vector<16xf32>
        tpu.vector_store_idx %arg25[%get3A_1694], %select_n3A_1849 {add = true} : memref<50176xf32, #tpu.memory_space<vmem>>[vector<16xi32>], vector<16xf32>,
        %scan3A_1850 = arith.constant 0 : i32
        scf.yield %scan3A_1850 : i32
      }
      %scan3A_1653 = arith.constant 64 : i32
      %add3A_1654 = arith.constant 2 : i32
      %add3A_1655 = arith.addi %add3A_1352, %add3A_1654 : i32
      %mul3A_1656 = arith.constant 1024 : i32
      %mul3A_1657 = arith.muli %add3A_1655, %mul3A_1656 : i32
      %add3A_1658 = arith.addi %mul3A_24, %mul3A_1657 : i32
      %dma_start3A_1659 = arith.constant 0 : i32
      %dma_start3A_1660 = tpu.memref_slice %arg18[%dma_start3A_1659] : memref<1024xi32, #tpu.memory_space<vmem>> -> memref<1024xi32, #tpu.memory_space<vmem>>
      %dma_start3A_1661 = tpu.memref_slice %arg3[%add3A_1658] : memref<1600000xi32, #tpu.memory_space<hbm>> -> memref<1024xi32, #tpu.memory_space<hbm>>
      %dma_start3A_1662 = arith.constant 0 : i32
      %dma_start3A_1663 = tpu.memref_slice %arg18[%dma_start3A_1662] : memref<1024xi32, #tpu.memory_space<vmem>> -> memref<1024xi32, #tpu.memory_space<vmem>>
      %dma_start3A_1664 = tpu.memref_slice %arg3[%add3A_1658] : memref<1600000xi32, #tpu.memory_space<hbm>> -> memref<1024xi32, #tpu.memory_space<hbm>>
      tpu.enqueue_dma source(%dma_start3A_1664 : memref<1024xi32, #tpu.memory_space<hbm>>) target(%dma_start3A_1663 : memref<1024xi32, #tpu.memory_space<vmem>>) target_semaphore(%arg34 : memref<!tpu.dma_semaphore, #tpu.memory_space<semaphore_mem>>)
      %dma_start3A_1665 = arith.constant 0 : i32
      %dma_start3A_1666 = tpu.memref_slice %arg19[%dma_start3A_1665] : memref<1024xi32, #tpu.memory_space<vmem>> -> memref<1024xi32, #tpu.memory_space<vmem>>
      %dma_start3A_1667 = tpu.memref_slice %arg4[%add3A_1658] : memref<1600000xi32, #tpu.memory_space<hbm>> -> memref<1024xi32, #tpu.memory_space<hbm>>
      %dma_start3A_1668 = arith.constant 0 : i32
      %dma_start3A_1669 = tpu.memref_slice %arg19[%dma_start3A_1668] : memref<1024xi32, #tpu.memory_space<vmem>> -> memref<1024xi32, #tpu.memory_space<vmem>>
      %dma_start3A_1670 = tpu.memref_slice %arg4[%add3A_1658] : memref<1600000xi32, #tpu.memory_space<hbm>> -> memref<1024xi32, #tpu.memory_space<hbm>>
      tpu.enqueue_dma source(%dma_start3A_1670 : memref<1024xi32, #tpu.memory_space<hbm>>) target(%dma_start3A_1669 : memref<1024xi32, #tpu.memory_space<vmem>>) target_semaphore(%arg34 : memref<!tpu.dma_semaphore, #tpu.memory_space<semaphore_mem>>)
      %dma_start3A_1671 = arith.constant 0 : i32
      %dma_start3A_1672 = tpu.memref_slice %arg22[%dma_start3A_1671] : memref<1024xf32, #tpu.memory_space<vmem>> -> memref<1024xf32, #tpu.memory_space<vmem>>
      %dma_start3A_1673 = tpu.memref_slice %arg5[%add3A_1658] : memref<1600000xf32, #tpu.memory_space<hbm>> -> memref<1024xf32, #tpu.memory_space<hbm>>
      %dma_start3A_1674 = arith.constant 0 : i32
      %dma_start3A_1675 = tpu.memref_slice %arg22[%dma_start3A_1674] : memref<1024xf32, #tpu.memory_space<vmem>> -> memref<1024xf32, #tpu.memory_space<vmem>>
      %dma_start3A_1676 = tpu.memref_slice %arg5[%add3A_1658] : memref<1600000xf32, #tpu.memory_space<hbm>> -> memref<1024xf32, #tpu.memory_space<hbm>>
      tpu.enqueue_dma source(%dma_start3A_1676 : memref<1024xf32, #tpu.memory_space<hbm>>) target(%dma_start3A_1675 : memref<1024xf32, #tpu.memory_space<vmem>>) target_semaphore(%arg36 : memref<!tpu.dma_semaphore, #tpu.memory_space<semaphore_mem>>)
      %dma_start3A_1677 = arith.constant 0 : i32
      %dma_start3A_1678 = tpu.memref_slice %arg23[%dma_start3A_1677] : memref<1024xf32, #tpu.memory_space<vmem>> -> memref<1024xf32, #tpu.memory_space<vmem>>
      %dma_start3A_1679 = tpu.memref_slice %arg6[%add3A_1658] : memref<1600000xf32, #tpu.memory_space<hbm>> -> memref<1024xf32, #tpu.memory_space<hbm>>
      %dma_start3A_1680 = arith.constant 0 : i32
      %dma_start3A_1681 = tpu.memref_slice %arg23[%dma_start3A_1680] : memref<1024xf32, #tpu.memory_space<vmem>> -> memref<1024xf32, #tpu.memory_space<vmem>>
      %dma_start3A_1682 = tpu.memref_slice %arg6[%add3A_1658] : memref<1600000xf32, #tpu.memory_space<hbm>> -> memref<1024xf32, #tpu.memory_space<hbm>>
      tpu.enqueue_dma source(%dma_start3A_1682 : memref<1024xf32, #tpu.memory_space<hbm>>) target(%dma_start3A_1681 : memref<1024xf32, #tpu.memory_space<vmem>>) target_semaphore(%arg36 : memref<!tpu.dma_semaphore, #tpu.memory_space<semaphore_mem>>)
      %dma_start3A_1683 = arith.constant 0 : i32
      %dma_start3A_1684 = tpu.memref_slice %arg24[%dma_start3A_1683] : memref<1024xf32, #tpu.memory_space<vmem>> -> memref<1024xf32, #tpu.memory_space<vmem>>
      %dma_start3A_1685 = tpu.memref_slice %arg7[%add3A_1658] : memref<1600000xf32, #tpu.memory_space<hbm>> -> memref<1024xf32, #tpu.memory_space<hbm>>
      %dma_start3A_1686 = arith.constant 0 : i32
      %dma_start3A_1687 = tpu.memref_slice %arg24[%dma_start3A_1686] : memref<1024xf32, #tpu.memory_space<vmem>> -> memref<1024xf32, #tpu.memory_space<vmem>>
      %dma_start3A_1688 = tpu.memref_slice %arg7[%add3A_1658] : memref<1600000xf32, #tpu.memory_space<hbm>> -> memref<1024xf32, #tpu.memory_space<hbm>>
      tpu.enqueue_dma source(%dma_start3A_1688 : memref<1024xf32, #tpu.memory_space<hbm>>) target(%dma_start3A_1687 : memref<1024xf32, #tpu.memory_space<vmem>>) target_semaphore(%arg36 : memref<!tpu.dma_semaphore, #tpu.memory_space<semaphore_mem>>)
      %scan3A_1689 = arith.constant 0 : i32
      scf.yield %scan3A_1689 : i32
    }
    %scan3A_235 = arith.constant 23 : i32
    %add3A_236 = arith.constant 48128 : i32
    %add3A_237 = arith.addi %mul3A_24, %add3A_236 : i32
    %dma_wait3A_238 = arith.constant 0 : i32
    %dma_wait3A_239 = tpu.memref_slice %arg18[%dma_wait3A_238] : memref<1024xi32, #tpu.memory_space<vmem>> -> memref<1024xi32, #tpu.memory_space<vmem>>
    %dma_wait3A_240 = tpu.memref_slice %arg3[%add3A_237] : memref<1600000xi32, #tpu.memory_space<hbm>> -> memref<1024xi32, #tpu.memory_space<hbm>>
    %dma_wait3A_241 = arith.constant 0 : i32
    %dma_wait3A_242 = tpu.memref_slice %arg18[%dma_wait3A_241] : memref<1024xi32, #tpu.memory_space<vmem>> -> memref<1024xi32, #tpu.memory_space<vmem>>
    %dma_wait3A_243 = tpu.memref_slice %arg3[%add3A_237] : memref<1600000xi32, #tpu.memory_space<hbm>> -> memref<1024xi32, #tpu.memory_space<hbm>>
    tpu.wait_dma2 semaphore(%arg34 : memref<!tpu.dma_semaphore, #tpu.memory_space<semaphore_mem>>) src(%dma_wait3A_243 : memref<1024xi32, #tpu.memory_space<hbm>>) dst(%dma_wait3A_242 : memref<1024xi32, #tpu.memory_space<vmem>>)
    %dma_wait3A_244 = arith.constant 0 : i32
    %dma_wait3A_245 = tpu.memref_slice %arg19[%dma_wait3A_244] : memref<1024xi32, #tpu.memory_space<vmem>> -> memref<1024xi32, #tpu.memory_space<vmem>>
    %dma_wait3A_246 = tpu.memref_slice %arg4[%add3A_237] : memref<1600000xi32, #tpu.memory_space<hbm>> -> memref<1024xi32, #tpu.memory_space<hbm>>
    %dma_wait3A_247 = arith.constant 0 : i32
    %dma_wait3A_248 = tpu.memref_slice %arg19[%dma_wait3A_247] : memref<1024xi32, #tpu.memory_space<vmem>> -> memref<1024xi32, #tpu.memory_space<vmem>>
    %dma_wait3A_249 = tpu.memref_slice %arg4[%add3A_237] : memref<1600000xi32, #tpu.memory_space<hbm>> -> memref<1024xi32, #tpu.memory_space<hbm>>
    tpu.wait_dma2 semaphore(%arg34 : memref<!tpu.dma_semaphore, #tpu.memory_space<semaphore_mem>>) src(%dma_wait3A_249 : memref<1024xi32, #tpu.memory_space<hbm>>) dst(%dma_wait3A_248 : memref<1024xi32, #tpu.memory_space<vmem>>)
    %dma_start3A_250 = arith.constant 0 : i32
    %dma_start3A_251 = arith.constant 0 : i32
    %dma_start3A_252 = tpu.memref_slice %arg20[%dma_start3A_250, %dma_start3A_251] : memref<1024x4xf32, #tpu.memory_space<vmem>> -> memref<128x4xf32, #tpu.memory_space<vmem>>
    %dma_start3A_253 = arith.constant 0 : i32
    %dma_start3A_254 = tpu.memref_slice %arg18[%dma_start3A_253] : memref<1024xi32, #tpu.memory_space<vmem>> -> memref<128xi32, #tpu.memory_space<vmem>>
    %dma_start3A_255 = arith.constant 0 : i32
    %dma_start3A_256 = arith.constant 0 : i32
    %dma_start3A_257 = tpu.memref_slice %arg2[%dma_start3A_255, %dma_start3A_256] : memref<50000x4xf32, #tpu.memory_space<hbm>> -> memref<50000x4xf32, #tpu.memory_space<hbm>>
    tpu.enqueue_indirect_dma source(%dma_start3A_257 : memref<50000x4xf32, #tpu.memory_space<hbm>>) target(%dma_start3A_252 : memref<128x4xf32, #tpu.memory_space<vmem>>) offsets(%dma_start3A_254 : memref<128xi32, #tpu.memory_space<vmem>>) semaphore(%arg38 : memref<!tpu.dma_semaphore, #tpu.memory_space<semaphore_mem>>)
    %dma_start3A_258 = arith.constant 0 : i32
    %dma_start3A_259 = arith.constant 0 : i32
    %dma_start3A_260 = tpu.memref_slice %arg21[%dma_start3A_258, %dma_start3A_259] : memref<1024x4xf32, #tpu.memory_space<vmem>> -> memref<128x4xf32, #tpu.memory_space<vmem>>
    %dma_start3A_261 = arith.constant 0 : i32
    %dma_start3A_262 = tpu.memref_slice %arg19[%dma_start3A_261] : memref<1024xi32, #tpu.memory_space<vmem>> -> memref<128xi32, #tpu.memory_space<vmem>>
    %dma_start3A_263 = arith.constant 0 : i32
    %dma_start3A_264 = arith.constant 0 : i32
    %dma_start3A_265 = tpu.memref_slice %arg2[%dma_start3A_263, %dma_start3A_264] : memref<50000x4xf32, #tpu.memory_space<hbm>> -> memref<50000x4xf32, #tpu.memory_space<hbm>>
    tpu.enqueue_indirect_dma source(%dma_start3A_265 : memref<50000x4xf32, #tpu.memory_space<hbm>>) target(%dma_start3A_260 : memref<128x4xf32, #tpu.memory_space<vmem>>) offsets(%dma_start3A_262 : memref<128xi32, #tpu.memory_space<vmem>>) semaphore(%arg38 : memref<!tpu.dma_semaphore, #tpu.memory_space<semaphore_mem>>)
    %dma_start3A_266 = arith.constant 128 : i32
    %dma_start3A_267 = arith.constant 0 : i32
    %dma_start3A_268 = tpu.memref_slice %arg20[%dma_start3A_266, %dma_start3A_267] : memref<1024x4xf32, #tpu.memory_space<vmem>> -> memref<128x4xf32, #tpu.memory_space<vmem>>
    %dma_start3A_269 = arith.constant 128 : i32
    %dma_start3A_270 = tpu.memref_slice %arg18[%dma_start3A_269] : memref<1024xi32, #tpu.memory_space<vmem>> -> memref<128xi32, #tpu.memory_space<vmem>>
    %dma_start3A_271 = arith.constant 0 : i32
    %dma_start3A_272 = arith.constant 0 : i32
    %dma_start3A_273 = tpu.memref_slice %arg2[%dma_start3A_271, %dma_start3A_272] : memref<50000x4xf32, #tpu.memory_space<hbm>> -> memref<50000x4xf32, #tpu.memory_space<hbm>>
    tpu.enqueue_indirect_dma source(%dma_start3A_273 : memref<50000x4xf32, #tpu.memory_space<hbm>>) target(%dma_start3A_268 : memref<128x4xf32, #tpu.memory_space<vmem>>) offsets(%dma_start3A_270 : memref<128xi32, #tpu.memory_space<vmem>>) semaphore(%arg38 : memref<!tpu.dma_semaphore, #tpu.memory_space<semaphore_mem>>)
    %dma_start3A_274 = arith.constant 128 : i32
    %dma_start3A_275 = arith.constant 0 : i32
    %dma_start3A_276 = tpu.memref_slice %arg21[%dma_start3A_274, %dma_start3A_275] : memref<1024x4xf32, #tpu.memory_space<vmem>> -> memref<128x4xf32, #tpu.memory_space<vmem>>
    %dma_start3A_277 = arith.constant 128 : i32
    %dma_start3A_278 = tpu.memref_slice %arg19[%dma_start3A_277] : memref<1024xi32, #tpu.memory_space<vmem>> -> memref<128xi32, #tpu.memory_space<vmem>>
    %dma_start3A_279 = arith.constant 0 : i32
    %dma_start3A_280 = arith.constant 0 : i32
    %dma_start3A_281 = tpu.memref_slice %arg2[%dma_start3A_279, %dma_start3A_280] : memref<50000x4xf32, #tpu.memory_space<hbm>> -> memref<50000x4xf32, #tpu.memory_space<hbm>>
    tpu.enqueue_indirect_dma source(%dma_start3A_281 : memref<50000x4xf32, #tpu.memory_space<hbm>>) target(%dma_start3A_276 : memref<128x4xf32, #tpu.memory_space<vmem>>) offsets(%dma_start3A_278 : memref<128xi32, #tpu.memory_space<vmem>>) semaphore(%arg38 : memref<!tpu.dma_semaphore, #tpu.memory_space<semaphore_mem>>)
    %dma_start3A_282 = arith.constant 256 : i32
    %dma_start3A_283 = arith.constant 0 : i32
    %dma_start3A_284 = tpu.memref_slice %arg20[%dma_start3A_282, %dma_start3A_283] : memref<1024x4xf32, #tpu.memory_space<vmem>> -> memref<128x4xf32, #tpu.memory_space<vmem>>
    %dma_start3A_285 = arith.constant 256 : i32
    %dma_start3A_286 = tpu.memref_slice %arg18[%dma_start3A_285] : memref<1024xi32, #tpu.memory_space<vmem>> -> memref<128xi32, #tpu.memory_space<vmem>>
    %dma_start3A_287 = arith.constant 0 : i32
    %dma_start3A_288 = arith.constant 0 : i32
    %dma_start3A_289 = tpu.memref_slice %arg2[%dma_start3A_287, %dma_start3A_288] : memref<50000x4xf32, #tpu.memory_space<hbm>> -> memref<50000x4xf32, #tpu.memory_space<hbm>>
    tpu.enqueue_indirect_dma source(%dma_start3A_289 : memref<50000x4xf32, #tpu.memory_space<hbm>>) target(%dma_start3A_284 : memref<128x4xf32, #tpu.memory_space<vmem>>) offsets(%dma_start3A_286 : memref<128xi32, #tpu.memory_space<vmem>>) semaphore(%arg38 : memref<!tpu.dma_semaphore, #tpu.memory_space<semaphore_mem>>)
    %dma_start3A_290 = arith.constant 256 : i32
    %dma_start3A_291 = arith.constant 0 : i32
    %dma_start3A_292 = tpu.memref_slice %arg21[%dma_start3A_290, %dma_start3A_291] : memref<1024x4xf32, #tpu.memory_space<vmem>> -> memref<128x4xf32, #tpu.memory_space<vmem>>
    %dma_start3A_293 = arith.constant 256 : i32
    %dma_start3A_294 = tpu.memref_slice %arg19[%dma_start3A_293] : memref<1024xi32, #tpu.memory_space<vmem>> -> memref<128xi32, #tpu.memory_space<vmem>>
    %dma_start3A_295 = arith.constant 0 : i32
    %dma_start3A_296 = arith.constant 0 : i32
    %dma_start3A_297 = tpu.memref_slice %arg2[%dma_start3A_295, %dma_start3A_296] : memref<50000x4xf32, #tpu.memory_space<hbm>> -> memref<50000x4xf32, #tpu.memory_space<hbm>>
    tpu.enqueue_indirect_dma source(%dma_start3A_297 : memref<50000x4xf32, #tpu.memory_space<hbm>>) target(%dma_start3A_292 : memref<128x4xf32, #tpu.memory_space<vmem>>) offsets(%dma_start3A_294 : memref<128xi32, #tpu.memory_space<vmem>>) semaphore(%arg38 : memref<!tpu.dma_semaphore, #tpu.memory_space<semaphore_mem>>)
    %dma_start3A_298 = arith.constant 384 : i32
    %dma_start3A_299 = arith.constant 0 : i32
    %dma_start3A_300 = tpu.memref_slice %arg20[%dma_start3A_298, %dma_start3A_299] : memref<1024x4xf32, #tpu.memory_space<vmem>> -> memref<128x4xf32, #tpu.memory_space<vmem>>
    %dma_start3A_301 = arith.constant 384 : i32
    %dma_start3A_302 = tpu.memref_slice %arg18[%dma_start3A_301] : memref<1024xi32, #tpu.memory_space<vmem>> -> memref<128xi32, #tpu.memory_space<vmem>>
    %dma_start3A_303 = arith.constant 0 : i32
    %dma_start3A_304 = arith.constant 0 : i32
    %dma_start3A_305 = tpu.memref_slice %arg2[%dma_start3A_303, %dma_start3A_304] : memref<50000x4xf32, #tpu.memory_space<hbm>> -> memref<50000x4xf32, #tpu.memory_space<hbm>>
    tpu.enqueue_indirect_dma source(%dma_start3A_305 : memref<50000x4xf32, #tpu.memory_space<hbm>>) target(%dma_start3A_300 : memref<128x4xf32, #tpu.memory_space<vmem>>) offsets(%dma_start3A_302 : memref<128xi32, #tpu.memory_space<vmem>>) semaphore(%arg38 : memref<!tpu.dma_semaphore, #tpu.memory_space<semaphore_mem>>)
    %dma_start3A_306 = arith.constant 384 : i32
    %dma_start3A_307 = arith.constant 0 : i32
    %dma_start3A_308 = tpu.memref_slice %arg21[%dma_start3A_306, %dma_start3A_307] : memref<1024x4xf32, #tpu.memory_space<vmem>> -> memref<128x4xf32, #tpu.memory_space<vmem>>
    %dma_start3A_309 = arith.constant 384 : i32
    %dma_start3A_310 = tpu.memref_slice %arg19[%dma_start3A_309] : memref<1024xi32, #tpu.memory_space<vmem>> -> memref<128xi32, #tpu.memory_space<vmem>>
    %dma_start3A_311 = arith.constant 0 : i32
    %dma_start3A_312 = arith.constant 0 : i32
    %dma_start3A_313 = tpu.memref_slice %arg2[%dma_start3A_311, %dma_start3A_312] : memref<50000x4xf32, #tpu.memory_space<hbm>> -> memref<50000x4xf32, #tpu.memory_space<hbm>>
    tpu.enqueue_indirect_dma source(%dma_start3A_313 : memref<50000x4xf32, #tpu.memory_space<hbm>>) target(%dma_start3A_308 : memref<128x4xf32, #tpu.memory_space<vmem>>) offsets(%dma_start3A_310 : memref<128xi32, #tpu.memory_space<vmem>>) semaphore(%arg38 : memref<!tpu.dma_semaphore, #tpu.memory_space<semaphore_mem>>)
    %dma_start3A_314 = arith.constant 512 : i32
    %dma_start3A_315 = arith.constant 0 : i32
    %dma_start3A_316 = tpu.memref_slice %arg20[%dma_start3A_314, %dma_start3A_315] : memref<1024x4xf32, #tpu.memory_space<vmem>> -> memref<128x4xf32, #tpu.memory_space<vmem>>
    %dma_start3A_317 = arith.constant 512 : i32
    %dma_start3A_318 = tpu.memref_slice %arg18[%dma_start3A_317] : memref<1024xi32, #tpu.memory_space<vmem>> -> memref<128xi32, #tpu.memory_space<vmem>>
    %dma_start3A_319 = arith.constant 0 : i32
    %dma_start3A_320 = arith.constant 0 : i32
    %dma_start3A_321 = tpu.memref_slice %arg2[%dma_start3A_319, %dma_start3A_320] : memref<50000x4xf32, #tpu.memory_space<hbm>> -> memref<50000x4xf32, #tpu.memory_space<hbm>>
    tpu.enqueue_indirect_dma source(%dma_start3A_321 : memref<50000x4xf32, #tpu.memory_space<hbm>>) target(%dma_start3A_316 : memref<128x4xf32, #tpu.memory_space<vmem>>) offsets(%dma_start3A_318 : memref<128xi32, #tpu.memory_space<vmem>>) semaphore(%arg38 : memref<!tpu.dma_semaphore, #tpu.memory_space<semaphore_mem>>)
    %dma_start3A_322 = arith.constant 512 : i32
    %dma_start3A_323 = arith.constant 0 : i32
    %dma_start3A_324 = tpu.memref_slice %arg21[%dma_start3A_322, %dma_start3A_323] : memref<1024x4xf32, #tpu.memory_space<vmem>> -> memref<128x4xf32, #tpu.memory_space<vmem>>
    %dma_start3A_325 = arith.constant 512 : i32
    %dma_start3A_326 = tpu.memref_slice %arg19[%dma_start3A_325] : memref<1024xi32, #tpu.memory_space<vmem>> -> memref<128xi32, #tpu.memory_space<vmem>>
    %dma_start3A_327 = arith.constant 0 : i32
    %dma_start3A_328 = arith.constant 0 : i32
    %dma_start3A_329 = tpu.memref_slice %arg2[%dma_start3A_327, %dma_start3A_328] : memref<50000x4xf32, #tpu.memory_space<hbm>> -> memref<50000x4xf32, #tpu.memory_space<hbm>>
    tpu.enqueue_indirect_dma source(%dma_start3A_329 : memref<50000x4xf32, #tpu.memory_space<hbm>>) target(%dma_start3A_324 : memref<128x4xf32, #tpu.memory_space<vmem>>) offsets(%dma_start3A_326 : memref<128xi32, #tpu.memory_space<vmem>>) semaphore(%arg38 : memref<!tpu.dma_semaphore, #tpu.memory_space<semaphore_mem>>)
    %dma_start3A_330 = arith.constant 640 : i32
    %dma_start3A_331 = arith.constant 0 : i32
    %dma_start3A_332 = tpu.memref_slice %arg20[%dma_start3A_330, %dma_start3A_331] : memref<1024x4xf32, #tpu.memory_space<vmem>> -> memref<128x4xf32, #tpu.memory_space<vmem>>
    %dma_start3A_333 = arith.constant 640 : i32
    %dma_start3A_334 = tpu.memref_slice %arg18[%dma_start3A_333] : memref<1024xi32, #tpu.memory_space<vmem>> -> memref<128xi32, #tpu.memory_space<vmem>>
    %dma_start3A_335 = arith.constant 0 : i32
    %dma_start3A_336 = arith.constant 0 : i32
    %dma_start3A_337 = tpu.memref_slice %arg2[%dma_start3A_335, %dma_start3A_336] : memref<50000x4xf32, #tpu.memory_space<hbm>> -> memref<50000x4xf32, #tpu.memory_space<hbm>>
    tpu.enqueue_indirect_dma source(%dma_start3A_337 : memref<50000x4xf32, #tpu.memory_space<hbm>>) target(%dma_start3A_332 : memref<128x4xf32, #tpu.memory_space<vmem>>) offsets(%dma_start3A_334 : memref<128xi32, #tpu.memory_space<vmem>>) semaphore(%arg38 : memref<!tpu.dma_semaphore, #tpu.memory_space<semaphore_mem>>)
    %dma_start3A_338 = arith.constant 640 : i32
    %dma_start3A_339 = arith.constant 0 : i32
    %dma_start3A_340 = tpu.memref_slice %arg21[%dma_start3A_338, %dma_start3A_339] : memref<1024x4xf32, #tpu.memory_space<vmem>> -> memref<128x4xf32, #tpu.memory_space<vmem>>
    %dma_start3A_341 = arith.constant 640 : i32
    %dma_start3A_342 = tpu.memref_slice %arg19[%dma_start3A_341] : memref<1024xi32, #tpu.memory_space<vmem>> -> memref<128xi32, #tpu.memory_space<vmem>>
    %dma_start3A_343 = arith.constant 0 : i32
    %dma_start3A_344 = arith.constant 0 : i32
    %dma_start3A_345 = tpu.memref_slice %arg2[%dma_start3A_343, %dma_start3A_344] : memref<50000x4xf32, #tpu.memory_space<hbm>> -> memref<50000x4xf32, #tpu.memory_space<hbm>>
    tpu.enqueue_indirect_dma source(%dma_start3A_345 : memref<50000x4xf32, #tpu.memory_space<hbm>>) target(%dma_start3A_340 : memref<128x4xf32, #tpu.memory_space<vmem>>) offsets(%dma_start3A_342 : memref<128xi32, #tpu.memory_space<vmem>>) semaphore(%arg38 : memref<!tpu.dma_semaphore, #tpu.memory_space<semaphore_mem>>)
    %dma_start3A_346 = arith.constant 768 : i32
    %dma_start3A_347 = arith.constant 0 : i32
    %dma_start3A_348 = tpu.memref_slice %arg20[%dma_start3A_346, %dma_start3A_347] : memref<1024x4xf32, #tpu.memory_space<vmem>> -> memref<128x4xf32, #tpu.memory_space<vmem>>
    %dma_start3A_349 = arith.constant 768 : i32
    %dma_start3A_350 = tpu.memref_slice %arg18[%dma_start3A_349] : memref<1024xi32, #tpu.memory_space<vmem>> -> memref<128xi32, #tpu.memory_space<vmem>>
    %dma_start3A_351 = arith.constant 0 : i32
    %dma_start3A_352 = arith.constant 0 : i32
    %dma_start3A_353 = tpu.memref_slice %arg2[%dma_start3A_351, %dma_start3A_352] : memref<50000x4xf32, #tpu.memory_space<hbm>> -> memref<50000x4xf32, #tpu.memory_space<hbm>>
    tpu.enqueue_indirect_dma source(%dma_start3A_353 : memref<50000x4xf32, #tpu.memory_space<hbm>>) target(%dma_start3A_348 : memref<128x4xf32, #tpu.memory_space<vmem>>) offsets(%dma_start3A_350 : memref<128xi32, #tpu.memory_space<vmem>>) semaphore(%arg38 : memref<!tpu.dma_semaphore, #tpu.memory_space<semaphore_mem>>)
    %dma_start3A_354 = arith.constant 768 : i32
    %dma_start3A_355 = arith.constant 0 : i32
    %dma_start3A_356 = tpu.memref_slice %arg21[%dma_start3A_354, %dma_start3A_355] : memref<1024x4xf32, #tpu.memory_space<vmem>> -> memref<128x4xf32, #tpu.memory_space<vmem>>
    %dma_start3A_357 = arith.constant 768 : i32
    %dma_start3A_358 = tpu.memref_slice %arg19[%dma_start3A_357] : memref<1024xi32, #tpu.memory_space<vmem>> -> memref<128xi32, #tpu.memory_space<vmem>>
    %dma_start3A_359 = arith.constant 0 : i32
    %dma_start3A_360 = arith.constant 0 : i32
    %dma_start3A_361 = tpu.memref_slice %arg2[%dma_start3A_359, %dma_start3A_360] : memref<50000x4xf32, #tpu.memory_space<hbm>> -> memref<50000x4xf32, #tpu.memory_space<hbm>>
    tpu.enqueue_indirect_dma source(%dma_start3A_361 : memref<50000x4xf32, #tpu.memory_space<hbm>>) target(%dma_start3A_356 : memref<128x4xf32, #tpu.memory_space<vmem>>) offsets(%dma_start3A_358 : memref<128xi32, #tpu.memory_space<vmem>>) semaphore(%arg38 : memref<!tpu.dma_semaphore, #tpu.memory_space<semaphore_mem>>)
    %dma_start3A_362 = arith.constant 896 : i32
    %dma_start3A_363 = arith.constant 0 : i32
    %dma_start3A_364 = tpu.memref_slice %arg20[%dma_start3A_362, %dma_start3A_363] : memref<1024x4xf32, #tpu.memory_space<vmem>> -> memref<128x4xf32, #tpu.memory_space<vmem>>
    %dma_start3A_365 = arith.constant 896 : i32
    %dma_start3A_366 = tpu.memref_slice %arg18[%dma_start3A_365] : memref<1024xi32, #tpu.memory_space<vmem>> -> memref<128xi32, #tpu.memory_space<vmem>>
    %dma_start3A_367 = arith.constant 0 : i32
    %dma_start3A_368 = arith.constant 0 : i32
    %dma_start3A_369 = tpu.memref_slice %arg2[%dma_start3A_367, %dma_start3A_368] : memref<50000x4xf32, #tpu.memory_space<hbm>> -> memref<50000x4xf32, #tpu.memory_space<hbm>>
    tpu.enqueue_indirect_dma source(%dma_start3A_369 : memref<50000x4xf32, #tpu.memory_space<hbm>>) target(%dma_start3A_364 : memref<128x4xf32, #tpu.memory_space<vmem>>) offsets(%dma_start3A_366 : memref<128xi32, #tpu.memory_space<vmem>>) semaphore(%arg38 : memref<!tpu.dma_semaphore, #tpu.memory_space<semaphore_mem>>)
    %dma_start3A_370 = arith.constant 896 : i32
    %dma_start3A_371 = arith.constant 0 : i32
    %dma_start3A_372 = tpu.memref_slice %arg21[%dma_start3A_370, %dma_start3A_371] : memref<1024x4xf32, #tpu.memory_space<vmem>> -> memref<128x4xf32, #tpu.memory_space<vmem>>
    %dma_start3A_373 = arith.constant 896 : i32
    %dma_start3A_374 = tpu.memref_slice %arg19[%dma_start3A_373] : memref<1024xi32, #tpu.memory_space<vmem>> -> memref<128xi32, #tpu.memory_space<vmem>>
    %dma_start3A_375 = arith.constant 0 : i32
    %dma_start3A_376 = arith.constant 0 : i32
    %dma_start3A_377 = tpu.memref_slice %arg2[%dma_start3A_375, %dma_start3A_376] : memref<50000x4xf32, #tpu.memory_space<hbm>> -> memref<50000x4xf32, #tpu.memory_space<hbm>>
    tpu.enqueue_indirect_dma source(%dma_start3A_377 : memref<50000x4xf32, #tpu.memory_space<hbm>>) target(%dma_start3A_372 : memref<128x4xf32, #tpu.memory_space<vmem>>) offsets(%dma_start3A_374 : memref<128xi32, #tpu.memory_space<vmem>>) semaphore(%arg38 : memref<!tpu.dma_semaphore, #tpu.memory_space<semaphore_mem>>)
    %add3A_378 = arith.constant 47104 : i32
    %add3A_379 = arith.addi %mul3A_24, %add3A_378 : i32
    %dma_wait3A_380 = arith.constant 0 : i32
    %dma_wait3A_381 = tpu.memref_slice %arg15[%dma_wait3A_380] : memref<1024xf32, #tpu.memory_space<vmem>> -> memref<1024xf32, #tpu.memory_space<vmem>>
    %dma_wait3A_382 = tpu.memref_slice %arg5[%add3A_379] : memref<1600000xf32, #tpu.memory_space<hbm>> -> memref<1024xf32, #tpu.memory_space<hbm>>
    %dma_wait3A_383 = arith.constant 0 : i32
    %dma_wait3A_384 = tpu.memref_slice %arg15[%dma_wait3A_383] : memref<1024xf32, #tpu.memory_space<vmem>> -> memref<1024xf32, #tpu.memory_space<vmem>>
    %dma_wait3A_385 = tpu.memref_slice %arg5[%add3A_379] : memref<1600000xf32, #tpu.memory_space<hbm>> -> memref<1024xf32, #tpu.memory_space<hbm>>
    tpu.wait_dma2 semaphore(%arg35 : memref<!tpu.dma_semaphore, #tpu.memory_space<semaphore_mem>>) src(%dma_wait3A_385 : memref<1024xf32, #tpu.memory_space<hbm>>) dst(%dma_wait3A_384 : memref<1024xf32, #tpu.memory_space<vmem>>)
    %dma_wait3A_386 = arith.constant 0 : i32
    %dma_wait3A_387 = tpu.memref_slice %arg16[%dma_wait3A_386] : memref<1024xf32, #tpu.memory_space<vmem>> -> memref<1024xf32, #tpu.memory_space<vmem>>
    %dma_wait3A_388 = tpu.memref_slice %arg6[%add3A_379] : memref<1600000xf32, #tpu.memory_space<hbm>> -> memref<1024xf32, #tpu.memory_space<hbm>>
    %dma_wait3A_389 = arith.constant 0 : i32
    %dma_wait3A_390 = tpu.memref_slice %arg16[%dma_wait3A_389] : memref<1024xf32, #tpu.memory_space<vmem>> -> memref<1024xf32, #tpu.memory_space<vmem>>
    %dma_wait3A_391 = tpu.memref_slice %arg6[%add3A_379] : memref<1600000xf32, #tpu.memory_space<hbm>> -> memref<1024xf32, #tpu.memory_space<hbm>>
    tpu.wait_dma2 semaphore(%arg35 : memref<!tpu.dma_semaphore, #tpu.memory_space<semaphore_mem>>) src(%dma_wait3A_391 : memref<1024xf32, #tpu.memory_space<hbm>>) dst(%dma_wait3A_390 : memref<1024xf32, #tpu.memory_space<vmem>>)
    %dma_wait3A_392 = arith.constant 0 : i32
    %dma_wait3A_393 = tpu.memref_slice %arg17[%dma_wait3A_392] : memref<1024xf32, #tpu.memory_space<vmem>> -> memref<1024xf32, #tpu.memory_space<vmem>>
    %dma_wait3A_394 = tpu.memref_slice %arg7[%add3A_379] : memref<1600000xf32, #tpu.memory_space<hbm>> -> memref<1024xf32, #tpu.memory_space<hbm>>
    %dma_wait3A_395 = arith.constant 0 : i32
    %dma_wait3A_396 = tpu.memref_slice %arg17[%dma_wait3A_395] : memref<1024xf32, #tpu.memory_space<vmem>> -> memref<1024xf32, #tpu.memory_space<vmem>>
    %dma_wait3A_397 = tpu.memref_slice %arg7[%add3A_379] : memref<1600000xf32, #tpu.memory_space<hbm>> -> memref<1024xf32, #tpu.memory_space<hbm>>
    tpu.wait_dma2 semaphore(%arg35 : memref<!tpu.dma_semaphore, #tpu.memory_space<semaphore_mem>>) src(%dma_wait3A_397 : memref<1024xf32, #tpu.memory_space<hbm>>) dst(%dma_wait3A_396 : memref<1024xf32, #tpu.memory_space<vmem>>)
    %dma_wait3A_398 = arith.constant 0 : i32
    %dma_wait3A_399 = arith.constant 0 : i32
    %dma_wait3A_400 = tpu.memref_slice %arg13[%dma_wait3A_398, %dma_wait3A_399] : memref<1024x4xf32, #tpu.memory_space<vmem>> -> memref<128x4xf32, #tpu.memory_space<vmem>>
    %dma_wait3A_401 = arith.constant 0 : i32
    %dma_wait3A_402 = tpu.memref_slice %arg11[%dma_wait3A_401] : memref<1024xi32, #tpu.memory_space<vmem>> -> memref<128xi32, #tpu.memory_space<vmem>>
    %dma_wait3A_403 = arith.constant 0 : i32
    %dma_wait3A_404 = arith.constant 0 : i32
    %dma_wait3A_405 = tpu.memref_slice %arg2[%dma_wait3A_403, %dma_wait3A_404] : memref<50000x4xf32, #tpu.memory_space<hbm>> -> memref<50000x4xf32, #tpu.memory_space<hbm>>
    tpu.wait_indirect_dma semaphore(%arg37 : memref<!tpu.dma_semaphore, #tpu.memory_space<semaphore_mem>>) src(%dma_wait3A_405 : memref<50000x4xf32, #tpu.memory_space<hbm>>) dst(%dma_wait3A_400 : memref<128x4xf32, #tpu.memory_space<vmem>>)
    %dma_wait3A_406 = arith.constant 0 : i32
    %dma_wait3A_407 = arith.constant 0 : i32
    %dma_wait3A_408 = tpu.memref_slice %arg14[%dma_wait3A_406, %dma_wait3A_407] : memref<1024x4xf32, #tpu.memory_space<vmem>> -> memref<128x4xf32, #tpu.memory_space<vmem>>
    %dma_wait3A_409 = arith.constant 0 : i32
    %dma_wait3A_410 = tpu.memref_slice %arg12[%dma_wait3A_409] : memref<1024xi32, #tpu.memory_space<vmem>> -> memref<128xi32, #tpu.memory_space<vmem>>
    %dma_wait3A_411 = arith.constant 0 : i32
    %dma_wait3A_412 = arith.constant 0 : i32
    %dma_wait3A_413 = tpu.memref_slice %arg2[%dma_wait3A_411, %dma_wait3A_412] : memref<50000x4xf32, #tpu.memory_space<hbm>> -> memref<50000x4xf32, #tpu.memory_space<hbm>>
    tpu.wait_indirect_dma semaphore(%arg37 : memref<!tpu.dma_semaphore, #tpu.memory_space<semaphore_mem>>) src(%dma_wait3A_413 : memref<50000x4xf32, #tpu.memory_space<hbm>>) dst(%dma_wait3A_408 : memref<128x4xf32, #tpu.memory_space<vmem>>)
    %dma_wait3A_414 = arith.constant 128 : i32
    %dma_wait3A_415 = arith.constant 0 : i32
    %dma_wait3A_416 = tpu.memref_slice %arg13[%dma_wait3A_414, %dma_wait3A_415] : memref<1024x4xf32, #tpu.memory_space<vmem>> -> memref<128x4xf32, #tpu.memory_space<vmem>>
    %dma_wait3A_417 = arith.constant 128 : i32
    %dma_wait3A_418 = tpu.memref_slice %arg11[%dma_wait3A_417] : memref<1024xi32, #tpu.memory_space<vmem>> -> memref<128xi32, #tpu.memory_space<vmem>>
    %dma_wait3A_419 = arith.constant 0 : i32
    %dma_wait3A_420 = arith.constant 0 : i32
    %dma_wait3A_421 = tpu.memref_slice %arg2[%dma_wait3A_419, %dma_wait3A_420] : memref<50000x4xf32, #tpu.memory_space<hbm>> -> memref<50000x4xf32, #tpu.memory_space<hbm>>
    tpu.wait_indirect_dma semaphore(%arg37 : memref<!tpu.dma_semaphore, #tpu.memory_space<semaphore_mem>>) src(%dma_wait3A_421 : memref<50000x4xf32, #tpu.memory_space<hbm>>) dst(%dma_wait3A_416 : memref<128x4xf32, #tpu.memory_space<vmem>>)
    %dma_wait3A_422 = arith.constant 128 : i32
    %dma_wait3A_423 = arith.constant 0 : i32
    %dma_wait3A_424 = tpu.memref_slice %arg14[%dma_wait3A_422, %dma_wait3A_423] : memref<1024x4xf32, #tpu.memory_space<vmem>> -> memref<128x4xf32, #tpu.memory_space<vmem>>
    %dma_wait3A_425 = arith.constant 128 : i32
    %dma_wait3A_426 = tpu.memref_slice %arg12[%dma_wait3A_425] : memref<1024xi32, #tpu.memory_space<vmem>> -> memref<128xi32, #tpu.memory_space<vmem>>
    %dma_wait3A_427 = arith.constant 0 : i32
    %dma_wait3A_428 = arith.constant 0 : i32
    %dma_wait3A_429 = tpu.memref_slice %arg2[%dma_wait3A_427, %dma_wait3A_428] : memref<50000x4xf32, #tpu.memory_space<hbm>> -> memref<50000x4xf32, #tpu.memory_space<hbm>>
    tpu.wait_indirect_dma semaphore(%arg37 : memref<!tpu.dma_semaphore, #tpu.memory_space<semaphore_mem>>) src(%dma_wait3A_429 : memref<50000x4xf32, #tpu.memory_space<hbm>>) dst(%dma_wait3A_424 : memref<128x4xf32, #tpu.memory_space<vmem>>)
    %dma_wait3A_430 = arith.constant 256 : i32
    %dma_wait3A_431 = arith.constant 0 : i32
    %dma_wait3A_432 = tpu.memref_slice %arg13[%dma_wait3A_430, %dma_wait3A_431] : memref<1024x4xf32, #tpu.memory_space<vmem>> -> memref<128x4xf32, #tpu.memory_space<vmem>>
    %dma_wait3A_433 = arith.constant 256 : i32
    %dma_wait3A_434 = tpu.memref_slice %arg11[%dma_wait3A_433] : memref<1024xi32, #tpu.memory_space<vmem>> -> memref<128xi32, #tpu.memory_space<vmem>>
    %dma_wait3A_435 = arith.constant 0 : i32
    %dma_wait3A_436 = arith.constant 0 : i32
    %dma_wait3A_437 = tpu.memref_slice %arg2[%dma_wait3A_435, %dma_wait3A_436] : memref<50000x4xf32, #tpu.memory_space<hbm>> -> memref<50000x4xf32, #tpu.memory_space<hbm>>
    tpu.wait_indirect_dma semaphore(%arg37 : memref<!tpu.dma_semaphore, #tpu.memory_space<semaphore_mem>>) src(%dma_wait3A_437 : memref<50000x4xf32, #tpu.memory_space<hbm>>) dst(%dma_wait3A_432 : memref<128x4xf32, #tpu.memory_space<vmem>>)
    %dma_wait3A_438 = arith.constant 256 : i32
    %dma_wait3A_439 = arith.constant 0 : i32
    %dma_wait3A_440 = tpu.memref_slice %arg14[%dma_wait3A_438, %dma_wait3A_439] : memref<1024x4xf32, #tpu.memory_space<vmem>> -> memref<128x4xf32, #tpu.memory_space<vmem>>
    %dma_wait3A_441 = arith.constant 256 : i32
    %dma_wait3A_442 = tpu.memref_slice %arg12[%dma_wait3A_441] : memref<1024xi32, #tpu.memory_space<vmem>> -> memref<128xi32, #tpu.memory_space<vmem>>
    %dma_wait3A_443 = arith.constant 0 : i32
    %dma_wait3A_444 = arith.constant 0 : i32
    %dma_wait3A_445 = tpu.memref_slice %arg2[%dma_wait3A_443, %dma_wait3A_444] : memref<50000x4xf32, #tpu.memory_space<hbm>> -> memref<50000x4xf32, #tpu.memory_space<hbm>>
    tpu.wait_indirect_dma semaphore(%arg37 : memref<!tpu.dma_semaphore, #tpu.memory_space<semaphore_mem>>) src(%dma_wait3A_445 : memref<50000x4xf32, #tpu.memory_space<hbm>>) dst(%dma_wait3A_440 : memref<128x4xf32, #tpu.memory_space<vmem>>)
    %dma_wait3A_446 = arith.constant 384 : i32
    %dma_wait3A_447 = arith.constant 0 : i32
    %dma_wait3A_448 = tpu.memref_slice %arg13[%dma_wait3A_446, %dma_wait3A_447] : memref<1024x4xf32, #tpu.memory_space<vmem>> -> memref<128x4xf32, #tpu.memory_space<vmem>>
    %dma_wait3A_449 = arith.constant 384 : i32
    %dma_wait3A_450 = tpu.memref_slice %arg11[%dma_wait3A_449] : memref<1024xi32, #tpu.memory_space<vmem>> -> memref<128xi32, #tpu.memory_space<vmem>>
    %dma_wait3A_451 = arith.constant 0 : i32
    %dma_wait3A_452 = arith.constant 0 : i32
    %dma_wait3A_453 = tpu.memref_slice %arg2[%dma_wait3A_451, %dma_wait3A_452] : memref<50000x4xf32, #tpu.memory_space<hbm>> -> memref<50000x4xf32, #tpu.memory_space<hbm>>
    tpu.wait_indirect_dma semaphore(%arg37 : memref<!tpu.dma_semaphore, #tpu.memory_space<semaphore_mem>>) src(%dma_wait3A_453 : memref<50000x4xf32, #tpu.memory_space<hbm>>) dst(%dma_wait3A_448 : memref<128x4xf32, #tpu.memory_space<vmem>>)
    %dma_wait3A_454 = arith.constant 384 : i32
    %dma_wait3A_455 = arith.constant 0 : i32
    %dma_wait3A_456 = tpu.memref_slice %arg14[%dma_wait3A_454, %dma_wait3A_455] : memref<1024x4xf32, #tpu.memory_space<vmem>> -> memref<128x4xf32, #tpu.memory_space<vmem>>
    %dma_wait3A_457 = arith.constant 384 : i32
    %dma_wait3A_458 = tpu.memref_slice %arg12[%dma_wait3A_457] : memref<1024xi32, #tpu.memory_space<vmem>> -> memref<128xi32, #tpu.memory_space<vmem>>
    %dma_wait3A_459 = arith.constant 0 : i32
    %dma_wait3A_460 = arith.constant 0 : i32
    %dma_wait3A_461 = tpu.memref_slice %arg2[%dma_wait3A_459, %dma_wait3A_460] : memref<50000x4xf32, #tpu.memory_space<hbm>> -> memref<50000x4xf32, #tpu.memory_space<hbm>>
    tpu.wait_indirect_dma semaphore(%arg37 : memref<!tpu.dma_semaphore, #tpu.memory_space<semaphore_mem>>) src(%dma_wait3A_461 : memref<50000x4xf32, #tpu.memory_space<hbm>>) dst(%dma_wait3A_456 : memref<128x4xf32, #tpu.memory_space<vmem>>)
    %dma_wait3A_462 = arith.constant 512 : i32
    %dma_wait3A_463 = arith.constant 0 : i32
    %dma_wait3A_464 = tpu.memref_slice %arg13[%dma_wait3A_462, %dma_wait3A_463] : memref<1024x4xf32, #tpu.memory_space<vmem>> -> memref<128x4xf32, #tpu.memory_space<vmem>>
    %dma_wait3A_465 = arith.constant 512 : i32
    %dma_wait3A_466 = tpu.memref_slice %arg11[%dma_wait3A_465] : memref<1024xi32, #tpu.memory_space<vmem>> -> memref<128xi32, #tpu.memory_space<vmem>>
    %dma_wait3A_467 = arith.constant 0 : i32
    %dma_wait3A_468 = arith.constant 0 : i32
    %dma_wait3A_469 = tpu.memref_slice %arg2[%dma_wait3A_467, %dma_wait3A_468] : memref<50000x4xf32, #tpu.memory_space<hbm>> -> memref<50000x4xf32, #tpu.memory_space<hbm>>
    tpu.wait_indirect_dma semaphore(%arg37 : memref<!tpu.dma_semaphore, #tpu.memory_space<semaphore_mem>>) src(%dma_wait3A_469 : memref<50000x4xf32, #tpu.memory_space<hbm>>) dst(%dma_wait3A_464 : memref<128x4xf32, #tpu.memory_space<vmem>>)
    %dma_wait3A_470 = arith.constant 512 : i32
    %dma_wait3A_471 = arith.constant 0 : i32
    %dma_wait3A_472 = tpu.memref_slice %arg14[%dma_wait3A_470, %dma_wait3A_471] : memref<1024x4xf32, #tpu.memory_space<vmem>> -> memref<128x4xf32, #tpu.memory_space<vmem>>
    %dma_wait3A_473 = arith.constant 512 : i32
    %dma_wait3A_474 = tpu.memref_slice %arg12[%dma_wait3A_473] : memref<1024xi32, #tpu.memory_space<vmem>> -> memref<128xi32, #tpu.memory_space<vmem>>
    %dma_wait3A_475 = arith.constant 0 : i32
    %dma_wait3A_476 = arith.constant 0 : i32
    %dma_wait3A_477 = tpu.memref_slice %arg2[%dma_wait3A_475, %dma_wait3A_476] : memref<50000x4xf32, #tpu.memory_space<hbm>> -> memref<50000x4xf32, #tpu.memory_space<hbm>>
    tpu.wait_indirect_dma semaphore(%arg37 : memref<!tpu.dma_semaphore, #tpu.memory_space<semaphore_mem>>) src(%dma_wait3A_477 : memref<50000x4xf32, #tpu.memory_space<hbm>>) dst(%dma_wait3A_472 : memref<128x4xf32, #tpu.memory_space<vmem>>)
    %dma_wait3A_478 = arith.constant 640 : i32
    %dma_wait3A_479 = arith.constant 0 : i32
    %dma_wait3A_480 = tpu.memref_slice %arg13[%dma_wait3A_478, %dma_wait3A_479] : memref<1024x4xf32, #tpu.memory_space<vmem>> -> memref<128x4xf32, #tpu.memory_space<vmem>>
    %dma_wait3A_481 = arith.constant 640 : i32
    %dma_wait3A_482 = tpu.memref_slice %arg11[%dma_wait3A_481] : memref<1024xi32, #tpu.memory_space<vmem>> -> memref<128xi32, #tpu.memory_space<vmem>>
    %dma_wait3A_483 = arith.constant 0 : i32
    %dma_wait3A_484 = arith.constant 0 : i32
    %dma_wait3A_485 = tpu.memref_slice %arg2[%dma_wait3A_483, %dma_wait3A_484] : memref<50000x4xf32, #tpu.memory_space<hbm>> -> memref<50000x4xf32, #tpu.memory_space<hbm>>
    tpu.wait_indirect_dma semaphore(%arg37 : memref<!tpu.dma_semaphore, #tpu.memory_space<semaphore_mem>>) src(%dma_wait3A_485 : memref<50000x4xf32, #tpu.memory_space<hbm>>) dst(%dma_wait3A_480 : memref<128x4xf32, #tpu.memory_space<vmem>>)
    %dma_wait3A_486 = arith.constant 640 : i32
    %dma_wait3A_487 = arith.constant 0 : i32
    %dma_wait3A_488 = tpu.memref_slice %arg14[%dma_wait3A_486, %dma_wait3A_487] : memref<1024x4xf32, #tpu.memory_space<vmem>> -> memref<128x4xf32, #tpu.memory_space<vmem>>
    %dma_wait3A_489 = arith.constant 640 : i32
    %dma_wait3A_490 = tpu.memref_slice %arg12[%dma_wait3A_489] : memref<1024xi32, #tpu.memory_space<vmem>> -> memref<128xi32, #tpu.memory_space<vmem>>
    %dma_wait3A_491 = arith.constant 0 : i32
    %dma_wait3A_492 = arith.constant 0 : i32
    %dma_wait3A_493 = tpu.memref_slice %arg2[%dma_wait3A_491, %dma_wait3A_492] : memref<50000x4xf32, #tpu.memory_space<hbm>> -> memref<50000x4xf32, #tpu.memory_space<hbm>>
    tpu.wait_indirect_dma semaphore(%arg37 : memref<!tpu.dma_semaphore, #tpu.memory_space<semaphore_mem>>) src(%dma_wait3A_493 : memref<50000x4xf32, #tpu.memory_space<hbm>>) dst(%dma_wait3A_488 : memref<128x4xf32, #tpu.memory_space<vmem>>)
    %dma_wait3A_494 = arith.constant 768 : i32
    %dma_wait3A_495 = arith.constant 0 : i32
    %dma_wait3A_496 = tpu.memref_slice %arg13[%dma_wait3A_494, %dma_wait3A_495] : memref<1024x4xf32, #tpu.memory_space<vmem>> -> memref<128x4xf32, #tpu.memory_space<vmem>>
    %dma_wait3A_497 = arith.constant 768 : i32
    %dma_wait3A_498 = tpu.memref_slice %arg11[%dma_wait3A_497] : memref<1024xi32, #tpu.memory_space<vmem>> -> memref<128xi32, #tpu.memory_space<vmem>>
    %dma_wait3A_499 = arith.constant 0 : i32
    %dma_wait3A_500 = arith.constant 0 : i32
    %dma_wait3A_501 = tpu.memref_slice %arg2[%dma_wait3A_499, %dma_wait3A_500] : memref<50000x4xf32, #tpu.memory_space<hbm>> -> memref<50000x4xf32, #tpu.memory_space<hbm>>
    tpu.wait_indirect_dma semaphore(%arg37 : memref<!tpu.dma_semaphore, #tpu.memory_space<semaphore_mem>>) src(%dma_wait3A_501 : memref<50000x4xf32, #tpu.memory_space<hbm>>) dst(%dma_wait3A_496 : memref<128x4xf32, #tpu.memory_space<vmem>>)
    %dma_wait3A_502 = arith.constant 768 : i32
    %dma_wait3A_503 = arith.constant 0 : i32
    %dma_wait3A_504 = tpu.memref_slice %arg14[%dma_wait3A_502, %dma_wait3A_503] : memref<1024x4xf32, #tpu.memory_space<vmem>> -> memref<128x4xf32, #tpu.memory_space<vmem>>
    %dma_wait3A_505 = arith.constant 768 : i32
    %dma_wait3A_506 = tpu.memref_slice %arg12[%dma_wait3A_505] : memref<1024xi32, #tpu.memory_space<vmem>> -> memref<128xi32, #tpu.memory_space<vmem>>
    %dma_wait3A_507 = arith.constant 0 : i32
    %dma_wait3A_508 = arith.constant 0 : i32
    %dma_wait3A_509 = tpu.memref_slice %arg2[%dma_wait3A_507, %dma_wait3A_508] : memref<50000x4xf32, #tpu.memory_space<hbm>> -> memref<50000x4xf32, #tpu.memory_space<hbm>>
    tpu.wait_indirect_dma semaphore(%arg37 : memref<!tpu.dma_semaphore, #tpu.memory_space<semaphore_mem>>) src(%dma_wait3A_509 : memref<50000x4xf32, #tpu.memory_space<hbm>>) dst(%dma_wait3A_504 : memref<128x4xf32, #tpu.memory_space<vmem>>)
    %dma_wait3A_510 = arith.constant 896 : i32
    %dma_wait3A_511 = arith.constant 0 : i32
    %dma_wait3A_512 = tpu.memref_slice %arg13[%dma_wait3A_510, %dma_wait3A_511] : memref<1024x4xf32, #tpu.memory_space<vmem>> -> memref<128x4xf32, #tpu.memory_space<vmem>>
    %dma_wait3A_513 = arith.constant 896 : i32
    %dma_wait3A_514 = tpu.memref_slice %arg11[%dma_wait3A_513] : memref<1024xi32, #tpu.memory_space<vmem>> -> memref<128xi32, #tpu.memory_space<vmem>>
    %dma_wait3A_515 = arith.constant 0 : i32
    %dma_wait3A_516 = arith.constant 0 : i32
    %dma_wait3A_517 = tpu.memref_slice %arg2[%dma_wait3A_515, %dma_wait3A_516] : memref<50000x4xf32, #tpu.memory_space<hbm>> -> memref<50000x4xf32, #tpu.memory_space<hbm>>
    tpu.wait_indirect_dma semaphore(%arg37 : memref<!tpu.dma_semaphore, #tpu.memory_space<semaphore_mem>>) src(%dma_wait3A_517 : memref<50000x4xf32, #tpu.memory_space<hbm>>) dst(%dma_wait3A_512 : memref<128x4xf32, #tpu.memory_space<vmem>>)
    %dma_wait3A_518 = arith.constant 896 : i32
    %dma_wait3A_519 = arith.constant 0 : i32
    %dma_wait3A_520 = tpu.memref_slice %arg14[%dma_wait3A_518, %dma_wait3A_519] : memref<1024x4xf32, #tpu.memory_space<vmem>> -> memref<128x4xf32, #tpu.memory_space<vmem>>
    %dma_wait3A_521 = arith.constant 896 : i32
    %dma_wait3A_522 = tpu.memref_slice %arg12[%dma_wait3A_521] : memref<1024xi32, #tpu.memory_space<vmem>> -> memref<128xi32, #tpu.memory_space<vmem>>
    %dma_wait3A_523 = arith.constant 0 : i32
    %dma_wait3A_524 = arith.constant 0 : i32
    %dma_wait3A_525 = tpu.memref_slice %arg2[%dma_wait3A_523, %dma_wait3A_524] : memref<50000x4xf32, #tpu.memory_space<hbm>> -> memref<50000x4xf32, #tpu.memory_space<hbm>>
    tpu.wait_indirect_dma semaphore(%arg37 : memref<!tpu.dma_semaphore, #tpu.memory_space<semaphore_mem>>) src(%dma_wait3A_525 : memref<50000x4xf32, #tpu.memory_space<hbm>>) dst(%dma_wait3A_520 : memref<128x4xf32, #tpu.memory_space<vmem>>)
    %scan3A_526 = arith.constant 0 : i32
    %scan3A_527 = arith.constant 0 : i32
    %scan3A_528 = arith.constant 64 : i32
    %scan3A_529 = arith.addi %scan3A_527, %scan3A_528 : i32
    %scan3A_530 = arith.constant 1 : i32
    %scan3A_531 = scf.for %scan3A_1009 = %scan3A_527 to %scan3A_529 step %scan3A_530 iter_args(%scan3A_1010 = %scan3A_526) -> (i32)  : i32 {
      %mul3A_1011 = arith.constant 16 : i32
      %mul3A_1012 = arith.muli %scan3A_1009, %mul3A_1011 : i32
      %get3A = arith.index_cast %mul3A_1012 : i32 to index
      %get3A_1013 = tpu.vector_load %arg11[%get3A] {strides = array<i32>} : memref<1024xi32, #tpu.memory_space<vmem>>, vector<16xi32>,
      %add3A_1014 = vector.broadcast %mul3A_1012 : i32 to vector<16xi32>
      %add3A_1015 = arith.addi %iota3A, %add3A_1014 : vector<16xi32>
      %gather3A = tpu.vector_load_idx %arg13[%add3A_1015, %broadcast_in_dim3A_3] : memref<1024x4xf32, #tpu.memory_space<vmem>>[vector<16xi32>, vector<16xi32>], vector<16xf32>,
      %gather3A_1016 = tpu.vector_load_idx %arg13[%add3A_1015, %add3A_6] : memref<1024x4xf32, #tpu.memory_space<vmem>>[vector<16xi32>, vector<16xi32>], vector<16xf32>,
      %gather3A_1017 = tpu.vector_load_idx %arg13[%add3A_1015, %add3A_9] : memref<1024x4xf32, #tpu.memory_space<vmem>>[vector<16xi32>, vector<16xi32>], vector<16xf32>,
      %gather3A_1018 = tpu.vector_load_idx %arg14[%add3A_1015, %broadcast_in_dim3A_3] : memref<1024x4xf32, #tpu.memory_space<vmem>>[vector<16xi32>, vector<16xi32>], vector<16xf32>,
      %gather3A_1019 = tpu.vector_load_idx %arg14[%add3A_1015, %add3A_6] : memref<1024x4xf32, #tpu.memory_space<vmem>>[vector<16xi32>, vector<16xi32>], vector<16xf32>,
      %gather3A_1020 = tpu.vector_load_idx %arg14[%add3A_1015, %add3A_9] : memref<1024x4xf32, #tpu.memory_space<vmem>>[vector<16xi32>, vector<16xi32>], vector<16xf32>,
      %get3A_1021 = arith.index_cast %mul3A_1012 : i32 to index
      %get3A_1022 = tpu.vector_load %arg15[%get3A_1021] {strides = array<i32>} : memref<1024xf32, #tpu.memory_space<vmem>>, vector<16xf32>,
      %get3A_1023 = arith.index_cast %mul3A_1012 : i32 to index
      %get3A_1024 = tpu.vector_load %arg16[%get3A_1023] {strides = array<i32>} : memref<1024xf32, #tpu.memory_space<vmem>>, vector<16xf32>,
      %get3A_1025 = arith.index_cast %mul3A_1012 : i32 to index
      %get3A_1026 = tpu.vector_load %arg17[%get3A_1025] {strides = array<i32>} : memref<1024xf32, #tpu.memory_space<vmem>>, vector<16xf32>,
      %mul3A_1027 = arith.mulf %get3A_1022, %get3A_1022 : vector<16xf32>
      %mul3A_1028 = arith.mulf %get3A_1024, %get3A_1024 : vector<16xf32>
      %add3A_1029 = arith.addf %mul3A_1027, %mul3A_1028 : vector<16xf32>
      %mul3A_1030 = arith.mulf %get3A_1026, %get3A_1026 : vector<16xf32>
      %add3A_1031 = arith.addf %add3A_1029, %mul3A_1030 : vector<16xf32>
      %mul3A_1032 = arith.constant 5.000000e-01 : f32
      %mul3A_1033 = vector.broadcast %mul3A_1032 : f32 to vector<16xf32>
      %mul3A_1034 = arith.mulf %mul3A_1033, %gather3A_1019 : vector<16xf32>
      %add3A_1035 = arith.addf %gather3A_1016, %mul3A_1034 : vector<16xf32>
      %mul3A_1036 = arith.constant 5.000000e-01 : f32
      %mul3A_1037 = vector.broadcast %mul3A_1036 : f32 to vector<16xf32>
      %mul3A_1038 = arith.mulf %mul3A_1037, %gather3A_1020 : vector<16xf32>
      %add3A_1039 = arith.addf %gather3A_1017, %mul3A_1038 : vector<16xf32>
      %mul3A_1040 = arith.mulf %gather3A, %gather3A_1018 : vector<16xf32>
      %abs3A = math.absf %mul3A_1040 : vector<16xf32>
      %sub3A = arith.constant 1.000000e+00 : f32
      %sub3A_1041 = vector.broadcast %sub3A : f32 to vector<16xf32>
      %sub3A_1042 = arith.subf %add3A_1035, %sub3A_1041 : vector<16xf32>
      %bitcast_convert_type3A = tpu.bitcast %add3A_1039 : vector<16xf32> -> vector<16xi32>
      %shift_right_arithmetic3A = arith.constant 23 : i32
      %shift_right_arithmetic3A_1043 = vector.broadcast %shift_right_arithmetic3A : i32 to vector<16xi32>
      %shift_right_arithmetic3A_1044 = arith.shrsi %bitcast_convert_type3A, %shift_right_arithmetic3A_1043 : vector<16xi32>
      %sub3A_1045 = arith.constant 127 : i32
      %sub3A_1046 = vector.broadcast %sub3A_1045 : i32 to vector<16xi32>
      %sub3A_1047 = arith.subi %shift_right_arithmetic3A_1044, %sub3A_1046 : vector<16xi32>
      %and3A = arith.constant 8388607 : i32
      %and3A_1048 = vector.broadcast %and3A : i32 to vector<16xi32>
      %and3A_1049 = arith.andi %bitcast_convert_type3A, %and3A_1048 : vector<16xi32>
      %or3A = arith.constant 1065353216 : i32
      %or3A_1050 = vector.broadcast %or3A : i32 to vector<16xi32>
      %or3A_1051 = arith.ori %and3A_1049, %or3A_1050 : vector<16xi32>
      %bitcast_convert_type3A_1052 = tpu.bitcast %or3A_1051 : vector<16xi32> -> vector<16xf32>
      %gt3A = arith.constant 1.41421354 : f32
      %gt3A_1053 = vector.broadcast %gt3A : f32 to vector<16xf32>
      %gt3A_1054 = arith.cmpf ogt, %bitcast_convert_type3A_1052, %gt3A_1053 : vector<16xf32>
      %mul3A_1055 = arith.constant 5.000000e-01 : f32
      %mul3A_1056 = vector.broadcast %mul3A_1055 : f32 to vector<16xf32>
      %mul3A_1057 = arith.mulf %bitcast_convert_type3A_1052, %mul3A_1056 : vector<16xf32>
      %select_n3A = arith.select %gt3A_1054, %mul3A_1057, %bitcast_convert_type3A_1052 : vector<16xi1>, vector<16xf32>
      %convert_element_type3A_1058 = arith.sitofp %sub3A_1047 : vector<16xi32> to vector<16xf32>
      %jit3A = arith.constant 1.000000e+00 : f32
      %jit3A_1059 = arith.constant 0.000000e+00 : f32
      %broadcast_in_dim3A_1060 = vector.broadcast %jit3A : f32 to vector<16xf32>
      %broadcast_in_dim3A_1061 = vector.broadcast %jit3A_1059 : f32 to vector<16xf32>
      %select_n3A_1062 = arith.select %gt3A_1054, %broadcast_in_dim3A_1060, %broadcast_in_dim3A_1061 : vector<16xi1>, vector<16xf32>
      %add3A_1063 = arith.addf %convert_element_type3A_1058, %select_n3A_1062 : vector<16xf32>
      %sub3A_1064 = arith.constant 1.000000e+00 : f32
      %sub3A_1065 = vector.broadcast %sub3A_1064 : f32 to vector<16xf32>
      %sub3A_1066 = arith.subf %select_n3A, %sub3A_1065 : vector<16xf32>
      %add3A_1067 = arith.constant 1.000000e+00 : f32
      %add3A_1068 = vector.broadcast %add3A_1067 : f32 to vector<16xf32>
      %add3A_1069 = arith.addf %select_n3A, %add3A_1068 : vector<16xf32>
      %div3A = arith.divf %sub3A_1066, %add3A_1069 : vector<16xf32>
      %mul3A_1070 = arith.mulf %div3A, %div3A : vector<16xf32>
      %mul3A_1071 = arith.constant 0.285714298 : f32
      %mul3A_1072 = vector.broadcast %mul3A_1071 : f32 to vector<16xf32>
      %mul3A_1073 = arith.mulf %mul3A_1070, %mul3A_1072 : vector<16xf32>
      %add3A_1074 = arith.constant 4.000000e-01 : f32
      %add3A_1075 = vector.broadcast %add3A_1074 : f32 to vector<16xf32>
      %add3A_1076 = arith.addf %add3A_1075, %mul3A_1073 : vector<16xf32>
      %mul3A_1077 = arith.mulf %mul3A_1070, %add3A_1076 : vector<16xf32>
      %add3A_1078 = arith.constant 0.666666686 : f32
      %add3A_1079 = vector.broadcast %add3A_1078 : f32 to vector<16xf32>
      %add3A_1080 = arith.addf %add3A_1079, %mul3A_1077 : vector<16xf32>
      %mul3A_1081 = arith.mulf %mul3A_1070, %add3A_1080 : vector<16xf32>
      %add3A_1082 = arith.constant 2.000000e+00 : f32
      %add3A_1083 = vector.broadcast %add3A_1082 : f32 to vector<16xf32>
      %add3A_1084 = arith.addf %add3A_1083, %mul3A_1081 : vector<16xf32>
      %mul3A_1085 = arith.constant 0.693147182 : f32
      %mul3A_1086 = vector.broadcast %mul3A_1085 : f32 to vector<16xf32>
      %mul3A_1087 = arith.mulf %add3A_1063, %mul3A_1086 : vector<16xf32>
      %mul3A_1088 = arith.mulf %div3A, %add3A_1084 : vector<16xf32>
      %add3A_1089 = arith.addf %mul3A_1087, %mul3A_1088 : vector<16xf32>
      %mul3A_1090 = arith.mulf %sub3A_1042, %add3A_1089 : vector<16xf32>
      %exp3A = math.exp %mul3A_1090 : vector<16xf32>
      %mul3A_1091 = arith.mulf %abs3A, %exp3A : vector<16xf32>
      %div3A_1092 = arith.divf %mul3A_1091, %add3A_1035 : vector<16xf32>
      %bitcast_convert_type3A_1093 = tpu.bitcast %add3A_1031 : vector<16xf32> -> vector<16xi32>
      %shift_right_arithmetic3A_1094 = arith.constant 23 : i32
      %shift_right_arithmetic3A_1095 = vector.broadcast %shift_right_arithmetic3A_1094 : i32 to vector<16xi32>
      %shift_right_arithmetic3A_1096 = arith.shrsi %bitcast_convert_type3A_1093, %shift_right_arithmetic3A_1095 : vector<16xi32>
      %sub3A_1097 = arith.constant 127 : i32
      %sub3A_1098 = vector.broadcast %sub3A_1097 : i32 to vector<16xi32>
      %sub3A_1099 = arith.subi %shift_right_arithmetic3A_1096, %sub3A_1098 : vector<16xi32>
      %and3A_1100 = arith.constant 8388607 : i32
      %and3A_1101 = vector.broadcast %and3A_1100 : i32 to vector<16xi32>
      %and3A_1102 = arith.andi %bitcast_convert_type3A_1093, %and3A_1101 : vector<16xi32>
      %or3A_1103 = arith.constant 1065353216 : i32
      %or3A_1104 = vector.broadcast %or3A_1103 : i32 to vector<16xi32>
      %or3A_1105 = arith.ori %and3A_1102, %or3A_1104 : vector<16xi32>
      %bitcast_convert_type3A_1106 = tpu.bitcast %or3A_1105 : vector<16xi32> -> vector<16xf32>
      %gt3A_1107 = arith.constant 1.41421354 : f32
      %gt3A_1108 = vector.broadcast %gt3A_1107 : f32 to vector<16xf32>
      %gt3A_1109 = arith.cmpf ogt, %bitcast_convert_type3A_1106, %gt3A_1108 : vector<16xf32>
      %mul3A_1110 = arith.constant 5.000000e-01 : f32
      %mul3A_1111 = vector.broadcast %mul3A_1110 : f32 to vector<16xf32>
      %mul3A_1112 = arith.mulf %bitcast_convert_type3A_1106, %mul3A_1111 : vector<16xf32>
      %select_n3A_1113 = arith.select %gt3A_1109, %mul3A_1112, %bitcast_convert_type3A_1106 : vector<16xi1>, vector<16xf32>
      %convert_element_type3A_1114 = arith.sitofp %sub3A_1099 : vector<16xi32> to vector<16xf32>
      %jit3A_1115 = arith.constant 1.000000e+00 : f32
      %jit3A_1116 = arith.constant 0.000000e+00 : f32
      %broadcast_in_dim3A_1117 = vector.broadcast %jit3A_1115 : f32 to vector<16xf32>
      %broadcast_in_dim3A_1118 = vector.broadcast %jit3A_1116 : f32 to vector<16xf32>
      %select_n3A_1119 = arith.select %gt3A_1109, %broadcast_in_dim3A_1117, %broadcast_in_dim3A_1118 : vector<16xi1>, vector<16xf32>
      %add3A_1120 = arith.addf %convert_element_type3A_1114, %select_n3A_1119 : vector<16xf32>
      %sub3A_1121 = arith.constant 1.000000e+00 : f32
      %sub3A_1122 = vector.broadcast %sub3A_1121 : f32 to vector<16xf32>
      %sub3A_1123 = arith.subf %select_n3A_1113, %sub3A_1122 : vector<16xf32>
      %add3A_1124 = arith.constant 1.000000e+00 : f32
      %add3A_1125 = vector.broadcast %add3A_1124 : f32 to vector<16xf32>
      %add3A_1126 = arith.addf %select_n3A_1113, %add3A_1125 : vector<16xf32>
      %div3A_1127 = arith.divf %sub3A_1123, %add3A_1126 : vector<16xf32>
      %mul3A_1128 = arith.mulf %div3A_1127, %div3A_1127 : vector<16xf32>
      %mul3A_1129 = arith.constant 0.285714298 : f32
      %mul3A_1130 = vector.broadcast %mul3A_1129 : f32 to vector<16xf32>
      %mul3A_1131 = arith.mulf %mul3A_1128, %mul3A_1130 : vector<16xf32>
      %add3A_1132 = arith.constant 4.000000e-01 : f32
      %add3A_1133 = vector.broadcast %add3A_1132 : f32 to vector<16xf32>
      %add3A_1134 = arith.addf %add3A_1133, %mul3A_1131 : vector<16xf32>
      %mul3A_1135 = arith.mulf %mul3A_1128, %add3A_1134 : vector<16xf32>
      %add3A_1136 = arith.constant 0.666666686 : f32
      %add3A_1137 = vector.broadcast %add3A_1136 : f32 to vector<16xf32>
      %add3A_1138 = arith.addf %add3A_1137, %mul3A_1135 : vector<16xf32>
      %mul3A_1139 = arith.mulf %mul3A_1128, %add3A_1138 : vector<16xf32>
      %add3A_1140 = arith.constant 2.000000e+00 : f32
      %add3A_1141 = vector.broadcast %add3A_1140 : f32 to vector<16xf32>
      %add3A_1142 = arith.addf %add3A_1141, %mul3A_1139 : vector<16xf32>
      %mul3A_1143 = arith.constant 0.693147182 : f32
      %mul3A_1144 = vector.broadcast %mul3A_1143 : f32 to vector<16xf32>
      %mul3A_1145 = arith.mulf %add3A_1120, %mul3A_1144 : vector<16xf32>
      %mul3A_1146 = arith.mulf %div3A_1127, %add3A_1142 : vector<16xf32>
      %add3A_1147 = arith.addf %mul3A_1145, %mul3A_1146 : vector<16xf32>
      %mul3A_1148 = arith.constant 5.000000e-01 : f32
      %mul3A_1149 = vector.broadcast %mul3A_1148 : f32 to vector<16xf32>
      %mul3A_1150 = arith.mulf %mul3A_1149, %add3A_1147 : vector<16xf32>
      %neg3A = arith.constant 0.000000e+00 : f32
      %neg3A_1151 = vector.broadcast %neg3A : f32 to vector<16xf32>
      %neg3A_1152 = arith.subf %neg3A_1151, %add3A_1035 : vector<16xf32>
      %mul3A_1153 = arith.mulf %neg3A_1152, %mul3A_1150 : vector<16xf32>
      %exp3A_1154 = math.exp %mul3A_1153 : vector<16xf32>
      %neg3A_1155 = arith.constant 0.000000e+00 : f32
      %neg3A_1156 = vector.broadcast %neg3A_1155 : f32 to vector<16xf32>
      %neg3A_1157 = arith.subf %neg3A_1156, %add3A_1035 : vector<16xf32>
      %mul3A_1158 = arith.constant 1.60943794 : f32
      %mul3A_1159 = vector.broadcast %mul3A_1158 : f32 to vector<16xf32>
      %mul3A_1160 = arith.mulf %neg3A_1157, %mul3A_1159 : vector<16xf32>
      %exp3A_1161 = math.exp %mul3A_1160 : vector<16xf32>
      %sub3A_1162 = arith.subf %exp3A_1154, %exp3A_1161 : vector<16xf32>
      %mul3A_1163 = arith.mulf %div3A_1092, %sub3A_1162 : vector<16xf32>
      %le3A = arith.constant 2.500000e+01 : f32
      %le3A_1164 = vector.broadcast %le3A : f32 to vector<16xf32>
      %le3A_1165 = arith.cmpf ole, %add3A_1031, %le3A_1164 : vector<16xf32>
      %jit3A_1166 = arith.constant 0.000000e+00 : f32
      %broadcast_in_dim3A_1167 = vector.broadcast %jit3A_1166 : f32 to vector<16xf32>
      %select_n3A_1168 = arith.select %le3A_1165, %mul3A_1163, %broadcast_in_dim3A_1167 : vector<16xi1>, vector<16xf32>
      tpu.vector_store_idx %arg25[%get3A_1013], %select_n3A_1168 {add = true} : memref<50176xf32, #tpu.memory_space<vmem>>[vector<16xi32>], vector<16xf32>,
      %scan3A_1169 = arith.constant 0 : i32
      scf.yield %scan3A_1169 : i32
    }
    %scan3A_532 = arith.constant 64 : i32
    %add3A_533 = arith.constant 48128 : i32
    %add3A_534 = arith.addi %mul3A_24, %add3A_533 : i32
    %dma_wait3A_535 = arith.constant 0 : i32
    %dma_wait3A_536 = tpu.memref_slice %arg22[%dma_wait3A_535] : memref<1024xf32, #tpu.memory_space<vmem>> -> memref<1024xf32, #tpu.memory_space<vmem>>
    %dma_wait3A_537 = tpu.memref_slice %arg5[%add3A_534] : memref<1600000xf32, #tpu.memory_space<hbm>> -> memref<1024xf32, #tpu.memory_space<hbm>>
    %dma_wait3A_538 = arith.constant 0 : i32
    %dma_wait3A_539 = tpu.memref_slice %arg22[%dma_wait3A_538] : memref<1024xf32, #tpu.memory_space<vmem>> -> memref<1024xf32, #tpu.memory_space<vmem>>
    %dma_wait3A_540 = tpu.memref_slice %arg5[%add3A_534] : memref<1600000xf32, #tpu.memory_space<hbm>> -> memref<1024xf32, #tpu.memory_space<hbm>>
    tpu.wait_dma2 semaphore(%arg36 : memref<!tpu.dma_semaphore, #tpu.memory_space<semaphore_mem>>) src(%dma_wait3A_540 : memref<1024xf32, #tpu.memory_space<hbm>>) dst(%dma_wait3A_539 : memref<1024xf32, #tpu.memory_space<vmem>>)
    %dma_wait3A_541 = arith.constant 0 : i32
    %dma_wait3A_542 = tpu.memref_slice %arg23[%dma_wait3A_541] : memref<1024xf32, #tpu.memory_space<vmem>> -> memref<1024xf32, #tpu.memory_space<vmem>>
    %dma_wait3A_543 = tpu.memref_slice %arg6[%add3A_534] : memref<1600000xf32, #tpu.memory_space<hbm>> -> memref<1024xf32, #tpu.memory_space<hbm>>
    %dma_wait3A_544 = arith.constant 0 : i32
    %dma_wait3A_545 = tpu.memref_slice %arg23[%dma_wait3A_544] : memref<1024xf32, #tpu.memory_space<vmem>> -> memref<1024xf32, #tpu.memory_space<vmem>>
    %dma_wait3A_546 = tpu.memref_slice %arg6[%add3A_534] : memref<1600000xf32, #tpu.memory_space<hbm>> -> memref<1024xf32, #tpu.memory_space<hbm>>
    tpu.wait_dma2 semaphore(%arg36 : memref<!tpu.dma_semaphore, #tpu.memory_space<semaphore_mem>>) src(%dma_wait3A_546 : memref<1024xf32, #tpu.memory_space<hbm>>) dst(%dma_wait3A_545 : memref<1024xf32, #tpu.memory_space<vmem>>)
    %dma_wait3A_547 = arith.constant 0 : i32
    %dma_wait3A_548 = tpu.memref_slice %arg24[%dma_wait3A_547] : memref<1024xf32, #tpu.memory_space<vmem>> -> memref<1024xf32, #tpu.memory_space<vmem>>
    %dma_wait3A_549 = tpu.memref_slice %arg7[%add3A_534] : memref<1600000xf32, #tpu.memory_space<hbm>> -> memref<1024xf32, #tpu.memory_space<hbm>>
    %dma_wait3A_550 = arith.constant 0 : i32
    %dma_wait3A_551 = tpu.memref_slice %arg24[%dma_wait3A_550] : memref<1024xf32, #tpu.memory_space<vmem>> -> memref<1024xf32, #tpu.memory_space<vmem>>
    %dma_wait3A_552 = tpu.memref_slice %arg7[%add3A_534] : memref<1600000xf32, #tpu.memory_space<hbm>> -> memref<1024xf32, #tpu.memory_space<hbm>>
    tpu.wait_dma2 semaphore(%arg36 : memref<!tpu.dma_semaphore, #tpu.memory_space<semaphore_mem>>) src(%dma_wait3A_552 : memref<1024xf32, #tpu.memory_space<hbm>>) dst(%dma_wait3A_551 : memref<1024xf32, #tpu.memory_space<vmem>>)
    %dma_wait3A_553 = arith.constant 0 : i32
    %dma_wait3A_554 = arith.constant 0 : i32
    %dma_wait3A_555 = tpu.memref_slice %arg20[%dma_wait3A_553, %dma_wait3A_554] : memref<1024x4xf32, #tpu.memory_space<vmem>> -> memref<128x4xf32, #tpu.memory_space<vmem>>
    %dma_wait3A_556 = arith.constant 0 : i32
    %dma_wait3A_557 = tpu.memref_slice %arg18[%dma_wait3A_556] : memref<1024xi32, #tpu.memory_space<vmem>> -> memref<128xi32, #tpu.memory_space<vmem>>
    %dma_wait3A_558 = arith.constant 0 : i32
    %dma_wait3A_559 = arith.constant 0 : i32
    %dma_wait3A_560 = tpu.memref_slice %arg2[%dma_wait3A_558, %dma_wait3A_559] : memref<50000x4xf32, #tpu.memory_space<hbm>> -> memref<50000x4xf32, #tpu.memory_space<hbm>>
    tpu.wait_indirect_dma semaphore(%arg38 : memref<!tpu.dma_semaphore, #tpu.memory_space<semaphore_mem>>) src(%dma_wait3A_560 : memref<50000x4xf32, #tpu.memory_space<hbm>>) dst(%dma_wait3A_555 : memref<128x4xf32, #tpu.memory_space<vmem>>)
    %dma_wait3A_561 = arith.constant 0 : i32
    %dma_wait3A_562 = arith.constant 0 : i32
    %dma_wait3A_563 = tpu.memref_slice %arg21[%dma_wait3A_561, %dma_wait3A_562] : memref<1024x4xf32, #tpu.memory_space<vmem>> -> memref<128x4xf32, #tpu.memory_space<vmem>>
    %dma_wait3A_564 = arith.constant 0 : i32
    %dma_wait3A_565 = tpu.memref_slice %arg19[%dma_wait3A_564] : memref<1024xi32, #tpu.memory_space<vmem>> -> memref<128xi32, #tpu.memory_space<vmem>>
    %dma_wait3A_566 = arith.constant 0 : i32
    %dma_wait3A_567 = arith.constant 0 : i32
    %dma_wait3A_568 = tpu.memref_slice %arg2[%dma_wait3A_566, %dma_wait3A_567] : memref<50000x4xf32, #tpu.memory_space<hbm>> -> memref<50000x4xf32, #tpu.memory_space<hbm>>
    tpu.wait_indirect_dma semaphore(%arg38 : memref<!tpu.dma_semaphore, #tpu.memory_space<semaphore_mem>>) src(%dma_wait3A_568 : memref<50000x4xf32, #tpu.memory_space<hbm>>) dst(%dma_wait3A_563 : memref<128x4xf32, #tpu.memory_space<vmem>>)
    %dma_wait3A_569 = arith.constant 128 : i32
    %dma_wait3A_570 = arith.constant 0 : i32
    %dma_wait3A_571 = tpu.memref_slice %arg20[%dma_wait3A_569, %dma_wait3A_570] : memref<1024x4xf32, #tpu.memory_space<vmem>> -> memref<128x4xf32, #tpu.memory_space<vmem>>
    %dma_wait3A_572 = arith.constant 128 : i32
    %dma_wait3A_573 = tpu.memref_slice %arg18[%dma_wait3A_572] : memref<1024xi32, #tpu.memory_space<vmem>> -> memref<128xi32, #tpu.memory_space<vmem>>
    %dma_wait3A_574 = arith.constant 0 : i32
    %dma_wait3A_575 = arith.constant 0 : i32
    %dma_wait3A_576 = tpu.memref_slice %arg2[%dma_wait3A_574, %dma_wait3A_575] : memref<50000x4xf32, #tpu.memory_space<hbm>> -> memref<50000x4xf32, #tpu.memory_space<hbm>>
    tpu.wait_indirect_dma semaphore(%arg38 : memref<!tpu.dma_semaphore, #tpu.memory_space<semaphore_mem>>) src(%dma_wait3A_576 : memref<50000x4xf32, #tpu.memory_space<hbm>>) dst(%dma_wait3A_571 : memref<128x4xf32, #tpu.memory_space<vmem>>)
    %dma_wait3A_577 = arith.constant 128 : i32
    %dma_wait3A_578 = arith.constant 0 : i32
    %dma_wait3A_579 = tpu.memref_slice %arg21[%dma_wait3A_577, %dma_wait3A_578] : memref<1024x4xf32, #tpu.memory_space<vmem>> -> memref<128x4xf32, #tpu.memory_space<vmem>>
    %dma_wait3A_580 = arith.constant 128 : i32
    %dma_wait3A_581 = tpu.memref_slice %arg19[%dma_wait3A_580] : memref<1024xi32, #tpu.memory_space<vmem>> -> memref<128xi32, #tpu.memory_space<vmem>>
    %dma_wait3A_582 = arith.constant 0 : i32
    %dma_wait3A_583 = arith.constant 0 : i32
    %dma_wait3A_584 = tpu.memref_slice %arg2[%dma_wait3A_582, %dma_wait3A_583] : memref<50000x4xf32, #tpu.memory_space<hbm>> -> memref<50000x4xf32, #tpu.memory_space<hbm>>
    tpu.wait_indirect_dma semaphore(%arg38 : memref<!tpu.dma_semaphore, #tpu.memory_space<semaphore_mem>>) src(%dma_wait3A_584 : memref<50000x4xf32, #tpu.memory_space<hbm>>) dst(%dma_wait3A_579 : memref<128x4xf32, #tpu.memory_space<vmem>>)
    %dma_wait3A_585 = arith.constant 256 : i32
    %dma_wait3A_586 = arith.constant 0 : i32
    %dma_wait3A_587 = tpu.memref_slice %arg20[%dma_wait3A_585, %dma_wait3A_586] : memref<1024x4xf32, #tpu.memory_space<vmem>> -> memref<128x4xf32, #tpu.memory_space<vmem>>
    %dma_wait3A_588 = arith.constant 256 : i32
    %dma_wait3A_589 = tpu.memref_slice %arg18[%dma_wait3A_588] : memref<1024xi32, #tpu.memory_space<vmem>> -> memref<128xi32, #tpu.memory_space<vmem>>
    %dma_wait3A_590 = arith.constant 0 : i32
    %dma_wait3A_591 = arith.constant 0 : i32
    %dma_wait3A_592 = tpu.memref_slice %arg2[%dma_wait3A_590, %dma_wait3A_591] : memref<50000x4xf32, #tpu.memory_space<hbm>> -> memref<50000x4xf32, #tpu.memory_space<hbm>>
    tpu.wait_indirect_dma semaphore(%arg38 : memref<!tpu.dma_semaphore, #tpu.memory_space<semaphore_mem>>) src(%dma_wait3A_592 : memref<50000x4xf32, #tpu.memory_space<hbm>>) dst(%dma_wait3A_587 : memref<128x4xf32, #tpu.memory_space<vmem>>)
    %dma_wait3A_593 = arith.constant 256 : i32
    %dma_wait3A_594 = arith.constant 0 : i32
    %dma_wait3A_595 = tpu.memref_slice %arg21[%dma_wait3A_593, %dma_wait3A_594] : memref<1024x4xf32, #tpu.memory_space<vmem>> -> memref<128x4xf32, #tpu.memory_space<vmem>>
    %dma_wait3A_596 = arith.constant 256 : i32
    %dma_wait3A_597 = tpu.memref_slice %arg19[%dma_wait3A_596] : memref<1024xi32, #tpu.memory_space<vmem>> -> memref<128xi32, #tpu.memory_space<vmem>>
    %dma_wait3A_598 = arith.constant 0 : i32
    %dma_wait3A_599 = arith.constant 0 : i32
    %dma_wait3A_600 = tpu.memref_slice %arg2[%dma_wait3A_598, %dma_wait3A_599] : memref<50000x4xf32, #tpu.memory_space<hbm>> -> memref<50000x4xf32, #tpu.memory_space<hbm>>
    tpu.wait_indirect_dma semaphore(%arg38 : memref<!tpu.dma_semaphore, #tpu.memory_space<semaphore_mem>>) src(%dma_wait3A_600 : memref<50000x4xf32, #tpu.memory_space<hbm>>) dst(%dma_wait3A_595 : memref<128x4xf32, #tpu.memory_space<vmem>>)
    %dma_wait3A_601 = arith.constant 384 : i32
    %dma_wait3A_602 = arith.constant 0 : i32
    %dma_wait3A_603 = tpu.memref_slice %arg20[%dma_wait3A_601, %dma_wait3A_602] : memref<1024x4xf32, #tpu.memory_space<vmem>> -> memref<128x4xf32, #tpu.memory_space<vmem>>
    %dma_wait3A_604 = arith.constant 384 : i32
    %dma_wait3A_605 = tpu.memref_slice %arg18[%dma_wait3A_604] : memref<1024xi32, #tpu.memory_space<vmem>> -> memref<128xi32, #tpu.memory_space<vmem>>
    %dma_wait3A_606 = arith.constant 0 : i32
    %dma_wait3A_607 = arith.constant 0 : i32
    %dma_wait3A_608 = tpu.memref_slice %arg2[%dma_wait3A_606, %dma_wait3A_607] : memref<50000x4xf32, #tpu.memory_space<hbm>> -> memref<50000x4xf32, #tpu.memory_space<hbm>>
    tpu.wait_indirect_dma semaphore(%arg38 : memref<!tpu.dma_semaphore, #tpu.memory_space<semaphore_mem>>) src(%dma_wait3A_608 : memref<50000x4xf32, #tpu.memory_space<hbm>>) dst(%dma_wait3A_603 : memref<128x4xf32, #tpu.memory_space<vmem>>)
    %dma_wait3A_609 = arith.constant 384 : i32
    %dma_wait3A_610 = arith.constant 0 : i32
    %dma_wait3A_611 = tpu.memref_slice %arg21[%dma_wait3A_609, %dma_wait3A_610] : memref<1024x4xf32, #tpu.memory_space<vmem>> -> memref<128x4xf32, #tpu.memory_space<vmem>>
    %dma_wait3A_612 = arith.constant 384 : i32
    %dma_wait3A_613 = tpu.memref_slice %arg19[%dma_wait3A_612] : memref<1024xi32, #tpu.memory_space<vmem>> -> memref<128xi32, #tpu.memory_space<vmem>>
    %dma_wait3A_614 = arith.constant 0 : i32
    %dma_wait3A_615 = arith.constant 0 : i32
    %dma_wait3A_616 = tpu.memref_slice %arg2[%dma_wait3A_614, %dma_wait3A_615] : memref<50000x4xf32, #tpu.memory_space<hbm>> -> memref<50000x4xf32, #tpu.memory_space<hbm>>
    tpu.wait_indirect_dma semaphore(%arg38 : memref<!tpu.dma_semaphore, #tpu.memory_space<semaphore_mem>>) src(%dma_wait3A_616 : memref<50000x4xf32, #tpu.memory_space<hbm>>) dst(%dma_wait3A_611 : memref<128x4xf32, #tpu.memory_space<vmem>>)
    %dma_wait3A_617 = arith.constant 512 : i32
    %dma_wait3A_618 = arith.constant 0 : i32
    %dma_wait3A_619 = tpu.memref_slice %arg20[%dma_wait3A_617, %dma_wait3A_618] : memref<1024x4xf32, #tpu.memory_space<vmem>> -> memref<128x4xf32, #tpu.memory_space<vmem>>
    %dma_wait3A_620 = arith.constant 512 : i32
    %dma_wait3A_621 = tpu.memref_slice %arg18[%dma_wait3A_620] : memref<1024xi32, #tpu.memory_space<vmem>> -> memref<128xi32, #tpu.memory_space<vmem>>
    %dma_wait3A_622 = arith.constant 0 : i32
    %dma_wait3A_623 = arith.constant 0 : i32
    %dma_wait3A_624 = tpu.memref_slice %arg2[%dma_wait3A_622, %dma_wait3A_623] : memref<50000x4xf32, #tpu.memory_space<hbm>> -> memref<50000x4xf32, #tpu.memory_space<hbm>>
    tpu.wait_indirect_dma semaphore(%arg38 : memref<!tpu.dma_semaphore, #tpu.memory_space<semaphore_mem>>) src(%dma_wait3A_624 : memref<50000x4xf32, #tpu.memory_space<hbm>>) dst(%dma_wait3A_619 : memref<128x4xf32, #tpu.memory_space<vmem>>)
    %dma_wait3A_625 = arith.constant 512 : i32
    %dma_wait3A_626 = arith.constant 0 : i32
    %dma_wait3A_627 = tpu.memref_slice %arg21[%dma_wait3A_625, %dma_wait3A_626] : memref<1024x4xf32, #tpu.memory_space<vmem>> -> memref<128x4xf32, #tpu.memory_space<vmem>>
    %dma_wait3A_628 = arith.constant 512 : i32
    %dma_wait3A_629 = tpu.memref_slice %arg19[%dma_wait3A_628] : memref<1024xi32, #tpu.memory_space<vmem>> -> memref<128xi32, #tpu.memory_space<vmem>>
    %dma_wait3A_630 = arith.constant 0 : i32
    %dma_wait3A_631 = arith.constant 0 : i32
    %dma_wait3A_632 = tpu.memref_slice %arg2[%dma_wait3A_630, %dma_wait3A_631] : memref<50000x4xf32, #tpu.memory_space<hbm>> -> memref<50000x4xf32, #tpu.memory_space<hbm>>
    tpu.wait_indirect_dma semaphore(%arg38 : memref<!tpu.dma_semaphore, #tpu.memory_space<semaphore_mem>>) src(%dma_wait3A_632 : memref<50000x4xf32, #tpu.memory_space<hbm>>) dst(%dma_wait3A_627 : memref<128x4xf32, #tpu.memory_space<vmem>>)
    %dma_wait3A_633 = arith.constant 640 : i32
    %dma_wait3A_634 = arith.constant 0 : i32
    %dma_wait3A_635 = tpu.memref_slice %arg20[%dma_wait3A_633, %dma_wait3A_634] : memref<1024x4xf32, #tpu.memory_space<vmem>> -> memref<128x4xf32, #tpu.memory_space<vmem>>
    %dma_wait3A_636 = arith.constant 640 : i32
    %dma_wait3A_637 = tpu.memref_slice %arg18[%dma_wait3A_636] : memref<1024xi32, #tpu.memory_space<vmem>> -> memref<128xi32, #tpu.memory_space<vmem>>
    %dma_wait3A_638 = arith.constant 0 : i32
    %dma_wait3A_639 = arith.constant 0 : i32
    %dma_wait3A_640 = tpu.memref_slice %arg2[%dma_wait3A_638, %dma_wait3A_639] : memref<50000x4xf32, #tpu.memory_space<hbm>> -> memref<50000x4xf32, #tpu.memory_space<hbm>>
    tpu.wait_indirect_dma semaphore(%arg38 : memref<!tpu.dma_semaphore, #tpu.memory_space<semaphore_mem>>) src(%dma_wait3A_640 : memref<50000x4xf32, #tpu.memory_space<hbm>>) dst(%dma_wait3A_635 : memref<128x4xf32, #tpu.memory_space<vmem>>)
    %dma_wait3A_641 = arith.constant 640 : i32
    %dma_wait3A_642 = arith.constant 0 : i32
    %dma_wait3A_643 = tpu.memref_slice %arg21[%dma_wait3A_641, %dma_wait3A_642] : memref<1024x4xf32, #tpu.memory_space<vmem>> -> memref<128x4xf32, #tpu.memory_space<vmem>>
    %dma_wait3A_644 = arith.constant 640 : i32
    %dma_wait3A_645 = tpu.memref_slice %arg19[%dma_wait3A_644] : memref<1024xi32, #tpu.memory_space<vmem>> -> memref<128xi32, #tpu.memory_space<vmem>>
    %dma_wait3A_646 = arith.constant 0 : i32
    %dma_wait3A_647 = arith.constant 0 : i32
    %dma_wait3A_648 = tpu.memref_slice %arg2[%dma_wait3A_646, %dma_wait3A_647] : memref<50000x4xf32, #tpu.memory_space<hbm>> -> memref<50000x4xf32, #tpu.memory_space<hbm>>
    tpu.wait_indirect_dma semaphore(%arg38 : memref<!tpu.dma_semaphore, #tpu.memory_space<semaphore_mem>>) src(%dma_wait3A_648 : memref<50000x4xf32, #tpu.memory_space<hbm>>) dst(%dma_wait3A_643 : memref<128x4xf32, #tpu.memory_space<vmem>>)
    %dma_wait3A_649 = arith.constant 768 : i32
    %dma_wait3A_650 = arith.constant 0 : i32
    %dma_wait3A_651 = tpu.memref_slice %arg20[%dma_wait3A_649, %dma_wait3A_650] : memref<1024x4xf32, #tpu.memory_space<vmem>> -> memref<128x4xf32, #tpu.memory_space<vmem>>
    %dma_wait3A_652 = arith.constant 768 : i32
    %dma_wait3A_653 = tpu.memref_slice %arg18[%dma_wait3A_652] : memref<1024xi32, #tpu.memory_space<vmem>> -> memref<128xi32, #tpu.memory_space<vmem>>
    %dma_wait3A_654 = arith.constant 0 : i32
    %dma_wait3A_655 = arith.constant 0 : i32
    %dma_wait3A_656 = tpu.memref_slice %arg2[%dma_wait3A_654, %dma_wait3A_655] : memref<50000x4xf32, #tpu.memory_space<hbm>> -> memref<50000x4xf32, #tpu.memory_space<hbm>>
    tpu.wait_indirect_dma semaphore(%arg38 : memref<!tpu.dma_semaphore, #tpu.memory_space<semaphore_mem>>) src(%dma_wait3A_656 : memref<50000x4xf32, #tpu.memory_space<hbm>>) dst(%dma_wait3A_651 : memref<128x4xf32, #tpu.memory_space<vmem>>)
    %dma_wait3A_657 = arith.constant 768 : i32
    %dma_wait3A_658 = arith.constant 0 : i32
    %dma_wait3A_659 = tpu.memref_slice %arg21[%dma_wait3A_657, %dma_wait3A_658] : memref<1024x4xf32, #tpu.memory_space<vmem>> -> memref<128x4xf32, #tpu.memory_space<vmem>>
    %dma_wait3A_660 = arith.constant 768 : i32
    %dma_wait3A_661 = tpu.memref_slice %arg19[%dma_wait3A_660] : memref<1024xi32, #tpu.memory_space<vmem>> -> memref<128xi32, #tpu.memory_space<vmem>>
    %dma_wait3A_662 = arith.constant 0 : i32
    %dma_wait3A_663 = arith.constant 0 : i32
    %dma_wait3A_664 = tpu.memref_slice %arg2[%dma_wait3A_662, %dma_wait3A_663] : memref<50000x4xf32, #tpu.memory_space<hbm>> -> memref<50000x4xf32, #tpu.memory_space<hbm>>
    tpu.wait_indirect_dma semaphore(%arg38 : memref<!tpu.dma_semaphore, #tpu.memory_space<semaphore_mem>>) src(%dma_wait3A_664 : memref<50000x4xf32, #tpu.memory_space<hbm>>) dst(%dma_wait3A_659 : memref<128x4xf32, #tpu.memory_space<vmem>>)
    %dma_wait3A_665 = arith.constant 896 : i32
    %dma_wait3A_666 = arith.constant 0 : i32
    %dma_wait3A_667 = tpu.memref_slice %arg20[%dma_wait3A_665, %dma_wait3A_666] : memref<1024x4xf32, #tpu.memory_space<vmem>> -> memref<128x4xf32, #tpu.memory_space<vmem>>
    %dma_wait3A_668 = arith.constant 896 : i32
    %dma_wait3A_669 = tpu.memref_slice %arg18[%dma_wait3A_668] : memref<1024xi32, #tpu.memory_space<vmem>> -> memref<128xi32, #tpu.memory_space<vmem>>
    %dma_wait3A_670 = arith.constant 0 : i32
    %dma_wait3A_671 = arith.constant 0 : i32
    %dma_wait3A_672 = tpu.memref_slice %arg2[%dma_wait3A_670, %dma_wait3A_671] : memref<50000x4xf32, #tpu.memory_space<hbm>> -> memref<50000x4xf32, #tpu.memory_space<hbm>>
    tpu.wait_indirect_dma semaphore(%arg38 : memref<!tpu.dma_semaphore, #tpu.memory_space<semaphore_mem>>) src(%dma_wait3A_672 : memref<50000x4xf32, #tpu.memory_space<hbm>>) dst(%dma_wait3A_667 : memref<128x4xf32, #tpu.memory_space<vmem>>)
    %dma_wait3A_673 = arith.constant 896 : i32
    %dma_wait3A_674 = arith.constant 0 : i32
    %dma_wait3A_675 = tpu.memref_slice %arg21[%dma_wait3A_673, %dma_wait3A_674] : memref<1024x4xf32, #tpu.memory_space<vmem>> -> memref<128x4xf32, #tpu.memory_space<vmem>>
    %dma_wait3A_676 = arith.constant 896 : i32
    %dma_wait3A_677 = tpu.memref_slice %arg19[%dma_wait3A_676] : memref<1024xi32, #tpu.memory_space<vmem>> -> memref<128xi32, #tpu.memory_space<vmem>>
    %dma_wait3A_678 = arith.constant 0 : i32
    %dma_wait3A_679 = arith.constant 0 : i32
    %dma_wait3A_680 = tpu.memref_slice %arg2[%dma_wait3A_678, %dma_wait3A_679] : memref<50000x4xf32, #tpu.memory_space<hbm>> -> memref<50000x4xf32, #tpu.memory_space<hbm>>
    tpu.wait_indirect_dma semaphore(%arg38 : memref<!tpu.dma_semaphore, #tpu.memory_space<semaphore_mem>>) src(%dma_wait3A_680 : memref<50000x4xf32, #tpu.memory_space<hbm>>) dst(%dma_wait3A_675 : memref<128x4xf32, #tpu.memory_space<vmem>>)
    %scan3A_681 = arith.constant 0 : i32
    %scan3A_682 = arith.constant 0 : i32
    %scan3A_683 = arith.constant 64 : i32
    %scan3A_684 = arith.addi %scan3A_682, %scan3A_683 : i32
    %scan3A_685 = arith.constant 1 : i32
    %scan3A_686 = scf.for %scan3A_1009 = %scan3A_682 to %scan3A_684 step %scan3A_685 iter_args(%scan3A_1010 = %scan3A_681) -> (i32)  : i32 {
      %mul3A_1011 = arith.constant 16 : i32
      %mul3A_1012 = arith.muli %scan3A_1009, %mul3A_1011 : i32
      %get3A = arith.index_cast %mul3A_1012 : i32 to index
      %get3A_1013 = tpu.vector_load %arg18[%get3A] {strides = array<i32>} : memref<1024xi32, #tpu.memory_space<vmem>>, vector<16xi32>,
      %add3A_1014 = vector.broadcast %mul3A_1012 : i32 to vector<16xi32>
      %add3A_1015 = arith.addi %iota3A, %add3A_1014 : vector<16xi32>
      %gather3A = tpu.vector_load_idx %arg20[%add3A_1015, %broadcast_in_dim3A_3] : memref<1024x4xf32, #tpu.memory_space<vmem>>[vector<16xi32>, vector<16xi32>], vector<16xf32>,
      %gather3A_1016 = tpu.vector_load_idx %arg20[%add3A_1015, %add3A_6] : memref<1024x4xf32, #tpu.memory_space<vmem>>[vector<16xi32>, vector<16xi32>], vector<16xf32>,
      %gather3A_1017 = tpu.vector_load_idx %arg20[%add3A_1015, %add3A_9] : memref<1024x4xf32, #tpu.memory_space<vmem>>[vector<16xi32>, vector<16xi32>], vector<16xf32>,
      %gather3A_1018 = tpu.vector_load_idx %arg21[%add3A_1015, %broadcast_in_dim3A_3] : memref<1024x4xf32, #tpu.memory_space<vmem>>[vector<16xi32>, vector<16xi32>], vector<16xf32>,
      %gather3A_1019 = tpu.vector_load_idx %arg21[%add3A_1015, %add3A_6] : memref<1024x4xf32, #tpu.memory_space<vmem>>[vector<16xi32>, vector<16xi32>], vector<16xf32>,
      %gather3A_1020 = tpu.vector_load_idx %arg21[%add3A_1015, %add3A_9] : memref<1024x4xf32, #tpu.memory_space<vmem>>[vector<16xi32>, vector<16xi32>], vector<16xf32>,
      %get3A_1021 = arith.index_cast %mul3A_1012 : i32 to index
      %get3A_1022 = tpu.vector_load %arg22[%get3A_1021] {strides = array<i32>} : memref<1024xf32, #tpu.memory_space<vmem>>, vector<16xf32>,
      %get3A_1023 = arith.index_cast %mul3A_1012 : i32 to index
      %get3A_1024 = tpu.vector_load %arg23[%get3A_1023] {strides = array<i32>} : memref<1024xf32, #tpu.memory_space<vmem>>, vector<16xf32>,
      %get3A_1025 = arith.index_cast %mul3A_1012 : i32 to index
      %get3A_1026 = tpu.vector_load %arg24[%get3A_1025] {strides = array<i32>} : memref<1024xf32, #tpu.memory_space<vmem>>, vector<16xf32>,
      %mul3A_1027 = arith.mulf %get3A_1022, %get3A_1022 : vector<16xf32>
      %mul3A_1028 = arith.mulf %get3A_1024, %get3A_1024 : vector<16xf32>
      %add3A_1029 = arith.addf %mul3A_1027, %mul3A_1028 : vector<16xf32>
      %mul3A_1030 = arith.mulf %get3A_1026, %get3A_1026 : vector<16xf32>
      %add3A_1031 = arith.addf %add3A_1029, %mul3A_1030 : vector<16xf32>
      %mul3A_1032 = arith.constant 5.000000e-01 : f32
      %mul3A_1033 = vector.broadcast %mul3A_1032 : f32 to vector<16xf32>
      %mul3A_1034 = arith.mulf %mul3A_1033, %gather3A_1019 : vector<16xf32>
      %add3A_1035 = arith.addf %gather3A_1016, %mul3A_1034 : vector<16xf32>
      %mul3A_1036 = arith.constant 5.000000e-01 : f32
      %mul3A_1037 = vector.broadcast %mul3A_1036 : f32 to vector<16xf32>
      %mul3A_1038 = arith.mulf %mul3A_1037, %gather3A_1020 : vector<16xf32>
      %add3A_1039 = arith.addf %gather3A_1017, %mul3A_1038 : vector<16xf32>
      %mul3A_1040 = arith.mulf %gather3A, %gather3A_1018 : vector<16xf32>
      %abs3A = math.absf %mul3A_1040 : vector<16xf32>
      %sub3A = arith.constant 1.000000e+00 : f32
      %sub3A_1041 = vector.broadcast %sub3A : f32 to vector<16xf32>
      %sub3A_1042 = arith.subf %add3A_1035, %sub3A_1041 : vector<16xf32>
      %bitcast_convert_type3A = tpu.bitcast %add3A_1039 : vector<16xf32> -> vector<16xi32>
      %shift_right_arithmetic3A = arith.constant 23 : i32
      %shift_right_arithmetic3A_1043 = vector.broadcast %shift_right_arithmetic3A : i32 to vector<16xi32>
      %shift_right_arithmetic3A_1044 = arith.shrsi %bitcast_convert_type3A, %shift_right_arithmetic3A_1043 : vector<16xi32>
      %sub3A_1045 = arith.constant 127 : i32
      %sub3A_1046 = vector.broadcast %sub3A_1045 : i32 to vector<16xi32>
      %sub3A_1047 = arith.subi %shift_right_arithmetic3A_1044, %sub3A_1046 : vector<16xi32>
      %and3A = arith.constant 8388607 : i32
      %and3A_1048 = vector.broadcast %and3A : i32 to vector<16xi32>
      %and3A_1049 = arith.andi %bitcast_convert_type3A, %and3A_1048 : vector<16xi32>
      %or3A = arith.constant 1065353216 : i32
      %or3A_1050 = vector.broadcast %or3A : i32 to vector<16xi32>
      %or3A_1051 = arith.ori %and3A_1049, %or3A_1050 : vector<16xi32>
      %bitcast_convert_type3A_1052 = tpu.bitcast %or3A_1051 : vector<16xi32> -> vector<16xf32>
      %gt3A = arith.constant 1.41421354 : f32
      %gt3A_1053 = vector.broadcast %gt3A : f32 to vector<16xf32>
      %gt3A_1054 = arith.cmpf ogt, %bitcast_convert_type3A_1052, %gt3A_1053 : vector<16xf32>
      %mul3A_1055 = arith.constant 5.000000e-01 : f32
      %mul3A_1056 = vector.broadcast %mul3A_1055 : f32 to vector<16xf32>
      %mul3A_1057 = arith.mulf %bitcast_convert_type3A_1052, %mul3A_1056 : vector<16xf32>
      %select_n3A = arith.select %gt3A_1054, %mul3A_1057, %bitcast_convert_type3A_1052 : vector<16xi1>, vector<16xf32>
      %convert_element_type3A_1058 = arith.sitofp %sub3A_1047 : vector<16xi32> to vector<16xf32>
      %jit3A = arith.constant 1.000000e+00 : f32
      %jit3A_1059 = arith.constant 0.000000e+00 : f32
      %broadcast_in_dim3A_1060 = vector.broadcast %jit3A : f32 to vector<16xf32>
      %broadcast_in_dim3A_1061 = vector.broadcast %jit3A_1059 : f32 to vector<16xf32>
      %select_n3A_1062 = arith.select %gt3A_1054, %broadcast_in_dim3A_1060, %broadcast_in_dim3A_1061 : vector<16xi1>, vector<16xf32>
      %add3A_1063 = arith.addf %convert_element_type3A_1058, %select_n3A_1062 : vector<16xf32>
      %sub3A_1064 = arith.constant 1.000000e+00 : f32
      %sub3A_1065 = vector.broadcast %sub3A_1064 : f32 to vector<16xf32>
      %sub3A_1066 = arith.subf %select_n3A, %sub3A_1065 : vector<16xf32>
      %add3A_1067 = arith.constant 1.000000e+00 : f32
      %add3A_1068 = vector.broadcast %add3A_1067 : f32 to vector<16xf32>
      %add3A_1069 = arith.addf %select_n3A, %add3A_1068 : vector<16xf32>
      %div3A = arith.divf %sub3A_1066, %add3A_1069 : vector<16xf32>
      %mul3A_1070 = arith.mulf %div3A, %div3A : vector<16xf32>
      %mul3A_1071 = arith.constant 0.285714298 : f32
      %mul3A_1072 = vector.broadcast %mul3A_1071 : f32 to vector<16xf32>
      %mul3A_1073 = arith.mulf %mul3A_1070, %mul3A_1072 : vector<16xf32>
      %add3A_1074 = arith.constant 4.000000e-01 : f32
      %add3A_1075 = vector.broadcast %add3A_1074 : f32 to vector<16xf32>
      %add3A_1076 = arith.addf %add3A_1075, %mul3A_1073 : vector<16xf32>
      %mul3A_1077 = arith.mulf %mul3A_1070, %add3A_1076 : vector<16xf32>
      %add3A_1078 = arith.constant 0.666666686 : f32
      %add3A_1079 = vector.broadcast %add3A_1078 : f32 to vector<16xf32>
      %add3A_1080 = arith.addf %add3A_1079, %mul3A_1077 : vector<16xf32>
      %mul3A_1081 = arith.mulf %mul3A_1070, %add3A_1080 : vector<16xf32>
      %add3A_1082 = arith.constant 2.000000e+00 : f32
      %add3A_1083 = vector.broadcast %add3A_1082 : f32 to vector<16xf32>
      %add3A_1084 = arith.addf %add3A_1083, %mul3A_1081 : vector<16xf32>
      %mul3A_1085 = arith.constant 0.693147182 : f32
      %mul3A_1086 = vector.broadcast %mul3A_1085 : f32 to vector<16xf32>
      %mul3A_1087 = arith.mulf %add3A_1063, %mul3A_1086 : vector<16xf32>
      %mul3A_1088 = arith.mulf %div3A, %add3A_1084 : vector<16xf32>
      %add3A_1089 = arith.addf %mul3A_1087, %mul3A_1088 : vector<16xf32>
      %mul3A_1090 = arith.mulf %sub3A_1042, %add3A_1089 : vector<16xf32>
      %exp3A = math.exp %mul3A_1090 : vector<16xf32>
      %mul3A_1091 = arith.mulf %abs3A, %exp3A : vector<16xf32>
      %div3A_1092 = arith.divf %mul3A_1091, %add3A_1035 : vector<16xf32>
      %bitcast_convert_type3A_1093 = tpu.bitcast %add3A_1031 : vector<16xf32> -> vector<16xi32>
      %shift_right_arithmetic3A_1094 = arith.constant 23 : i32
      %shift_right_arithmetic3A_1095 = vector.broadcast %shift_right_arithmetic3A_1094 : i32 to vector<16xi32>
      %shift_right_arithmetic3A_1096 = arith.shrsi %bitcast_convert_type3A_1093, %shift_right_arithmetic3A_1095 : vector<16xi32>
      %sub3A_1097 = arith.constant 127 : i32
      %sub3A_1098 = vector.broadcast %sub3A_1097 : i32 to vector<16xi32>
      %sub3A_1099 = arith.subi %shift_right_arithmetic3A_1096, %sub3A_1098 : vector<16xi32>
      %and3A_1100 = arith.constant 8388607 : i32
      %and3A_1101 = vector.broadcast %and3A_1100 : i32 to vector<16xi32>
      %and3A_1102 = arith.andi %bitcast_convert_type3A_1093, %and3A_1101 : vector<16xi32>
      %or3A_1103 = arith.constant 1065353216 : i32
      %or3A_1104 = vector.broadcast %or3A_1103 : i32 to vector<16xi32>
      %or3A_1105 = arith.ori %and3A_1102, %or3A_1104 : vector<16xi32>
      %bitcast_convert_type3A_1106 = tpu.bitcast %or3A_1105 : vector<16xi32> -> vector<16xf32>
      %gt3A_1107 = arith.constant 1.41421354 : f32
      %gt3A_1108 = vector.broadcast %gt3A_1107 : f32 to vector<16xf32>
      %gt3A_1109 = arith.cmpf ogt, %bitcast_convert_type3A_1106, %gt3A_1108 : vector<16xf32>
      %mul3A_1110 = arith.constant 5.000000e-01 : f32
      %mul3A_1111 = vector.broadcast %mul3A_1110 : f32 to vector<16xf32>
      %mul3A_1112 = arith.mulf %bitcast_convert_type3A_1106, %mul3A_1111 : vector<16xf32>
      %select_n3A_1113 = arith.select %gt3A_1109, %mul3A_1112, %bitcast_convert_type3A_1106 : vector<16xi1>, vector<16xf32>
      %convert_element_type3A_1114 = arith.sitofp %sub3A_1099 : vector<16xi32> to vector<16xf32>
      %jit3A_1115 = arith.constant 1.000000e+00 : f32
      %jit3A_1116 = arith.constant 0.000000e+00 : f32
      %broadcast_in_dim3A_1117 = vector.broadcast %jit3A_1115 : f32 to vector<16xf32>
      %broadcast_in_dim3A_1118 = vector.broadcast %jit3A_1116 : f32 to vector<16xf32>
      %select_n3A_1119 = arith.select %gt3A_1109, %broadcast_in_dim3A_1117, %broadcast_in_dim3A_1118 : vector<16xi1>, vector<16xf32>
      %add3A_1120 = arith.addf %convert_element_type3A_1114, %select_n3A_1119 : vector<16xf32>
      %sub3A_1121 = arith.constant 1.000000e+00 : f32
      %sub3A_1122 = vector.broadcast %sub3A_1121 : f32 to vector<16xf32>
      %sub3A_1123 = arith.subf %select_n3A_1113, %sub3A_1122 : vector<16xf32>
      %add3A_1124 = arith.constant 1.000000e+00 : f32
      %add3A_1125 = vector.broadcast %add3A_1124 : f32 to vector<16xf32>
      %add3A_1126 = arith.addf %select_n3A_1113, %add3A_1125 : vector<16xf32>
      %div3A_1127 = arith.divf %sub3A_1123, %add3A_1126 : vector<16xf32>
      %mul3A_1128 = arith.mulf %div3A_1127, %div3A_1127 : vector<16xf32>
      %mul3A_1129 = arith.constant 0.285714298 : f32
      %mul3A_1130 = vector.broadcast %mul3A_1129 : f32 to vector<16xf32>
      %mul3A_1131 = arith.mulf %mul3A_1128, %mul3A_1130 : vector<16xf32>
      %add3A_1132 = arith.constant 4.000000e-01 : f32
      %add3A_1133 = vector.broadcast %add3A_1132 : f32 to vector<16xf32>
      %add3A_1134 = arith.addf %add3A_1133, %mul3A_1131 : vector<16xf32>
      %mul3A_1135 = arith.mulf %mul3A_1128, %add3A_1134 : vector<16xf32>
      %add3A_1136 = arith.constant 0.666666686 : f32
      %add3A_1137 = vector.broadcast %add3A_1136 : f32 to vector<16xf32>
      %add3A_1138 = arith.addf %add3A_1137, %mul3A_1135 : vector<16xf32>
      %mul3A_1139 = arith.mulf %mul3A_1128, %add3A_1138 : vector<16xf32>
      %add3A_1140 = arith.constant 2.000000e+00 : f32
      %add3A_1141 = vector.broadcast %add3A_1140 : f32 to vector<16xf32>
      %add3A_1142 = arith.addf %add3A_1141, %mul3A_1139 : vector<16xf32>
      %mul3A_1143 = arith.constant 0.693147182 : f32
      %mul3A_1144 = vector.broadcast %mul3A_1143 : f32 to vector<16xf32>
      %mul3A_1145 = arith.mulf %add3A_1120, %mul3A_1144 : vector<16xf32>
      %mul3A_1146 = arith.mulf %div3A_1127, %add3A_1142 : vector<16xf32>
      %add3A_1147 = arith.addf %mul3A_1145, %mul3A_1146 : vector<16xf32>
      %mul3A_1148 = arith.constant 5.000000e-01 : f32
      %mul3A_1149 = vector.broadcast %mul3A_1148 : f32 to vector<16xf32>
      %mul3A_1150 = arith.mulf %mul3A_1149, %add3A_1147 : vector<16xf32>
      %neg3A = arith.constant 0.000000e+00 : f32
      %neg3A_1151 = vector.broadcast %neg3A : f32 to vector<16xf32>
      %neg3A_1152 = arith.subf %neg3A_1151, %add3A_1035 : vector<16xf32>
      %mul3A_1153 = arith.mulf %neg3A_1152, %mul3A_1150 : vector<16xf32>
      %exp3A_1154 = math.exp %mul3A_1153 : vector<16xf32>
      %neg3A_1155 = arith.constant 0.000000e+00 : f32
      %neg3A_1156 = vector.broadcast %neg3A_1155 : f32 to vector<16xf32>
      %neg3A_1157 = arith.subf %neg3A_1156, %add3A_1035 : vector<16xf32>
      %mul3A_1158 = arith.constant 1.60943794 : f32
      %mul3A_1159 = vector.broadcast %mul3A_1158 : f32 to vector<16xf32>
      %mul3A_1160 = arith.mulf %neg3A_1157, %mul3A_1159 : vector<16xf32>
      %exp3A_1161 = math.exp %mul3A_1160 : vector<16xf32>
      %sub3A_1162 = arith.subf %exp3A_1154, %exp3A_1161 : vector<16xf32>
      %mul3A_1163 = arith.mulf %div3A_1092, %sub3A_1162 : vector<16xf32>
      %le3A = arith.constant 2.500000e+01 : f32
      %le3A_1164 = vector.broadcast %le3A : f32 to vector<16xf32>
      %le3A_1165 = arith.cmpf ole, %add3A_1031, %le3A_1164 : vector<16xf32>
      %jit3A_1166 = arith.constant 0.000000e+00 : f32
      %broadcast_in_dim3A_1167 = vector.broadcast %jit3A_1166 : f32 to vector<16xf32>
      %select_n3A_1168 = arith.select %le3A_1165, %mul3A_1163, %broadcast_in_dim3A_1167 : vector<16xi1>, vector<16xf32>
      tpu.vector_store_idx %arg25[%get3A_1013], %select_n3A_1168 {add = true} : memref<50176xf32, #tpu.memory_space<vmem>>[vector<16xi32>], vector<16xf32>,
      %scan3A_1169 = arith.constant 0 : i32
      scf.yield %scan3A_1169 : i32
    }
    %scan3A_687 = arith.constant 64 : i32
    %add3A_688 = arith.constant 49152 : i32
    %add3A_689 = arith.addi %mul3A_24, %add3A_688 : i32
    %dma_start3A_690 = arith.constant 0 : i32
    %dma_start3A_691 = tpu.memref_slice %arg11[%dma_start3A_690] : memref<1024xi32, #tpu.memory_space<vmem>> -> memref<848xi32, #tpu.memory_space<vmem>>
    %dma_start3A_692 = tpu.memref_slice %arg3[%add3A_689] : memref<1600000xi32, #tpu.memory_space<hbm>> -> memref<848xi32, #tpu.memory_space<hbm>>
    %dma_start3A_693 = arith.constant 0 : i32
    %dma_start3A_694 = tpu.memref_slice %arg11[%dma_start3A_693] : memref<1024xi32, #tpu.memory_space<vmem>> -> memref<848xi32, #tpu.memory_space<vmem>>
    %dma_start3A_695 = tpu.memref_slice %arg3[%add3A_689] : memref<1600000xi32, #tpu.memory_space<hbm>> -> memref<848xi32, #tpu.memory_space<hbm>>
    tpu.enqueue_dma source(%dma_start3A_695 : memref<848xi32, #tpu.memory_space<hbm>>) target(%dma_start3A_694 : memref<848xi32, #tpu.memory_space<vmem>>) target_semaphore(%arg33 : memref<!tpu.dma_semaphore, #tpu.memory_space<semaphore_mem>>)
    %dma_start3A_696 = arith.constant 0 : i32
    %dma_start3A_697 = tpu.memref_slice %arg12[%dma_start3A_696] : memref<1024xi32, #tpu.memory_space<vmem>> -> memref<848xi32, #tpu.memory_space<vmem>>
    %dma_start3A_698 = tpu.memref_slice %arg4[%add3A_689] : memref<1600000xi32, #tpu.memory_space<hbm>> -> memref<848xi32, #tpu.memory_space<hbm>>
    %dma_start3A_699 = arith.constant 0 : i32
    %dma_start3A_700 = tpu.memref_slice %arg12[%dma_start3A_699] : memref<1024xi32, #tpu.memory_space<vmem>> -> memref<848xi32, #tpu.memory_space<vmem>>
    %dma_start3A_701 = tpu.memref_slice %arg4[%add3A_689] : memref<1600000xi32, #tpu.memory_space<hbm>> -> memref<848xi32, #tpu.memory_space<hbm>>
    tpu.enqueue_dma source(%dma_start3A_701 : memref<848xi32, #tpu.memory_space<hbm>>) target(%dma_start3A_700 : memref<848xi32, #tpu.memory_space<vmem>>) target_semaphore(%arg33 : memref<!tpu.dma_semaphore, #tpu.memory_space<semaphore_mem>>)
    %dma_start3A_702 = arith.constant 0 : i32
    %dma_start3A_703 = tpu.memref_slice %arg15[%dma_start3A_702] : memref<1024xf32, #tpu.memory_space<vmem>> -> memref<848xf32, #tpu.memory_space<vmem>>
    %dma_start3A_704 = tpu.memref_slice %arg5[%add3A_689] : memref<1600000xf32, #tpu.memory_space<hbm>> -> memref<848xf32, #tpu.memory_space<hbm>>
    %dma_start3A_705 = arith.constant 0 : i32
    %dma_start3A_706 = tpu.memref_slice %arg15[%dma_start3A_705] : memref<1024xf32, #tpu.memory_space<vmem>> -> memref<848xf32, #tpu.memory_space<vmem>>
    %dma_start3A_707 = tpu.memref_slice %arg5[%add3A_689] : memref<1600000xf32, #tpu.memory_space<hbm>> -> memref<848xf32, #tpu.memory_space<hbm>>
    tpu.enqueue_dma source(%dma_start3A_707 : memref<848xf32, #tpu.memory_space<hbm>>) target(%dma_start3A_706 : memref<848xf32, #tpu.memory_space<vmem>>) target_semaphore(%arg35 : memref<!tpu.dma_semaphore, #tpu.memory_space<semaphore_mem>>)
    %dma_start3A_708 = arith.constant 0 : i32
    %dma_start3A_709 = tpu.memref_slice %arg16[%dma_start3A_708] : memref<1024xf32, #tpu.memory_space<vmem>> -> memref<848xf32, #tpu.memory_space<vmem>>
    %dma_start3A_710 = tpu.memref_slice %arg6[%add3A_689] : memref<1600000xf32, #tpu.memory_space<hbm>> -> memref<848xf32, #tpu.memory_space<hbm>>
    %dma_start3A_711 = arith.constant 0 : i32
    %dma_start3A_712 = tpu.memref_slice %arg16[%dma_start3A_711] : memref<1024xf32, #tpu.memory_space<vmem>> -> memref<848xf32, #tpu.memory_space<vmem>>
    %dma_start3A_713 = tpu.memref_slice %arg6[%add3A_689] : memref<1600000xf32, #tpu.memory_space<hbm>> -> memref<848xf32, #tpu.memory_space<hbm>>
    tpu.enqueue_dma source(%dma_start3A_713 : memref<848xf32, #tpu.memory_space<hbm>>) target(%dma_start3A_712 : memref<848xf32, #tpu.memory_space<vmem>>) target_semaphore(%arg35 : memref<!tpu.dma_semaphore, #tpu.memory_space<semaphore_mem>>)
    %dma_start3A_714 = arith.constant 0 : i32
    %dma_start3A_715 = tpu.memref_slice %arg17[%dma_start3A_714] : memref<1024xf32, #tpu.memory_space<vmem>> -> memref<848xf32, #tpu.memory_space<vmem>>
    %dma_start3A_716 = tpu.memref_slice %arg7[%add3A_689] : memref<1600000xf32, #tpu.memory_space<hbm>> -> memref<848xf32, #tpu.memory_space<hbm>>
    %dma_start3A_717 = arith.constant 0 : i32
    %dma_start3A_718 = tpu.memref_slice %arg17[%dma_start3A_717] : memref<1024xf32, #tpu.memory_space<vmem>> -> memref<848xf32, #tpu.memory_space<vmem>>
    %dma_start3A_719 = tpu.memref_slice %arg7[%add3A_689] : memref<1600000xf32, #tpu.memory_space<hbm>> -> memref<848xf32, #tpu.memory_space<hbm>>
    tpu.enqueue_dma source(%dma_start3A_719 : memref<848xf32, #tpu.memory_space<hbm>>) target(%dma_start3A_718 : memref<848xf32, #tpu.memory_space<vmem>>) target_semaphore(%arg35 : memref<!tpu.dma_semaphore, #tpu.memory_space<semaphore_mem>>)
    %add3A_720 = arith.constant 49152 : i32
    %add3A_721 = arith.addi %mul3A_24, %add3A_720 : i32
    %dma_wait3A_722 = arith.constant 0 : i32
    %dma_wait3A_723 = tpu.memref_slice %arg11[%dma_wait3A_722] : memref<1024xi32, #tpu.memory_space<vmem>> -> memref<848xi32, #tpu.memory_space<vmem>>
    %dma_wait3A_724 = tpu.memref_slice %arg3[%add3A_721] : memref<1600000xi32, #tpu.memory_space<hbm>> -> memref<848xi32, #tpu.memory_space<hbm>>
    %dma_wait3A_725 = arith.constant 0 : i32
    %dma_wait3A_726 = tpu.memref_slice %arg11[%dma_wait3A_725] : memref<1024xi32, #tpu.memory_space<vmem>> -> memref<848xi32, #tpu.memory_space<vmem>>
    %dma_wait3A_727 = tpu.memref_slice %arg3[%add3A_721] : memref<1600000xi32, #tpu.memory_space<hbm>> -> memref<848xi32, #tpu.memory_space<hbm>>
    tpu.wait_dma2 semaphore(%arg33 : memref<!tpu.dma_semaphore, #tpu.memory_space<semaphore_mem>>) src(%dma_wait3A_727 : memref<848xi32, #tpu.memory_space<hbm>>) dst(%dma_wait3A_726 : memref<848xi32, #tpu.memory_space<vmem>>)
    %dma_wait3A_728 = arith.constant 0 : i32
    %dma_wait3A_729 = tpu.memref_slice %arg12[%dma_wait3A_728] : memref<1024xi32, #tpu.memory_space<vmem>> -> memref<848xi32, #tpu.memory_space<vmem>>
    %dma_wait3A_730 = tpu.memref_slice %arg4[%add3A_721] : memref<1600000xi32, #tpu.memory_space<hbm>> -> memref<848xi32, #tpu.memory_space<hbm>>
    %dma_wait3A_731 = arith.constant 0 : i32
    %dma_wait3A_732 = tpu.memref_slice %arg12[%dma_wait3A_731] : memref<1024xi32, #tpu.memory_space<vmem>> -> memref<848xi32, #tpu.memory_space<vmem>>
    %dma_wait3A_733 = tpu.memref_slice %arg4[%add3A_721] : memref<1600000xi32, #tpu.memory_space<hbm>> -> memref<848xi32, #tpu.memory_space<hbm>>
    tpu.wait_dma2 semaphore(%arg33 : memref<!tpu.dma_semaphore, #tpu.memory_space<semaphore_mem>>) src(%dma_wait3A_733 : memref<848xi32, #tpu.memory_space<hbm>>) dst(%dma_wait3A_732 : memref<848xi32, #tpu.memory_space<vmem>>)
    %dma_start3A_734 = arith.constant 0 : i32
    %dma_start3A_735 = arith.constant 0 : i32
    %dma_start3A_736 = tpu.memref_slice %arg13[%dma_start3A_734, %dma_start3A_735] : memref<1024x4xf32, #tpu.memory_space<vmem>> -> memref<128x4xf32, #tpu.memory_space<vmem>>
    %dma_start3A_737 = arith.constant 0 : i32
    %dma_start3A_738 = tpu.memref_slice %arg11[%dma_start3A_737] : memref<1024xi32, #tpu.memory_space<vmem>> -> memref<128xi32, #tpu.memory_space<vmem>>
    %dma_start3A_739 = arith.constant 0 : i32
    %dma_start3A_740 = arith.constant 0 : i32
    %dma_start3A_741 = tpu.memref_slice %arg2[%dma_start3A_739, %dma_start3A_740] : memref<50000x4xf32, #tpu.memory_space<hbm>> -> memref<50000x4xf32, #tpu.memory_space<hbm>>
    tpu.enqueue_indirect_dma source(%dma_start3A_741 : memref<50000x4xf32, #tpu.memory_space<hbm>>) target(%dma_start3A_736 : memref<128x4xf32, #tpu.memory_space<vmem>>) offsets(%dma_start3A_738 : memref<128xi32, #tpu.memory_space<vmem>>) semaphore(%arg37 : memref<!tpu.dma_semaphore, #tpu.memory_space<semaphore_mem>>)
    %dma_start3A_742 = arith.constant 0 : i32
    %dma_start3A_743 = arith.constant 0 : i32
    %dma_start3A_744 = tpu.memref_slice %arg14[%dma_start3A_742, %dma_start3A_743] : memref<1024x4xf32, #tpu.memory_space<vmem>> -> memref<128x4xf32, #tpu.memory_space<vmem>>
    %dma_start3A_745 = arith.constant 0 : i32
    %dma_start3A_746 = tpu.memref_slice %arg12[%dma_start3A_745] : memref<1024xi32, #tpu.memory_space<vmem>> -> memref<128xi32, #tpu.memory_space<vmem>>
    %dma_start3A_747 = arith.constant 0 : i32
    %dma_start3A_748 = arith.constant 0 : i32
    %dma_start3A_749 = tpu.memref_slice %arg2[%dma_start3A_747, %dma_start3A_748] : memref<50000x4xf32, #tpu.memory_space<hbm>> -> memref<50000x4xf32, #tpu.memory_space<hbm>>
    tpu.enqueue_indirect_dma source(%dma_start3A_749 : memref<50000x4xf32, #tpu.memory_space<hbm>>) target(%dma_start3A_744 : memref<128x4xf32, #tpu.memory_space<vmem>>) offsets(%dma_start3A_746 : memref<128xi32, #tpu.memory_space<vmem>>) semaphore(%arg37 : memref<!tpu.dma_semaphore, #tpu.memory_space<semaphore_mem>>)
    %dma_start3A_750 = arith.constant 128 : i32
    %dma_start3A_751 = arith.constant 0 : i32
    %dma_start3A_752 = tpu.memref_slice %arg13[%dma_start3A_750, %dma_start3A_751] : memref<1024x4xf32, #tpu.memory_space<vmem>> -> memref<128x4xf32, #tpu.memory_space<vmem>>
    %dma_start3A_753 = arith.constant 128 : i32
    %dma_start3A_754 = tpu.memref_slice %arg11[%dma_start3A_753] : memref<1024xi32, #tpu.memory_space<vmem>> -> memref<128xi32, #tpu.memory_space<vmem>>
    %dma_start3A_755 = arith.constant 0 : i32
    %dma_start3A_756 = arith.constant 0 : i32
    %dma_start3A_757 = tpu.memref_slice %arg2[%dma_start3A_755, %dma_start3A_756] : memref<50000x4xf32, #tpu.memory_space<hbm>> -> memref<50000x4xf32, #tpu.memory_space<hbm>>
    tpu.enqueue_indirect_dma source(%dma_start3A_757 : memref<50000x4xf32, #tpu.memory_space<hbm>>) target(%dma_start3A_752 : memref<128x4xf32, #tpu.memory_space<vmem>>) offsets(%dma_start3A_754 : memref<128xi32, #tpu.memory_space<vmem>>) semaphore(%arg37 : memref<!tpu.dma_semaphore, #tpu.memory_space<semaphore_mem>>)
    %dma_start3A_758 = arith.constant 128 : i32
    %dma_start3A_759 = arith.constant 0 : i32
    %dma_start3A_760 = tpu.memref_slice %arg14[%dma_start3A_758, %dma_start3A_759] : memref<1024x4xf32, #tpu.memory_space<vmem>> -> memref<128x4xf32, #tpu.memory_space<vmem>>
    %dma_start3A_761 = arith.constant 128 : i32
    %dma_start3A_762 = tpu.memref_slice %arg12[%dma_start3A_761] : memref<1024xi32, #tpu.memory_space<vmem>> -> memref<128xi32, #tpu.memory_space<vmem>>
    %dma_start3A_763 = arith.constant 0 : i32
    %dma_start3A_764 = arith.constant 0 : i32
    %dma_start3A_765 = tpu.memref_slice %arg2[%dma_start3A_763, %dma_start3A_764] : memref<50000x4xf32, #tpu.memory_space<hbm>> -> memref<50000x4xf32, #tpu.memory_space<hbm>>
    tpu.enqueue_indirect_dma source(%dma_start3A_765 : memref<50000x4xf32, #tpu.memory_space<hbm>>) target(%dma_start3A_760 : memref<128x4xf32, #tpu.memory_space<vmem>>) offsets(%dma_start3A_762 : memref<128xi32, #tpu.memory_space<vmem>>) semaphore(%arg37 : memref<!tpu.dma_semaphore, #tpu.memory_space<semaphore_mem>>)
    %dma_start3A_766 = arith.constant 256 : i32
    %dma_start3A_767 = arith.constant 0 : i32
    %dma_start3A_768 = tpu.memref_slice %arg13[%dma_start3A_766, %dma_start3A_767] : memref<1024x4xf32, #tpu.memory_space<vmem>> -> memref<128x4xf32, #tpu.memory_space<vmem>>
    %dma_start3A_769 = arith.constant 256 : i32
    %dma_start3A_770 = tpu.memref_slice %arg11[%dma_start3A_769] : memref<1024xi32, #tpu.memory_space<vmem>> -> memref<128xi32, #tpu.memory_space<vmem>>
    %dma_start3A_771 = arith.constant 0 : i32
    %dma_start3A_772 = arith.constant 0 : i32
    %dma_start3A_773 = tpu.memref_slice %arg2[%dma_start3A_771, %dma_start3A_772] : memref<50000x4xf32, #tpu.memory_space<hbm>> -> memref<50000x4xf32, #tpu.memory_space<hbm>>
    tpu.enqueue_indirect_dma source(%dma_start3A_773 : memref<50000x4xf32, #tpu.memory_space<hbm>>) target(%dma_start3A_768 : memref<128x4xf32, #tpu.memory_space<vmem>>) offsets(%dma_start3A_770 : memref<128xi32, #tpu.memory_space<vmem>>) semaphore(%arg37 : memref<!tpu.dma_semaphore, #tpu.memory_space<semaphore_mem>>)
    %dma_start3A_774 = arith.constant 256 : i32
    %dma_start3A_775 = arith.constant 0 : i32
    %dma_start3A_776 = tpu.memref_slice %arg14[%dma_start3A_774, %dma_start3A_775] : memref<1024x4xf32, #tpu.memory_space<vmem>> -> memref<128x4xf32, #tpu.memory_space<vmem>>
    %dma_start3A_777 = arith.constant 256 : i32
    %dma_start3A_778 = tpu.memref_slice %arg12[%dma_start3A_777] : memref<1024xi32, #tpu.memory_space<vmem>> -> memref<128xi32, #tpu.memory_space<vmem>>
    %dma_start3A_779 = arith.constant 0 : i32
    %dma_start3A_780 = arith.constant 0 : i32
    %dma_start3A_781 = tpu.memref_slice %arg2[%dma_start3A_779, %dma_start3A_780] : memref<50000x4xf32, #tpu.memory_space<hbm>> -> memref<50000x4xf32, #tpu.memory_space<hbm>>
    tpu.enqueue_indirect_dma source(%dma_start3A_781 : memref<50000x4xf32, #tpu.memory_space<hbm>>) target(%dma_start3A_776 : memref<128x4xf32, #tpu.memory_space<vmem>>) offsets(%dma_start3A_778 : memref<128xi32, #tpu.memory_space<vmem>>) semaphore(%arg37 : memref<!tpu.dma_semaphore, #tpu.memory_space<semaphore_mem>>)
    %dma_start3A_782 = arith.constant 384 : i32
    %dma_start3A_783 = arith.constant 0 : i32
    %dma_start3A_784 = tpu.memref_slice %arg13[%dma_start3A_782, %dma_start3A_783] : memref<1024x4xf32, #tpu.memory_space<vmem>> -> memref<128x4xf32, #tpu.memory_space<vmem>>
    %dma_start3A_785 = arith.constant 384 : i32
    %dma_start3A_786 = tpu.memref_slice %arg11[%dma_start3A_785] : memref<1024xi32, #tpu.memory_space<vmem>> -> memref<128xi32, #tpu.memory_space<vmem>>
    %dma_start3A_787 = arith.constant 0 : i32
    %dma_start3A_788 = arith.constant 0 : i32
    %dma_start3A_789 = tpu.memref_slice %arg2[%dma_start3A_787, %dma_start3A_788] : memref<50000x4xf32, #tpu.memory_space<hbm>> -> memref<50000x4xf32, #tpu.memory_space<hbm>>
    tpu.enqueue_indirect_dma source(%dma_start3A_789 : memref<50000x4xf32, #tpu.memory_space<hbm>>) target(%dma_start3A_784 : memref<128x4xf32, #tpu.memory_space<vmem>>) offsets(%dma_start3A_786 : memref<128xi32, #tpu.memory_space<vmem>>) semaphore(%arg37 : memref<!tpu.dma_semaphore, #tpu.memory_space<semaphore_mem>>)
    %dma_start3A_790 = arith.constant 384 : i32
    %dma_start3A_791 = arith.constant 0 : i32
    %dma_start3A_792 = tpu.memref_slice %arg14[%dma_start3A_790, %dma_start3A_791] : memref<1024x4xf32, #tpu.memory_space<vmem>> -> memref<128x4xf32, #tpu.memory_space<vmem>>
    %dma_start3A_793 = arith.constant 384 : i32
    %dma_start3A_794 = tpu.memref_slice %arg12[%dma_start3A_793] : memref<1024xi32, #tpu.memory_space<vmem>> -> memref<128xi32, #tpu.memory_space<vmem>>
    %dma_start3A_795 = arith.constant 0 : i32
    %dma_start3A_796 = arith.constant 0 : i32
    %dma_start3A_797 = tpu.memref_slice %arg2[%dma_start3A_795, %dma_start3A_796] : memref<50000x4xf32, #tpu.memory_space<hbm>> -> memref<50000x4xf32, #tpu.memory_space<hbm>>
    tpu.enqueue_indirect_dma source(%dma_start3A_797 : memref<50000x4xf32, #tpu.memory_space<hbm>>) target(%dma_start3A_792 : memref<128x4xf32, #tpu.memory_space<vmem>>) offsets(%dma_start3A_794 : memref<128xi32, #tpu.memory_space<vmem>>) semaphore(%arg37 : memref<!tpu.dma_semaphore, #tpu.memory_space<semaphore_mem>>)
    %dma_start3A_798 = arith.constant 512 : i32
    %dma_start3A_799 = arith.constant 0 : i32
    %dma_start3A_800 = tpu.memref_slice %arg13[%dma_start3A_798, %dma_start3A_799] : memref<1024x4xf32, #tpu.memory_space<vmem>> -> memref<128x4xf32, #tpu.memory_space<vmem>>
    %dma_start3A_801 = arith.constant 512 : i32
    %dma_start3A_802 = tpu.memref_slice %arg11[%dma_start3A_801] : memref<1024xi32, #tpu.memory_space<vmem>> -> memref<128xi32, #tpu.memory_space<vmem>>
    %dma_start3A_803 = arith.constant 0 : i32
    %dma_start3A_804 = arith.constant 0 : i32
    %dma_start3A_805 = tpu.memref_slice %arg2[%dma_start3A_803, %dma_start3A_804] : memref<50000x4xf32, #tpu.memory_space<hbm>> -> memref<50000x4xf32, #tpu.memory_space<hbm>>
    tpu.enqueue_indirect_dma source(%dma_start3A_805 : memref<50000x4xf32, #tpu.memory_space<hbm>>) target(%dma_start3A_800 : memref<128x4xf32, #tpu.memory_space<vmem>>) offsets(%dma_start3A_802 : memref<128xi32, #tpu.memory_space<vmem>>) semaphore(%arg37 : memref<!tpu.dma_semaphore, #tpu.memory_space<semaphore_mem>>)
    %dma_start3A_806 = arith.constant 512 : i32
    %dma_start3A_807 = arith.constant 0 : i32
    %dma_start3A_808 = tpu.memref_slice %arg14[%dma_start3A_806, %dma_start3A_807] : memref<1024x4xf32, #tpu.memory_space<vmem>> -> memref<128x4xf32, #tpu.memory_space<vmem>>
    %dma_start3A_809 = arith.constant 512 : i32
    %dma_start3A_810 = tpu.memref_slice %arg12[%dma_start3A_809] : memref<1024xi32, #tpu.memory_space<vmem>> -> memref<128xi32, #tpu.memory_space<vmem>>
    %dma_start3A_811 = arith.constant 0 : i32
    %dma_start3A_812 = arith.constant 0 : i32
    %dma_start3A_813 = tpu.memref_slice %arg2[%dma_start3A_811, %dma_start3A_812] : memref<50000x4xf32, #tpu.memory_space<hbm>> -> memref<50000x4xf32, #tpu.memory_space<hbm>>
    tpu.enqueue_indirect_dma source(%dma_start3A_813 : memref<50000x4xf32, #tpu.memory_space<hbm>>) target(%dma_start3A_808 : memref<128x4xf32, #tpu.memory_space<vmem>>) offsets(%dma_start3A_810 : memref<128xi32, #tpu.memory_space<vmem>>) semaphore(%arg37 : memref<!tpu.dma_semaphore, #tpu.memory_space<semaphore_mem>>)
    %dma_start3A_814 = arith.constant 640 : i32
    %dma_start3A_815 = arith.constant 0 : i32
    %dma_start3A_816 = tpu.memref_slice %arg13[%dma_start3A_814, %dma_start3A_815] : memref<1024x4xf32, #tpu.memory_space<vmem>> -> memref<128x4xf32, #tpu.memory_space<vmem>>
    %dma_start3A_817 = arith.constant 640 : i32
    %dma_start3A_818 = tpu.memref_slice %arg11[%dma_start3A_817] : memref<1024xi32, #tpu.memory_space<vmem>> -> memref<128xi32, #tpu.memory_space<vmem>>
    %dma_start3A_819 = arith.constant 0 : i32
    %dma_start3A_820 = arith.constant 0 : i32
    %dma_start3A_821 = tpu.memref_slice %arg2[%dma_start3A_819, %dma_start3A_820] : memref<50000x4xf32, #tpu.memory_space<hbm>> -> memref<50000x4xf32, #tpu.memory_space<hbm>>
    tpu.enqueue_indirect_dma source(%dma_start3A_821 : memref<50000x4xf32, #tpu.memory_space<hbm>>) target(%dma_start3A_816 : memref<128x4xf32, #tpu.memory_space<vmem>>) offsets(%dma_start3A_818 : memref<128xi32, #tpu.memory_space<vmem>>) semaphore(%arg37 : memref<!tpu.dma_semaphore, #tpu.memory_space<semaphore_mem>>)
    %dma_start3A_822 = arith.constant 640 : i32
    %dma_start3A_823 = arith.constant 0 : i32
    %dma_start3A_824 = tpu.memref_slice %arg14[%dma_start3A_822, %dma_start3A_823] : memref<1024x4xf32, #tpu.memory_space<vmem>> -> memref<128x4xf32, #tpu.memory_space<vmem>>
    %dma_start3A_825 = arith.constant 640 : i32
    %dma_start3A_826 = tpu.memref_slice %arg12[%dma_start3A_825] : memref<1024xi32, #tpu.memory_space<vmem>> -> memref<128xi32, #tpu.memory_space<vmem>>
    %dma_start3A_827 = arith.constant 0 : i32
    %dma_start3A_828 = arith.constant 0 : i32
    %dma_start3A_829 = tpu.memref_slice %arg2[%dma_start3A_827, %dma_start3A_828] : memref<50000x4xf32, #tpu.memory_space<hbm>> -> memref<50000x4xf32, #tpu.memory_space<hbm>>
    tpu.enqueue_indirect_dma source(%dma_start3A_829 : memref<50000x4xf32, #tpu.memory_space<hbm>>) target(%dma_start3A_824 : memref<128x4xf32, #tpu.memory_space<vmem>>) offsets(%dma_start3A_826 : memref<128xi32, #tpu.memory_space<vmem>>) semaphore(%arg37 : memref<!tpu.dma_semaphore, #tpu.memory_space<semaphore_mem>>)
    %dma_start3A_830 = arith.constant 768 : i32
    %dma_start3A_831 = arith.constant 0 : i32
    %dma_start3A_832 = tpu.memref_slice %arg13[%dma_start3A_830, %dma_start3A_831] : memref<1024x4xf32, #tpu.memory_space<vmem>> -> memref<80x4xf32, #tpu.memory_space<vmem>>
    %dma_start3A_833 = arith.constant 768 : i32
    %dma_start3A_834 = tpu.memref_slice %arg11[%dma_start3A_833] : memref<1024xi32, #tpu.memory_space<vmem>> -> memref<80xi32, #tpu.memory_space<vmem>>
    %dma_start3A_835 = arith.constant 0 : i32
    %dma_start3A_836 = arith.constant 0 : i32
    %dma_start3A_837 = tpu.memref_slice %arg2[%dma_start3A_835, %dma_start3A_836] : memref<50000x4xf32, #tpu.memory_space<hbm>> -> memref<50000x4xf32, #tpu.memory_space<hbm>>
    tpu.enqueue_indirect_dma source(%dma_start3A_837 : memref<50000x4xf32, #tpu.memory_space<hbm>>) target(%dma_start3A_832 : memref<80x4xf32, #tpu.memory_space<vmem>>) offsets(%dma_start3A_834 : memref<80xi32, #tpu.memory_space<vmem>>) semaphore(%arg37 : memref<!tpu.dma_semaphore, #tpu.memory_space<semaphore_mem>>)
    %dma_start3A_838 = arith.constant 768 : i32
    %dma_start3A_839 = arith.constant 0 : i32
    %dma_start3A_840 = tpu.memref_slice %arg14[%dma_start3A_838, %dma_start3A_839] : memref<1024x4xf32, #tpu.memory_space<vmem>> -> memref<80x4xf32, #tpu.memory_space<vmem>>
    %dma_start3A_841 = arith.constant 768 : i32
    %dma_start3A_842 = tpu.memref_slice %arg12[%dma_start3A_841] : memref<1024xi32, #tpu.memory_space<vmem>> -> memref<80xi32, #tpu.memory_space<vmem>>
    %dma_start3A_843 = arith.constant 0 : i32
    %dma_start3A_844 = arith.constant 0 : i32
    %dma_start3A_845 = tpu.memref_slice %arg2[%dma_start3A_843, %dma_start3A_844] : memref<50000x4xf32, #tpu.memory_space<hbm>> -> memref<50000x4xf32, #tpu.memory_space<hbm>>
    tpu.enqueue_indirect_dma source(%dma_start3A_845 : memref<50000x4xf32, #tpu.memory_space<hbm>>) target(%dma_start3A_840 : memref<80x4xf32, #tpu.memory_space<vmem>>) offsets(%dma_start3A_842 : memref<80xi32, #tpu.memory_space<vmem>>) semaphore(%arg37 : memref<!tpu.dma_semaphore, #tpu.memory_space<semaphore_mem>>)
    %add3A_846 = arith.constant 49152 : i32
    %add3A_847 = arith.addi %mul3A_24, %add3A_846 : i32
    %dma_wait3A_848 = arith.constant 0 : i32
    %dma_wait3A_849 = tpu.memref_slice %arg15[%dma_wait3A_848] : memref<1024xf32, #tpu.memory_space<vmem>> -> memref<848xf32, #tpu.memory_space<vmem>>
    %dma_wait3A_850 = tpu.memref_slice %arg5[%add3A_847] : memref<1600000xf32, #tpu.memory_space<hbm>> -> memref<848xf32, #tpu.memory_space<hbm>>
    %dma_wait3A_851 = arith.constant 0 : i32
    %dma_wait3A_852 = tpu.memref_slice %arg15[%dma_wait3A_851] : memref<1024xf32, #tpu.memory_space<vmem>> -> memref<848xf32, #tpu.memory_space<vmem>>
    %dma_wait3A_853 = tpu.memref_slice %arg5[%add3A_847] : memref<1600000xf32, #tpu.memory_space<hbm>> -> memref<848xf32, #tpu.memory_space<hbm>>
    tpu.wait_dma2 semaphore(%arg35 : memref<!tpu.dma_semaphore, #tpu.memory_space<semaphore_mem>>) src(%dma_wait3A_853 : memref<848xf32, #tpu.memory_space<hbm>>) dst(%dma_wait3A_852 : memref<848xf32, #tpu.memory_space<vmem>>)
    %dma_wait3A_854 = arith.constant 0 : i32
    %dma_wait3A_855 = tpu.memref_slice %arg16[%dma_wait3A_854] : memref<1024xf32, #tpu.memory_space<vmem>> -> memref<848xf32, #tpu.memory_space<vmem>>
    %dma_wait3A_856 = tpu.memref_slice %arg6[%add3A_847] : memref<1600000xf32, #tpu.memory_space<hbm>> -> memref<848xf32, #tpu.memory_space<hbm>>
    %dma_wait3A_857 = arith.constant 0 : i32
    %dma_wait3A_858 = tpu.memref_slice %arg16[%dma_wait3A_857] : memref<1024xf32, #tpu.memory_space<vmem>> -> memref<848xf32, #tpu.memory_space<vmem>>
    %dma_wait3A_859 = tpu.memref_slice %arg6[%add3A_847] : memref<1600000xf32, #tpu.memory_space<hbm>> -> memref<848xf32, #tpu.memory_space<hbm>>
    tpu.wait_dma2 semaphore(%arg35 : memref<!tpu.dma_semaphore, #tpu.memory_space<semaphore_mem>>) src(%dma_wait3A_859 : memref<848xf32, #tpu.memory_space<hbm>>) dst(%dma_wait3A_858 : memref<848xf32, #tpu.memory_space<vmem>>)
    %dma_wait3A_860 = arith.constant 0 : i32
    %dma_wait3A_861 = tpu.memref_slice %arg17[%dma_wait3A_860] : memref<1024xf32, #tpu.memory_space<vmem>> -> memref<848xf32, #tpu.memory_space<vmem>>
    %dma_wait3A_862 = tpu.memref_slice %arg7[%add3A_847] : memref<1600000xf32, #tpu.memory_space<hbm>> -> memref<848xf32, #tpu.memory_space<hbm>>
    %dma_wait3A_863 = arith.constant 0 : i32
    %dma_wait3A_864 = tpu.memref_slice %arg17[%dma_wait3A_863] : memref<1024xf32, #tpu.memory_space<vmem>> -> memref<848xf32, #tpu.memory_space<vmem>>
    %dma_wait3A_865 = tpu.memref_slice %arg7[%add3A_847] : memref<1600000xf32, #tpu.memory_space<hbm>> -> memref<848xf32, #tpu.memory_space<hbm>>
    tpu.wait_dma2 semaphore(%arg35 : memref<!tpu.dma_semaphore, #tpu.memory_space<semaphore_mem>>) src(%dma_wait3A_865 : memref<848xf32, #tpu.memory_space<hbm>>) dst(%dma_wait3A_864 : memref<848xf32, #tpu.memory_space<vmem>>)
    %dma_wait3A_866 = arith.constant 0 : i32
    %dma_wait3A_867 = arith.constant 0 : i32
    %dma_wait3A_868 = tpu.memref_slice %arg13[%dma_wait3A_866, %dma_wait3A_867] : memref<1024x4xf32, #tpu.memory_space<vmem>> -> memref<128x4xf32, #tpu.memory_space<vmem>>
    %dma_wait3A_869 = arith.constant 0 : i32
    %dma_wait3A_870 = tpu.memref_slice %arg11[%dma_wait3A_869] : memref<1024xi32, #tpu.memory_space<vmem>> -> memref<128xi32, #tpu.memory_space<vmem>>
    %dma_wait3A_871 = arith.constant 0 : i32
    %dma_wait3A_872 = arith.constant 0 : i32
    %dma_wait3A_873 = tpu.memref_slice %arg2[%dma_wait3A_871, %dma_wait3A_872] : memref<50000x4xf32, #tpu.memory_space<hbm>> -> memref<50000x4xf32, #tpu.memory_space<hbm>>
    tpu.wait_indirect_dma semaphore(%arg37 : memref<!tpu.dma_semaphore, #tpu.memory_space<semaphore_mem>>) src(%dma_wait3A_873 : memref<50000x4xf32, #tpu.memory_space<hbm>>) dst(%dma_wait3A_868 : memref<128x4xf32, #tpu.memory_space<vmem>>)
    %dma_wait3A_874 = arith.constant 0 : i32
    %dma_wait3A_875 = arith.constant 0 : i32
    %dma_wait3A_876 = tpu.memref_slice %arg14[%dma_wait3A_874, %dma_wait3A_875] : memref<1024x4xf32, #tpu.memory_space<vmem>> -> memref<128x4xf32, #tpu.memory_space<vmem>>
    %dma_wait3A_877 = arith.constant 0 : i32
    %dma_wait3A_878 = tpu.memref_slice %arg12[%dma_wait3A_877] : memref<1024xi32, #tpu.memory_space<vmem>> -> memref<128xi32, #tpu.memory_space<vmem>>
    %dma_wait3A_879 = arith.constant 0 : i32
    %dma_wait3A_880 = arith.constant 0 : i32
    %dma_wait3A_881 = tpu.memref_slice %arg2[%dma_wait3A_879, %dma_wait3A_880] : memref<50000x4xf32, #tpu.memory_space<hbm>> -> memref<50000x4xf32, #tpu.memory_space<hbm>>
    tpu.wait_indirect_dma semaphore(%arg37 : memref<!tpu.dma_semaphore, #tpu.memory_space<semaphore_mem>>) src(%dma_wait3A_881 : memref<50000x4xf32, #tpu.memory_space<hbm>>) dst(%dma_wait3A_876 : memref<128x4xf32, #tpu.memory_space<vmem>>)
    %dma_wait3A_882 = arith.constant 128 : i32
    %dma_wait3A_883 = arith.constant 0 : i32
    %dma_wait3A_884 = tpu.memref_slice %arg13[%dma_wait3A_882, %dma_wait3A_883] : memref<1024x4xf32, #tpu.memory_space<vmem>> -> memref<128x4xf32, #tpu.memory_space<vmem>>
    %dma_wait3A_885 = arith.constant 128 : i32
    %dma_wait3A_886 = tpu.memref_slice %arg11[%dma_wait3A_885] : memref<1024xi32, #tpu.memory_space<vmem>> -> memref<128xi32, #tpu.memory_space<vmem>>
    %dma_wait3A_887 = arith.constant 0 : i32
    %dma_wait3A_888 = arith.constant 0 : i32
    %dma_wait3A_889 = tpu.memref_slice %arg2[%dma_wait3A_887, %dma_wait3A_888] : memref<50000x4xf32, #tpu.memory_space<hbm>> -> memref<50000x4xf32, #tpu.memory_space<hbm>>
    tpu.wait_indirect_dma semaphore(%arg37 : memref<!tpu.dma_semaphore, #tpu.memory_space<semaphore_mem>>) src(%dma_wait3A_889 : memref<50000x4xf32, #tpu.memory_space<hbm>>) dst(%dma_wait3A_884 : memref<128x4xf32, #tpu.memory_space<vmem>>)
    %dma_wait3A_890 = arith.constant 128 : i32
    %dma_wait3A_891 = arith.constant 0 : i32
    %dma_wait3A_892 = tpu.memref_slice %arg14[%dma_wait3A_890, %dma_wait3A_891] : memref<1024x4xf32, #tpu.memory_space<vmem>> -> memref<128x4xf32, #tpu.memory_space<vmem>>
    %dma_wait3A_893 = arith.constant 128 : i32
    %dma_wait3A_894 = tpu.memref_slice %arg12[%dma_wait3A_893] : memref<1024xi32, #tpu.memory_space<vmem>> -> memref<128xi32, #tpu.memory_space<vmem>>
    %dma_wait3A_895 = arith.constant 0 : i32
    %dma_wait3A_896 = arith.constant 0 : i32
    %dma_wait3A_897 = tpu.memref_slice %arg2[%dma_wait3A_895, %dma_wait3A_896] : memref<50000x4xf32, #tpu.memory_space<hbm>> -> memref<50000x4xf32, #tpu.memory_space<hbm>>
    tpu.wait_indirect_dma semaphore(%arg37 : memref<!tpu.dma_semaphore, #tpu.memory_space<semaphore_mem>>) src(%dma_wait3A_897 : memref<50000x4xf32, #tpu.memory_space<hbm>>) dst(%dma_wait3A_892 : memref<128x4xf32, #tpu.memory_space<vmem>>)
    %dma_wait3A_898 = arith.constant 256 : i32
    %dma_wait3A_899 = arith.constant 0 : i32
    %dma_wait3A_900 = tpu.memref_slice %arg13[%dma_wait3A_898, %dma_wait3A_899] : memref<1024x4xf32, #tpu.memory_space<vmem>> -> memref<128x4xf32, #tpu.memory_space<vmem>>
    %dma_wait3A_901 = arith.constant 256 : i32
    %dma_wait3A_902 = tpu.memref_slice %arg11[%dma_wait3A_901] : memref<1024xi32, #tpu.memory_space<vmem>> -> memref<128xi32, #tpu.memory_space<vmem>>
    %dma_wait3A_903 = arith.constant 0 : i32
    %dma_wait3A_904 = arith.constant 0 : i32
    %dma_wait3A_905 = tpu.memref_slice %arg2[%dma_wait3A_903, %dma_wait3A_904] : memref<50000x4xf32, #tpu.memory_space<hbm>> -> memref<50000x4xf32, #tpu.memory_space<hbm>>
    tpu.wait_indirect_dma semaphore(%arg37 : memref<!tpu.dma_semaphore, #tpu.memory_space<semaphore_mem>>) src(%dma_wait3A_905 : memref<50000x4xf32, #tpu.memory_space<hbm>>) dst(%dma_wait3A_900 : memref<128x4xf32, #tpu.memory_space<vmem>>)
    %dma_wait3A_906 = arith.constant 256 : i32
    %dma_wait3A_907 = arith.constant 0 : i32
    %dma_wait3A_908 = tpu.memref_slice %arg14[%dma_wait3A_906, %dma_wait3A_907] : memref<1024x4xf32, #tpu.memory_space<vmem>> -> memref<128x4xf32, #tpu.memory_space<vmem>>
    %dma_wait3A_909 = arith.constant 256 : i32
    %dma_wait3A_910 = tpu.memref_slice %arg12[%dma_wait3A_909] : memref<1024xi32, #tpu.memory_space<vmem>> -> memref<128xi32, #tpu.memory_space<vmem>>
    %dma_wait3A_911 = arith.constant 0 : i32
    %dma_wait3A_912 = arith.constant 0 : i32
    %dma_wait3A_913 = tpu.memref_slice %arg2[%dma_wait3A_911, %dma_wait3A_912] : memref<50000x4xf32, #tpu.memory_space<hbm>> -> memref<50000x4xf32, #tpu.memory_space<hbm>>
    tpu.wait_indirect_dma semaphore(%arg37 : memref<!tpu.dma_semaphore, #tpu.memory_space<semaphore_mem>>) src(%dma_wait3A_913 : memref<50000x4xf32, #tpu.memory_space<hbm>>) dst(%dma_wait3A_908 : memref<128x4xf32, #tpu.memory_space<vmem>>)
    %dma_wait3A_914 = arith.constant 384 : i32
    %dma_wait3A_915 = arith.constant 0 : i32
    %dma_wait3A_916 = tpu.memref_slice %arg13[%dma_wait3A_914, %dma_wait3A_915] : memref<1024x4xf32, #tpu.memory_space<vmem>> -> memref<128x4xf32, #tpu.memory_space<vmem>>
    %dma_wait3A_917 = arith.constant 384 : i32
    %dma_wait3A_918 = tpu.memref_slice %arg11[%dma_wait3A_917] : memref<1024xi32, #tpu.memory_space<vmem>> -> memref<128xi32, #tpu.memory_space<vmem>>
    %dma_wait3A_919 = arith.constant 0 : i32
    %dma_wait3A_920 = arith.constant 0 : i32
    %dma_wait3A_921 = tpu.memref_slice %arg2[%dma_wait3A_919, %dma_wait3A_920] : memref<50000x4xf32, #tpu.memory_space<hbm>> -> memref<50000x4xf32, #tpu.memory_space<hbm>>
    tpu.wait_indirect_dma semaphore(%arg37 : memref<!tpu.dma_semaphore, #tpu.memory_space<semaphore_mem>>) src(%dma_wait3A_921 : memref<50000x4xf32, #tpu.memory_space<hbm>>) dst(%dma_wait3A_916 : memref<128x4xf32, #tpu.memory_space<vmem>>)
    %dma_wait3A_922 = arith.constant 384 : i32
    %dma_wait3A_923 = arith.constant 0 : i32
    %dma_wait3A_924 = tpu.memref_slice %arg14[%dma_wait3A_922, %dma_wait3A_923] : memref<1024x4xf32, #tpu.memory_space<vmem>> -> memref<128x4xf32, #tpu.memory_space<vmem>>
    %dma_wait3A_925 = arith.constant 384 : i32
    %dma_wait3A_926 = tpu.memref_slice %arg12[%dma_wait3A_925] : memref<1024xi32, #tpu.memory_space<vmem>> -> memref<128xi32, #tpu.memory_space<vmem>>
    %dma_wait3A_927 = arith.constant 0 : i32
    %dma_wait3A_928 = arith.constant 0 : i32
    %dma_wait3A_929 = tpu.memref_slice %arg2[%dma_wait3A_927, %dma_wait3A_928] : memref<50000x4xf32, #tpu.memory_space<hbm>> -> memref<50000x4xf32, #tpu.memory_space<hbm>>
    tpu.wait_indirect_dma semaphore(%arg37 : memref<!tpu.dma_semaphore, #tpu.memory_space<semaphore_mem>>) src(%dma_wait3A_929 : memref<50000x4xf32, #tpu.memory_space<hbm>>) dst(%dma_wait3A_924 : memref<128x4xf32, #tpu.memory_space<vmem>>)
    %dma_wait3A_930 = arith.constant 512 : i32
    %dma_wait3A_931 = arith.constant 0 : i32
    %dma_wait3A_932 = tpu.memref_slice %arg13[%dma_wait3A_930, %dma_wait3A_931] : memref<1024x4xf32, #tpu.memory_space<vmem>> -> memref<128x4xf32, #tpu.memory_space<vmem>>
    %dma_wait3A_933 = arith.constant 512 : i32
    %dma_wait3A_934 = tpu.memref_slice %arg11[%dma_wait3A_933] : memref<1024xi32, #tpu.memory_space<vmem>> -> memref<128xi32, #tpu.memory_space<vmem>>
    %dma_wait3A_935 = arith.constant 0 : i32
    %dma_wait3A_936 = arith.constant 0 : i32
    %dma_wait3A_937 = tpu.memref_slice %arg2[%dma_wait3A_935, %dma_wait3A_936] : memref<50000x4xf32, #tpu.memory_space<hbm>> -> memref<50000x4xf32, #tpu.memory_space<hbm>>
    tpu.wait_indirect_dma semaphore(%arg37 : memref<!tpu.dma_semaphore, #tpu.memory_space<semaphore_mem>>) src(%dma_wait3A_937 : memref<50000x4xf32, #tpu.memory_space<hbm>>) dst(%dma_wait3A_932 : memref<128x4xf32, #tpu.memory_space<vmem>>)
    %dma_wait3A_938 = arith.constant 512 : i32
    %dma_wait3A_939 = arith.constant 0 : i32
    %dma_wait3A_940 = tpu.memref_slice %arg14[%dma_wait3A_938, %dma_wait3A_939] : memref<1024x4xf32, #tpu.memory_space<vmem>> -> memref<128x4xf32, #tpu.memory_space<vmem>>
    %dma_wait3A_941 = arith.constant 512 : i32
    %dma_wait3A_942 = tpu.memref_slice %arg12[%dma_wait3A_941] : memref<1024xi32, #tpu.memory_space<vmem>> -> memref<128xi32, #tpu.memory_space<vmem>>
    %dma_wait3A_943 = arith.constant 0 : i32
    %dma_wait3A_944 = arith.constant 0 : i32
    %dma_wait3A_945 = tpu.memref_slice %arg2[%dma_wait3A_943, %dma_wait3A_944] : memref<50000x4xf32, #tpu.memory_space<hbm>> -> memref<50000x4xf32, #tpu.memory_space<hbm>>
    tpu.wait_indirect_dma semaphore(%arg37 : memref<!tpu.dma_semaphore, #tpu.memory_space<semaphore_mem>>) src(%dma_wait3A_945 : memref<50000x4xf32, #tpu.memory_space<hbm>>) dst(%dma_wait3A_940 : memref<128x4xf32, #tpu.memory_space<vmem>>)
    %dma_wait3A_946 = arith.constant 640 : i32
    %dma_wait3A_947 = arith.constant 0 : i32
    %dma_wait3A_948 = tpu.memref_slice %arg13[%dma_wait3A_946, %dma_wait3A_947] : memref<1024x4xf32, #tpu.memory_space<vmem>> -> memref<128x4xf32, #tpu.memory_space<vmem>>
    %dma_wait3A_949 = arith.constant 640 : i32
    %dma_wait3A_950 = tpu.memref_slice %arg11[%dma_wait3A_949] : memref<1024xi32, #tpu.memory_space<vmem>> -> memref<128xi32, #tpu.memory_space<vmem>>
    %dma_wait3A_951 = arith.constant 0 : i32
    %dma_wait3A_952 = arith.constant 0 : i32
    %dma_wait3A_953 = tpu.memref_slice %arg2[%dma_wait3A_951, %dma_wait3A_952] : memref<50000x4xf32, #tpu.memory_space<hbm>> -> memref<50000x4xf32, #tpu.memory_space<hbm>>
    tpu.wait_indirect_dma semaphore(%arg37 : memref<!tpu.dma_semaphore, #tpu.memory_space<semaphore_mem>>) src(%dma_wait3A_953 : memref<50000x4xf32, #tpu.memory_space<hbm>>) dst(%dma_wait3A_948 : memref<128x4xf32, #tpu.memory_space<vmem>>)
    %dma_wait3A_954 = arith.constant 640 : i32
    %dma_wait3A_955 = arith.constant 0 : i32
    %dma_wait3A_956 = tpu.memref_slice %arg14[%dma_wait3A_954, %dma_wait3A_955] : memref<1024x4xf32, #tpu.memory_space<vmem>> -> memref<128x4xf32, #tpu.memory_space<vmem>>
    %dma_wait3A_957 = arith.constant 640 : i32
    %dma_wait3A_958 = tpu.memref_slice %arg12[%dma_wait3A_957] : memref<1024xi32, #tpu.memory_space<vmem>> -> memref<128xi32, #tpu.memory_space<vmem>>
    %dma_wait3A_959 = arith.constant 0 : i32
    %dma_wait3A_960 = arith.constant 0 : i32
    %dma_wait3A_961 = tpu.memref_slice %arg2[%dma_wait3A_959, %dma_wait3A_960] : memref<50000x4xf32, #tpu.memory_space<hbm>> -> memref<50000x4xf32, #tpu.memory_space<hbm>>
    tpu.wait_indirect_dma semaphore(%arg37 : memref<!tpu.dma_semaphore, #tpu.memory_space<semaphore_mem>>) src(%dma_wait3A_961 : memref<50000x4xf32, #tpu.memory_space<hbm>>) dst(%dma_wait3A_956 : memref<128x4xf32, #tpu.memory_space<vmem>>)
    %dma_wait3A_962 = arith.constant 768 : i32
    %dma_wait3A_963 = arith.constant 0 : i32
    %dma_wait3A_964 = tpu.memref_slice %arg13[%dma_wait3A_962, %dma_wait3A_963] : memref<1024x4xf32, #tpu.memory_space<vmem>> -> memref<80x4xf32, #tpu.memory_space<vmem>>
    %dma_wait3A_965 = arith.constant 768 : i32
    %dma_wait3A_966 = tpu.memref_slice %arg11[%dma_wait3A_965] : memref<1024xi32, #tpu.memory_space<vmem>> -> memref<80xi32, #tpu.memory_space<vmem>>
    %dma_wait3A_967 = arith.constant 0 : i32
    %dma_wait3A_968 = arith.constant 0 : i32
    %dma_wait3A_969 = tpu.memref_slice %arg2[%dma_wait3A_967, %dma_wait3A_968] : memref<50000x4xf32, #tpu.memory_space<hbm>> -> memref<50000x4xf32, #tpu.memory_space<hbm>>
    tpu.wait_indirect_dma semaphore(%arg37 : memref<!tpu.dma_semaphore, #tpu.memory_space<semaphore_mem>>) src(%dma_wait3A_969 : memref<50000x4xf32, #tpu.memory_space<hbm>>) dst(%dma_wait3A_964 : memref<80x4xf32, #tpu.memory_space<vmem>>)
    %dma_wait3A_970 = arith.constant 768 : i32
    %dma_wait3A_971 = arith.constant 0 : i32
    %dma_wait3A_972 = tpu.memref_slice %arg14[%dma_wait3A_970, %dma_wait3A_971] : memref<1024x4xf32, #tpu.memory_space<vmem>> -> memref<80x4xf32, #tpu.memory_space<vmem>>
    %dma_wait3A_973 = arith.constant 768 : i32
    %dma_wait3A_974 = tpu.memref_slice %arg12[%dma_wait3A_973] : memref<1024xi32, #tpu.memory_space<vmem>> -> memref<80xi32, #tpu.memory_space<vmem>>
    %dma_wait3A_975 = arith.constant 0 : i32
    %dma_wait3A_976 = arith.constant 0 : i32
    %dma_wait3A_977 = tpu.memref_slice %arg2[%dma_wait3A_975, %dma_wait3A_976] : memref<50000x4xf32, #tpu.memory_space<hbm>> -> memref<50000x4xf32, #tpu.memory_space<hbm>>
    tpu.wait_indirect_dma semaphore(%arg37 : memref<!tpu.dma_semaphore, #tpu.memory_space<semaphore_mem>>) src(%dma_wait3A_977 : memref<50000x4xf32, #tpu.memory_space<hbm>>) dst(%dma_wait3A_972 : memref<80x4xf32, #tpu.memory_space<vmem>>)
    %scan3A_978 = arith.constant 0 : i32
    %scan3A_979 = arith.constant 0 : i32
    %scan3A_980 = arith.constant 53 : i32
    %scan3A_981 = arith.addi %scan3A_979, %scan3A_980 : i32
    %scan3A_982 = arith.constant 1 : i32
    %scan3A_983 = scf.for %scan3A_1009 = %scan3A_979 to %scan3A_981 step %scan3A_982 iter_args(%scan3A_1010 = %scan3A_978) -> (i32)  : i32 {
      %mul3A_1011 = arith.constant 16 : i32
      %mul3A_1012 = arith.muli %scan3A_1009, %mul3A_1011 : i32
      %get3A = arith.index_cast %mul3A_1012 : i32 to index
      %get3A_1013 = tpu.vector_load %arg11[%get3A] {strides = array<i32>} : memref<1024xi32, #tpu.memory_space<vmem>>, vector<16xi32>,
      %add3A_1014 = vector.broadcast %mul3A_1012 : i32 to vector<16xi32>
      %add3A_1015 = arith.addi %iota3A, %add3A_1014 : vector<16xi32>
      %gather3A = tpu.vector_load_idx %arg13[%add3A_1015, %broadcast_in_dim3A_3] : memref<1024x4xf32, #tpu.memory_space<vmem>>[vector<16xi32>, vector<16xi32>], vector<16xf32>,
      %gather3A_1016 = tpu.vector_load_idx %arg13[%add3A_1015, %add3A_6] : memref<1024x4xf32, #tpu.memory_space<vmem>>[vector<16xi32>, vector<16xi32>], vector<16xf32>,
      %gather3A_1017 = tpu.vector_load_idx %arg13[%add3A_1015, %add3A_9] : memref<1024x4xf32, #tpu.memory_space<vmem>>[vector<16xi32>, vector<16xi32>], vector<16xf32>,
      %gather3A_1018 = tpu.vector_load_idx %arg14[%add3A_1015, %broadcast_in_dim3A_3] : memref<1024x4xf32, #tpu.memory_space<vmem>>[vector<16xi32>, vector<16xi32>], vector<16xf32>,
      %gather3A_1019 = tpu.vector_load_idx %arg14[%add3A_1015, %add3A_6] : memref<1024x4xf32, #tpu.memory_space<vmem>>[vector<16xi32>, vector<16xi32>], vector<16xf32>,
      %gather3A_1020 = tpu.vector_load_idx %arg14[%add3A_1015, %add3A_9] : memref<1024x4xf32, #tpu.memory_space<vmem>>[vector<16xi32>, vector<16xi32>], vector<16xf32>,
      %get3A_1021 = arith.index_cast %mul3A_1012 : i32 to index
      %get3A_1022 = tpu.vector_load %arg15[%get3A_1021] {strides = array<i32>} : memref<1024xf32, #tpu.memory_space<vmem>>, vector<16xf32>,
      %get3A_1023 = arith.index_cast %mul3A_1012 : i32 to index
      %get3A_1024 = tpu.vector_load %arg16[%get3A_1023] {strides = array<i32>} : memref<1024xf32, #tpu.memory_space<vmem>>, vector<16xf32>,
      %get3A_1025 = arith.index_cast %mul3A_1012 : i32 to index
      %get3A_1026 = tpu.vector_load %arg17[%get3A_1025] {strides = array<i32>} : memref<1024xf32, #tpu.memory_space<vmem>>, vector<16xf32>,
      %mul3A_1027 = arith.mulf %get3A_1022, %get3A_1022 : vector<16xf32>
      %mul3A_1028 = arith.mulf %get3A_1024, %get3A_1024 : vector<16xf32>
      %add3A_1029 = arith.addf %mul3A_1027, %mul3A_1028 : vector<16xf32>
      %mul3A_1030 = arith.mulf %get3A_1026, %get3A_1026 : vector<16xf32>
      %add3A_1031 = arith.addf %add3A_1029, %mul3A_1030 : vector<16xf32>
      %mul3A_1032 = arith.constant 5.000000e-01 : f32
      %mul3A_1033 = vector.broadcast %mul3A_1032 : f32 to vector<16xf32>
      %mul3A_1034 = arith.mulf %mul3A_1033, %gather3A_1019 : vector<16xf32>
      %add3A_1035 = arith.addf %gather3A_1016, %mul3A_1034 : vector<16xf32>
      %mul3A_1036 = arith.constant 5.000000e-01 : f32
      %mul3A_1037 = vector.broadcast %mul3A_1036 : f32 to vector<16xf32>
      %mul3A_1038 = arith.mulf %mul3A_1037, %gather3A_1020 : vector<16xf32>
      %add3A_1039 = arith.addf %gather3A_1017, %mul3A_1038 : vector<16xf32>
      %mul3A_1040 = arith.mulf %gather3A, %gather3A_1018 : vector<16xf32>
      %abs3A = math.absf %mul3A_1040 : vector<16xf32>
      %sub3A = arith.constant 1.000000e+00 : f32
      %sub3A_1041 = vector.broadcast %sub3A : f32 to vector<16xf32>
      %sub3A_1042 = arith.subf %add3A_1035, %sub3A_1041 : vector<16xf32>
      %bitcast_convert_type3A = tpu.bitcast %add3A_1039 : vector<16xf32> -> vector<16xi32>
      %shift_right_arithmetic3A = arith.constant 23 : i32
      %shift_right_arithmetic3A_1043 = vector.broadcast %shift_right_arithmetic3A : i32 to vector<16xi32>
      %shift_right_arithmetic3A_1044 = arith.shrsi %bitcast_convert_type3A, %shift_right_arithmetic3A_1043 : vector<16xi32>
      %sub3A_1045 = arith.constant 127 : i32
      %sub3A_1046 = vector.broadcast %sub3A_1045 : i32 to vector<16xi32>
      %sub3A_1047 = arith.subi %shift_right_arithmetic3A_1044, %sub3A_1046 : vector<16xi32>
      %and3A = arith.constant 8388607 : i32
      %and3A_1048 = vector.broadcast %and3A : i32 to vector<16xi32>
      %and3A_1049 = arith.andi %bitcast_convert_type3A, %and3A_1048 : vector<16xi32>
      %or3A = arith.constant 1065353216 : i32
      %or3A_1050 = vector.broadcast %or3A : i32 to vector<16xi32>
      %or3A_1051 = arith.ori %and3A_1049, %or3A_1050 : vector<16xi32>
      %bitcast_convert_type3A_1052 = tpu.bitcast %or3A_1051 : vector<16xi32> -> vector<16xf32>
      %gt3A = arith.constant 1.41421354 : f32
      %gt3A_1053 = vector.broadcast %gt3A : f32 to vector<16xf32>
      %gt3A_1054 = arith.cmpf ogt, %bitcast_convert_type3A_1052, %gt3A_1053 : vector<16xf32>
      %mul3A_1055 = arith.constant 5.000000e-01 : f32
      %mul3A_1056 = vector.broadcast %mul3A_1055 : f32 to vector<16xf32>
      %mul3A_1057 = arith.mulf %bitcast_convert_type3A_1052, %mul3A_1056 : vector<16xf32>
      %select_n3A = arith.select %gt3A_1054, %mul3A_1057, %bitcast_convert_type3A_1052 : vector<16xi1>, vector<16xf32>
      %convert_element_type3A_1058 = arith.sitofp %sub3A_1047 : vector<16xi32> to vector<16xf32>
      %jit3A = arith.constant 1.000000e+00 : f32
      %jit3A_1059 = arith.constant 0.000000e+00 : f32
      %broadcast_in_dim3A_1060 = vector.broadcast %jit3A : f32 to vector<16xf32>
      %broadcast_in_dim3A_1061 = vector.broadcast %jit3A_1059 : f32 to vector<16xf32>
      %select_n3A_1062 = arith.select %gt3A_1054, %broadcast_in_dim3A_1060, %broadcast_in_dim3A_1061 : vector<16xi1>, vector<16xf32>
      %add3A_1063 = arith.addf %convert_element_type3A_1058, %select_n3A_1062 : vector<16xf32>
      %sub3A_1064 = arith.constant 1.000000e+00 : f32
      %sub3A_1065 = vector.broadcast %sub3A_1064 : f32 to vector<16xf32>
      %sub3A_1066 = arith.subf %select_n3A, %sub3A_1065 : vector<16xf32>
      %add3A_1067 = arith.constant 1.000000e+00 : f32
      %add3A_1068 = vector.broadcast %add3A_1067 : f32 to vector<16xf32>
      %add3A_1069 = arith.addf %select_n3A, %add3A_1068 : vector<16xf32>
      %div3A = arith.divf %sub3A_1066, %add3A_1069 : vector<16xf32>
      %mul3A_1070 = arith.mulf %div3A, %div3A : vector<16xf32>
      %mul3A_1071 = arith.constant 0.285714298 : f32
      %mul3A_1072 = vector.broadcast %mul3A_1071 : f32 to vector<16xf32>
      %mul3A_1073 = arith.mulf %mul3A_1070, %mul3A_1072 : vector<16xf32>
      %add3A_1074 = arith.constant 4.000000e-01 : f32
      %add3A_1075 = vector.broadcast %add3A_1074 : f32 to vector<16xf32>
      %add3A_1076 = arith.addf %add3A_1075, %mul3A_1073 : vector<16xf32>
      %mul3A_1077 = arith.mulf %mul3A_1070, %add3A_1076 : vector<16xf32>
      %add3A_1078 = arith.constant 0.666666686 : f32
      %add3A_1079 = vector.broadcast %add3A_1078 : f32 to vector<16xf32>
      %add3A_1080 = arith.addf %add3A_1079, %mul3A_1077 : vector<16xf32>
      %mul3A_1081 = arith.mulf %mul3A_1070, %add3A_1080 : vector<16xf32>
      %add3A_1082 = arith.constant 2.000000e+00 : f32
      %add3A_1083 = vector.broadcast %add3A_1082 : f32 to vector<16xf32>
      %add3A_1084 = arith.addf %add3A_1083, %mul3A_1081 : vector<16xf32>
      %mul3A_1085 = arith.constant 0.693147182 : f32
      %mul3A_1086 = vector.broadcast %mul3A_1085 : f32 to vector<16xf32>
      %mul3A_1087 = arith.mulf %add3A_1063, %mul3A_1086 : vector<16xf32>
      %mul3A_1088 = arith.mulf %div3A, %add3A_1084 : vector<16xf32>
      %add3A_1089 = arith.addf %mul3A_1087, %mul3A_1088 : vector<16xf32>
      %mul3A_1090 = arith.mulf %sub3A_1042, %add3A_1089 : vector<16xf32>
      %exp3A = math.exp %mul3A_1090 : vector<16xf32>
      %mul3A_1091 = arith.mulf %abs3A, %exp3A : vector<16xf32>
      %div3A_1092 = arith.divf %mul3A_1091, %add3A_1035 : vector<16xf32>
      %bitcast_convert_type3A_1093 = tpu.bitcast %add3A_1031 : vector<16xf32> -> vector<16xi32>
      %shift_right_arithmetic3A_1094 = arith.constant 23 : i32
      %shift_right_arithmetic3A_1095 = vector.broadcast %shift_right_arithmetic3A_1094 : i32 to vector<16xi32>
      %shift_right_arithmetic3A_1096 = arith.shrsi %bitcast_convert_type3A_1093, %shift_right_arithmetic3A_1095 : vector<16xi32>
      %sub3A_1097 = arith.constant 127 : i32
      %sub3A_1098 = vector.broadcast %sub3A_1097 : i32 to vector<16xi32>
      %sub3A_1099 = arith.subi %shift_right_arithmetic3A_1096, %sub3A_1098 : vector<16xi32>
      %and3A_1100 = arith.constant 8388607 : i32
      %and3A_1101 = vector.broadcast %and3A_1100 : i32 to vector<16xi32>
      %and3A_1102 = arith.andi %bitcast_convert_type3A_1093, %and3A_1101 : vector<16xi32>
      %or3A_1103 = arith.constant 1065353216 : i32
      %or3A_1104 = vector.broadcast %or3A_1103 : i32 to vector<16xi32>
      %or3A_1105 = arith.ori %and3A_1102, %or3A_1104 : vector<16xi32>
      %bitcast_convert_type3A_1106 = tpu.bitcast %or3A_1105 : vector<16xi32> -> vector<16xf32>
      %gt3A_1107 = arith.constant 1.41421354 : f32
      %gt3A_1108 = vector.broadcast %gt3A_1107 : f32 to vector<16xf32>
      %gt3A_1109 = arith.cmpf ogt, %bitcast_convert_type3A_1106, %gt3A_1108 : vector<16xf32>
      %mul3A_1110 = arith.constant 5.000000e-01 : f32
      %mul3A_1111 = vector.broadcast %mul3A_1110 : f32 to vector<16xf32>
      %mul3A_1112 = arith.mulf %bitcast_convert_type3A_1106, %mul3A_1111 : vector<16xf32>
      %select_n3A_1113 = arith.select %gt3A_1109, %mul3A_1112, %bitcast_convert_type3A_1106 : vector<16xi1>, vector<16xf32>
      %convert_element_type3A_1114 = arith.sitofp %sub3A_1099 : vector<16xi32> to vector<16xf32>
      %jit3A_1115 = arith.constant 1.000000e+00 : f32
      %jit3A_1116 = arith.constant 0.000000e+00 : f32
      %broadcast_in_dim3A_1117 = vector.broadcast %jit3A_1115 : f32 to vector<16xf32>
      %broadcast_in_dim3A_1118 = vector.broadcast %jit3A_1116 : f32 to vector<16xf32>
      %select_n3A_1119 = arith.select %gt3A_1109, %broadcast_in_dim3A_1117, %broadcast_in_dim3A_1118 : vector<16xi1>, vector<16xf32>
      %add3A_1120 = arith.addf %convert_element_type3A_1114, %select_n3A_1119 : vector<16xf32>
      %sub3A_1121 = arith.constant 1.000000e+00 : f32
      %sub3A_1122 = vector.broadcast %sub3A_1121 : f32 to vector<16xf32>
      %sub3A_1123 = arith.subf %select_n3A_1113, %sub3A_1122 : vector<16xf32>
      %add3A_1124 = arith.constant 1.000000e+00 : f32
      %add3A_1125 = vector.broadcast %add3A_1124 : f32 to vector<16xf32>
      %add3A_1126 = arith.addf %select_n3A_1113, %add3A_1125 : vector<16xf32>
      %div3A_1127 = arith.divf %sub3A_1123, %add3A_1126 : vector<16xf32>
      %mul3A_1128 = arith.mulf %div3A_1127, %div3A_1127 : vector<16xf32>
      %mul3A_1129 = arith.constant 0.285714298 : f32
      %mul3A_1130 = vector.broadcast %mul3A_1129 : f32 to vector<16xf32>
      %mul3A_1131 = arith.mulf %mul3A_1128, %mul3A_1130 : vector<16xf32>
      %add3A_1132 = arith.constant 4.000000e-01 : f32
      %add3A_1133 = vector.broadcast %add3A_1132 : f32 to vector<16xf32>
      %add3A_1134 = arith.addf %add3A_1133, %mul3A_1131 : vector<16xf32>
      %mul3A_1135 = arith.mulf %mul3A_1128, %add3A_1134 : vector<16xf32>
      %add3A_1136 = arith.constant 0.666666686 : f32
      %add3A_1137 = vector.broadcast %add3A_1136 : f32 to vector<16xf32>
      %add3A_1138 = arith.addf %add3A_1137, %mul3A_1135 : vector<16xf32>
      %mul3A_1139 = arith.mulf %mul3A_1128, %add3A_1138 : vector<16xf32>
      %add3A_1140 = arith.constant 2.000000e+00 : f32
      %add3A_1141 = vector.broadcast %add3A_1140 : f32 to vector<16xf32>
      %add3A_1142 = arith.addf %add3A_1141, %mul3A_1139 : vector<16xf32>
      %mul3A_1143 = arith.constant 0.693147182 : f32
      %mul3A_1144 = vector.broadcast %mul3A_1143 : f32 to vector<16xf32>
      %mul3A_1145 = arith.mulf %add3A_1120, %mul3A_1144 : vector<16xf32>
      %mul3A_1146 = arith.mulf %div3A_1127, %add3A_1142 : vector<16xf32>
      %add3A_1147 = arith.addf %mul3A_1145, %mul3A_1146 : vector<16xf32>
      %mul3A_1148 = arith.constant 5.000000e-01 : f32
      %mul3A_1149 = vector.broadcast %mul3A_1148 : f32 to vector<16xf32>
      %mul3A_1150 = arith.mulf %mul3A_1149, %add3A_1147 : vector<16xf32>
      %neg3A = arith.constant 0.000000e+00 : f32
      %neg3A_1151 = vector.broadcast %neg3A : f32 to vector<16xf32>
      %neg3A_1152 = arith.subf %neg3A_1151, %add3A_1035 : vector<16xf32>
      %mul3A_1153 = arith.mulf %neg3A_1152, %mul3A_1150 : vector<16xf32>
      %exp3A_1154 = math.exp %mul3A_1153 : vector<16xf32>
      %neg3A_1155 = arith.constant 0.000000e+00 : f32
      %neg3A_1156 = vector.broadcast %neg3A_1155 : f32 to vector<16xf32>
      %neg3A_1157 = arith.subf %neg3A_1156, %add3A_1035 : vector<16xf32>
      %mul3A_1158 = arith.constant 1.60943794 : f32
      %mul3A_1159 = vector.broadcast %mul3A_1158 : f32 to vector<16xf32>
      %mul3A_1160 = arith.mulf %neg3A_1157, %mul3A_1159 : vector<16xf32>
      %exp3A_1161 = math.exp %mul3A_1160 : vector<16xf32>
      %sub3A_1162 = arith.subf %exp3A_1154, %exp3A_1161 : vector<16xf32>
      %mul3A_1163 = arith.mulf %div3A_1092, %sub3A_1162 : vector<16xf32>
      %le3A = arith.constant 2.500000e+01 : f32
      %le3A_1164 = vector.broadcast %le3A : f32 to vector<16xf32>
      %le3A_1165 = arith.cmpf ole, %add3A_1031, %le3A_1164 : vector<16xf32>
      %jit3A_1166 = arith.constant 0.000000e+00 : f32
      %broadcast_in_dim3A_1167 = vector.broadcast %jit3A_1166 : f32 to vector<16xf32>
      %select_n3A_1168 = arith.select %le3A_1165, %mul3A_1163, %broadcast_in_dim3A_1167 : vector<16xi1>, vector<16xf32>
      tpu.vector_store_idx %arg25[%get3A_1013], %select_n3A_1168 {add = true} : memref<50176xf32, #tpu.memory_space<vmem>>[vector<16xi32>], vector<16xf32>,
      %scan3A_1169 = arith.constant 0 : i32
      scf.yield %scan3A_1169 : i32
    }
    %scan3A_984 = arith.constant 53 : i32
    %eq3A = arith.constant 0 : i32
    %eq3A_985 = arith.cmpi eq, %arg1, %eq3A : i32
    %convert_element_type3A = arith.extui %eq3A_985 : i1 to i32
    %cond3A = arith.constant 0 : i32
    %cond3A_986 = arith.cmpi ne, %convert_element_type3A, %cond3A : i32
    scf.if %cond3A_986 {
      "tpu.region"() ({
        %run_scoped3A = tpu.sem_alloc : memref<!tpu.dma_semaphore, #tpu.memory_space<semaphore_mem>>
        tpu.enqueue_dma source(%arg25 : memref<50176xf32, #tpu.memory_space<vmem>>) target(%arg31 : memref<50176xf32, #tpu.memory_space<vmem_shared>>) target_semaphore(%run_scoped3A : memref<!tpu.dma_semaphore, #tpu.memory_space<semaphore_mem>>)
        tpu.wait_dma2 semaphore(%run_scoped3A : memref<!tpu.dma_semaphore, #tpu.memory_space<semaphore_mem>>) src(%arg25 : memref<50176xf32, #tpu.memory_space<vmem>>) dst(%arg31 : memref<50176xf32, #tpu.memory_space<vmem_shared>>)
        tpu.yield
      }) : () -> ()
    } else {
    }
    %barrier3A = arith.constant 0 : index
    tpu.barrier barrier_id(%barrier3A)
    %ne3A = arith.constant 0 : i32
    %ne3A_987 = arith.cmpi ne, %arg1, %ne3A : i32
    %convert_element_type3A_988 = arith.extui %ne3A_987 : i1 to i32
    %cond3A_989 = arith.constant 0 : i32
    %cond3A_990 = arith.cmpi ne, %convert_element_type3A_988, %cond3A_989 : i32
    scf.if %cond3A_990 {
      %scan3A_1009 = arith.constant 0 : i32
      %scan3A_1010 = arith.constant 0 : i32
      %scan3A_1011 = arith.constant 49 : i32
      %scan3A_1012 = arith.addi %scan3A_1010, %scan3A_1011 : i32
      %scan3A_1013 = arith.constant 1 : i32
      %scan3A_1014 = scf.for %scan3A_1016 = %scan3A_1010 to %scan3A_1012 step %scan3A_1013 iter_args(%scan3A_1017 = %scan3A_1009) -> (i32)  : i32 {
        %mul3A_1018 = arith.constant 8 : i32
        %mul3A_1019 = arith.muli %scan3A_1016, %mul3A_1018 : i32
        %dma_start3A_1020 = arith.constant 0 : i32
        %dma_start3A_1021 = tpu.memref_slice %arg9[%mul3A_1019, %dma_start3A_1020] : memref<392x128xi32, #tpu.memory_space<hbm>> -> memref<8x128xi32, #tpu.memory_space<hbm>>
        %dma_start3A_1022 = arith.constant 0 : i32
        %dma_start3A_1023 = tpu.memref_slice %arg9[%mul3A_1019, %dma_start3A_1022] : memref<392x128xi32, #tpu.memory_space<hbm>> -> memref<8x128xi32, #tpu.memory_space<hbm>>
        tpu.enqueue_dma source(%dma_start3A_1023 : memref<8x128xi32, #tpu.memory_space<hbm>>) target(%arg26 : memref<8x128xi32, #tpu.memory_space<vmem>>) target_semaphore(%arg33 : memref<!tpu.dma_semaphore, #tpu.memory_space<semaphore_mem>>)
        %dma_wait3A_1024 = arith.constant 0 : i32
        %dma_wait3A_1025 = tpu.memref_slice %arg9[%mul3A_1019, %dma_wait3A_1024] : memref<392x128xi32, #tpu.memory_space<hbm>> -> memref<8x128xi32, #tpu.memory_space<hbm>>
        %dma_wait3A_1026 = arith.constant 0 : i32
        %dma_wait3A_1027 = tpu.memref_slice %arg9[%mul3A_1019, %dma_wait3A_1026] : memref<392x128xi32, #tpu.memory_space<hbm>> -> memref<8x128xi32, #tpu.memory_space<hbm>>
        tpu.wait_dma2 semaphore(%arg33 : memref<!tpu.dma_semaphore, #tpu.memory_space<semaphore_mem>>) src(%dma_wait3A_1027 : memref<8x128xi32, #tpu.memory_space<hbm>>) dst(%arg26 : memref<8x128xi32, #tpu.memory_space<vmem>>)
        %mul3A_1028 = arith.constant 8 : i32
        %mul3A_1029 = arith.muli %scan3A_1016, %mul3A_1028 : i32
        %add3A_1030 = arith.constant 0 : i32
        %add3A_1031 = arith.addi %mul3A_1029, %add3A_1030 : i32
        %mul3A_1032 = arith.constant 128 : i32
        %mul3A_1033 = arith.muli %add3A_1031, %mul3A_1032 : i32
        %dma_start3A_1034 = arith.constant 0 : i32
        %dma_start3A_1035 = tpu.memref_slice %arg25[%mul3A_1033] : memref<50176xf32, #tpu.memory_space<vmem>> -> memref<128xf32, #tpu.memory_space<vmem>>
        %dma_start3A_1036 = arith.constant 0 : i32
        %dma_start3A_1037 = tpu.memref_slice %arg26[%dma_start3A_1034, %dma_start3A_1036] : memref<8x128xi32, #tpu.memory_space<vmem>> -> memref<1x128xi32, #tpu.memory_space<vmem>>
        %dma_start3A_1038 = tpu.memref_squeeze %dma_start3A_1037 : memref<1x128xi32, #tpu.memory_space<vmem>> -> memref<128xi32, #tpu.memory_space<vmem>>
        %dma_start3A_1039 = arith.constant 0 : i32
        %dma_start3A_1040 = tpu.memref_slice %arg31[%dma_start3A_1039] : memref<50176xf32, #tpu.memory_space<vmem_shared>> -> memref<50176xf32, #tpu.memory_space<vmem_shared>>
        tpu.enqueue_indirect_dma source(%dma_start3A_1035 : memref<128xf32, #tpu.memory_space<vmem>>) target(%dma_start3A_1040 : memref<50176xf32, #tpu.memory_space<vmem_shared>>) offsets(%dma_start3A_1038 : memref<128xi32, #tpu.memory_space<vmem>>) semaphore(%arg37 : memref<!tpu.dma_semaphore, #tpu.memory_space<semaphore_mem>>) {add = true}
        %mul3A_1041 = arith.constant 8 : i32
        %mul3A_1042 = arith.muli %scan3A_1016, %mul3A_1041 : i32
        %add3A_1043 = arith.constant 1 : i32
        %add3A_1044 = arith.addi %mul3A_1042, %add3A_1043 : i32
        %mul3A_1045 = arith.constant 128 : i32
        %mul3A_1046 = arith.muli %add3A_1044, %mul3A_1045 : i32
        %dma_start3A_1047 = arith.constant 1 : i32
        %dma_start3A_1048 = tpu.memref_slice %arg25[%mul3A_1046] : memref<50176xf32, #tpu.memory_space<vmem>> -> memref<128xf32, #tpu.memory_space<vmem>>
        %dma_start3A_1049 = arith.constant 0 : i32
        %dma_start3A_1050 = tpu.memref_slice %arg26[%dma_start3A_1047, %dma_start3A_1049] : memref<8x128xi32, #tpu.memory_space<vmem>> -> memref<1x128xi32, #tpu.memory_space<vmem>>
        %dma_start3A_1051 = tpu.memref_squeeze %dma_start3A_1050 : memref<1x128xi32, #tpu.memory_space<vmem>> -> memref<128xi32, #tpu.memory_space<vmem>>
        %dma_start3A_1052 = arith.constant 0 : i32
        %dma_start3A_1053 = tpu.memref_slice %arg31[%dma_start3A_1052] : memref<50176xf32, #tpu.memory_space<vmem_shared>> -> memref<50176xf32, #tpu.memory_space<vmem_shared>>
        tpu.enqueue_indirect_dma source(%dma_start3A_1048 : memref<128xf32, #tpu.memory_space<vmem>>) target(%dma_start3A_1053 : memref<50176xf32, #tpu.memory_space<vmem_shared>>) offsets(%dma_start3A_1051 : memref<128xi32, #tpu.memory_space<vmem>>) semaphore(%arg37 : memref<!tpu.dma_semaphore, #tpu.memory_space<semaphore_mem>>) {add = true}
        %mul3A_1054 = arith.constant 8 : i32
        %mul3A_1055 = arith.muli %scan3A_1016, %mul3A_1054 : i32
        %add3A_1056 = arith.constant 2 : i32
        %add3A_1057 = arith.addi %mul3A_1055, %add3A_1056 : i32
        %mul3A_1058 = arith.constant 128 : i32
        %mul3A_1059 = arith.muli %add3A_1057, %mul3A_1058 : i32
        %dma_start3A_1060 = arith.constant 2 : i32
        %dma_start3A_1061 = tpu.memref_slice %arg25[%mul3A_1059] : memref<50176xf32, #tpu.memory_space<vmem>> -> memref<128xf32, #tpu.memory_space<vmem>>
        %dma_start3A_1062 = arith.constant 0 : i32
        %dma_start3A_1063 = tpu.memref_slice %arg26[%dma_start3A_1060, %dma_start3A_1062] : memref<8x128xi32, #tpu.memory_space<vmem>> -> memref<1x128xi32, #tpu.memory_space<vmem>>
        %dma_start3A_1064 = tpu.memref_squeeze %dma_start3A_1063 : memref<1x128xi32, #tpu.memory_space<vmem>> -> memref<128xi32, #tpu.memory_space<vmem>>
        %dma_start3A_1065 = arith.constant 0 : i32
        %dma_start3A_1066 = tpu.memref_slice %arg31[%dma_start3A_1065] : memref<50176xf32, #tpu.memory_space<vmem_shared>> -> memref<50176xf32, #tpu.memory_space<vmem_shared>>
        tpu.enqueue_indirect_dma source(%dma_start3A_1061 : memref<128xf32, #tpu.memory_space<vmem>>) target(%dma_start3A_1066 : memref<50176xf32, #tpu.memory_space<vmem_shared>>) offsets(%dma_start3A_1064 : memref<128xi32, #tpu.memory_space<vmem>>) semaphore(%arg37 : memref<!tpu.dma_semaphore, #tpu.memory_space<semaphore_mem>>) {add = true}
        %mul3A_1067 = arith.constant 8 : i32
        %mul3A_1068 = arith.muli %scan3A_1016, %mul3A_1067 : i32
        %add3A_1069 = arith.constant 3 : i32
        %add3A_1070 = arith.addi %mul3A_1068, %add3A_1069 : i32
        %mul3A_1071 = arith.constant 128 : i32
        %mul3A_1072 = arith.muli %add3A_1070, %mul3A_1071 : i32
        %dma_start3A_1073 = arith.constant 3 : i32
        %dma_start3A_1074 = tpu.memref_slice %arg25[%mul3A_1072] : memref<50176xf32, #tpu.memory_space<vmem>> -> memref<128xf32, #tpu.memory_space<vmem>>
        %dma_start3A_1075 = arith.constant 0 : i32
        %dma_start3A_1076 = tpu.memref_slice %arg26[%dma_start3A_1073, %dma_start3A_1075] : memref<8x128xi32, #tpu.memory_space<vmem>> -> memref<1x128xi32, #tpu.memory_space<vmem>>
        %dma_start3A_1077 = tpu.memref_squeeze %dma_start3A_1076 : memref<1x128xi32, #tpu.memory_space<vmem>> -> memref<128xi32, #tpu.memory_space<vmem>>
        %dma_start3A_1078 = arith.constant 0 : i32
        %dma_start3A_1079 = tpu.memref_slice %arg31[%dma_start3A_1078] : memref<50176xf32, #tpu.memory_space<vmem_shared>> -> memref<50176xf32, #tpu.memory_space<vmem_shared>>
        tpu.enqueue_indirect_dma source(%dma_start3A_1074 : memref<128xf32, #tpu.memory_space<vmem>>) target(%dma_start3A_1079 : memref<50176xf32, #tpu.memory_space<vmem_shared>>) offsets(%dma_start3A_1077 : memref<128xi32, #tpu.memory_space<vmem>>) semaphore(%arg37 : memref<!tpu.dma_semaphore, #tpu.memory_space<semaphore_mem>>) {add = true}
        %mul3A_1080 = arith.constant 8 : i32
        %mul3A_1081 = arith.muli %scan3A_1016, %mul3A_1080 : i32
        %add3A_1082 = arith.constant 4 : i32
        %add3A_1083 = arith.addi %mul3A_1081, %add3A_1082 : i32
        %mul3A_1084 = arith.constant 128 : i32
        %mul3A_1085 = arith.muli %add3A_1083, %mul3A_1084 : i32
        %dma_start3A_1086 = arith.constant 4 : i32
        %dma_start3A_1087 = tpu.memref_slice %arg25[%mul3A_1085] : memref<50176xf32, #tpu.memory_space<vmem>> -> memref<128xf32, #tpu.memory_space<vmem>>
        %dma_start3A_1088 = arith.constant 0 : i32
        %dma_start3A_1089 = tpu.memref_slice %arg26[%dma_start3A_1086, %dma_start3A_1088] : memref<8x128xi32, #tpu.memory_space<vmem>> -> memref<1x128xi32, #tpu.memory_space<vmem>>
        %dma_start3A_1090 = tpu.memref_squeeze %dma_start3A_1089 : memref<1x128xi32, #tpu.memory_space<vmem>> -> memref<128xi32, #tpu.memory_space<vmem>>
        %dma_start3A_1091 = arith.constant 0 : i32
        %dma_start3A_1092 = tpu.memref_slice %arg31[%dma_start3A_1091] : memref<50176xf32, #tpu.memory_space<vmem_shared>> -> memref<50176xf32, #tpu.memory_space<vmem_shared>>
        tpu.enqueue_indirect_dma source(%dma_start3A_1087 : memref<128xf32, #tpu.memory_space<vmem>>) target(%dma_start3A_1092 : memref<50176xf32, #tpu.memory_space<vmem_shared>>) offsets(%dma_start3A_1090 : memref<128xi32, #tpu.memory_space<vmem>>) semaphore(%arg37 : memref<!tpu.dma_semaphore, #tpu.memory_space<semaphore_mem>>) {add = true}
        %mul3A_1093 = arith.constant 8 : i32
        %mul3A_1094 = arith.muli %scan3A_1016, %mul3A_1093 : i32
        %add3A_1095 = arith.constant 5 : i32
        %add3A_1096 = arith.addi %mul3A_1094, %add3A_1095 : i32
        %mul3A_1097 = arith.constant 128 : i32
        %mul3A_1098 = arith.muli %add3A_1096, %mul3A_1097 : i32
        %dma_start3A_1099 = arith.constant 5 : i32
        %dma_start3A_1100 = tpu.memref_slice %arg25[%mul3A_1098] : memref<50176xf32, #tpu.memory_space<vmem>> -> memref<128xf32, #tpu.memory_space<vmem>>
        %dma_start3A_1101 = arith.constant 0 : i32
        %dma_start3A_1102 = tpu.memref_slice %arg26[%dma_start3A_1099, %dma_start3A_1101] : memref<8x128xi32, #tpu.memory_space<vmem>> -> memref<1x128xi32, #tpu.memory_space<vmem>>
        %dma_start3A_1103 = tpu.memref_squeeze %dma_start3A_1102 : memref<1x128xi32, #tpu.memory_space<vmem>> -> memref<128xi32, #tpu.memory_space<vmem>>
        %dma_start3A_1104 = arith.constant 0 : i32
        %dma_start3A_1105 = tpu.memref_slice %arg31[%dma_start3A_1104] : memref<50176xf32, #tpu.memory_space<vmem_shared>> -> memref<50176xf32, #tpu.memory_space<vmem_shared>>
        tpu.enqueue_indirect_dma source(%dma_start3A_1100 : memref<128xf32, #tpu.memory_space<vmem>>) target(%dma_start3A_1105 : memref<50176xf32, #tpu.memory_space<vmem_shared>>) offsets(%dma_start3A_1103 : memref<128xi32, #tpu.memory_space<vmem>>) semaphore(%arg37 : memref<!tpu.dma_semaphore, #tpu.memory_space<semaphore_mem>>) {add = true}
        %mul3A_1106 = arith.constant 8 : i32
        %mul3A_1107 = arith.muli %scan3A_1016, %mul3A_1106 : i32
        %add3A_1108 = arith.constant 6 : i32
        %add3A_1109 = arith.addi %mul3A_1107, %add3A_1108 : i32
        %mul3A_1110 = arith.constant 128 : i32
        %mul3A_1111 = arith.muli %add3A_1109, %mul3A_1110 : i32
        %dma_start3A_1112 = arith.constant 6 : i32
        %dma_start3A_1113 = tpu.memref_slice %arg25[%mul3A_1111] : memref<50176xf32, #tpu.memory_space<vmem>> -> memref<128xf32, #tpu.memory_space<vmem>>
        %dma_start3A_1114 = arith.constant 0 : i32
        %dma_start3A_1115 = tpu.memref_slice %arg26[%dma_start3A_1112, %dma_start3A_1114] : memref<8x128xi32, #tpu.memory_space<vmem>> -> memref<1x128xi32, #tpu.memory_space<vmem>>
        %dma_start3A_1116 = tpu.memref_squeeze %dma_start3A_1115 : memref<1x128xi32, #tpu.memory_space<vmem>> -> memref<128xi32, #tpu.memory_space<vmem>>
        %dma_start3A_1117 = arith.constant 0 : i32
        %dma_start3A_1118 = tpu.memref_slice %arg31[%dma_start3A_1117] : memref<50176xf32, #tpu.memory_space<vmem_shared>> -> memref<50176xf32, #tpu.memory_space<vmem_shared>>
        tpu.enqueue_indirect_dma source(%dma_start3A_1113 : memref<128xf32, #tpu.memory_space<vmem>>) target(%dma_start3A_1118 : memref<50176xf32, #tpu.memory_space<vmem_shared>>) offsets(%dma_start3A_1116 : memref<128xi32, #tpu.memory_space<vmem>>) semaphore(%arg37 : memref<!tpu.dma_semaphore, #tpu.memory_space<semaphore_mem>>) {add = true}
        %mul3A_1119 = arith.constant 8 : i32
        %mul3A_1120 = arith.muli %scan3A_1016, %mul3A_1119 : i32
        %add3A_1121 = arith.constant 7 : i32
        %add3A_1122 = arith.addi %mul3A_1120, %add3A_1121 : i32
        %mul3A_1123 = arith.constant 128 : i32
        %mul3A_1124 = arith.muli %add3A_1122, %mul3A_1123 : i32
        %dma_start3A_1125 = arith.constant 7 : i32
        %dma_start3A_1126 = tpu.memref_slice %arg25[%mul3A_1124] : memref<50176xf32, #tpu.memory_space<vmem>> -> memref<128xf32, #tpu.memory_space<vmem>>
        %dma_start3A_1127 = arith.constant 0 : i32
        %dma_start3A_1128 = tpu.memref_slice %arg26[%dma_start3A_1125, %dma_start3A_1127] : memref<8x128xi32, #tpu.memory_space<vmem>> -> memref<1x128xi32, #tpu.memory_space<vmem>>
        %dma_start3A_1129 = tpu.memref_squeeze %dma_start3A_1128 : memref<1x128xi32, #tpu.memory_space<vmem>> -> memref<128xi32, #tpu.memory_space<vmem>>
        %dma_start3A_1130 = arith.constant 0 : i32
        %dma_start3A_1131 = tpu.memref_slice %arg31[%dma_start3A_1130] : memref<50176xf32, #tpu.memory_space<vmem_shared>> -> memref<50176xf32, #tpu.memory_space<vmem_shared>>
        tpu.enqueue_indirect_dma source(%dma_start3A_1126 : memref<128xf32, #tpu.memory_space<vmem>>) target(%dma_start3A_1131 : memref<50176xf32, #tpu.memory_space<vmem_shared>>) offsets(%dma_start3A_1129 : memref<128xi32, #tpu.memory_space<vmem>>) semaphore(%arg37 : memref<!tpu.dma_semaphore, #tpu.memory_space<semaphore_mem>>) {add = true}
        %dma_wait3A_1132 = arith.constant 0 : i32
        %dma_wait3A_1133 = tpu.memref_slice %arg25[%mul3A_1033] : memref<50176xf32, #tpu.memory_space<vmem>> -> memref<128xf32, #tpu.memory_space<vmem>>
        %dma_wait3A_1134 = arith.constant 0 : i32
        %dma_wait3A_1135 = tpu.memref_slice %arg26[%dma_wait3A_1132, %dma_wait3A_1134] : memref<8x128xi32, #tpu.memory_space<vmem>> -> memref<1x128xi32, #tpu.memory_space<vmem>>
        %dma_wait3A_1136 = tpu.memref_squeeze %dma_wait3A_1135 : memref<1x128xi32, #tpu.memory_space<vmem>> -> memref<128xi32, #tpu.memory_space<vmem>>
        %dma_wait3A_1137 = arith.constant 0 : i32
        %dma_wait3A_1138 = tpu.memref_slice %arg31[%dma_wait3A_1137] : memref<50176xf32, #tpu.memory_space<vmem_shared>> -> memref<50176xf32, #tpu.memory_space<vmem_shared>>
        tpu.wait_indirect_dma semaphore(%arg37 : memref<!tpu.dma_semaphore, #tpu.memory_space<semaphore_mem>>) src(%dma_wait3A_1133 : memref<128xf32, #tpu.memory_space<vmem>>) dst(%dma_wait3A_1138 : memref<50176xf32, #tpu.memory_space<vmem_shared>>)
        %dma_wait3A_1139 = arith.constant 1 : i32
        %dma_wait3A_1140 = tpu.memref_slice %arg25[%mul3A_1046] : memref<50176xf32, #tpu.memory_space<vmem>> -> memref<128xf32, #tpu.memory_space<vmem>>
        %dma_wait3A_1141 = arith.constant 0 : i32
        %dma_wait3A_1142 = tpu.memref_slice %arg26[%dma_wait3A_1139, %dma_wait3A_1141] : memref<8x128xi32, #tpu.memory_space<vmem>> -> memref<1x128xi32, #tpu.memory_space<vmem>>
        %dma_wait3A_1143 = tpu.memref_squeeze %dma_wait3A_1142 : memref<1x128xi32, #tpu.memory_space<vmem>> -> memref<128xi32, #tpu.memory_space<vmem>>
        %dma_wait3A_1144 = arith.constant 0 : i32
        %dma_wait3A_1145 = tpu.memref_slice %arg31[%dma_wait3A_1144] : memref<50176xf32, #tpu.memory_space<vmem_shared>> -> memref<50176xf32, #tpu.memory_space<vmem_shared>>
        tpu.wait_indirect_dma semaphore(%arg37 : memref<!tpu.dma_semaphore, #tpu.memory_space<semaphore_mem>>) src(%dma_wait3A_1140 : memref<128xf32, #tpu.memory_space<vmem>>) dst(%dma_wait3A_1145 : memref<50176xf32, #tpu.memory_space<vmem_shared>>)
        %dma_wait3A_1146 = arith.constant 2 : i32
        %dma_wait3A_1147 = tpu.memref_slice %arg25[%mul3A_1059] : memref<50176xf32, #tpu.memory_space<vmem>> -> memref<128xf32, #tpu.memory_space<vmem>>
        %dma_wait3A_1148 = arith.constant 0 : i32
        %dma_wait3A_1149 = tpu.memref_slice %arg26[%dma_wait3A_1146, %dma_wait3A_1148] : memref<8x128xi32, #tpu.memory_space<vmem>> -> memref<1x128xi32, #tpu.memory_space<vmem>>
        %dma_wait3A_1150 = tpu.memref_squeeze %dma_wait3A_1149 : memref<1x128xi32, #tpu.memory_space<vmem>> -> memref<128xi32, #tpu.memory_space<vmem>>
        %dma_wait3A_1151 = arith.constant 0 : i32
        %dma_wait3A_1152 = tpu.memref_slice %arg31[%dma_wait3A_1151] : memref<50176xf32, #tpu.memory_space<vmem_shared>> -> memref<50176xf32, #tpu.memory_space<vmem_shared>>
        tpu.wait_indirect_dma semaphore(%arg37 : memref<!tpu.dma_semaphore, #tpu.memory_space<semaphore_mem>>) src(%dma_wait3A_1147 : memref<128xf32, #tpu.memory_space<vmem>>) dst(%dma_wait3A_1152 : memref<50176xf32, #tpu.memory_space<vmem_shared>>)
        %dma_wait3A_1153 = arith.constant 3 : i32
        %dma_wait3A_1154 = tpu.memref_slice %arg25[%mul3A_1072] : memref<50176xf32, #tpu.memory_space<vmem>> -> memref<128xf32, #tpu.memory_space<vmem>>
        %dma_wait3A_1155 = arith.constant 0 : i32
        %dma_wait3A_1156 = tpu.memref_slice %arg26[%dma_wait3A_1153, %dma_wait3A_1155] : memref<8x128xi32, #tpu.memory_space<vmem>> -> memref<1x128xi32, #tpu.memory_space<vmem>>
        %dma_wait3A_1157 = tpu.memref_squeeze %dma_wait3A_1156 : memref<1x128xi32, #tpu.memory_space<vmem>> -> memref<128xi32, #tpu.memory_space<vmem>>
        %dma_wait3A_1158 = arith.constant 0 : i32
        %dma_wait3A_1159 = tpu.memref_slice %arg31[%dma_wait3A_1158] : memref<50176xf32, #tpu.memory_space<vmem_shared>> -> memref<50176xf32, #tpu.memory_space<vmem_shared>>
        tpu.wait_indirect_dma semaphore(%arg37 : memref<!tpu.dma_semaphore, #tpu.memory_space<semaphore_mem>>) src(%dma_wait3A_1154 : memref<128xf32, #tpu.memory_space<vmem>>) dst(%dma_wait3A_1159 : memref<50176xf32, #tpu.memory_space<vmem_shared>>)
        %dma_wait3A_1160 = arith.constant 4 : i32
        %dma_wait3A_1161 = tpu.memref_slice %arg25[%mul3A_1085] : memref<50176xf32, #tpu.memory_space<vmem>> -> memref<128xf32, #tpu.memory_space<vmem>>
        %dma_wait3A_1162 = arith.constant 0 : i32
        %dma_wait3A_1163 = tpu.memref_slice %arg26[%dma_wait3A_1160, %dma_wait3A_1162] : memref<8x128xi32, #tpu.memory_space<vmem>> -> memref<1x128xi32, #tpu.memory_space<vmem>>
        %dma_wait3A_1164 = tpu.memref_squeeze %dma_wait3A_1163 : memref<1x128xi32, #tpu.memory_space<vmem>> -> memref<128xi32, #tpu.memory_space<vmem>>
        %dma_wait3A_1165 = arith.constant 0 : i32
        %dma_wait3A_1166 = tpu.memref_slice %arg31[%dma_wait3A_1165] : memref<50176xf32, #tpu.memory_space<vmem_shared>> -> memref<50176xf32, #tpu.memory_space<vmem_shared>>
        tpu.wait_indirect_dma semaphore(%arg37 : memref<!tpu.dma_semaphore, #tpu.memory_space<semaphore_mem>>) src(%dma_wait3A_1161 : memref<128xf32, #tpu.memory_space<vmem>>) dst(%dma_wait3A_1166 : memref<50176xf32, #tpu.memory_space<vmem_shared>>)
        %dma_wait3A_1167 = arith.constant 5 : i32
        %dma_wait3A_1168 = tpu.memref_slice %arg25[%mul3A_1098] : memref<50176xf32, #tpu.memory_space<vmem>> -> memref<128xf32, #tpu.memory_space<vmem>>
        %dma_wait3A_1169 = arith.constant 0 : i32
        %dma_wait3A_1170 = tpu.memref_slice %arg26[%dma_wait3A_1167, %dma_wait3A_1169] : memref<8x128xi32, #tpu.memory_space<vmem>> -> memref<1x128xi32, #tpu.memory_space<vmem>>
        %dma_wait3A_1171 = tpu.memref_squeeze %dma_wait3A_1170 : memref<1x128xi32, #tpu.memory_space<vmem>> -> memref<128xi32, #tpu.memory_space<vmem>>
        %dma_wait3A_1172 = arith.constant 0 : i32
        %dma_wait3A_1173 = tpu.memref_slice %arg31[%dma_wait3A_1172] : memref<50176xf32, #tpu.memory_space<vmem_shared>> -> memref<50176xf32, #tpu.memory_space<vmem_shared>>
        tpu.wait_indirect_dma semaphore(%arg37 : memref<!tpu.dma_semaphore, #tpu.memory_space<semaphore_mem>>) src(%dma_wait3A_1168 : memref<128xf32, #tpu.memory_space<vmem>>) dst(%dma_wait3A_1173 : memref<50176xf32, #tpu.memory_space<vmem_shared>>)
        %dma_wait3A_1174 = arith.constant 6 : i32
        %dma_wait3A_1175 = tpu.memref_slice %arg25[%mul3A_1111] : memref<50176xf32, #tpu.memory_space<vmem>> -> memref<128xf32, #tpu.memory_space<vmem>>
        %dma_wait3A_1176 = arith.constant 0 : i32
        %dma_wait3A_1177 = tpu.memref_slice %arg26[%dma_wait3A_1174, %dma_wait3A_1176] : memref<8x128xi32, #tpu.memory_space<vmem>> -> memref<1x128xi32, #tpu.memory_space<vmem>>
        %dma_wait3A_1178 = tpu.memref_squeeze %dma_wait3A_1177 : memref<1x128xi32, #tpu.memory_space<vmem>> -> memref<128xi32, #tpu.memory_space<vmem>>
        %dma_wait3A_1179 = arith.constant 0 : i32
        %dma_wait3A_1180 = tpu.memref_slice %arg31[%dma_wait3A_1179] : memref<50176xf32, #tpu.memory_space<vmem_shared>> -> memref<50176xf32, #tpu.memory_space<vmem_shared>>
        tpu.wait_indirect_dma semaphore(%arg37 : memref<!tpu.dma_semaphore, #tpu.memory_space<semaphore_mem>>) src(%dma_wait3A_1175 : memref<128xf32, #tpu.memory_space<vmem>>) dst(%dma_wait3A_1180 : memref<50176xf32, #tpu.memory_space<vmem_shared>>)
        %dma_wait3A_1181 = arith.constant 7 : i32
        %dma_wait3A_1182 = tpu.memref_slice %arg25[%mul3A_1124] : memref<50176xf32, #tpu.memory_space<vmem>> -> memref<128xf32, #tpu.memory_space<vmem>>
        %dma_wait3A_1183 = arith.constant 0 : i32
        %dma_wait3A_1184 = tpu.memref_slice %arg26[%dma_wait3A_1181, %dma_wait3A_1183] : memref<8x128xi32, #tpu.memory_space<vmem>> -> memref<1x128xi32, #tpu.memory_space<vmem>>
        %dma_wait3A_1185 = tpu.memref_squeeze %dma_wait3A_1184 : memref<1x128xi32, #tpu.memory_space<vmem>> -> memref<128xi32, #tpu.memory_space<vmem>>
        %dma_wait3A_1186 = arith.constant 0 : i32
        %dma_wait3A_1187 = tpu.memref_slice %arg31[%dma_wait3A_1186] : memref<50176xf32, #tpu.memory_space<vmem_shared>> -> memref<50176xf32, #tpu.memory_space<vmem_shared>>
        tpu.wait_indirect_dma semaphore(%arg37 : memref<!tpu.dma_semaphore, #tpu.memory_space<semaphore_mem>>) src(%dma_wait3A_1182 : memref<128xf32, #tpu.memory_space<vmem>>) dst(%dma_wait3A_1187 : memref<50176xf32, #tpu.memory_space<vmem_shared>>)
        %scan3A_1188 = arith.constant 0 : i32
        scf.yield %scan3A_1188 : i32
      }
      %scan3A_1015 = arith.constant 49 : i32
    } else {
    }
    %barrier3A_991 = arith.constant 0 : index
    tpu.barrier barrier_id(%barrier3A_991)
    %mul3A_992 = arith.constant 3136 : i32
    %mul3A_993 = arith.muli %arg1, %mul3A_992 : i32
    "tpu.region"() ({
      %run_scoped3A = tpu.sem_alloc : memref<!tpu.dma_semaphore, #tpu.memory_space<semaphore_mem>>
      %dma_start3A_1009 = tpu.memref_slice %arg31[%mul3A_993] : memref<50176xf32, #tpu.memory_space<vmem_shared>> -> memref<3136xf32, #tpu.memory_space<vmem_shared>>
      %dma_start3A_1010 = tpu.memref_slice %arg31[%mul3A_993] : memref<50176xf32, #tpu.memory_space<vmem_shared>> -> memref<3136xf32, #tpu.memory_space<vmem_shared>>
      tpu.enqueue_dma source(%dma_start3A_1010 : memref<3136xf32, #tpu.memory_space<vmem_shared>>) target(%arg27 : memref<3136xf32, #tpu.memory_space<vmem>>) target_semaphore(%run_scoped3A : memref<!tpu.dma_semaphore, #tpu.memory_space<semaphore_mem>>)
      %dma_wait3A_1011 = tpu.memref_slice %arg31[%mul3A_993] : memref<50176xf32, #tpu.memory_space<vmem_shared>> -> memref<3136xf32, #tpu.memory_space<vmem_shared>>
      %dma_wait3A_1012 = tpu.memref_slice %arg31[%mul3A_993] : memref<50176xf32, #tpu.memory_space<vmem_shared>> -> memref<3136xf32, #tpu.memory_space<vmem_shared>>
      tpu.wait_dma2 semaphore(%run_scoped3A : memref<!tpu.dma_semaphore, #tpu.memory_space<semaphore_mem>>) src(%dma_wait3A_1012 : memref<3136xf32, #tpu.memory_space<vmem_shared>>) dst(%arg27 : memref<3136xf32, #tpu.memory_space<vmem>>)
      tpu.yield
    }) : () -> ()
    "tpu.region"() ({
      %run_scoped3A = tpu.sem_alloc : memref<!tpu.dma_semaphore, #tpu.memory_space<semaphore_mem>>
      %dma_start3A_1009 = tpu.memref_slice %arg8[%mul3A_993] : memref<50176xi32, #tpu.memory_space<hbm>> -> memref<3136xi32, #tpu.memory_space<hbm>>
      %dma_start3A_1010 = tpu.memref_slice %arg8[%mul3A_993] : memref<50176xi32, #tpu.memory_space<hbm>> -> memref<3136xi32, #tpu.memory_space<hbm>>
      tpu.enqueue_dma source(%dma_start3A_1010 : memref<3136xi32, #tpu.memory_space<hbm>>) target(%arg28 : memref<3136xi32, #tpu.memory_space<vmem>>) target_semaphore(%run_scoped3A : memref<!tpu.dma_semaphore, #tpu.memory_space<semaphore_mem>>)
      %dma_wait3A_1011 = tpu.memref_slice %arg8[%mul3A_993] : memref<50176xi32, #tpu.memory_space<hbm>> -> memref<3136xi32, #tpu.memory_space<hbm>>
      %dma_wait3A_1012 = tpu.memref_slice %arg8[%mul3A_993] : memref<50176xi32, #tpu.memory_space<hbm>> -> memref<3136xi32, #tpu.memory_space<hbm>>
      tpu.wait_dma2 semaphore(%run_scoped3A : memref<!tpu.dma_semaphore, #tpu.memory_space<semaphore_mem>>) src(%dma_wait3A_1012 : memref<3136xi32, #tpu.memory_space<hbm>>) dst(%arg28 : memref<3136xi32, #tpu.memory_space<vmem>>)
      tpu.yield
    }) : () -> ()
    %scan3A_994 = arith.constant 0 : i32
    %scan3A_995 = arith.constant 0 : i32
    %scan3A_996 = arith.constant 196 : i32
    %scan3A_997 = arith.addi %scan3A_995, %scan3A_996 : i32
    %scan3A_998 = arith.constant 1 : i32
    %scan3A_999 = scf.for %scan3A_1009 = %scan3A_995 to %scan3A_997 step %scan3A_998 iter_args(%scan3A_1010 = %scan3A_994) -> (i32)  : i32 {
      %mul3A_1011 = arith.constant 16 : i32
      %mul3A_1012 = arith.muli %scan3A_1009, %mul3A_1011 : i32
      %get3A = arith.index_cast %mul3A_1012 : i32 to index
      %get3A_1013 = tpu.vector_load %arg28[%get3A] {strides = array<i32>} : memref<3136xi32, #tpu.memory_space<vmem>>, vector<16xi32>,
      %get3A_1014 = arith.index_cast %mul3A_1012 : i32 to index
      %get3A_1015 = tpu.vector_load %arg27[%get3A_1014] {strides = array<i32>} : memref<3136xf32, #tpu.memory_space<vmem>>, vector<16xf32>,
      tpu.vector_store_idx %arg29[%get3A_1013], %get3A_1015 {add = true} : memref<512xf32, #tpu.memory_space<vmem>>[vector<16xi32>], vector<16xf32>,
      %scan3A_1016 = arith.constant 0 : i32
      scf.yield %scan3A_1016 : i32
    }
    %scan3A_1000 = arith.constant 196 : i32
    %mul3A_1001 = arith.constant 512 : i32
    %mul3A_1002 = arith.muli %arg1, %mul3A_1001 : i32
    "tpu.region"() ({
      %run_scoped3A = tpu.sem_alloc : memref<!tpu.dma_semaphore, #tpu.memory_space<semaphore_mem>>
      %dma_start3A_1009 = tpu.memref_slice %arg32[%mul3A_1002] : memref<8192xf32, #tpu.memory_space<vmem_shared>> -> memref<512xf32, #tpu.memory_space<vmem_shared>>
      %dma_start3A_1010 = tpu.memref_slice %arg32[%mul3A_1002] : memref<8192xf32, #tpu.memory_space<vmem_shared>> -> memref<512xf32, #tpu.memory_space<vmem_shared>>
      tpu.enqueue_dma source(%arg29 : memref<512xf32, #tpu.memory_space<vmem>>) target(%dma_start3A_1010 : memref<512xf32, #tpu.memory_space<vmem_shared>>) target_semaphore(%run_scoped3A : memref<!tpu.dma_semaphore, #tpu.memory_space<semaphore_mem>>)
      %dma_wait3A_1011 = tpu.memref_slice %arg32[%mul3A_1002] : memref<8192xf32, #tpu.memory_space<vmem_shared>> -> memref<512xf32, #tpu.memory_space<vmem_shared>>
      %dma_wait3A_1012 = tpu.memref_slice %arg32[%mul3A_1002] : memref<8192xf32, #tpu.memory_space<vmem_shared>> -> memref<512xf32, #tpu.memory_space<vmem_shared>>
      tpu.wait_dma2 semaphore(%run_scoped3A : memref<!tpu.dma_semaphore, #tpu.memory_space<semaphore_mem>>) src(%arg29 : memref<512xf32, #tpu.memory_space<vmem>>) dst(%dma_wait3A_1012 : memref<512xf32, #tpu.memory_space<vmem_shared>>)
      tpu.yield
    }) : () -> ()
    %barrier3A_1003 = arith.constant 0 : index
    tpu.barrier barrier_id(%barrier3A_1003)
    %eq3A_1004 = arith.constant 0 : i32
    %eq3A_1005 = arith.cmpi eq, %arg1, %eq3A_1004 : i32
    %convert_element_type3A_1006 = arith.extui %eq3A_1005 : i1 to i32
    %cond3A_1007 = arith.constant 0 : i32
    %cond3A_1008 = arith.cmpi ne, %convert_element_type3A_1006, %cond3A_1007 : i32
    scf.if %cond3A_1008 {
      "tpu.region"() ({
        %run_scoped3A = tpu.sem_alloc : memref<!tpu.dma_semaphore, #tpu.memory_space<semaphore_mem>>
        tpu.enqueue_dma source(%arg32 : memref<8192xf32, #tpu.memory_space<vmem_shared>>) target(%arg30 : memref<8192xf32, #tpu.memory_space<vmem>>) target_semaphore(%run_scoped3A : memref<!tpu.dma_semaphore, #tpu.memory_space<semaphore_mem>>)
        tpu.wait_dma2 semaphore(%run_scoped3A : memref<!tpu.dma_semaphore, #tpu.memory_space<semaphore_mem>>) src(%arg32 : memref<8192xf32, #tpu.memory_space<vmem_shared>>) dst(%arg30 : memref<8192xf32, #tpu.memory_space<vmem>>)
        tpu.yield
      }) : () -> ()
      %scan3A_1009 = arith.constant 0 : i32
      %scan3A_1010 = arith.constant 0 : i32
      %scan3A_1011 = arith.constant 32 : i32
      %scan3A_1012 = arith.addi %scan3A_1010, %scan3A_1011 : i32
      %scan3A_1013 = arith.constant 1 : i32
      %scan3A_1014 = scf.for %scan3A_1018 = %scan3A_1010 to %scan3A_1012 step %scan3A_1013 iter_args(%scan3A_1019 = %scan3A_1009) -> (i32)  : i32 {
        %mul3A_1020 = arith.constant 16 : i32
        %mul3A_1021 = arith.muli %scan3A_1018, %mul3A_1020 : i32
        %get3A = arith.index_cast %mul3A_1021 : i32 to index
        %get3A_1022 = tpu.vector_load %arg30[%get3A] {strides = array<i32>} : memref<8192xf32, #tpu.memory_space<vmem>>, vector<16xf32>,
        %scan3A_1023 = arith.constant 1 : i32
        %scan3A_1024 = arith.constant 15 : i32
        %scan3A_1025 = arith.addi %scan3A_1023, %scan3A_1024 : i32
        %scan3A_1026 = arith.constant 1 : i32
        %scan3A_1027 = scf.for %scan3A_1034 = %scan3A_1023 to %scan3A_1025 step %scan3A_1026 iter_args(%scan3A_1035 = %get3A_1022) -> (vector<16xf32>)  : i32 {
          %mul3A_1036 = arith.constant 512 : i32
          %mul3A_1037 = arith.muli %scan3A_1034, %mul3A_1036 : i32
          %add3A_1038 = arith.addi %mul3A_1037, %mul3A_1021 : i32
          %get3A_1039 = arith.index_cast %add3A_1038 : i32 to index
          %get3A_1040 = tpu.vector_load %arg30[%get3A_1039] {strides = array<i32>} : memref<8192xf32, #tpu.memory_space<vmem>>, vector<16xf32>,
          %add3A_1041 = arith.addf %scan3A_1035, %get3A_1040 : vector<16xf32>
          scf.yield %add3A_1041 : vector<16xf32>
        }
        %scan3A_1028 = arith.constant 15 : i32
        %mul3A_1029 = arith.constant 7.199800e+00 : f32
        %mul3A_1030 = vector.broadcast %mul3A_1029 : f32 to vector<16xf32>
        %mul3A_1031 = arith.mulf %scan3A_1027, %mul3A_1030 : vector<16xf32>
        %swap3A = arith.index_cast %mul3A_1021 : i32 to index
        %swap3A_1032 = tpu.vector_load %arg29[%swap3A] {strides = array<i32>} : memref<512xf32, #tpu.memory_space<vmem>>, vector<16xf32>,
        tpu.vector_store %arg29[%swap3A], %mul3A_1031 {strides = array<i32>} : memref<512xf32, #tpu.memory_space<vmem>>, vector<16xf32>,
        %scan3A_1033 = arith.constant 0 : i32
        scf.yield %scan3A_1033 : i32
      }
      %scan3A_1015 = arith.constant 32 : i32
      %mul3A_1016 = arith.constant 512 : i32
      %mul3A_1017 = arith.muli %arg0, %mul3A_1016 : i32
      "tpu.region"() ({
        %run_scoped3A = tpu.sem_alloc : memref<!tpu.dma_semaphore, #tpu.memory_space<semaphore_mem>>
        %dma_start3A_1018 = tpu.memref_slice %arg10[%mul3A_1017] : memref<1024xf32, #tpu.memory_space<hbm>> -> memref<512xf32, #tpu.memory_space<hbm>>
        %dma_start3A_1019 = tpu.memref_slice %arg10[%mul3A_1017] : memref<1024xf32, #tpu.memory_space<hbm>> -> memref<512xf32, #tpu.memory_space<hbm>>
        tpu.enqueue_dma source(%arg29 : memref<512xf32, #tpu.memory_space<vmem>>) target(%dma_start3A_1019 : memref<512xf32, #tpu.memory_space<hbm>>) target_semaphore(%run_scoped3A : memref<!tpu.dma_semaphore, #tpu.memory_space<semaphore_mem>>)
        %dma_wait3A_1020 = tpu.memref_slice %arg10[%mul3A_1017] : memref<1024xf32, #tpu.memory_space<hbm>> -> memref<512xf32, #tpu.memory_space<hbm>>
        %dma_wait3A_1021 = tpu.memref_slice %arg10[%mul3A_1017] : memref<1024xf32, #tpu.memory_space<hbm>> -> memref<512xf32, #tpu.memory_space<hbm>>
        tpu.wait_dma2 semaphore(%run_scoped3A : memref<!tpu.dma_semaphore, #tpu.memory_space<semaphore_mem>>) src(%arg29 : memref<512xf32, #tpu.memory_space<vmem>>) dst(%dma_wait3A_1021 : memref<512xf32, #tpu.memory_space<hbm>>)
        tpu.yield
      }) : () -> ()
    } else {
    }
    return
  }
}

</mosaic_0001>

<sc_bundles>
// kernel: kernel.3.cloned.1.call-start
scs
__scs_entry_jumppad:
0x0: {  	(pc) =	sbr.rel $0x88, $3  }
0x1: {  	(tag) =	ssettag $0x0;
	lr =	simm.s32 $0x1  }
0x2: {  	[smem:$0x3F9A] =	sst lr;
	_ =	strace $0xD0000000  }
0x3: {  	_ = 	snop  }
0x4: {  	_ = 	snop  }
0x5: {  	_ = 	snop  }
0x6: {  	_ = 	snop  }
0x7: {  	_ = 	snop  }
__scs_overlays_trampoline_lowered:
0x8: {  	[smem:$0x3FA9] =	sst s0  }
0x9: {  	[smem:$0x3FAA] =	sst s1  }
0xa: {  	[smem:$0x3FAB] =	sst s2  }
0xb: {  	[smem:$0x3FAC] =	sst s3  }
0xc: {  	[smem:$0x3FAD] =	sst s4  }
0xd: {  	[smem:$0x3FAE] =	sst s5  }
0xe: {  	[smem:$0x3FAF] =	sst s6  }
0xf: {  	[smem:$0x3FB0] =	sst s7  }
0x10: {  	[smem:$0x3FB1] =	sst s8  }
0x11: {  	[smem:$0x3FB2] =	sst s9;
	s0 =	simm.s32 @!p0 $0x0  }
0x12: {  	s1 =	sld [smem:$0x3F98];
	s0 =	simm.s32 @p0 $0x1  }
0x13: {  	[smem:$0x3FB3] =	sst s0;
	s0 =	simm.s32 @!p1 $0x0  }
0x14: {  	s2 =	sld [smem:$0x3F97];
	s0 =	simm.s32 @p1 $0x1  }
0x15: {  	[smem:$0x3FB4] =	sst s0;
	s0 =	simm.s32 @!p2 $0x0  }
0x16: {  	s3 =	sld [smem:$0x3FDB];
	s0 =	simm.s32 @p2 $0x1  }
0x17: {  	s4 =	simm.s32 $0x1BF5;
	[smem:$0x3FB6] =	sst s0  }
0x18: {  	s0 =	sld [smem:$0x3F99];
	_ =	swait.ge [sflag:s4], $0x0  }
0x19: {  	s7 =	sld [smem:$0x3F9A]  }
0x1a: {  	s8 =	sadd.s32 $0xFFFFE003, lr  }
0x1b: {  	s9 =	sadd.s32 $0xFFFFFEF7, lr;
	s5 =	simm.s32 $0xFFFFFFFF;
	p2 =	slt.u32 s8, $0xFFFFF086  }
0x1c: {  	p1 =	slt.u32 s9, $0xF7A;
	s5 =	simm.s32 @!p2 $0x0  }
0x1d: {  	s5 =	simm.s32 @p1 $0x1;
	p0 =	seq.s32 s7, s2  }
0x1e: {  	s7 =	smul.u32 @!p0 $0xF7A, s2;
	p2 =	seq.s32 @!p0 s5, $0x0  }
0x1f: {  	s9 =	smul.u32 $0xF7A, s1;
	s8 =	simm.s32 @!p0 $0x1BF5;
	p2 =	por !p2, p0  }
0x20: {  	[sflag:s8] =	ssyncset.s32 @!p0 $0xFFFFF086;
	s6 =	sadd.s32 @!p0 s3, s7;
	s7 =	simm.s32 @!p0 $0x108  }
0x21: {  	s3 =	sadd.s32 s3, s9;
	s6 =	sadd.s32 @!p0 $0x88, s6;
	s7 =	simm.s32 @p2 $0x1082  }
0x22: {  	[simem:s7], [sflag:s8] =	dma.local @!p0 [hbm:s6], $0xF7A  }
0x23: {  	s9 =	sor.u32 $0xD0000000, s2;
	s6 =	simm.s32 $0x108;
	_ =	swait.ge @!p0 [sflag:s8], $0x0  }
0x24: {  	s3 =	sadd.s32 $0x88, s3;
	s6 =	simm.s32 @!p1 $0x1082;
	[sflag:s4] =	ssyncset.s32 $0xFFFFF086  }
0x25: {  	[simem:s6], [sflag:s4] =	dma.local [hbm:s3], $0xF7A  }
0x26: {  	[smem:$0x3F9A] =	sst s1;
	(tag) =	ssettag s2;
	_ =	strace s9  }
0x27: {  	s1 =	sld [smem:$0x3FAA]  }
0x28: {  	s2 =	sld [smem:$0x3FAB]  }
0x29: {  	s4 =	sld [smem:$0x3FAD]  }
0x2a: {  	p0 =	seq.s32 s5, $0x0;
	s5 =	sld [smem:$0x3FAE]  }
0x2b: {  	s6 =	sld [smem:$0x3FAF]  }
0x2c: {  	s7 =	sld [smem:$0x3FB0]  }
0x2d: {  	s3 =	simm.s32 $0x108;
	s8 =	sld [smem:$0x3FB1]  }
0x2e: {  	s3 =	simm.s32 @!p0 $0x1082;
	s9 =	sld [smem:$0x3FB2]  }
0x2f: {  	lr =	sadd.s32 s0, s3;
	s0 =	sld [smem:$0x3FA9]  }
0x30: {  	s3 =	sld [smem:$0x3FAC]  }
0x31: {  	[smem:$0x3FB5] =	sst s10  }
0x32: {  	s10 =	sld [smem:$0x3FB3];
	_ =	sdelay $0x3  }
0x33: {  	p0 =	seq.s32 s10, $0x1;
	s10 =	sld [smem:$0x3FB5];
	_ =	sdelay $0x3  }
0x34: {  	[smem:$0x3FB5] =	sst s10  }
0x35: {  	s10 =	sld [smem:$0x3FB4];
	_ =	sdelay $0x3  }
0x36: {  	p1 =	seq.s32 s10, $0x1;
	s10 =	sld [smem:$0x3FB5];
	_ =	sdelay $0x3  }
0x37: {  	[smem:$0x3FB5] =	sst s10  }
0x38: {  	s10 =	sld [smem:$0x3FB6]  }
0x39: {  	_ = 	snop;
	(pc) =	sbr.ind lr, $3  }
0x3a: {  	_ = 	snop  }
0x3b: {  	_ = 	snop  }
0x3c: {  	p2 =	seq.s32 s10, $0x1;
	s10 =	sld [smem:$0x3FB5]  }
0x3d: {  	_ =	shalt  }
0x3e: {  	_ =	shalt  }
0x3f: {  	_ =	shalt  }
0x40: {  	_ =	shalt  }
0x41: {  	_ =	shalt  }
0x42: {  	_ =	shalt  }
0x43: {  	_ =	shalt  }
0x44: {  	_ =	shalt  }
0x45: {  	_ =	shalt  }
0x46: {  	_ =	shalt  }
0x47: {  	_ =	shalt  }
0x48: {  	_ =	shalt  }
0x49: {  	_ =	shalt  }
0x4a: {  	_ =	shalt  }
0x4b: {  	_ =	shalt  }
0x4c: {  	_ =	shalt  }
0x4d: {  	_ =	shalt  }
0x4e: {  	_ =	shalt  }
0x4f: {  	_ =	shalt  }
0x50: {  	_ =	shalt  }
0x51: {  	_ =	shalt  }
0x52: {  	_ =	shalt  }
0x53: {  	_ =	shalt  }
0x54: {  	_ =	shalt  }
0x55: {  	_ =	shalt  }
0x56: {  	_ =	shalt  }
0x57: {  	_ =	shalt  }
0x58: {  	_ =	shalt  }
0x59: {  	_ =	shalt  }
0x5a: {  	_ =	shalt  }
0x5b: {  	_ =	shalt  }
0x5c: {  	_ =	shalt  }
0x5d: {  	_ =	shalt  }
0x5e: {  	_ =	shalt  }
0x5f: {  	_ =	shalt  }
0x60: {  	_ =	shalt  }
0x61: {  	_ =	shalt  }
0x62: {  	_ =	shalt  }
0x63: {  	_ =	shalt  }
0x64: {  	_ =	shalt  }
0x65: {  	_ =	shalt  }
0x66: {  	_ =	shalt  }
0x67: {  	_ =	shalt  }
0x68: {  	_ =	shalt  }
0x69: {  	_ =	shalt  }
0x6a: {  	_ =	shalt  }
0x6b: {  	_ =	shalt  }
0x6c: {  	_ =	shalt  }
0x6d: {  	_ =	shalt  }
0x6e: {  	_ =	shalt  }
0x6f: {  	_ =	shalt  }
0x70: {  	_ =	shalt  }
0x71: {  	_ =	shalt  }
0x72: {  	_ =	shalt  }
0x73: {  	_ =	shalt  }
0x74: {  	_ =	shalt  }
0x75: {  	_ =	shalt  }
0x76: {  	_ =	shalt  }
0x77: {  	_ =	shalt  }
0x78: {  	_ =	shalt  }
0x79: {  	_ =	shalt  }
0x7a: {  	_ =	shalt  }
0x7b: {  	_ =	shalt  }
0x7c: {  	_ =	shalt  }
0x7d: {  	_ =	shalt  }
0x7e: {  	_ =	shalt  }
0x7f: {  	_ =	shalt  }
0x80: {  	_ =	shalt  }
0x81: {  	_ =	shalt  }
0x82: {  	_ =	shalt  }
0x83: {  	_ =	shalt  }
0x84: {  	_ =	shalt  }
0x85: {  	_ =	shalt  }
0x86: {  	_ =	shalt  }
0x87: {  	_ =	shalt  }
.Lfunc_end0:
.L_simem_size_0:
called_computation_lowered:
.L_overlay_start_0:
0x88: {  	s2 =	sld [smem:$0x3FD9]  }
0x89: {  	s3 =	sld [smem:$0x3FFE];
	_ =	sdelay $0x1  }
0x8a: {  	s1 =	srdreg.scid  }
0x8b: {  	s0 =	sand.u32 $0x1, s1  }
0x8c: {  	s17 =	sshll.u32 s0, $0xA;
	s2 =	sadd.s32 s3, s2  }
0x8d: {  	s2 =	sadd.s32 s2, s17  }
0x8e: {  	[smem:$0x3FC1] =	sst s2  }
0x8f: {  	_ = 	snop  }
0x90: {  	s2 =	sld [smem:$0x3FC4]  }
0x91: {  	s18 =	sld [smem:$0x3FC3];
	(tm) =	ssettm $0x1  }
0x92: {  	s4 =	sld [smem:$0x3FFB];
	_ =	sdelay $0x3  }
0x93: {  	_ =	strace s4  }
0x94: {  	s4 =	sld [smem:$0x3FFC];
	_ =	sdelay $0x3  }
0x95: {  	_ =	strace s4  }
0x96: {  	s4 =	sld [smem:$0x3FFD];
	_ =	sdelay $0x3  }
0x97: {  	_ =	strace s4  }
0x98: {  	_ =	strace $0x8FFFFFFF  }
0x99: {  	s19 =	sld [smem:$0x3FDB];
	_ =	sdelay $0x1  }
0x9a: {  	s5 =	simm.s32 $_scs_section_size  }
0x9b: {  	s6 =	simm.s32 $_size__tile_overlayer_lowered;
	s7 =	simm.s32 $_tile_overlayer_lowered  }
0x9c: {  	s22 =	simm.s32 $0x1BFF;
	s21 =	sshll.u32 s7, $0x1;
	s4 =	sadd.s32 s5, s19  }
0x9d: {  	s8 =	simm.s32 $0x0;
	s20 =	sshll.u32 s6, $0x1;
	s6 =	sadd.s32 s21, s4  }
0x9e: {  	[timem:s8], [sflag:s22] =	dma.local [hbm:s6], s20  }
0x9f: {  	_ =	swait.ge [sflag:s22], s20  }
0xa0: {  	s5 =	ssub.s32 $0x0, s20;
	[sflag:s22] =	ssyncset.done $0x0  }
0xa1: {  	[sflag:s22] =	ssyncadd.s32 s5;
	_ =	sdelay $0x1  }
0xa2: {  	s23 =	simm.s32 $0x1B8B  }
0xa3: {  	_ =	swait.ge [sflag:s23], $0x1  }
0xa4: {  	[sflag:s23] =	ssyncset.done $0x0  }
0xa5: {  	s25 =	simm.s32 $0x1B8E;
	s24 =	sld [smem:$0x3FFE];
	[sflag:s23] =	ssyncadd.s32 $0xFFFFFFFF  }
0xa6: {  	s26 =	simm.s32 $execute0_lowered;
	[smem:$0x3FD2] =	sst s25  }
0xa7: {  	s6 =	sshll.u32 s26, $0x1;
	_ =	strace $0x80000046;
	[dreg:$0x1] =	wrdreg $0xFFFFFFFF  }
0xa8: {  	s28 =	simm.s32 $_size_execute0_lowered;
	s4 =	sadd.s32 s4, s6;
	[dreg:$0x0] =	wrdreg $0x0  }
0xa9: {  	s6 =	sshll.u32 s28, $0x1;
	[dreg:$0x2] =	wrdreg s4  }
0xaa: {  	[dreg:$0x3] =	wrdreg s6  }
0xab: {  	[dreg:$0x4] =	wrdreg $0xC0  }
0xac: {  	_ =	task [dreg:s8], $0x5FFFF  }
0xad: {  	[dreg:$0x1] =	wrdreg $0xFFFFFFFF  }
0xae: {  	[dreg:$0x0] =	wrdreg $0x60  }
0xaf: {  	[dreg:$0x2] =	wrdreg s24  }
0xb0: {  	[dreg:$0x3] =	wrdreg s2  }
0xb1: {  	[dreg:$0x4] =	wrdreg s18  }
0xb2: {  	[dreg:$0x5] =	wrdreg $0x1AA800  }
0xb3: {  	[dreg:$0x6] =	wrdreg $0x1B6C00  }
0xb4: {  	[dreg:$0x7] =	wrdreg $0x9  }
0xb5: {  	_ =	task.clear_ibuf [dreg:s8], $0x8FFFF;
	_ =	strace $0x90000046  }
0xb6: {  	s29 =	simm.s32 $0x9;
	_ =	strace $0x80000048  }
0xb7: {  	_ =	swait.ge [sflag:s29], $0x1  }
0xb8: {  	[sflag:s29] =	ssyncadd.s32 $0xFFFFFFFF  }
0xb9: {  	_ =	strace $0x90000048  }
0xba: {  	_ =	sfence  }
0xbb: {  	s30 =	sld [smem:$0x0];
	_ =	sdelay $0x2  }
0xbc: {  	s31 =	sshll.u32 s1, $0xD;
	s1 =	sshrl.u32 s1, $0x2  }
0xbd: {  	s3 =	sand.u32 $0x4000, s31;
	s1 =	sadd.s32 s1, s30  }
0xbe: {  	s0 =	sor.u32 s3, s0;
	s1 =	sshll.u32 s1, $0x11  }
0xbf: {  	s0 =	sor.u32 s1, s0  }
0xc0: {  	s0 =	sadd.s32 $0x8F2B, s0  }
0xc1: {  	[sflag:s0] =	ssyncadd.remote.s32 $0x1  }
0xc2: {  	_ =	sfence.sel $0xFFFF  }
0xc3: {  	[dreg:$0x0] =	wrdreg $0xFFFFFFFF;
	(pc) =	sbr.abs _section_cstart, $3  }
0xc4: {  	[dreg:$0x1] =	wrdreg $0xFFFFFFFF  }
0xc5: {  	_ =	task.clear_ibuf [dreg:s8], $0x2FFFF;
	_ =	strace $0x9FFFFFFF  }
0xc6: {  	(tm) =	ssettm $0x7FFFFFFF  }
0xc7: {  	_ =	shalt  }
tec
execute0_lowered:
.L_overlay_start_1:
0x0: {  	(tag) =	ssettag $0x1  }
0x1: {  	s10 =	rddreg [dreg:$0x0]  }
0x2: {  	s28 =	rddreg [dreg:$0x1]  }
0x3: {  	s11 =	rddreg [dreg:$0x2]  }
0x4: {  	s4 =	rddreg [dreg:$0x3]  }
0x5: {  	s12 =	rddreg [dreg:$0x4];
	s0 =	srdreg.scid  }
0x6: {  	s6 =	simm.s32 $0x0;
	s1 =	stileid.u32;
	s0 =	sand.u32 $0x1, s0  }
0x7: {  	[smem:$0x7FF] =	sst s6;
	s2 =	smul.u32 $0xC40, s1;
	s13 =	sadd.s32 $0x63600, s10  }
0x8: {  	s14 =	sadd.s32 $0x32800, s10;
	s15 =	sadd.s32 $0x1A00, s10;
	p0 =	sne.s32 s1, $0x0  }
0x9: {  	s3 =	sshll.u32 s0, $0x4;
	_ =	strace $0x80000047;
	[dreg:$0x6] =	wrdreg s13  }
0xa: {  	s7 =	ssub.s32 $0x2, s0;
	s0 =	sshll.u32 s0, $0x6;
	[dreg:$0x7] =	wrdreg s14  }
0xb: {  	[dreg:$0x8] =	wrdreg s15;
	s3 =	sor.u32 s1, s3;
	s5 =	sshrl.u32 s2, $0x3  }
0xc: {  	s2 =	sadd.s32 s2, s4;
	s1 =	sshll.u32 s1, $0x9;
	s3 =	smul.u32 $0xC350, s3  }
0xd: {  	s0 =	sadd.s32 s0, s10;
	[dreg:$0x1a] =	wrdreg s2;
	s1 =	sadd.s32 s1, s12  }
0xe: {  	s0 =	sadd.s32 $0x95E00, s0;
	[dreg:$0x1c] =	wrdreg s1;
	s9 =	sshrl.u32 s3, $0x3  }
0xf: {  	s31 =	simm.s32 $0x5800;
	[dreg:$0x1d] =	wrdreg s0;
	s19 =	sadd.s32 s28, s9  }
0x10: {  	s29 =	simm.s32 $0x5C00;
	s20 =	sadd.s32 s11, s9;
	[dreg:$0x9] =	wrdreg s19  }
0x11: {  	s30 =	simm.s32 $0x7C00;
	s21 =	sadd.s32 s13, s9;
	[dreg:$0xa] =	wrdreg s20  }
0x12: {  	s8 =	sshrl.u32 s7, $0x1;
	s16 =	sadd.s32 s14, s9;
	[dreg:$0xb] =	wrdreg s21  }
0x13: {  	s22 =	sadd.s32 $0x80, s9;
	s17 =	sadd.s32 s15, s9;
	[dreg:$0xc] =	wrdreg s16  }
0x14: {  	s5 =	sadd.s32 s5, s10;
	s23 =	sadd.s32 s28, s22;
	[dreg:$0x12] =	wrdreg s17  }
0x15: {  	s7 =	ssub.s32 s7, s8;
	s24 =	sadd.s32 s11, s22;
	[dreg:$0xd] =	wrdreg s23  }
0x16: {  	s12 =	simm.s32 $0x1;
	s25 =	sadd.s32 s13, s22;
	[dreg:$0xe] =	wrdreg s24  }
0x17: {  	s2 =	simm.s32 $0x16E80;
	s26 =	sadd.s32 s14, s22;
	[dreg:$0xf] =	wrdreg s25  }
0x18: {  	s0 =	simm.s32 $0x3;
	s8 =	sadd.s32 s15, s22;
	[dreg:$0x10] =	wrdreg s26  }
0x19: {  	s1 =	simm.s32 $0x5;
	s19 =	sadd.s32 $0x800, s3;
	[dreg:$0x11] =	wrdreg s8  }
0x1a: {  	s18 =	sadd.s32 $0x1800, s9;
	s3 =	sadd.s32 $0xC00, s3;
	[dreg:$0x13] =	wrdreg s19  }
0x1b: {  	s20 =	sadd.s32 s28, s18;
	s21 =	sadd.s32 s11, s18;
	[dreg:$0x14] =	wrdreg s3  }
0x1c: {  	s22 =	sadd.s32 s13, s18;
	s13 =	simm.s32 $0x80;
	[dreg:$0x15] =	wrdreg s20  }
0x1d: {  	s11 =	simm.s32 $0x4;
	s16 =	simm.s32 $0x6;
	[dreg:$0x16] =	wrdreg s21  }
0x1e: {  	s17 =	simm.s32 $0x18880;
	[dreg:$0x17] =	wrdreg s22;
	s23 =	sadd.s32 s14, s18  }
0x1f: {  	s24 =	sadd.s32 s15, s18;
	s25 =	sadd.s32 $0x94400, s5;
	s26 =	smax.u32 s7, $0x1  }
0x20: {  	s5 =	sadd.s32 $0xC5000, s10;
	s14 =	simm.s32 $0x800;
	s15 =	simm.s32 $0x2800  }
.Ltmp0:
0x21: {  	s10 =	simm.s32 $0xA800;
	[dreg:$0x18] =	wrdreg s23;
	(pc) =	sbr.rel .LBB2_1-.Ltmp0, $4  }
0x22: {  	s18 =	simm.s32 $0x16C00;
	s19 =	simm.s32 $0x16C80;
	[dreg:$0x19] =	wrdreg s24  }
0x23: {  	s22 =	simm.s32 $0x16D00;
	s3 =	simm.s32 $0x16F00;
	[dreg:$0x1b] =	wrdreg s25  }
0x24: {  	v1 =	vlaneseq.u32;
	s20 =	simm.s32 $0x16F80;
	s8 =	simm.s32 $0x0;
	[dreg:$0x1e] =	wrdreg s26  }
0x25: {  	v0 =	vimm.f32 $0.0e+00;
	v1 =	vmul.u32 $0x8, v1;
	s26 =	simm.s32 $0x5400;
	s23 =	simm.s32 $0x16D80;
	s24 =	simm.s32 $0x16E00  }
.LBB2_26:
0x26: {  	s8 =	sadd.s32 $0x1, s8;
	s7 =	rddreg [dreg:$0x1e]  }
0x27: {  	p1 =	sne.s32 s8, s7  }
.Ltmp1:
0x28: {  	_ = 	snop;
	(pc) =	sbr.rel @!p1 .LBB2_27-.Ltmp1, $1  }
0x29: {  	_ =	sdelay $0x3  }
.LBB2_1:
0x2a: {  	[dreg:$0x1f] =	wrdreg s8;
	s7 =	simm.s32 $0x40;
	s8 =	simm.s32 $0x0  }
.LBB2_2:
0x2b: {  	p1 =	sne.s32 s7, $0x30FC0;
	[tilespmem:s8+$0xA800] =	vst v0;
	s8 =	smov.u32 s7;
	s7 =	sadd.s32 $0x40, s7  }
.Ltmp2:
0x2c: {  	(pc) =	sbr.rel @p1 .LBB2_2-.Ltmp2, $2  }
0x2d: {  	_ =	sdelay $0x2  }
0x2e: {  	s8 =	sshra.s32 s8, $0x2  }
0x2f: {  	[tilespmem:s8+$0xA800] =	vst v0  }
0x30: {  	[tilespmem:$0x18880] =	vst v0  }
0x31: {  	[tilespmem:$0x18890] =	vst v0  }
0x32: {  	[tilespmem:$0x188A0] =	vst v0  }
0x33: {  	[tilespmem:$0x188B0] =	vst v0  }
0x34: {  	[tilespmem:$0x188C0] =	vst v0  }
0x35: {  	[tilespmem:$0x188D0] =	vst v0  }
0x36: {  	[tilespmem:$0x188E0] =	vst v0  }
0x37: {  	[tilespmem:$0x188F0] =	vst v0  }
0x38: {  	[tilespmem:$0x18900] =	vst v0  }
0x39: {  	[tilespmem:$0x18910] =	vst v0  }
0x3a: {  	[tilespmem:$0x18920] =	vst v0  }
0x3b: {  	[tilespmem:$0x18930] =	vst v0  }
0x3c: {  	[tilespmem:$0x18940] =	vst v0  }
0x3d: {  	[tilespmem:$0x18950] =	vst v0  }
0x3e: {  	[tilespmem:$0x18960] =	vst v0  }
0x3f: {  	[tilespmem:$0x18970] =	vst v0  }
0x40: {  	[tilespmem:$0x18980] =	vst v0  }
0x41: {  	[tilespmem:$0x18990] =	vst v0  }
0x42: {  	[tilespmem:$0x189A0] =	vst v0  }
0x43: {  	[tilespmem:$0x189B0] =	vst v0  }
0x44: {  	[tilespmem:$0x189C0] =	vst v0  }
0x45: {  	[tilespmem:$0x189D0] =	vst v0  }
0x46: {  	[tilespmem:$0x189E0] =	vst v0  }
0x47: {  	[tilespmem:$0x189F0] =	vst v0  }
0x48: {  	[tilespmem:$0x18A00] =	vst v0  }
0x49: {  	[tilespmem:$0x18A10] =	vst v0  }
0x4a: {  	[tilespmem:$0x18A20] =	vst v0  }
0x4b: {  	[tilespmem:$0x18A30] =	vst v0  }
0x4c: {  	[tilespmem:$0x18A40] =	vst v0  }
0x4d: {  	[tilespmem:$0x18A50] =	vst v0  }
0x4e: {  	[tilespmem:$0x18A60] =	vst v0  }
0x4f: {  	s21 =	simm.s32 $0x0;
	s7 =	rddreg [dreg:$0x9];
	[tilespmem:$0x18A70] =	vst v0  }
0x50: {  	[tilespmem:s21], [sflag:$0x1] =	stream.linear.gather [hbm4b:s7+s21], $0x400, $0x38;
	[tilespmem:$0x1B8C0] =	vst v63  }
0x51: {  	s9 =	rddreg [dreg:$0xa];
	s8 =	simm.s32 $0x400  }
0x52: {  	[tilespmem:s8], [sflag:$0x1] =	stream.linear.gather [hbm4b:s9+s21], $0x400, $0x38;
	[tilespmem:$0x1B8C0] =	vst v63  }
0x53: {  	s25 =	rddreg [dreg:$0xb];
	s9 =	simm.s32 $0x4800  }
0x54: {  	[tilespmem:s9], [sflag:$0x3] =	stream.linear.gather [hbm4b:s25+s21], $0x400, $0x38;
	[tilespmem:$0x1B8C0] =	vst v63  }
0x55: {  	s9 =	rddreg [dreg:$0xc];
	s25 =	simm.s32 $0x4C00  }
0x56: {  	[tilespmem:s25], [sflag:$0x3] =	stream.linear.gather [hbm4b:s9+s21], $0x400, $0x38;
	[tilespmem:$0x1B8C0] =	vst v63  }
0x57: {  	s9 =	rddreg [dreg:$0x12];
	s25 =	simm.s32 $0x5000  }
0x58: {  	[tilespmem:s25], [sflag:$0x3] =	stream.linear.gather [hbm4b:s9+s21], $0x400, $0x38;
	[tilespmem:$0x1B8C0] =	vst v63  }
0x59: {  	_ =	swait.ge [sflag:s12], $0x400  }
0x5a: {  	[sflag:s12] =	ssyncset.done $0x0  }
0x5b: {  	[sflag:s12] =	ssyncadd.s32 $0xFFFFFC00  }
0x5c: {  	_ =	swait.ge [sflag:s12], $0x400  }
0x5d: {  	[sflag:s12] =	ssyncset.done $0x0  }
0x5e: {  	[sflag:s12] =	ssyncadd.s32 $0xFFFFFC00  }
0x5f: {  	[tilespmem:s14], [sflag:$0x5] =	stream.indirect.gather [hbm4b:s5+s13], $0x4, s21, s13, $0xb8;
	[tilespmem:$0x1B8C0] =	vst v63  }
0x60: {  	_ = 	snop  }
0x61: {  	[tilespmem:s15], [sflag:$0x5] =	stream.indirect.gather [hbm4b:s5+s13], $0x4, s8, s13, $0xb8;
	[tilespmem:$0x1B8C0] =	vst v63  }
0x62: {  	s8 =	simm.s32 $0xC00  }
0x63: {  	[tilespmem:s8], [sflag:$0x5] =	stream.indirect.gather [hbm4b:s5+s13], $0x4, s13, s13, $0xb8;
	[tilespmem:$0x1B8C0] =	vst v63  }
0x64: {  	s9 =	simm.s32 $0x480;
	s25 =	simm.s32 $0x2C00  }
0x65: {  	[tilespmem:s25], [sflag:$0x5] =	stream.indirect.gather [hbm4b:s5+s13], $0x4, s9, s13, $0xb8;
	[tilespmem:$0x1B8C0] =	vst v63  }
0x66: {  	s9 =	simm.s32 $0x100;
	s25 =	simm.s32 $0x1000  }
0x67: {  	[tilespmem:s25], [sflag:$0x5] =	stream.indirect.gather [hbm4b:s5+s13], $0x4, s9, s13, $0xb8;
	[tilespmem:$0x1B8C0] =	vst v63  }
0x68: {  	s9 =	simm.s32 $0x500;
	s25 =	simm.s32 $0x3000  }
0x69: {  	[tilespmem:s25], [sflag:$0x5] =	stream.indirect.gather [hbm4b:s5+s13], $0x4, s9, s13, $0xb8;
	[tilespmem:$0x1B8C0] =	vst v63  }
0x6a: {  	s9 =	simm.s32 $0x180;
	s25 =	simm.s32 $0x1400  }
0x6b: {  	[tilespmem:s25], [sflag:$0x5] =	stream.indirect.gather [hbm4b:s5+s13], $0x4, s9, s13, $0xb8;
	[tilespmem:$0x1B8C0] =	vst v63  }
0x6c: {  	s9 =	simm.s32 $0x580;
	s25 =	simm.s32 $0x3400  }
0x6d: {  	[tilespmem:s25], [sflag:$0x5] =	stream.indirect.gather [hbm4b:s5+s13], $0x4, s9, s13, $0xb8;
	[tilespmem:$0x1B8C0] =	vst v63  }
0x6e: {  	s9 =	simm.s32 $0x200;
	s25 =	simm.s32 $0x1800  }
0x6f: {  	[tilespmem:s25], [sflag:$0x5] =	stream.indirect.gather [hbm4b:s5+s13], $0x4, s9, s13, $0xb8;
	[tilespmem:$0x1B8C0] =	vst v63  }
0x70: {  	s9 =	simm.s32 $0x600;
	s25 =	simm.s32 $0x3800  }
0x71: {  	[tilespmem:s25], [sflag:$0x5] =	stream.indirect.gather [hbm4b:s5+s13], $0x4, s9, s13, $0xb8;
	[tilespmem:$0x1B8C0] =	vst v63  }
0x72: {  	s9 =	simm.s32 $0x280;
	s25 =	simm.s32 $0x1C00  }
0x73: {  	[tilespmem:s25], [sflag:$0x5] =	stream.indirect.gather [hbm4b:s5+s13], $0x4, s9, s13, $0xb8;
	[tilespmem:$0x1B8C0] =	vst v63  }
0x74: {  	s9 =	simm.s32 $0x680;
	s25 =	simm.s32 $0x3C00  }
0x75: {  	[tilespmem:s25], [sflag:$0x5] =	stream.indirect.gather [hbm4b:s5+s13], $0x4, s9, s13, $0xb8;
	[tilespmem:$0x1B8C0] =	vst v63  }
0x76: {  	s9 =	simm.s32 $0x300;
	s25 =	simm.s32 $0x2000  }
0x77: {  	[tilespmem:s25], [sflag:$0x5] =	stream.indirect.gather [hbm4b:s5+s13], $0x4, s9, s13, $0xb8;
	[tilespmem:$0x1B8C0] =	vst v63  }
0x78: {  	s9 =	simm.s32 $0x700;
	s25 =	simm.s32 $0x4000  }
0x79: {  	[tilespmem:s25], [sflag:$0x5] =	stream.indirect.gather [hbm4b:s5+s13], $0x4, s9, s13, $0xb8;
	[tilespmem:$0x1B8C0] =	vst v63  }
0x7a: {  	s9 =	simm.s32 $0x380;
	s25 =	simm.s32 $0x2400  }
0x7b: {  	[tilespmem:s25], [sflag:$0x5] =	stream.indirect.gather [hbm4b:s5+s13], $0x4, s9, s13, $0xb8;
	[tilespmem:$0x1B8C0] =	vst v63  }
0x7c: {  	s8 =	simm.s32 $0x780;
	s9 =	simm.s32 $0x4400  }
0x7d: {  	[tilespmem:s9], [sflag:$0x5] =	stream.indirect.gather [hbm4b:s5+s13], $0x4, s8, s13, $0xb8;
	[tilespmem:$0x1B8C0] =	vst v63  }
0x7e: {  	s25 =	rddreg [dreg:$0xd]  }
0x7f: {  	[tilespmem:s26], [sflag:$0x2] =	stream.linear.gather [hbm4b:s25+s21], $0x400, $0x38;
	[tilespmem:$0x1B8C0] =	vst v63  }
0x80: {  	s8 =	rddreg [dreg:$0xe]  }
0x81: {  	[tilespmem:s31], [sflag:$0x2] =	stream.linear.gather [hbm4b:s8+s21], $0x400, $0x38;
	[tilespmem:$0x1B8C0] =	vst v63  }
0x82: {  	s9 =	rddreg [dreg:$0xf];
	s25 =	simm.s32 $0x9C00  }
0x83: {  	[tilespmem:s25], [sflag:$0x4] =	stream.linear.gather [hbm4b:s9+s21], $0x400, $0x38;
	[tilespmem:$0x1B8C0] =	vst v63  }
0x84: {  	s9 =	rddreg [dreg:$0x10];
	s25 =	simm.s32 $0xA000  }
0x85: {  	[tilespmem:s25], [sflag:$0x4] =	stream.linear.gather [hbm4b:s9+s21], $0x400, $0x38;
	[tilespmem:$0x1B8C0] =	vst v63  }
0x86: {  	s9 =	rddreg [dreg:$0x11];
	s25 =	simm.s32 $0xA400  }
0x87: {  	[tilespmem:s25], [sflag:$0x4] =	stream.linear.gather [hbm4b:s9+s21], $0x400, $0x38;
	[tilespmem:$0x1B8C0] =	vst v63  }
0x88: {  	s25 =	simm.s32 $0x0  }
.LBB2_4:
0x89: {  	s7 =	simm.s32 $0x2  }
0x8a: {  	_ =	swait.ge [sflag:s7], $0x400  }
0x8b: {  	[sflag:s7] =	ssyncset.done $0x0  }
0x8c: {  	[sflag:s7] =	ssyncadd.s32 $0xFFFFFC00  }
0x8d: {  	_ =	swait.ge [sflag:s7], $0x400  }
0x8e: {  	[sflag:s7] =	ssyncset.done $0x0  }
0x8f: {  	[sflag:s7] =	ssyncadd.s32 $0xFFFFFC00  }
0x90: {  	[tilespmem:s29], [sflag:$0x6] =	stream.indirect.gather [hbm4b:s5+s13], $0x4, s26, s13, $0xb8;
	[tilespmem:$0x1B8C0] =	vst v63  }
0x91: {  	_ = 	snop  }
0x92: {  	[tilespmem:s30], [sflag:$0x6] =	stream.indirect.gather [hbm4b:s5+s13], $0x4, s31, s13, $0xb8;
	[tilespmem:$0x1B8C0] =	vst v63  }
0x93: {  	s8 =	simm.s32 $0x6000;
	s26 =	simm.s32 $0x5480  }
0x94: {  	[tilespmem:s8], [sflag:$0x6] =	stream.indirect.gather [hbm4b:s5+s13], $0x4, s26, s13, $0xb8;
	[tilespmem:$0x1B8C0] =	vst v63  }
0x95: {  	s9 =	simm.s32 $0x8000;
	s8 =	simm.s32 $0x5880  }
0x96: {  	[tilespmem:s9], [sflag:$0x6] =	stream.indirect.gather [hbm4b:s5+s13], $0x4, s8, s13, $0xb8;
	[tilespmem:$0x1B8C0] =	vst v63  }
0x97: {  	s21 =	simm.s32 $0x5500;
	s26 =	simm.s32 $0x6400  }
0x98: {  	[tilespmem:s26], [sflag:$0x6] =	stream.indirect.gather [hbm4b:s5+s13], $0x4, s21, s13, $0xb8;
	[tilespmem:$0x1B8C0] =	vst v63  }
0x99: {  	s8 =	simm.s32 $0x5900;
	s9 =	simm.s32 $0x8400  }
0x9a: {  	[tilespmem:s9], [sflag:$0x6] =	stream.indirect.gather [hbm4b:s5+s13], $0x4, s8, s13, $0xb8;
	[tilespmem:$0x1B8C0] =	vst v63  }
0x9b: {  	s21 =	simm.s32 $0x5580;
	s26 =	simm.s32 $0x6800  }
0x9c: {  	[tilespmem:s26], [sflag:$0x6] =	stream.indirect.gather [hbm4b:s5+s13], $0x4, s21, s13, $0xb8;
	[tilespmem:$0x1B8C0] =	vst v63  }
0x9d: {  	s8 =	simm.s32 $0x5980;
	s9 =	simm.s32 $0x8800  }
0x9e: {  	[tilespmem:s9], [sflag:$0x6] =	stream.indirect.gather [hbm4b:s5+s13], $0x4, s8, s13, $0xb8;
	[tilespmem:$0x1B8C0] =	vst v63  }
0x9f: {  	s21 =	simm.s32 $0x5600;
	s26 =	simm.s32 $0x6C00  }
0xa0: {  	[tilespmem:s26], [sflag:$0x6] =	stream.indirect.gather [hbm4b:s5+s13], $0x4, s21, s13, $0xb8;
	[tilespmem:$0x1B8C0] =	vst v63  }
0xa1: {  	s8 =	simm.s32 $0x5A00;
	s9 =	simm.s32 $0x8C00  }
0xa2: {  	[tilespmem:s9], [sflag:$0x6] =	stream.indirect.gather [hbm4b:s5+s13], $0x4, s8, s13, $0xb8;
	[tilespmem:$0x1B8C0] =	vst v63  }
0xa3: {  	s21 =	simm.s32 $0x5680;
	s26 =	simm.s32 $0x7000  }
0xa4: {  	[tilespmem:s26], [sflag:$0x6] =	stream.indirect.gather [hbm4b:s5+s13], $0x4, s21, s13, $0xb8;
	[tilespmem:$0x1B8C0] =	vst v63  }
0xa5: {  	s8 =	simm.s32 $0x5A80;
	s9 =	simm.s32 $0x9000  }
0xa6: {  	[tilespmem:s9], [sflag:$0x6] =	stream.indirect.gather [hbm4b:s5+s13], $0x4, s8, s13, $0xb8;
	[tilespmem:$0x1B8C0] =	vst v63  }
0xa7: {  	s21 =	simm.s32 $0x5700;
	s26 =	simm.s32 $0x7400  }
0xa8: {  	[tilespmem:s26], [sflag:$0x6] =	stream.indirect.gather [hbm4b:s5+s13], $0x4, s21, s13, $0xb8;
	[tilespmem:$0x1B8C0] =	vst v63  }
0xa9: {  	s8 =	simm.s32 $0x5B00;
	s9 =	simm.s32 $0x9400  }
0xaa: {  	[tilespmem:s9], [sflag:$0x6] =	stream.indirect.gather [hbm4b:s5+s13], $0x4, s8, s13, $0xb8;
	[tilespmem:$0x1B8C0] =	vst v63  }
0xab: {  	s21 =	simm.s32 $0x5780;
	s26 =	simm.s32 $0x7800  }
0xac: {  	[tilespmem:s26], [sflag:$0x6] =	stream.indirect.gather [hbm4b:s5+s13], $0x4, s21, s13, $0xb8;
	[tilespmem:$0x1B8C0] =	vst v63  }
0xad: {  	s8 =	simm.s32 $0x5B80;
	s9 =	simm.s32 $0x9800  }
0xae: {  	[tilespmem:s9], [sflag:$0x6] =	stream.indirect.gather [hbm4b:s5+s13], $0x4, s8, s13, $0xb8;
	[tilespmem:$0x1B8C0] =	vst v63  }
0xaf: {  	_ =	swait.ge [sflag:s0], $0x400  }
0xb0: {  	[sflag:s0] =	ssyncset.done $0x0  }
0xb1: {  	[sflag:s0] =	ssyncadd.s32 $0xFFFFFC00  }
0xb2: {  	_ =	swait.ge [sflag:s0], $0x400  }
0xb3: {  	[sflag:s0] =	ssyncset.done $0x0  }
0xb4: {  	[sflag:s0] =	ssyncadd.s32 $0xFFFFFC00  }
0xb5: {  	_ =	swait.ge [sflag:s0], $0x400  }
0xb6: {  	[sflag:s0] =	ssyncset.done $0x0  }
0xb7: {  	[sflag:s0] =	ssyncadd.s32 $0xFFFFFC00  }
0xb8: {  	_ =	swait.ge [sflag:s1], $0x200  }
0xb9: {  	[sflag:s1] =	ssyncset.done $0x0  }
0xba: {  	[sflag:s1] =	ssyncadd.s32 $0xFFFFFE00  }
0xbb: {  	_ =	swait.ge [sflag:s1], $0x200  }
0xbc: {  	[sflag:s1] =	ssyncset.done $0x0  }
0xbd: {  	[sflag:s1] =	ssyncadd.s32 $0xFFFFFE00  }
0xbe: {  	_ =	swait.ge [sflag:s1], $0x200  }
0xbf: {  	[sflag:s1] =	ssyncset.done $0x0  }
0xc0: {  	[sflag:s1] =	ssyncadd.s32 $0xFFFFFE00  }
0xc1: {  	_ =	swait.ge [sflag:s1], $0x200  }
0xc2: {  	[sflag:s1] =	ssyncset.done $0x0  }
0xc3: {  	[sflag:s1] =	ssyncadd.s32 $0xFFFFFE00  }
0xc4: {  	_ =	swait.ge [sflag:s1], $0x200  }
0xc5: {  	[sflag:s1] =	ssyncset.done $0x0  }
0xc6: {  	[sflag:s1] =	ssyncadd.s32 $0xFFFFFE00  }
0xc7: {  	_ =	swait.ge [sflag:s1], $0x200  }
0xc8: {  	[sflag:s1] =	ssyncset.done $0x0  }
0xc9: {  	[sflag:s1] =	ssyncadd.s32 $0xFFFFFE00  }
0xca: {  	_ =	swait.ge [sflag:s1], $0x200  }
0xcb: {  	[sflag:s1] =	ssyncset.done $0x0  }
0xcc: {  	[sflag:s1] =	ssyncadd.s32 $0xFFFFFE00  }
0xcd: {  	_ =	swait.ge [sflag:s1], $0x200  }
0xce: {  	[sflag:s1] =	ssyncset.done $0x0  }
0xcf: {  	[sflag:s1] =	ssyncadd.s32 $0xFFFFFE00  }
0xd0: {  	_ =	swait.ge [sflag:s1], $0x200  }
0xd1: {  	[sflag:s1] =	ssyncset.done $0x0  }
0xd2: {  	[sflag:s1] =	ssyncadd.s32 $0xFFFFFE00  }
0xd3: {  	_ =	swait.ge [sflag:s1], $0x200  }
0xd4: {  	[sflag:s1] =	ssyncset.done $0x0  }
0xd5: {  	[sflag:s1] =	ssyncadd.s32 $0xFFFFFE00  }
0xd6: {  	_ =	swait.ge [sflag:s1], $0x200  }
0xd7: {  	[sflag:s1] =	ssyncset.done $0x0  }
0xd8: {  	[sflag:s1] =	ssyncadd.s32 $0xFFFFFE00  }
0xd9: {  	_ =	swait.ge [sflag:s1], $0x200  }
0xda: {  	[sflag:s1] =	ssyncset.done $0x0  }
0xdb: {  	[sflag:s1] =	ssyncadd.s32 $0xFFFFFE00  }
0xdc: {  	_ =	swait.ge [sflag:s1], $0x200  }
0xdd: {  	[sflag:s1] =	ssyncset.done $0x0  }
0xde: {  	[sflag:s1] =	ssyncadd.s32 $0xFFFFFE00  }
0xdf: {  	_ =	swait.ge [sflag:s1], $0x200  }
0xe0: {  	[sflag:s1] =	ssyncset.done $0x0  }
0xe1: {  	s9 =	simm.s32 $0x0;
	[sflag:s1] =	ssyncadd.s32 $0xFFFFFE00  }
0xe2: {  	v2 =	vmov s9;
	_ =	swait.ge [sflag:s1], $0x200  }
0xe3: {  	v2 =	vshll.u32 v2, $0x3;
	[sflag:s1] =	ssyncset.done $0x0  }
0xe4: {  	v2 =	vor.u32 v1, v2;
	[sflag:s1] =	ssyncadd.s32 $0xFFFFFE00  }
0xe5: {  	v3 =	vor.u32 $0x2, v2;
	_ =	swait.ge [sflag:s1], $0x200  }
0xe6: {  	[sflag:s1] =	ssyncset.done $0x0  }
0xe7: {  	s7 =	simm.s32 $0x4C00;
	[sflag:s1] =	ssyncadd.s32 $0xFFFFFE00  }
0xe8: {  	s26 =	simm.s32 $0x4800;
	v4 =	vld [tilespmem:s7+$0x0]  }
0xe9: {  	v5 =	vld [tilespmem:s26+$0x0]  }
0xea: {  	s31 =	simm.s32 $0x5000;
	v6 =	vld.idx.msk [tilespmem:v3+s15+$0x0], $0xffff  }
0xeb: {  	v7 =	vld [tilespmem:s31+$0x0]  }
0xec: {  	v3 =	vld.idx.msk [tilespmem:v3+s14+$0x0], $0xffff;
	_ =	sdelay $0x1  }
0xed: {  	v5 =	vmul.f32 v5, v5;
	v4 =	vmul.f32 v4, v4  }
0xee: {  	v6 =	vmul.f32 $5.000000000e-01, v6  }
0xef: {  	v4 =	vadd.f32 v4, v5;
	v5 =	vmul.f32 v7, v7  }
0xf0: {  	v6 =	vadd.f32 v6, v3  }
0xf1: {  	v3 =	vadd.f32 v5, v4  }
0xf2: {  	v4 =	vand.u32 $0x7FFFFF, v6  }
0xf3: {  	v4 =	vor.u32 $0x3F800000, v4;
	v5 =	vand.u32 $0x7FFFFF, v3  }
0xf4: {  	v7 =	vmul.f32 $5.000000000e-01, v4;
	v5 =	vor.u32 $0x3F800000, v5  }
0xf5: {  	vm1 =	vgt.f32 v4, $1.414213540e+00;
	v8 =	vmul.f32 $5.000000000e-01, v5  }
0xf6: {  	v4 =	vsel vm1, v7, v4;
	vm0 =	vgt.f32 v5, $1.414213540e+00  }
0xf7: {  	v7 =	vadd.f32 $1.000000000e+00, v4;
	v5 =	vsel vm0, v8, v5  }
0xf8: {  	v8 =	vadd.f32 $1.000000000e+00, v5  }
0xf9: {  	(erf) = vrcp.f32 v7  }
0xfa: {  	(erf) = vrcp.f32 v8;
	_ =	sdelay $0x6  }
0xfb: {  	v4 =	vadd.f32 $-1.000000000e+00, v4  }
0xfc: {  	v5 =	vadd.f32 $-1.000000000e+00, v5;
	v7 =	vpop (erf)  }
0xfd: {  	v4 =	vmul.f32 v7, v4;
	v7 =	vpop (erf)  }
0xfe: {  	v5 =	vmul.f32 v7, v5  }
0xff: {  	v7 =	vmul.f32 v4, v4  }
0x100: {  	v9 =	vmul.f32 v5, v5  }
0x101: {  	v8 =	vor.u32 $0x1, v2;
	v10 =	vmul.f32 $2.857142980e-01, v7  }
0x102: {  	v12 =	vmul.f32 $2.857142980e-01, v9  }
0x103: {  	v10 =	vadd.f32 $4.000000060e-01, v10  }
0x104: {  	v12 =	vadd.f32 $4.000000060e-01, v12  }
0x105: {  	v10 =	vmul.f32 v10, v7  }
0x106: {  	v6 =	vshra.s32 v6, $0x17;
	v11 =	vld.idx.msk [tilespmem:v8+s15+$0x0], $0xffff;
	v12 =	vmul.f32 v12, v9  }
0x107: {  	v6 =	vadd.s32 $0xFFFFFF81, v6;
	v10 =	vadd.f32 $6.666666860e-01, v10  }
0x108: {  	v13 =	vshra.s32 v3, $0x17;
	v6 =	vcvt.s32.f32 v6;
	v8 =	vld.idx.msk [tilespmem:v8+s14+$0x0], $0xffff;
	v12 =	vadd.f32 $6.666666860e-01, v12  }
0x109: {  	v59 =	vadd.s32 $0xFFFFFF81, v13;
	v60 =	vsel vm1, $0x3F800000, v0;
	v7 =	vmul.f32 v10, v7  }
0x10a: {  	v6 =	vadd.f32 v6, v60;
	v10 =	vcvt.s32.f32 v59;
	v9 =	vmul.f32 v12, v9  }
0x10b: {  	v61 =	vsel vm0, $0x3F800000, v0;
	v11 =	vmul.f32 $5.000000000e-01, v11;
	v7 =	vadd.f32 $2.000000000e+00, v7  }
0x10c: {  	v10 =	vadd.f32 v10, v61;
	v9 =	vadd.f32 $2.000000000e+00, v9  }
0x10d: {  	v6 =	vmul.f32 $6.931471820e-01, v6;
	v8 =	vadd.f32 v11, v8;
	v4 =	vmul.f32 v7, v4  }
0x10e: {  	v7 =	vmul.f32 $6.931471820e-01, v10;
	v5 =	vmul.f32 v9, v5  }
0x10f: {  	v62 =	vadd.f32 $-1.000000000e+00, v8;
	v4 =	vadd.f32 v4, v6  }
0x110: {  	v5 =	vadd.f32 v5, v7  }
0x111: {  	v6 =	vsub.f32 $0.0e+00, v8;
	v4 =	vmul.f32 v4, v62  }
0x112: {  	v5 =	vmul.f32 $5.000000000e-01, v5  }
0x113: {  	v7 =	vmul.f32 $1.609437940e+00, v6;
	v4 =	vmul.f32 $1.442695020e+00, v4  }
0x114: {  	(erf) = vrcp.f32 v8;
	v5 =	vmul.f32 v5, v6  }
0x115: {  	v6 =	vmul.f32 $1.442695020e+00, v7;
	(erf) = vpow2.f32 v4  }
0x116: {  	v4 =	vld.idx.msk [tilespmem:v2+s14+$0x0], $0xffff;
	v5 =	vmul.f32 $1.442695020e+00, v5  }
0x117: {  	v2 =	vld.idx.msk [tilespmem:v2+s15+$0x0], $0xffff;
	(erf) = vpow2.f32 v6  }
0x118: {  	(erf) = vpow2.f32 v5;
	_ =	sdelay $0x3  }
0x119: {  	v2 =	vmul.f32 v2, v4  }
0x11a: {  	v5 =	vpop (erf)  }
0x11b: {  	v2 =	vand.u32 $0x7FFFFFFF, v2;
	v4 =	vpop (erf)  }
0x11c: {  	s21 =	simm.s32 $0x10;
	v7 =	vmul.f32 v4, v2;
	v4 =	vld [tilespmem:s9+$0x0]  }
0x11d: {  	v6 =	vmov s21;
	v8 =	vpop (erf)  }
0x11e: {  	v2 =	vshll.u32 v6, $0x3;
	v63 =	vpop (erf)  }
0x11f: {  	v2 =	vor.u32 v1, v2;
	v6 =	vmul.f32 v7, v5;
	v7 =	vsub.f32 v63, v8  }
0x120: {  	s8 =	simm.s32 $0x0;
	s9 =	simm.s32 $0x20;
	v5 =	vor.u32 $0x2, v2  }
.LBB2_5:
0x121: {  	p1 =	sne.s32 s9, $0x3F0;
	v6 =	vmul.f32 v7, v6  }
0x122: {  	vm0 =	vle.f32 v3, $2.500000000e+01  }
0x123: {  	v3 =	vnsel vm0, $0x0, v6  }
0x124: {  	[tilespmem:v4+s10+$0x0] =	vst.idx.add.f32.msk $0xffff, v3  }
0x125: {  	s7 =	sadd.s32 $0x10, s7;
	v3 =	vld.idx.msk [tilespmem:v5+s15+$0x0], $0xffff  }
0x126: {  	s26 =	sadd.s32 $0x10, s26;
	v4 =	vld [tilespmem:s7+$0x0]  }
0x127: {  	v6 =	vld [tilespmem:s26+$0x0]  }
0x128: {  	s31 =	sadd.s32 $0x10, s31;
	v5 =	vld.idx.msk [tilespmem:v5+s14+$0x0], $0xffff  }
0x129: {  	v7 =	vld [tilespmem:s31+$0x0];
	_ =	sdelay $0x2  }
0x12a: {  	v4 =	vmul.f32 v4, v4;
	v6 =	vmul.f32 v6, v6  }
0x12b: {  	v3 =	vmul.f32 $5.000000000e-01, v3  }
0x12c: {  	v4 =	vadd.f32 v4, v6;
	v6 =	vmul.f32 v7, v7  }
0x12d: {  	v5 =	vadd.f32 v3, v5  }
0x12e: {  	v3 =	vadd.f32 v6, v4  }
0x12f: {  	v4 =	vand.u32 $0x7FFFFF, v5  }
0x130: {  	v4 =	vor.u32 $0x3F800000, v4;
	v6 =	vand.u32 $0x7FFFFF, v3  }
0x131: {  	v7 =	vmul.f32 $5.000000000e-01, v4;
	v6 =	vor.u32 $0x3F800000, v6  }
0x132: {  	vm1 =	vgt.f32 v4, $1.414213540e+00;
	v8 =	vmul.f32 $5.000000000e-01, v6  }
0x133: {  	v4 =	vsel vm1, v7, v4;
	vm0 =	vgt.f32 v6, $1.414213540e+00  }
0x134: {  	v7 =	vadd.f32 $1.000000000e+00, v4;
	v6 =	vsel vm0, v8, v6  }
0x135: {  	v8 =	vadd.f32 $1.000000000e+00, v6  }
0x136: {  	(erf) = vrcp.f32 v7  }
0x137: {  	(erf) = vrcp.f32 v8;
	_ =	sdelay $0x6  }
0x138: {  	v4 =	vadd.f32 $-1.000000000e+00, v4  }
0x139: {  	v6 =	vadd.f32 $-1.000000000e+00, v6;
	v7 =	vor.u32 $0x1, v2;
	v8 =	vpop (erf)  }
0x13a: {  	v4 =	vmul.f32 v8, v4;
	v8 =	vpop (erf)  }
0x13b: {  	v6 =	vmul.f32 v8, v6  }
0x13c: {  	v8 =	vmul.f32 v4, v4  }
0x13d: {  	v9 =	vmul.f32 v6, v6  }
0x13e: {  	v10 =	vld.idx.msk [tilespmem:v7+s15+$0x0], $0xffff;
	v11 =	vmul.f32 $2.857142980e-01, v8  }
0x13f: {  	v12 =	vmul.f32 $2.857142980e-01, v9  }
0x140: {  	v11 =	vadd.f32 $4.000000060e-01, v11  }
0x141: {  	v12 =	vadd.f32 $4.000000060e-01, v12  }
0x142: {  	v11 =	vmul.f32 v11, v8  }
0x143: {  	v12 =	vmul.f32 v12, v9  }
0x144: {  	v5 =	vshra.s32 v5, $0x17;
	v10 =	vmul.f32 $5.000000000e-01, v10;
	v7 =	vld.idx.msk [tilespmem:v7+s14+$0x0], $0xffff;
	v11 =	vadd.f32 $6.666666860e-01, v11  }
0x145: {  	v5 =	vadd.s32 $0xFFFFFF81, v5;
	v13 =	vshra.s32 v3, $0x17;
	v12 =	vadd.f32 $6.666666860e-01, v12  }
0x146: {  	v5 =	vcvt.s32.f32 v5;
	v8 =	vmul.f32 v11, v8;
	v11 =	vadd.s32 $0xFFFFFF81, v13  }
0x147: {  	v13 =	vsel vm1, $0x3F800000, v0;
	v11 =	vcvt.s32.f32 v11;
	v9 =	vmul.f32 v12, v9  }
0x148: {  	v5 =	vadd.f32 v5, v13;
	v12 =	vsel vm0, $0x3F800000, v0;
	v8 =	vadd.f32 $2.000000000e+00, v8  }
0x149: {  	v11 =	vadd.f32 v11, v12;
	v9 =	vadd.f32 $2.000000000e+00, v9  }
0x14a: {  	v7 =	vadd.f32 v10, v7;
	v5 =	vmul.f32 $6.931471820e-01, v5;
	v4 =	vmul.f32 v8, v4  }
0x14b: {  	v8 =	vmul.f32 $6.931471820e-01, v11;
	v6 =	vmul.f32 v9, v6  }
0x14c: {  	v9 =	vadd.f32 $-1.000000000e+00, v7  }
0x14d: {  	v4 =	vadd.f32 v4, v5;
	v5 =	vadd.f32 v6, v8  }
0x14e: {  	v6 =	vsub.f32 $0.0e+00, v7  }
0x14f: {  	v4 =	vmul.f32 v4, v9;
	v5 =	vmul.f32 $5.000000000e-01, v5  }
0x150: {  	v8 =	vmul.f32 $1.609437940e+00, v6  }
0x151: {  	v4 =	vmul.f32 $1.442695020e+00, v4;
	v5 =	vmul.f32 v5, v6  }
0x152: {  	v6 =	vmul.f32 $1.442695020e+00, v8;
	(erf) = vrcp.f32 v7  }
0x153: {  	v7 =	vld.idx.msk [tilespmem:v2+s14+$0x0], $0xffff;
	v5 =	vmul.f32 $1.442695020e+00, v5;
	(erf) = vpow2.f32 v4  }
0x154: {  	v2 =	vld.idx.msk [tilespmem:v2+s15+$0x0], $0xffff;
	(erf) = vpow2.f32 v6  }
0x155: {  	(erf) = vpow2.f32 v5;
	_ =	sdelay $0x4  }
0x156: {  	v2 =	vmul.f32 v2, v7  }
0x157: {  	s8 =	sadd.s32 $0x10, s8;
	v5 =	vpop (erf)  }
.Ltmp3:
0x158: {  	v2 =	vand.u32 $0x7FFFFFFF, v2;
	v4 =	vld [tilespmem:s8+$0x0];
	v6 =	vpop (erf);
	(pc) =	sbr.rel @p1 .LBB2_5-.Ltmp3, $4  }
0x159: {  	v9 =	vmov s9;
	v6 =	vmul.f32 v6, v2;
	v8 =	vpop (erf)  }
0x15a: {  	v2 =	vshll.u32 v9, $0x3;
	v7 =	vpop (erf)  }
0x15b: {  	v2 =	vor.u32 v1, v2;
	v6 =	vmul.f32 v6, v5;
	v7 =	vsub.f32 v7, v8  }
0x15c: {  	s9 =	sadd.s32 $0x10, s9;
	v5 =	vor.u32 $0x2, v2  }
0x15d: {  	_ = 	snop  }
0x15e: {  	v6 =	vmul.f32 v7, v6  }
0x15f: {  	vm0 =	vle.f32 v3, $2.500000000e+01  }
0x160: {  	v3 =	vnsel vm0, $0x0, v6  }
0x161: {  	s7 =	sadd.s32 $0x10, s7;
	[tilespmem:v4+s10+$0x0] =	vst.idx.add.f32.msk $0xffff, v3  }
0x162: {  	s9 =	sadd.s32 $0x10, s26;
	v3 =	vld [tilespmem:s7+$0x0]  }
0x163: {  	v4 =	vld [tilespmem:s9+$0x0]  }
0x164: {  	s21 =	sadd.s32 $0x10, s31;
	v6 =	vld.idx.msk [tilespmem:v5+s15+$0x0], $0xffff  }
0x165: {  	v7 =	vld [tilespmem:s21+$0x0]  }
0x166: {  	v5 =	vld.idx.msk [tilespmem:v5+s14+$0x0], $0xffff;
	_ =	sdelay $0x1  }
0x167: {  	v4 =	vmul.f32 v4, v4;
	v3 =	vmul.f32 v3, v3  }
0x168: {  	v6 =	vmul.f32 $5.000000000e-01, v6  }
0x169: {  	v3 =	vadd.f32 v3, v4;
	v4 =	vmul.f32 v7, v7  }
0x16a: {  	v5 =	vadd.f32 v6, v5  }
0x16b: {  	v3 =	vadd.f32 v4, v3  }
0x16c: {  	v4 =	vand.u32 $0x7FFFFF, v5  }
0x16d: {  	v4 =	vor.u32 $0x3F800000, v4;
	v6 =	vand.u32 $0x7FFFFF, v3  }
0x16e: {  	v7 =	vmul.f32 $5.000000000e-01, v4;
	v6 =	vor.u32 $0x3F800000, v6  }
0x16f: {  	vm1 =	vgt.f32 v4, $1.414213540e+00;
	v8 =	vmul.f32 $5.000000000e-01, v6  }
0x170: {  	v4 =	vsel vm1, v7, v4;
	vm12 =	vgt.f32 v6, $1.414213540e+00  }
0x171: {  	v7 =	vadd.f32 $1.000000000e+00, v4;
	v6 =	vsel vm12, v8, v6  }
0x172: {  	v8 =	vadd.f32 $1.000000000e+00, v6  }
0x173: {  	(erf) = vrcp.f32 v7  }
0x174: {  	(erf) = vrcp.f32 v8;
	_ =	sdelay $0x6  }
0x175: {  	v4 =	vadd.f32 $-1.000000000e+00, v4  }
0x176: {  	v6 =	vadd.f32 $-1.000000000e+00, v6;
	v7 =	vpop (erf)  }
0x177: {  	v4 =	vmul.f32 v7, v4;
	v7 =	vpop (erf)  }
0x178: {  	v6 =	vmul.f32 v7, v6  }
0x179: {  	v7 =	vmul.f32 v4, v4  }
0x17a: {  	v9 =	vmul.f32 v6, v6  }
0x17b: {  	v8 =	vor.u32 $0x1, v2;
	v10 =	vmul.f32 $2.857142980e-01, v7  }
0x17c: {  	v12 =	vmul.f32 $2.857142980e-01, v9  }
0x17d: {  	v10 =	vadd.f32 $4.000000060e-01, v10  }
0x17e: {  	v12 =	vadd.f32 $4.000000060e-01, v12  }
0x17f: {  	v10 =	vmul.f32 v10, v7  }
0x180: {  	v5 =	vshra.s32 v5, $0x17;
	v11 =	vld.idx.msk [tilespmem:v8+s15+$0x0], $0xffff;
	v12 =	vmul.f32 v12, v9  }
0x181: {  	v5 =	vadd.s32 $0xFFFFFF81, v5;
	v10 =	vadd.f32 $6.666666860e-01, v10  }
0x182: {  	v13 =	vshra.s32 v3, $0x17;
	v5 =	vcvt.s32.f32 v5;
	v8 =	vld.idx.msk [tilespmem:v8+s14+$0x0], $0xffff;
	v12 =	vadd.f32 $6.666666860e-01, v12  }
0x183: {  	v50 =	vadd.s32 $0xFFFFFF81, v13;
	v51 =	vsel vm1, $0x3F800000, v0;
	v7 =	vmul.f32 v10, v7  }
0x184: {  	v5 =	vadd.f32 v5, v51;
	v10 =	vcvt.s32.f32 v50;
	v9 =	vmul.f32 v12, v9  }
0x185: {  	v52 =	vsel vm12, $0x3F800000, v0;
	v11 =	vmul.f32 $5.000000000e-01, v11;
	v7 =	vadd.f32 $2.000000000e+00, v7  }
0x186: {  	v10 =	vadd.f32 v10, v52;
	v9 =	vadd.f32 $2.000000000e+00, v9  }
0x187: {  	v5 =	vmul.f32 $6.931471820e-01, v5;
	v8 =	vadd.f32 v11, v8;
	v4 =	vmul.f32 v7, v4  }
0x188: {  	v7 =	vmul.f32 $6.931471820e-01, v10;
	v6 =	vmul.f32 v9, v6  }
0x189: {  	v53 =	vadd.f32 $-1.000000000e+00, v8  }
0x18a: {  	v4 =	vadd.f32 v4, v5;
	v5 =	vadd.f32 v6, v7  }
0x18b: {  	v6 =	vsub.f32 $0.0e+00, v8  }
0x18c: {  	v4 =	vmul.f32 v4, v53;
	v5 =	vmul.f32 $5.000000000e-01, v5  }
0x18d: {  	v7 =	vmul.f32 $1.609437940e+00, v6  }
0x18e: {  	v4 =	vmul.f32 $1.442695020e+00, v4;
	v5 =	vmul.f32 v5, v6  }
0x18f: {  	(erf) = vrcp.f32 v8;
	v6 =	vmul.f32 $1.442695020e+00, v7  }
0x190: {  	(erf) = vpow2.f32 v4;
	v5 =	vmul.f32 $1.442695020e+00, v5  }
0x191: {  	v4 =	vld.idx.msk [tilespmem:v2+s14+$0x0], $0xffff;
	(erf) = vpow2.f32 v6  }
0x192: {  	v2 =	vld.idx.msk [tilespmem:v2+s15+$0x0], $0xffff;
	(erf) = vpow2.f32 v5;
	_ =	sdelay $0x4  }
0x193: {  	v2 =	vmul.f32 v2, v4  }
0x194: {  	s26 =	sadd.s32 $0x10, s8;
	v4 =	vpop (erf)  }
0x195: {  	v5 =	vld [tilespmem:s26+$0x0];
	v2 =	vand.u32 $0x7FFFFFFF, v2;
	v6 =	vpop (erf)  }
0x196: {  	v2 =	vmul.f32 v6, v2;
	v6 =	vpop (erf)  }
0x197: {  	v7 =	vpop (erf)  }
0x198: {  	v2 =	vmul.f32 v2, v4;
	v4 =	vsub.f32 v7, v6;
	_ =	sdelay $0x1  }
0x199: {  	s8 =	rddreg [dreg:$0x13];
	s26 =	sshll.u32 s25, $0xB;
	v2 =	vmul.f32 v4, v2  }
0x19a: {  	vm13 =	vle.f32 v3, $2.500000000e+01;
	s7 =	sadd.s32 s26, s8  }
0x19b: {  	s8 =	sshrl.u32 s7, $0x3;
	v2 =	vnsel vm13, $0x0, v2  }
0x19c: {  	s7 =	simm.s32 $0x0;
	s9 =	sadd.s32 s28, s8;
	[tilespmem:v5+s10+$0x0] =	vst.idx.add.f32.msk $0xffff, v2  }
0x19d: {  	[tilespmem:s7], [sflag:$0x1] =	stream.linear.gather [hbm4b:s9+s7], $0x400, $0x38;
	[tilespmem:$0x1B8C0] =	vst v63  }
0x19e: {  	s9 =	rddreg [dreg:$0x2]  }
0x19f: {  	s21 =	smov.u32 s28;
	s28 =	simm.s32 $0x400;
	s9 =	sadd.s32 s9, s8  }
0x1a0: {  	[tilespmem:s28], [sflag:$0x1] =	stream.linear.gather [hbm4b:s9+s7], $0x400, $0x38;
	[tilespmem:$0x1B8C0] =	vst v63  }
0x1a1: {  	s9 =	rddreg [dreg:$0x6]  }
0x1a2: {  	s31 =	simm.s32 $0x4800;
	s9 =	sadd.s32 s9, s8  }
0x1a3: {  	[tilespmem:s31], [sflag:$0x3] =	stream.linear.gather [hbm4b:s9+s7], $0x400, $0x38;
	[tilespmem:$0x1B8C0] =	vst v63  }
0x1a4: {  	s9 =	rddreg [dreg:$0x7]  }
0x1a5: {  	s31 =	simm.s32 $0x4C00;
	s9 =	sadd.s32 s9, s8  }
0x1a6: {  	[tilespmem:s31], [sflag:$0x3] =	stream.linear.gather [hbm4b:s9+s7], $0x400, $0x38;
	[tilespmem:$0x1B8C0] =	vst v63  }
0x1a7: {  	s9 =	rddreg [dreg:$0x8]  }
0x1a8: {  	s8 =	sadd.s32 s9, s8;
	s9 =	simm.s32 $0x5000  }
0x1a9: {  	[tilespmem:s9], [sflag:$0x3] =	stream.linear.gather [hbm4b:s8+s7], $0x400, $0x38;
	[tilespmem:$0x1B8C0] =	vst v63  }
0x1aa: {  	_ =	swait.ge [sflag:s12], $0x400  }
0x1ab: {  	[sflag:s12] =	ssyncset.done $0x0  }
0x1ac: {  	[sflag:s12] =	ssyncadd.s32 $0xFFFFFC00  }
0x1ad: {  	_ =	swait.ge [sflag:s12], $0x400  }
0x1ae: {  	[sflag:s12] =	ssyncset.done $0x0  }
0x1af: {  	[sflag:s12] =	ssyncadd.s32 $0xFFFFFC00  }
0x1b0: {  	[tilespmem:s14], [sflag:$0x5] =	stream.indirect.gather [hbm4b:s5+s13], $0x4, s7, s13, $0xb8;
	[tilespmem:$0x1B8C0] =	vst v63  }
0x1b1: {  	_ = 	snop  }
0x1b2: {  	[tilespmem:s15], [sflag:$0x5] =	stream.indirect.gather [hbm4b:s5+s13], $0x4, s28, s13, $0xb8;
	[tilespmem:$0x1B8C0] =	vst v63  }
0x1b3: {  	s9 =	simm.s32 $0xC00  }
0x1b4: {  	[tilespmem:s9], [sflag:$0x5] =	stream.indirect.gather [hbm4b:s5+s13], $0x4, s13, s13, $0xb8;
	[tilespmem:$0x1B8C0] =	vst v63  }
0x1b5: {  	s8 =	simm.s32 $0x480;
	s9 =	simm.s32 $0x2C00  }
0x1b6: {  	[tilespmem:s9], [sflag:$0x5] =	stream.indirect.gather [hbm4b:s5+s13], $0x4, s8, s13, $0xb8;
	[tilespmem:$0x1B8C0] =	vst v63  }
0x1b7: {  	s8 =	simm.s32 $0x100;
	s9 =	simm.s32 $0x1000  }
0x1b8: {  	[tilespmem:s9], [sflag:$0x5] =	stream.indirect.gather [hbm4b:s5+s13], $0x4, s8, s13, $0xb8;
	[tilespmem:$0x1B8C0] =	vst v63  }
0x1b9: {  	s8 =	simm.s32 $0x500;
	s9 =	simm.s32 $0x3000  }
0x1ba: {  	[tilespmem:s9], [sflag:$0x5] =	stream.indirect.gather [hbm4b:s5+s13], $0x4, s8, s13, $0xb8;
	[tilespmem:$0x1B8C0] =	vst v63  }
0x1bb: {  	s8 =	simm.s32 $0x180;
	s9 =	simm.s32 $0x1400  }
0x1bc: {  	[tilespmem:s9], [sflag:$0x5] =	stream.indirect.gather [hbm4b:s5+s13], $0x4, s8, s13, $0xb8;
	[tilespmem:$0x1B8C0] =	vst v63  }
0x1bd: {  	s8 =	simm.s32 $0x580;
	s9 =	simm.s32 $0x3400  }
0x1be: {  	[tilespmem:s9], [sflag:$0x5] =	stream.indirect.gather [hbm4b:s5+s13], $0x4, s8, s13, $0xb8;
	[tilespmem:$0x1B8C0] =	vst v63  }
0x1bf: {  	s8 =	simm.s32 $0x200;
	s9 =	simm.s32 $0x1800  }
0x1c0: {  	[tilespmem:s9], [sflag:$0x5] =	stream.indirect.gather [hbm4b:s5+s13], $0x4, s8, s13, $0xb8;
	[tilespmem:$0x1B8C0] =	vst v63  }
0x1c1: {  	s8 =	simm.s32 $0x600;
	s9 =	simm.s32 $0x3800  }
0x1c2: {  	[tilespmem:s9], [sflag:$0x5] =	stream.indirect.gather [hbm4b:s5+s13], $0x4, s8, s13, $0xb8;
	[tilespmem:$0x1B8C0] =	vst v63  }
0x1c3: {  	s8 =	simm.s32 $0x280;
	s9 =	simm.s32 $0x1C00  }
0x1c4: {  	[tilespmem:s9], [sflag:$0x5] =	stream.indirect.gather [hbm4b:s5+s13], $0x4, s8, s13, $0xb8;
	[tilespmem:$0x1B8C0] =	vst v63  }
0x1c5: {  	s8 =	simm.s32 $0x680;
	s9 =	simm.s32 $0x3C00  }
0x1c6: {  	[tilespmem:s9], [sflag:$0x5] =	stream.indirect.gather [hbm4b:s5+s13], $0x4, s8, s13, $0xb8;
	[tilespmem:$0x1B8C0] =	vst v63  }
0x1c7: {  	s8 =	simm.s32 $0x300;
	s9 =	simm.s32 $0x2000  }
0x1c8: {  	[tilespmem:s9], [sflag:$0x5] =	stream.indirect.gather [hbm4b:s5+s13], $0x4, s8, s13, $0xb8;
	[tilespmem:$0x1B8C0] =	vst v63  }
0x1c9: {  	s8 =	simm.s32 $0x700;
	s9 =	simm.s32 $0x4000  }
0x1ca: {  	[tilespmem:s9], [sflag:$0x5] =	stream.indirect.gather [hbm4b:s5+s13], $0x4, s8, s13, $0xb8;
	[tilespmem:$0x1B8C0] =	vst v63  }
0x1cb: {  	s8 =	simm.s32 $0x380;
	s9 =	simm.s32 $0x2400  }
0x1cc: {  	[tilespmem:s9], [sflag:$0x5] =	stream.indirect.gather [hbm4b:s5+s13], $0x4, s8, s13, $0xb8;
	[tilespmem:$0x1B8C0] =	vst v63  }
0x1cd: {  	s8 =	simm.s32 $0x780;
	s9 =	simm.s32 $0x4400  }
0x1ce: {  	[tilespmem:s9], [sflag:$0x5] =	stream.indirect.gather [hbm4b:s5+s13], $0x4, s8, s13, $0xb8;
	[tilespmem:$0x1B8C0] =	vst v63  }
0x1cf: {  	_ =	swait.ge [sflag:s11], $0x400  }
0x1d0: {  	[sflag:s11] =	ssyncset.done $0x0  }
0x1d1: {  	[sflag:s11] =	ssyncadd.s32 $0xFFFFFC00  }
0x1d2: {  	_ =	swait.ge [sflag:s11], $0x400  }
0x1d3: {  	[sflag:s11] =	ssyncset.done $0x0  }
0x1d4: {  	[sflag:s11] =	ssyncadd.s32 $0xFFFFFC00  }
0x1d5: {  	_ =	swait.ge [sflag:s11], $0x400  }
0x1d6: {  	[sflag:s11] =	ssyncset.done $0x0  }
0x1d7: {  	[sflag:s11] =	ssyncadd.s32 $0xFFFFFC00  }
0x1d8: {  	_ =	swait.ge [sflag:s16], $0x200  }
0x1d9: {  	[sflag:s16] =	ssyncset.done $0x0  }
0x1da: {  	[sflag:s16] =	ssyncadd.s32 $0xFFFFFE00  }
0x1db: {  	_ =	swait.ge [sflag:s16], $0x200  }
0x1dc: {  	[sflag:s16] =	ssyncset.done $0x0  }
0x1dd: {  	[sflag:s16] =	ssyncadd.s32 $0xFFFFFE00  }
0x1de: {  	_ =	swait.ge [sflag:s16], $0x200  }
0x1df: {  	[sflag:s16] =	ssyncset.done $0x0  }
0x1e0: {  	[sflag:s16] =	ssyncadd.s32 $0xFFFFFE00  }
0x1e1: {  	_ =	swait.ge [sflag:s16], $0x200  }
0x1e2: {  	[sflag:s16] =	ssyncset.done $0x0  }
0x1e3: {  	[sflag:s16] =	ssyncadd.s32 $0xFFFFFE00  }
0x1e4: {  	_ =	swait.ge [sflag:s16], $0x200  }
0x1e5: {  	[sflag:s16] =	ssyncset.done $0x0  }
0x1e6: {  	[sflag:s16] =	ssyncadd.s32 $0xFFFFFE00  }
0x1e7: {  	_ =	swait.ge [sflag:s16], $0x200  }
0x1e8: {  	[sflag:s16] =	ssyncset.done $0x0  }
0x1e9: {  	[sflag:s16] =	ssyncadd.s32 $0xFFFFFE00  }
0x1ea: {  	_ =	swait.ge [sflag:s16], $0x200  }
0x1eb: {  	[sflag:s16] =	ssyncset.done $0x0  }
0x1ec: {  	[sflag:s16] =	ssyncadd.s32 $0xFFFFFE00  }
0x1ed: {  	_ =	swait.ge [sflag:s16], $0x200  }
0x1ee: {  	[sflag:s16] =	ssyncset.done $0x0  }
0x1ef: {  	[sflag:s16] =	ssyncadd.s32 $0xFFFFFE00  }
0x1f0: {  	_ =	swait.ge [sflag:s16], $0x200  }
0x1f1: {  	[sflag:s16] =	ssyncset.done $0x0  }
0x1f2: {  	[sflag:s16] =	ssyncadd.s32 $0xFFFFFE00  }
0x1f3: {  	_ =	swait.ge [sflag:s16], $0x200  }
0x1f4: {  	[sflag:s16] =	ssyncset.done $0x0  }
0x1f5: {  	[sflag:s16] =	ssyncadd.s32 $0xFFFFFE00  }
0x1f6: {  	_ =	swait.ge [sflag:s16], $0x200  }
0x1f7: {  	[sflag:s16] =	ssyncset.done $0x0  }
0x1f8: {  	[sflag:s16] =	ssyncadd.s32 $0xFFFFFE00  }
0x1f9: {  	_ =	swait.ge [sflag:s16], $0x200  }
0x1fa: {  	[sflag:s16] =	ssyncset.done $0x0  }
0x1fb: {  	[sflag:s16] =	ssyncadd.s32 $0xFFFFFE00  }
0x1fc: {  	_ =	swait.ge [sflag:s16], $0x200  }
0x1fd: {  	[sflag:s16] =	ssyncset.done $0x0  }
0x1fe: {  	[sflag:s16] =	ssyncadd.s32 $0xFFFFFE00  }
0x1ff: {  	_ =	swait.ge [sflag:s16], $0x200  }
0x200: {  	[sflag:s16] =	ssyncset.done $0x0  }
0x201: {  	[sflag:s16] =	ssyncadd.s32 $0xFFFFFE00  }
0x202: {  	v2 =	vmov s7;
	_ =	swait.ge [sflag:s16], $0x200  }
0x203: {  	v2 =	vshll.u32 v2, $0x3;
	[sflag:s16] =	ssyncset.done $0x0  }
0x204: {  	v2 =	vor.u32 v1, v2;
	[sflag:s16] =	ssyncadd.s32 $0xFFFFFE00  }
0x205: {  	v3 =	vor.u32 $0x2, v2;
	_ =	swait.ge [sflag:s16], $0x200  }
0x206: {  	[sflag:s16] =	ssyncset.done $0x0  }
0x207: {  	s8 =	simm.s32 $0xA000;
	[sflag:s16] =	ssyncadd.s32 $0xFFFFFE00  }
0x208: {  	s31 =	simm.s32 $0x9C00;
	v4 =	vld [tilespmem:s8+$0x0]  }
0x209: {  	v5 =	vld [tilespmem:s31+$0x0]  }
0x20a: {  	s7 =	simm.s32 $0xA400;
	v6 =	vld.idx.msk [tilespmem:v3+s30+$0x0], $0xffff  }
0x20b: {  	v7 =	vld [tilespmem:s7+$0x0]  }
0x20c: {  	v3 =	vld.idx.msk [tilespmem:v3+s29+$0x0], $0xffff;
	_ =	sdelay $0x1  }
0x20d: {  	v5 =	vmul.f32 v5, v5;
	v4 =	vmul.f32 v4, v4  }
0x20e: {  	v6 =	vmul.f32 $5.000000000e-01, v6  }
0x20f: {  	v4 =	vadd.f32 v4, v5;
	v5 =	vmul.f32 v7, v7  }
0x210: {  	v6 =	vadd.f32 v6, v3  }
0x211: {  	v3 =	vadd.f32 v5, v4  }
0x212: {  	v4 =	vand.u32 $0x7FFFFF, v6  }
0x213: {  	v4 =	vor.u32 $0x3F800000, v4;
	v5 =	vand.u32 $0x7FFFFF, v3  }
0x214: {  	v7 =	vmul.f32 $5.000000000e-01, v4;
	v5 =	vor.u32 $0x3F800000, v5  }
0x215: {  	vm14 =	vgt.f32 v4, $1.414213540e+00;
	v8 =	vmul.f32 $5.000000000e-01, v5  }
0x216: {  	v4 =	vsel vm14, v7, v4;
	vm15 =	vgt.f32 v5, $1.414213540e+00  }
0x217: {  	v7 =	vadd.f32 $1.000000000e+00, v4;
	v5 =	vsel vm15, v8, v5  }
0x218: {  	v8 =	vadd.f32 $1.000000000e+00, v5  }
0x219: {  	(erf) = vrcp.f32 v7  }
0x21a: {  	(erf) = vrcp.f32 v8;
	_ =	sdelay $0x6  }
0x21b: {  	v4 =	vadd.f32 $-1.000000000e+00, v4  }
0x21c: {  	v5 =	vadd.f32 $-1.000000000e+00, v5;
	v7 =	vpop (erf)  }
0x21d: {  	v4 =	vmul.f32 v7, v4;
	v7 =	vpop (erf)  }
0x21e: {  	v5 =	vmul.f32 v7, v5  }
0x21f: {  	v7 =	vmul.f32 v4, v4  }
0x220: {  	v54 =	vmul.f32 v5, v5  }
0x221: {  	v8 =	vor.u32 $0x1, v2;
	v55 =	vmul.f32 $2.857142980e-01, v7  }
0x222: {  	v57 =	vmul.f32 $2.857142980e-01, v54  }
0x223: {  	v10 =	vadd.f32 $4.000000060e-01, v55  }
0x224: {  	v12 =	vadd.f32 $4.000000060e-01, v57  }
0x225: {  	v10 =	vmul.f32 v10, v7  }
0x226: {  	v6 =	vshra.s32 v6, $0x17;
	v56 =	vld.idx.msk [tilespmem:v8+s30+$0x0], $0xffff;
	v12 =	vmul.f32 v12, v54  }
0x227: {  	v6 =	vadd.s32 $0xFFFFFF81, v6;
	v10 =	vadd.f32 $6.666666860e-01, v10  }
0x228: {  	v58 =	vshra.s32 v3, $0x17;
	v6 =	vcvt.s32.f32 v6;
	v8 =	vld.idx.msk [tilespmem:v8+s29+$0x0], $0xffff;
	v12 =	vadd.f32 $6.666666860e-01, v12  }
0x229: {  	v59 =	vadd.s32 $0xFFFFFF81, v58;
	v60 =	vsel vm14, $0x3F800000, v0;
	v7 =	vmul.f32 v10, v7  }
0x22a: {  	v6 =	vadd.f32 v6, v60;
	v10 =	vcvt.s32.f32 v59;
	v9 =	vmul.f32 v12, v54  }
0x22b: {  	v61 =	vsel vm15, $0x3F800000, v0;
	v11 =	vmul.f32 $5.000000000e-01, v56;
	v7 =	vadd.f32 $2.000000000e+00, v7  }
0x22c: {  	v10 =	vadd.f32 v10, v61;
	v9 =	vadd.f32 $2.000000000e+00, v9  }
0x22d: {  	v6 =	vmul.f32 $6.931471820e-01, v6;
	v8 =	vadd.f32 v11, v8;
	v4 =	vmul.f32 v7, v4  }
0x22e: {  	v7 =	vmul.f32 $6.931471820e-01, v10;
	v5 =	vmul.f32 v9, v5  }
0x22f: {  	v62 =	vadd.f32 $-1.000000000e+00, v8;
	v4 =	vadd.f32 v4, v6  }
0x230: {  	v5 =	vadd.f32 v5, v7  }
0x231: {  	v6 =	vsub.f32 $0.0e+00, v8;
	v4 =	vmul.f32 v4, v62  }
0x232: {  	v5 =	vmul.f32 $5.000000000e-01, v5  }
0x233: {  	v7 =	vmul.f32 $1.609437940e+00, v6;
	v4 =	vmul.f32 $1.442695020e+00, v4  }
0x234: {  	(erf) = vrcp.f32 v8;
	v5 =	vmul.f32 v5, v6  }
0x235: {  	v6 =	vmul.f32 $1.442695020e+00, v7;
	(erf) = vpow2.f32 v4  }
0x236: {  	v4 =	vld.idx.msk [tilespmem:v2+s29+$0x0], $0xffff;
	v5 =	vmul.f32 $1.442695020e+00, v5  }
0x237: {  	v2 =	vld.idx.msk [tilespmem:v2+s30+$0x0], $0xffff;
	(erf) = vpow2.f32 v6  }
0x238: {  	(erf) = vpow2.f32 v5;
	_ =	sdelay $0x3  }
0x239: {  	v2 =	vmul.f32 v2, v4  }
0x23a: {  	s9 =	simm.s32 $0x10;
	v5 =	vpop (erf)  }
0x23b: {  	v6 =	vmov s9;
	s9 =	simm.s32 $0x5400;
	v2 =	vand.u32 $0x7FFFFFFF, v2;
	v4 =	vpop (erf)  }
0x23c: {  	v7 =	vmul.f32 v4, v2;
	v4 =	vld [tilespmem:s9+$0x0]  }
0x23d: {  	v8 =	vpop (erf)  }
0x23e: {  	v2 =	vshll.u32 v6, $0x3;
	v63 =	vpop (erf)  }
0x23f: {  	v2 =	vor.u32 v1, v2;
	v6 =	vmul.f32 v7, v5;
	v7 =	vsub.f32 v63, v8  }
0x240: {  	s28 =	simm.s32 $0x20;
	v5 =	vor.u32 $0x2, v2  }
.LBB2_7:
0x241: {  	p1 =	sne.s32 s28, $0x3F0;
	v6 =	vmul.f32 v7, v6  }
0x242: {  	vm0 =	vle.f32 v3, $2.500000000e+01  }
0x243: {  	v3 =	vnsel vm0, $0x0, v6  }
0x244: {  	[tilespmem:v4+s10+$0x0] =	vst.idx.add.f32.msk $0xffff, v3  }
0x245: {  	s8 =	sadd.s32 $0x10, s8;
	v3 =	vld.idx.msk [tilespmem:v5+s30+$0x0], $0xffff  }
0x246: {  	s31 =	sadd.s32 $0x10, s31;
	v4 =	vld [tilespmem:s8+$0x0]  }
0x247: {  	v6 =	vld [tilespmem:s31+$0x0]  }
0x248: {  	s7 =	sadd.s32 $0x10, s7;
	v5 =	vld.idx.msk [tilespmem:v5+s29+$0x0], $0xffff  }
0x249: {  	v7 =	vld [tilespmem:s7+$0x0];
	_ =	sdelay $0x2  }
0x24a: {  	v4 =	vmul.f32 v4, v4;
	v6 =	vmul.f32 v6, v6  }
0x24b: {  	v3 =	vmul.f32 $5.000000000e-01, v3  }
0x24c: {  	v4 =	vadd.f32 v4, v6;
	v6 =	vmul.f32 v7, v7  }
0x24d: {  	v5 =	vadd.f32 v3, v5  }
0x24e: {  	v3 =	vadd.f32 v6, v4  }
0x24f: {  	v4 =	vand.u32 $0x7FFFFF, v5  }
0x250: {  	v4 =	vor.u32 $0x3F800000, v4;
	v6 =	vand.u32 $0x7FFFFF, v3  }
0x251: {  	v7 =	vmul.f32 $5.000000000e-01, v4;
	v6 =	vor.u32 $0x3F800000, v6  }
0x252: {  	vm1 =	vgt.f32 v4, $1.414213540e+00;
	v8 =	vmul.f32 $5.000000000e-01, v6  }
0x253: {  	v4 =	vsel vm1, v7, v4;
	vm0 =	vgt.f32 v6, $1.414213540e+00  }
0x254: {  	v7 =	vadd.f32 $1.000000000e+00, v4;
	v6 =	vsel vm0, v8, v6  }
0x255: {  	v8 =	vadd.f32 $1.000000000e+00, v6  }
0x256: {  	(erf) = vrcp.f32 v7  }
0x257: {  	(erf) = vrcp.f32 v8;
	_ =	sdelay $0x6  }
0x258: {  	v4 =	vadd.f32 $-1.000000000e+00, v4  }
0x259: {  	v6 =	vadd.f32 $-1.000000000e+00, v6;
	v7 =	vor.u32 $0x1, v2;
	v8 =	vpop (erf)  }
0x25a: {  	v4 =	vmul.f32 v8, v4;
	v8 =	vpop (erf)  }
0x25b: {  	v6 =	vmul.f32 v8, v6  }
0x25c: {  	v8 =	vmul.f32 v4, v4  }
0x25d: {  	v9 =	vmul.f32 v6, v6  }
0x25e: {  	v10 =	vld.idx.msk [tilespmem:v7+s30+$0x0], $0xffff;
	v11 =	vmul.f32 $2.857142980e-01, v8  }
0x25f: {  	v12 =	vmul.f32 $2.857142980e-01, v9  }
0x260: {  	v11 =	vadd.f32 $4.000000060e-01, v11  }
0x261: {  	v12 =	vadd.f32 $4.000000060e-01, v12  }
0x262: {  	v11 =	vmul.f32 v11, v8  }
0x263: {  	v12 =	vmul.f32 v12, v9  }
0x264: {  	v5 =	vshra.s32 v5, $0x17;
	v10 =	vmul.f32 $5.000000000e-01, v10;
	v7 =	vld.idx.msk [tilespmem:v7+s29+$0x0], $0xffff;
	v11 =	vadd.f32 $6.666666860e-01, v11  }
0x265: {  	v5 =	vadd.s32 $0xFFFFFF81, v5;
	v13 =	vshra.s32 v3, $0x17;
	v12 =	vadd.f32 $6.666666860e-01, v12  }
0x266: {  	v5 =	vcvt.s32.f32 v5;
	v8 =	vmul.f32 v11, v8;
	v11 =	vadd.s32 $0xFFFFFF81, v13  }
0x267: {  	v13 =	vsel vm1, $0x3F800000, v0;
	v11 =	vcvt.s32.f32 v11;
	v9 =	vmul.f32 v12, v9  }
0x268: {  	v5 =	vadd.f32 v5, v13;
	v12 =	vsel vm0, $0x3F800000, v0;
	v8 =	vadd.f32 $2.000000000e+00, v8  }
0x269: {  	v11 =	vadd.f32 v11, v12;
	v9 =	vadd.f32 $2.000000000e+00, v9  }
0x26a: {  	v7 =	vadd.f32 v10, v7;
	v5 =	vmul.f32 $6.931471820e-01, v5;
	v4 =	vmul.f32 v8, v4  }
0x26b: {  	v8 =	vmul.f32 $6.931471820e-01, v11;
	v6 =	vmul.f32 v9, v6  }
0x26c: {  	v9 =	vadd.f32 $-1.000000000e+00, v7  }
0x26d: {  	v4 =	vadd.f32 v4, v5;
	v5 =	vadd.f32 v6, v8  }
0x26e: {  	v6 =	vsub.f32 $0.0e+00, v7  }
0x26f: {  	v4 =	vmul.f32 v4, v9;
	v5 =	vmul.f32 $5.000000000e-01, v5  }
0x270: {  	v8 =	vmul.f32 $1.609437940e+00, v6  }
0x271: {  	v4 =	vmul.f32 $1.442695020e+00, v4;
	v5 =	vmul.f32 v5, v6  }
0x272: {  	v6 =	vmul.f32 $1.442695020e+00, v8;
	(erf) = vrcp.f32 v7  }
0x273: {  	v7 =	vld.idx.msk [tilespmem:v2+s29+$0x0], $0xffff;
	v5 =	vmul.f32 $1.442695020e+00, v5;
	(erf) = vpow2.f32 v4  }
0x274: {  	v2 =	vld.idx.msk [tilespmem:v2+s30+$0x0], $0xffff;
	(erf) = vpow2.f32 v6  }
0x275: {  	(erf) = vpow2.f32 v5;
	_ =	sdelay $0x4  }
0x276: {  	v2 =	vmul.f32 v2, v7  }
0x277: {  	s9 =	sadd.s32 $0x10, s9;
	v5 =	vpop (erf)  }
.Ltmp4:
0x278: {  	v2 =	vand.u32 $0x7FFFFFFF, v2;
	v4 =	vld [tilespmem:s9+$0x0];
	v6 =	vpop (erf);
	(pc) =	sbr.rel @p1 .LBB2_7-.Ltmp4, $4  }
0x279: {  	v9 =	vmov s28;
	v6 =	vmul.f32 v6, v2;
	v8 =	vpop (erf)  }
0x27a: {  	v2 =	vshll.u32 v9, $0x3;
	v7 =	vpop (erf)  }
0x27b: {  	v2 =	vor.u32 v1, v2;
	v6 =	vmul.f32 v6, v5;
	v7 =	vsub.f32 v7, v8  }
0x27c: {  	s28 =	sadd.s32 $0x10, s28;
	v5 =	vor.u32 $0x2, v2  }
0x27d: {  	_ = 	snop  }
0x27e: {  	v6 =	vmul.f32 v7, v6  }
0x27f: {  	vm0 =	vle.f32 v3, $2.500000000e+01  }
0x280: {  	v3 =	vnsel vm0, $0x0, v6  }
0x281: {  	s8 =	sadd.s32 $0x10, s8;
	[tilespmem:v4+s10+$0x0] =	vst.idx.add.f32.msk $0xffff, v3  }
0x282: {  	v3 =	vld [tilespmem:s8+$0x0];
	s8 =	sadd.s32 $0x10, s31  }
0x283: {  	v4 =	vld [tilespmem:s8+$0x0]  }
0x284: {  	s7 =	sadd.s32 $0x10, s7;
	v38 =	vld.idx.msk [tilespmem:v5+s30+$0x0], $0xffff  }
0x285: {  	v39 =	vld [tilespmem:s7+$0x0]  }
0x286: {  	v40 =	vld.idx.msk [tilespmem:v5+s29+$0x0], $0xffff;
	_ =	sdelay $0x1  }
0x287: {  	v3 =	vmul.f32 v3, v3;
	v4 =	vmul.f32 v4, v4  }
0x288: {  	v6 =	vmul.f32 $5.000000000e-01, v38  }
0x289: {  	v41 =	vmul.f32 v39, v39;
	v3 =	vadd.f32 v3, v4  }
0x28a: {  	v5 =	vadd.f32 v6, v40  }
0x28b: {  	v3 =	vadd.f32 v41, v3  }
0x28c: {  	v42 =	vand.u32 $0x7FFFFF, v5  }
0x28d: {  	v4 =	vor.u32 $0x3F800000, v42;
	v43 =	vand.u32 $0x7FFFFF, v3  }
0x28e: {  	v44 =	vmul.f32 $5.000000000e-01, v4;
	v6 =	vor.u32 $0x3F800000, v43  }
0x28f: {  	vm1 =	vgt.f32 v4, $1.414213540e+00;
	v8 =	vmul.f32 $5.000000000e-01, v6  }
0x290: {  	v4 =	vsel vm1, v44, v4;
	vm14 =	vgt.f32 v6, $1.414213540e+00  }
0x291: {  	v7 =	vadd.f32 $1.000000000e+00, v4;
	v6 =	vsel vm14, v8, v6  }
0x292: {  	v8 =	vadd.f32 $1.000000000e+00, v6  }
0x293: {  	(erf) = vrcp.f32 v7  }
0x294: {  	(erf) = vrcp.f32 v8;
	_ =	sdelay $0x6  }
0x295: {  	v4 =	vadd.f32 $-1.000000000e+00, v4  }
0x296: {  	v6 =	vadd.f32 $-1.000000000e+00, v6;
	v7 =	vpop (erf)  }
0x297: {  	v45 =	vor.u32 $0x1, v2;
	v4 =	vmul.f32 v7, v4;
	v46 =	vpop (erf)  }
0x298: {  	v6 =	vmul.f32 v46, v6  }
0x299: {  	v47 =	vmul.f32 v4, v4  }
0x29a: {  	v9 =	vmul.f32 v6, v6  }
0x29b: {  	v10 =	vmul.f32 $2.857142980e-01, v47  }
0x29c: {  	v11 =	vld.idx.msk [tilespmem:v45+s30+$0x0], $0xffff;
	v12 =	vmul.f32 $2.857142980e-01, v9  }
0x29d: {  	v10 =	vadd.f32 $4.000000060e-01, v10  }
0x29e: {  	v12 =	vadd.f32 $4.000000060e-01, v12  }
0x29f: {  	v10 =	vmul.f32 v10, v47  }
0x2a0: {  	v12 =	vmul.f32 v12, v9  }
0x2a1: {  	v11 =	vmul.f32 $5.000000000e-01, v11;
	v5 =	vshra.s32 v5, $0x17;
	v10 =	vadd.f32 $6.666666860e-01, v10  }
0x2a2: {  	v5 =	vadd.s32 $0xFFFFFF81, v5;
	v13 =	vshra.s32 v3, $0x17;
	v8 =	vld.idx.msk [tilespmem:v45+s29+$0x0], $0xffff;
	v12 =	vadd.f32 $6.666666860e-01, v12  }
0x2a3: {  	v5 =	vcvt.s32.f32 v5;
	v48 =	vadd.s32 $0xFFFFFF81, v13;
	v7 =	vmul.f32 v10, v47  }
0x2a4: {  	v49 =	vsel vm1, $0x3F800000, v0;
	v10 =	vcvt.s32.f32 v48;
	v9 =	vmul.f32 v12, v9  }
0x2a5: {  	v5 =	vadd.f32 v5, v49;
	v50 =	vsel vm14, $0x3F800000, v0;
	v7 =	vadd.f32 $2.000000000e+00, v7  }
0x2a6: {  	v10 =	vadd.f32 v10, v50;
	v9 =	vadd.f32 $2.000000000e+00, v9  }
0x2a7: {  	v5 =	vmul.f32 $6.931471820e-01, v5;
	v8 =	vadd.f32 v11, v8;
	v4 =	vmul.f32 v7, v4  }
0x2a8: {  	v51 =	vmul.f32 $6.931471820e-01, v10;
	v6 =	vmul.f32 v9, v6  }
0x2a9: {  	v52 =	vadd.f32 $-1.000000000e+00, v8  }
0x2aa: {  	v4 =	vadd.f32 v4, v5;
	v53 =	vadd.f32 v6, v51  }
0x2ab: {  	v54 =	vsub.f32 $0.0e+00, v8  }
0x2ac: {  	v4 =	vmul.f32 v4, v52;
	v5 =	vmul.f32 $5.000000000e-01, v53  }
0x2ad: {  	v55 =	vmul.f32 $1.609437940e+00, v54  }
0x2ae: {  	v4 =	vmul.f32 $1.442695020e+00, v4;
	v5 =	vmul.f32 v5, v54  }
0x2af: {  	(erf) = vrcp.f32 v8;
	v56 =	vmul.f32 $1.442695020e+00, v55  }
0x2b0: {  	(erf) = vpow2.f32 v4;
	v5 =	vmul.f32 $1.442695020e+00, v5  }
0x2b1: {  	v57 =	vld.idx.msk [tilespmem:v2+s29+$0x0], $0xffff;
	(erf) = vpow2.f32 v56  }
0x2b2: {  	v2 =	vld.idx.msk [tilespmem:v2+s30+$0x0], $0xffff;
	(erf) = vpow2.f32 v5;
	_ =	sdelay $0x4  }
0x2b3: {  	v2 =	vmul.f32 v2, v57  }
0x2b4: {  	s9 =	sadd.s32 $0x10, s9;
	v58 =	vpop (erf)  }
0x2b5: {  	v59 =	vld [tilespmem:s9+$0x0];
	v2 =	vand.u32 $0x7FFFFFFF, v2;
	v60 =	vpop (erf)  }
0x2b6: {  	v2 =	vmul.f32 v60, v2;
	v61 =	vpop (erf)  }
0x2b7: {  	v62 =	vpop (erf)  }
0x2b8: {  	v2 =	vmul.f32 v2, v58;
	v63 =	vsub.f32 v62, v61;
	_ =	sdelay $0x1  }
0x2b9: {  	s8 =	rddreg [dreg:$0x14];
	v2 =	vmul.f32 v63, v2  }
0x2ba: {  	s7 =	sadd.s32 s26, s8;
	vm15 =	vle.f32 v3, $2.500000000e+01  }
0x2bb: {  	s28 =	smov.u32 s21;
	s25 =	sadd.s32 $0x1, s25;
	s7 =	sshrl.u32 s7, $0x3;
	v2 =	vnsel vm15, $0x0, v2  }
0x2bc: {  	s26 =	simm.s32 $0x5400;
	s9 =	sadd.s32 s21, s7;
	s21 =	rddreg [dreg:$0x2];
	[tilespmem:v59+s10+$0x0] =	vst.idx.add.f32.msk $0xffff, v2  }
0x2bd: {  	[tilespmem:s26], [sflag:$0x2] =	stream.linear.gather [hbm4b:s9+s6], $0x400, $0x38;
	[tilespmem:$0x1B8C0] =	vst v63  }
0x2be: {  	s31 =	simm.s32 $0x5800;
	s8 =	sadd.s32 s21, s7;
	s9 =	rddreg [dreg:$0x6]  }
0x2bf: {  	[tilespmem:s31], [sflag:$0x2] =	stream.linear.gather [hbm4b:s8+s6], $0x400, $0x38;
	[tilespmem:$0x1B8C0] =	vst v63  }
0x2c0: {  	p1 =	sne.s32 s25, $0x17;
	s21 =	simm.s32 $0x9C00;
	s8 =	sadd.s32 s9, s7  }
0x2c1: {  	[tilespmem:s21], [sflag:$0x4] =	stream.linear.gather [hbm4b:s8+s6], $0x400, $0x38;
	[tilespmem:$0x1B8C0] =	vst v63  }
.Ltmp5:
0x2c2: {  	s9 =	rddreg [dreg:$0x7];
	(pc) =	sbr.rel @p1 .LBB2_4-.Ltmp5, $4  }
0x2c3: {  	s8 =	sadd.s32 s9, s7;
	s21 =	simm.s32 $0xA000;
	s9 =	rddreg [dreg:$0x8]  }
0x2c4: {  	[tilespmem:s21], [sflag:$0x4] =	stream.linear.gather [hbm4b:s8+s6], $0x400, $0x38;
	[tilespmem:$0x1B8C0] =	vst v63  }
0x2c5: {  	s7 =	sadd.s32 s9, s7;
	s21 =	simm.s32 $0xA400  }
0x2c6: {  	[tilespmem:s21], [sflag:$0x4] =	stream.linear.gather [hbm4b:s7+s6], $0x400, $0x38;
	[tilespmem:$0x1B8C0] =	vst v63  }
0x2c7: {  	s7 =	simm.s32 $0x2  }
0x2c8: {  	_ =	swait.ge [sflag:s7], $0x400  }
0x2c9: {  	[sflag:s7] =	ssyncset.done $0x0  }
0x2ca: {  	[sflag:s7] =	ssyncadd.s32 $0xFFFFFC00  }
0x2cb: {  	_ =	swait.ge [sflag:s7], $0x400  }
0x2cc: {  	[sflag:s7] =	ssyncset.done $0x0  }
0x2cd: {  	[sflag:s7] =	ssyncadd.s32 $0xFFFFFC00  }
0x2ce: {  	[tilespmem:s29], [sflag:$0x6] =	stream.indirect.gather [hbm4b:s5+s13], $0x4, s26, s13, $0xb8;
	[tilespmem:$0x1B8C0] =	vst v63  }
0x2cf: {  	_ = 	snop  }
0x2d0: {  	[tilespmem:s30], [sflag:$0x6] =	stream.indirect.gather [hbm4b:s5+s13], $0x4, s31, s13, $0xb8;
	[tilespmem:$0x1B8C0] =	vst v63  }
0x2d1: {  	s25 =	simm.s32 $0x5480;
	s8 =	simm.s32 $0x6000  }
0x2d2: {  	[tilespmem:s8], [sflag:$0x6] =	stream.indirect.gather [hbm4b:s5+s13], $0x4, s25, s13, $0xb8;
	[tilespmem:$0x1B8C0] =	vst v63  }
0x2d3: {  	s26 =	simm.s32 $0x5880;
	s31 =	simm.s32 $0x8000  }
0x2d4: {  	[tilespmem:s31], [sflag:$0x6] =	stream.indirect.gather [hbm4b:s5+s13], $0x4, s26, s13, $0xb8;
	[tilespmem:$0x1B8C0] =	vst v63  }
0x2d5: {  	s9 =	simm.s32 $0x6400;
	s8 =	simm.s32 $0x5500  }
0x2d6: {  	[tilespmem:s9], [sflag:$0x6] =	stream.indirect.gather [hbm4b:s5+s13], $0x4, s8, s13, $0xb8;
	[tilespmem:$0x1B8C0] =	vst v63  }
0x2d7: {  	s21 =	simm.s32 $0x5900;
	s25 =	simm.s32 $0x8400  }
0x2d8: {  	[tilespmem:s25], [sflag:$0x6] =	stream.indirect.gather [hbm4b:s5+s13], $0x4, s21, s13, $0xb8;
	[tilespmem:$0x1B8C0] =	vst v63  }
0x2d9: {  	s26 =	simm.s32 $0x5580;
	s31 =	simm.s32 $0x6800  }
0x2da: {  	[tilespmem:s31], [sflag:$0x6] =	stream.indirect.gather [hbm4b:s5+s13], $0x4, s26, s13, $0xb8;
	[tilespmem:$0x1B8C0] =	vst v63  }
0x2db: {  	s8 =	simm.s32 $0x5980;
	s9 =	simm.s32 $0x8800  }
0x2dc: {  	[tilespmem:s9], [sflag:$0x6] =	stream.indirect.gather [hbm4b:s5+s13], $0x4, s8, s13, $0xb8;
	[tilespmem:$0x1B8C0] =	vst v63  }
0x2dd: {  	s21 =	simm.s32 $0x5600;
	s25 =	simm.s32 $0x6C00  }
0x2de: {  	[tilespmem:s25], [sflag:$0x6] =	stream.indirect.gather [hbm4b:s5+s13], $0x4, s21, s13, $0xb8;
	[tilespmem:$0x1B8C0] =	vst v63  }
0x2df: {  	s26 =	simm.s32 $0x5A00;
	s31 =	simm.s32 $0x8C00  }
0x2e0: {  	[tilespmem:s31], [sflag:$0x6] =	stream.indirect.gather [hbm4b:s5+s13], $0x4, s26, s13, $0xb8;
	[tilespmem:$0x1B8C0] =	vst v63  }
0x2e1: {  	s8 =	simm.s32 $0x5680;
	s9 =	simm.s32 $0x7000  }
0x2e2: {  	[tilespmem:s9], [sflag:$0x6] =	stream.indirect.gather [hbm4b:s5+s13], $0x4, s8, s13, $0xb8;
	[tilespmem:$0x1B8C0] =	vst v63  }
0x2e3: {  	s21 =	simm.s32 $0x5A80;
	s25 =	simm.s32 $0x9000  }
0x2e4: {  	[tilespmem:s25], [sflag:$0x6] =	stream.indirect.gather [hbm4b:s5+s13], $0x4, s21, s13, $0xb8;
	[tilespmem:$0x1B8C0] =	vst v63  }
0x2e5: {  	s26 =	simm.s32 $0x5700;
	s31 =	simm.s32 $0x7400  }
0x2e6: {  	[tilespmem:s31], [sflag:$0x6] =	stream.indirect.gather [hbm4b:s5+s13], $0x4, s26, s13, $0xb8;
	[tilespmem:$0x1B8C0] =	vst v63  }
0x2e7: {  	s8 =	simm.s32 $0x5B00;
	s9 =	simm.s32 $0x9400  }
0x2e8: {  	[tilespmem:s9], [sflag:$0x6] =	stream.indirect.gather [hbm4b:s5+s13], $0x4, s8, s13, $0xb8;
	[tilespmem:$0x1B8C0] =	vst v63  }
0x2e9: {  	s21 =	simm.s32 $0x5780;
	s25 =	simm.s32 $0x7800  }
0x2ea: {  	[tilespmem:s25], [sflag:$0x6] =	stream.indirect.gather [hbm4b:s5+s13], $0x4, s21, s13, $0xb8;
	[tilespmem:$0x1B8C0] =	vst v63  }
0x2eb: {  	s26 =	simm.s32 $0x5B80;
	s31 =	simm.s32 $0x9800  }
0x2ec: {  	[tilespmem:s31], [sflag:$0x6] =	stream.indirect.gather [hbm4b:s5+s13], $0x4, s26, s13, $0xb8;
	[tilespmem:$0x1B8C0] =	vst v63  }
0x2ed: {  	_ =	swait.ge [sflag:s0], $0x400  }
0x2ee: {  	[sflag:s0] =	ssyncset.done $0x0  }
0x2ef: {  	[sflag:s0] =	ssyncadd.s32 $0xFFFFFC00  }
0x2f0: {  	_ =	swait.ge [sflag:s0], $0x400  }
0x2f1: {  	[sflag:s0] =	ssyncset.done $0x0  }
0x2f2: {  	[sflag:s0] =	ssyncadd.s32 $0xFFFFFC00  }
0x2f3: {  	_ =	swait.ge [sflag:s0], $0x400  }
0x2f4: {  	[sflag:s0] =	ssyncset.done $0x0  }
0x2f5: {  	[sflag:s0] =	ssyncadd.s32 $0xFFFFFC00  }
0x2f6: {  	_ =	swait.ge [sflag:s1], $0x200  }
0x2f7: {  	[sflag:s1] =	ssyncset.done $0x0  }
0x2f8: {  	[sflag:s1] =	ssyncadd.s32 $0xFFFFFE00  }
0x2f9: {  	_ =	swait.ge [sflag:s1], $0x200  }
0x2fa: {  	[sflag:s1] =	ssyncset.done $0x0  }
0x2fb: {  	[sflag:s1] =	ssyncadd.s32 $0xFFFFFE00  }
0x2fc: {  	_ =	swait.ge [sflag:s1], $0x200  }
0x2fd: {  	[sflag:s1] =	ssyncset.done $0x0  }
0x2fe: {  	[sflag:s1] =	ssyncadd.s32 $0xFFFFFE00  }
0x2ff: {  	_ =	swait.ge [sflag:s1], $0x200  }
0x300: {  	[sflag:s1] =	ssyncset.done $0x0  }
0x301: {  	[sflag:s1] =	ssyncadd.s32 $0xFFFFFE00  }
0x302: {  	_ =	swait.ge [sflag:s1], $0x200  }
0x303: {  	[sflag:s1] =	ssyncset.done $0x0  }
0x304: {  	[sflag:s1] =	ssyncadd.s32 $0xFFFFFE00  }
0x305: {  	_ =	swait.ge [sflag:s1], $0x200  }
0x306: {  	[sflag:s1] =	ssyncset.done $0x0  }
0x307: {  	[sflag:s1] =	ssyncadd.s32 $0xFFFFFE00  }
0x308: {  	_ =	swait.ge [sflag:s1], $0x200  }
0x309: {  	[sflag:s1] =	ssyncset.done $0x0  }
0x30a: {  	[sflag:s1] =	ssyncadd.s32 $0xFFFFFE00  }
0x30b: {  	_ =	swait.ge [sflag:s1], $0x200  }
0x30c: {  	[sflag:s1] =	ssyncset.done $0x0  }
0x30d: {  	[sflag:s1] =	ssyncadd.s32 $0xFFFFFE00  }
0x30e: {  	_ =	swait.ge [sflag:s1], $0x200  }
0x30f: {  	[sflag:s1] =	ssyncset.done $0x0  }
0x310: {  	[sflag:s1] =	ssyncadd.s32 $0xFFFFFE00  }
0x311: {  	_ =	swait.ge [sflag:s1], $0x200  }
0x312: {  	[sflag:s1] =	ssyncset.done $0x0  }
0x313: {  	[sflag:s1] =	ssyncadd.s32 $0xFFFFFE00  }
0x314: {  	_ =	swait.ge [sflag:s1], $0x200  }
0x315: {  	[sflag:s1] =	ssyncset.done $0x0  }
0x316: {  	[sflag:s1] =	ssyncadd.s32 $0xFFFFFE00  }
0x317: {  	_ =	swait.ge [sflag:s1], $0x200  }
0x318: {  	[sflag:s1] =	ssyncset.done $0x0  }
0x319: {  	[sflag:s1] =	ssyncadd.s32 $0xFFFFFE00  }
0x31a: {  	_ =	swait.ge [sflag:s1], $0x200  }
0x31b: {  	[sflag:s1] =	ssyncset.done $0x0  }
0x31c: {  	[sflag:s1] =	ssyncadd.s32 $0xFFFFFE00  }
0x31d: {  	_ =	swait.ge [sflag:s1], $0x200  }
0x31e: {  	[sflag:s1] =	ssyncset.done $0x0  }
0x31f: {  	s21 =	simm.s32 $0x0;
	[sflag:s1] =	ssyncadd.s32 $0xFFFFFE00  }
0x320: {  	v2 =	vmov s21;
	_ =	swait.ge [sflag:s1], $0x200  }
0x321: {  	v2 =	vshll.u32 v2, $0x3;
	[sflag:s1] =	ssyncset.done $0x0  }
0x322: {  	v2 =	vor.u32 v1, v2;
	[sflag:s1] =	ssyncadd.s32 $0xFFFFFE00  }
0x323: {  	v3 =	vor.u32 $0x2, v2;
	_ =	swait.ge [sflag:s1], $0x200  }
0x324: {  	[sflag:s1] =	ssyncset.done $0x0  }
0x325: {  	s25 =	simm.s32 $0x4C00;
	[sflag:s1] =	ssyncadd.s32 $0xFFFFFE00  }
0x326: {  	s7 =	simm.s32 $0x4800;
	v4 =	vld [tilespmem:s25+$0x0]  }
0x327: {  	v5 =	vld [tilespmem:s7+$0x0]  }
0x328: {  	s8 =	simm.s32 $0x5000;
	v6 =	vld.idx.msk [tilespmem:v3+s15+$0x0], $0xffff  }
0x329: {  	v7 =	vld [tilespmem:s8+$0x0]  }
0x32a: {  	v3 =	vld.idx.msk [tilespmem:v3+s14+$0x0], $0xffff;
	_ =	sdelay $0x1  }
0x32b: {  	v5 =	vmul.f32 v5, v5;
	v4 =	vmul.f32 v4, v4  }
0x32c: {  	v6 =	vmul.f32 $5.000000000e-01, v6  }
0x32d: {  	v4 =	vadd.f32 v4, v5;
	v5 =	vmul.f32 v7, v7  }
0x32e: {  	v6 =	vadd.f32 v6, v3  }
0x32f: {  	v3 =	vadd.f32 v5, v4  }
0x330: {  	v4 =	vand.u32 $0x7FFFFF, v6  }
0x331: {  	v4 =	vor.u32 $0x3F800000, v4;
	v5 =	vand.u32 $0x7FFFFF, v3  }
0x332: {  	v7 =	vmul.f32 $5.000000000e-01, v4;
	v5 =	vor.u32 $0x3F800000, v5  }
0x333: {  	vm1 =	vgt.f32 v4, $1.414213540e+00;
	v8 =	vmul.f32 $5.000000000e-01, v5  }
0x334: {  	v4 =	vsel vm1, v7, v4;
	vm0 =	vgt.f32 v5, $1.414213540e+00  }
0x335: {  	v7 =	vadd.f32 $1.000000000e+00, v4;
	v5 =	vsel vm0, v8, v5  }
0x336: {  	v8 =	vadd.f32 $1.000000000e+00, v5  }
0x337: {  	(erf) = vrcp.f32 v7  }
0x338: {  	(erf) = vrcp.f32 v8;
	_ =	sdelay $0x6  }
0x339: {  	v4 =	vadd.f32 $-1.000000000e+00, v4  }
0x33a: {  	v5 =	vadd.f32 $-1.000000000e+00, v5;
	v7 =	vpop (erf)  }
0x33b: {  	v4 =	vmul.f32 v7, v4;
	v7 =	vpop (erf)  }
0x33c: {  	v5 =	vmul.f32 v7, v5  }
0x33d: {  	v7 =	vmul.f32 v4, v4  }
0x33e: {  	v9 =	vmul.f32 v5, v5  }
0x33f: {  	v8 =	vor.u32 $0x1, v2;
	v10 =	vmul.f32 $2.857142980e-01, v7  }
0x340: {  	v12 =	vmul.f32 $2.857142980e-01, v9  }
0x341: {  	v10 =	vadd.f32 $4.000000060e-01, v10  }
0x342: {  	v12 =	vadd.f32 $4.000000060e-01, v12  }
0x343: {  	v10 =	vmul.f32 v10, v7  }
0x344: {  	v6 =	vshra.s32 v6, $0x17;
	v11 =	vld.idx.msk [tilespmem:v8+s15+$0x0], $0xffff;
	v12 =	vmul.f32 v12, v9  }
0x345: {  	v6 =	vadd.s32 $0xFFFFFF81, v6;
	v10 =	vadd.f32 $6.666666860e-01, v10  }
0x346: {  	v13 =	vshra.s32 v3, $0x17;
	v6 =	vcvt.s32.f32 v6;
	v8 =	vld.idx.msk [tilespmem:v8+s14+$0x0], $0xffff;
	v12 =	vadd.f32 $6.666666860e-01, v12  }
0x347: {  	v59 =	vadd.s32 $0xFFFFFF81, v13;
	v60 =	vsel vm1, $0x3F800000, v0;
	v7 =	vmul.f32 v10, v7  }
0x348: {  	v6 =	vadd.f32 v6, v60;
	v10 =	vcvt.s32.f32 v59;
	v9 =	vmul.f32 v12, v9  }
0x349: {  	v61 =	vsel vm0, $0x3F800000, v0;
	v11 =	vmul.f32 $5.000000000e-01, v11;
	v7 =	vadd.f32 $2.000000000e+00, v7  }
0x34a: {  	v10 =	vadd.f32 v10, v61;
	v9 =	vadd.f32 $2.000000000e+00, v9  }
0x34b: {  	v6 =	vmul.f32 $6.931471820e-01, v6;
	v8 =	vadd.f32 v11, v8;
	v4 =	vmul.f32 v7, v4  }
0x34c: {  	v7 =	vmul.f32 $6.931471820e-01, v10;
	v5 =	vmul.f32 v9, v5  }
0x34d: {  	v62 =	vadd.f32 $-1.000000000e+00, v8;
	v4 =	vadd.f32 v4, v6  }
0x34e: {  	v5 =	vadd.f32 v5, v7  }
0x34f: {  	v6 =	vsub.f32 $0.0e+00, v8;
	v4 =	vmul.f32 v4, v62  }
0x350: {  	v5 =	vmul.f32 $5.000000000e-01, v5  }
0x351: {  	v7 =	vmul.f32 $1.609437940e+00, v6;
	v4 =	vmul.f32 $1.442695020e+00, v4  }
0x352: {  	(erf) = vrcp.f32 v8;
	v5 =	vmul.f32 v5, v6  }
0x353: {  	v6 =	vmul.f32 $1.442695020e+00, v7;
	(erf) = vpow2.f32 v4  }
0x354: {  	v4 =	vld.idx.msk [tilespmem:v2+s14+$0x0], $0xffff;
	v5 =	vmul.f32 $1.442695020e+00, v5  }
0x355: {  	v2 =	vld.idx.msk [tilespmem:v2+s15+$0x0], $0xffff;
	(erf) = vpow2.f32 v6  }
0x356: {  	(erf) = vpow2.f32 v5;
	_ =	sdelay $0x3  }
0x357: {  	v2 =	vmul.f32 v2, v4  }
0x358: {  	v5 =	vpop (erf)  }
0x359: {  	v2 =	vand.u32 $0x7FFFFFFF, v2;
	v4 =	vpop (erf)  }
0x35a: {  	s9 =	simm.s32 $0x10;
	v7 =	vmul.f32 v4, v2;
	v4 =	vld [tilespmem:s21+$0x0]  }
0x35b: {  	v6 =	vmov s9;
	v8 =	vpop (erf)  }
0x35c: {  	v2 =	vshll.u32 v6, $0x3;
	v63 =	vpop (erf)  }
0x35d: {  	v2 =	vor.u32 v1, v2;
	v6 =	vmul.f32 v7, v5;
	v7 =	vsub.f32 v63, v8  }
0x35e: {  	s9 =	simm.s32 $0x20;
	v5 =	vor.u32 $0x2, v2  }
.LBB2_10:
0x35f: {  	p1 =	sne.s32 s9, $0x3F0;
	v6 =	vmul.f32 v7, v6  }
0x360: {  	vm0 =	vle.f32 v3, $2.500000000e+01  }
0x361: {  	v3 =	vnsel vm0, $0x0, v6  }
0x362: {  	[tilespmem:v4+s10+$0x0] =	vst.idx.add.f32.msk $0xffff, v3  }
0x363: {  	s25 =	sadd.s32 $0x10, s25;
	v3 =	vld.idx.msk [tilespmem:v5+s15+$0x0], $0xffff  }
0x364: {  	s7 =	sadd.s32 $0x10, s7;
	v4 =	vld [tilespmem:s25+$0x0]  }
0x365: {  	v6 =	vld [tilespmem:s7+$0x0]  }
0x366: {  	s8 =	sadd.s32 $0x10, s8;
	v5 =	vld.idx.msk [tilespmem:v5+s14+$0x0], $0xffff  }
0x367: {  	v7 =	vld [tilespmem:s8+$0x0];
	_ =	sdelay $0x2  }
0x368: {  	v4 =	vmul.f32 v4, v4;
	v6 =	vmul.f32 v6, v6  }
0x369: {  	v3 =	vmul.f32 $5.000000000e-01, v3  }
0x36a: {  	v4 =	vadd.f32 v4, v6;
	v6 =	vmul.f32 v7, v7  }
0x36b: {  	v5 =	vadd.f32 v3, v5  }
0x36c: {  	v3 =	vadd.f32 v6, v4  }
0x36d: {  	v4 =	vand.u32 $0x7FFFFF, v5  }
0x36e: {  	v4 =	vor.u32 $0x3F800000, v4;
	v6 =	vand.u32 $0x7FFFFF, v3  }
0x36f: {  	v7 =	vmul.f32 $5.000000000e-01, v4;
	v6 =	vor.u32 $0x3F800000, v6  }
0x370: {  	vm1 =	vgt.f32 v4, $1.414213540e+00;
	v8 =	vmul.f32 $5.000000000e-01, v6  }
0x371: {  	v4 =	vsel vm1, v7, v4;
	vm0 =	vgt.f32 v6, $1.414213540e+00  }
0x372: {  	v7 =	vadd.f32 $1.000000000e+00, v4;
	v6 =	vsel vm0, v8, v6  }
0x373: {  	v8 =	vadd.f32 $1.000000000e+00, v6  }
0x374: {  	(erf) = vrcp.f32 v7  }
0x375: {  	(erf) = vrcp.f32 v8;
	_ =	sdelay $0x6  }
0x376: {  	v4 =	vadd.f32 $-1.000000000e+00, v4  }
0x377: {  	v6 =	vadd.f32 $-1.000000000e+00, v6;
	v7 =	vor.u32 $0x1, v2;
	v8 =	vpop (erf)  }
0x378: {  	v4 =	vmul.f32 v8, v4;
	v8 =	vpop (erf)  }
0x379: {  	v6 =	vmul.f32 v8, v6  }
0x37a: {  	v8 =	vmul.f32 v4, v4  }
0x37b: {  	v9 =	vmul.f32 v6, v6  }
0x37c: {  	v10 =	vld.idx.msk [tilespmem:v7+s15+$0x0], $0xffff;
	v11 =	vmul.f32 $2.857142980e-01, v8  }
0x37d: {  	v12 =	vmul.f32 $2.857142980e-01, v9  }
0x37e: {  	v11 =	vadd.f32 $4.000000060e-01, v11  }
0x37f: {  	v12 =	vadd.f32 $4.000000060e-01, v12  }
0x380: {  	v11 =	vmul.f32 v11, v8  }
0x381: {  	v12 =	vmul.f32 v12, v9  }
0x382: {  	v5 =	vshra.s32 v5, $0x17;
	v10 =	vmul.f32 $5.000000000e-01, v10;
	v7 =	vld.idx.msk [tilespmem:v7+s14+$0x0], $0xffff;
	v11 =	vadd.f32 $6.666666860e-01, v11  }
0x383: {  	v5 =	vadd.s32 $0xFFFFFF81, v5;
	v13 =	vshra.s32 v3, $0x17;
	v12 =	vadd.f32 $6.666666860e-01, v12  }
0x384: {  	v5 =	vcvt.s32.f32 v5;
	v8 =	vmul.f32 v11, v8;
	v11 =	vadd.s32 $0xFFFFFF81, v13  }
0x385: {  	v13 =	vsel vm1, $0x3F800000, v0;
	v11 =	vcvt.s32.f32 v11;
	v9 =	vmul.f32 v12, v9  }
0x386: {  	v5 =	vadd.f32 v5, v13;
	v12 =	vsel vm0, $0x3F800000, v0;
	v8 =	vadd.f32 $2.000000000e+00, v8  }
0x387: {  	v11 =	vadd.f32 v11, v12;
	v9 =	vadd.f32 $2.000000000e+00, v9  }
0x388: {  	v7 =	vadd.f32 v10, v7;
	v5 =	vmul.f32 $6.931471820e-01, v5;
	v4 =	vmul.f32 v8, v4  }
0x389: {  	v8 =	vmul.f32 $6.931471820e-01, v11;
	v6 =	vmul.f32 v9, v6  }
0x38a: {  	v9 =	vadd.f32 $-1.000000000e+00, v7  }
0x38b: {  	v4 =	vadd.f32 v4, v5;
	v5 =	vadd.f32 v6, v8  }
0x38c: {  	v6 =	vsub.f32 $0.0e+00, v7  }
0x38d: {  	v4 =	vmul.f32 v4, v9;
	v5 =	vmul.f32 $5.000000000e-01, v5  }
0x38e: {  	v8 =	vmul.f32 $1.609437940e+00, v6  }
0x38f: {  	v4 =	vmul.f32 $1.442695020e+00, v4;
	v5 =	vmul.f32 v5, v6  }
0x390: {  	v6 =	vmul.f32 $1.442695020e+00, v8;
	(erf) = vrcp.f32 v7  }
0x391: {  	v7 =	vld.idx.msk [tilespmem:v2+s14+$0x0], $0xffff;
	v5 =	vmul.f32 $1.442695020e+00, v5;
	(erf) = vpow2.f32 v4  }
0x392: {  	v2 =	vld.idx.msk [tilespmem:v2+s15+$0x0], $0xffff;
	(erf) = vpow2.f32 v6  }
0x393: {  	(erf) = vpow2.f32 v5;
	_ =	sdelay $0x4  }
0x394: {  	v2 =	vmul.f32 v2, v7  }
0x395: {  	s21 =	sadd.s32 $0x10, s21;
	v5 =	vpop (erf)  }
.Ltmp6:
0x396: {  	v2 =	vand.u32 $0x7FFFFFFF, v2;
	v4 =	vld [tilespmem:s21+$0x0];
	v6 =	vpop (erf);
	(pc) =	sbr.rel @p1 .LBB2_10-.Ltmp6, $4  }
0x397: {  	v9 =	vmov s9;
	v6 =	vmul.f32 v6, v2;
	v8 =	vpop (erf)  }
0x398: {  	v2 =	vshll.u32 v9, $0x3;
	v7 =	vpop (erf)  }
0x399: {  	v2 =	vor.u32 v1, v2;
	v6 =	vmul.f32 v6, v5;
	v7 =	vsub.f32 v7, v8  }
0x39a: {  	s9 =	sadd.s32 $0x10, s9;
	v5 =	vor.u32 $0x2, v2  }
0x39b: {  	_ = 	snop  }
0x39c: {  	v6 =	vmul.f32 v7, v6  }
0x39d: {  	vm0 =	vle.f32 v3, $2.500000000e+01  }
0x39e: {  	v3 =	vnsel vm0, $0x0, v6  }
0x39f: {  	s9 =	sadd.s32 $0x10, s25;
	[tilespmem:v4+s10+$0x0] =	vst.idx.add.f32.msk $0xffff, v3  }
0x3a0: {  	s7 =	sadd.s32 $0x10, s7;
	v3 =	vld [tilespmem:s9+$0x0]  }
0x3a1: {  	v4 =	vld [tilespmem:s7+$0x0]  }
0x3a2: {  	v6 =	vld.idx.msk [tilespmem:v5+s15+$0x0], $0xffff;
	s9 =	sadd.s32 $0x10, s8  }
0x3a3: {  	v7 =	vld [tilespmem:s9+$0x0]  }
0x3a4: {  	v5 =	vld.idx.msk [tilespmem:v5+s14+$0x0], $0xffff;
	_ =	sdelay $0x1  }
0x3a5: {  	v4 =	vmul.f32 v4, v4;
	v3 =	vmul.f32 v3, v3  }
0x3a6: {  	v6 =	vmul.f32 $5.000000000e-01, v6  }
0x3a7: {  	v3 =	vadd.f32 v3, v4;
	v4 =	vmul.f32 v7, v7  }
0x3a8: {  	v5 =	vadd.f32 v6, v5  }
0x3a9: {  	v3 =	vadd.f32 v4, v3  }
0x3aa: {  	v4 =	vand.u32 $0x7FFFFF, v5  }
0x3ab: {  	v4 =	vor.u32 $0x3F800000, v4;
	v6 =	vand.u32 $0x7FFFFF, v3  }
0x3ac: {  	v7 =	vmul.f32 $5.000000000e-01, v4;
	v6 =	vor.u32 $0x3F800000, v6  }
0x3ad: {  	vm1 =	vgt.f32 v4, $1.414213540e+00;
	v8 =	vmul.f32 $5.000000000e-01, v6  }
0x3ae: {  	v4 =	vsel vm1, v7, v4;
	vm12 =	vgt.f32 v6, $1.414213540e+00  }
0x3af: {  	v7 =	vadd.f32 $1.000000000e+00, v4;
	v6 =	vsel vm12, v8, v6  }
0x3b0: {  	v8 =	vadd.f32 $1.000000000e+00, v6  }
0x3b1: {  	(erf) = vrcp.f32 v7  }
0x3b2: {  	(erf) = vrcp.f32 v8;
	_ =	sdelay $0x6  }
0x3b3: {  	v4 =	vadd.f32 $-1.000000000e+00, v4  }
0x3b4: {  	v6 =	vadd.f32 $-1.000000000e+00, v6;
	v7 =	vpop (erf)  }
0x3b5: {  	v4 =	vmul.f32 v7, v4;
	v7 =	vpop (erf)  }
0x3b6: {  	v6 =	vmul.f32 v7, v6  }
0x3b7: {  	v7 =	vmul.f32 v4, v4  }
0x3b8: {  	v9 =	vmul.f32 v6, v6  }
0x3b9: {  	v8 =	vor.u32 $0x1, v2;
	v10 =	vmul.f32 $2.857142980e-01, v7  }
0x3ba: {  	v12 =	vmul.f32 $2.857142980e-01, v9  }
0x3bb: {  	v10 =	vadd.f32 $4.000000060e-01, v10  }
0x3bc: {  	v12 =	vadd.f32 $4.000000060e-01, v12  }
0x3bd: {  	v10 =	vmul.f32 v10, v7  }
0x3be: {  	v5 =	vshra.s32 v5, $0x17;
	v11 =	vld.idx.msk [tilespmem:v8+s15+$0x0], $0xffff;
	v12 =	vmul.f32 v12, v9  }
0x3bf: {  	v5 =	vadd.s32 $0xFFFFFF81, v5;
	v10 =	vadd.f32 $6.666666860e-01, v10  }
0x3c0: {  	v13 =	vshra.s32 v3, $0x17;
	v5 =	vcvt.s32.f32 v5;
	v8 =	vld.idx.msk [tilespmem:v8+s14+$0x0], $0xffff;
	v12 =	vadd.f32 $6.666666860e-01, v12  }
0x3c1: {  	v50 =	vadd.s32 $0xFFFFFF81, v13;
	v51 =	vsel vm1, $0x3F800000, v0;
	v7 =	vmul.f32 v10, v7  }
0x3c2: {  	v5 =	vadd.f32 v5, v51;
	v10 =	vcvt.s32.f32 v50;
	v9 =	vmul.f32 v12, v9  }
0x3c3: {  	v52 =	vsel vm12, $0x3F800000, v0;
	v11 =	vmul.f32 $5.000000000e-01, v11;
	v7 =	vadd.f32 $2.000000000e+00, v7  }
0x3c4: {  	v10 =	vadd.f32 v10, v52;
	v9 =	vadd.f32 $2.000000000e+00, v9  }
0x3c5: {  	v5 =	vmul.f32 $6.931471820e-01, v5;
	v8 =	vadd.f32 v11, v8;
	v4 =	vmul.f32 v7, v4  }
0x3c6: {  	v7 =	vmul.f32 $6.931471820e-01, v10;
	v6 =	vmul.f32 v9, v6  }
0x3c7: {  	v53 =	vadd.f32 $-1.000000000e+00, v8  }
0x3c8: {  	v4 =	vadd.f32 v4, v5;
	v5 =	vadd.f32 v6, v7  }
0x3c9: {  	v6 =	vsub.f32 $0.0e+00, v8  }
0x3ca: {  	v4 =	vmul.f32 v4, v53;
	v5 =	vmul.f32 $5.000000000e-01, v5  }
0x3cb: {  	v7 =	vmul.f32 $1.609437940e+00, v6  }
0x3cc: {  	v4 =	vmul.f32 $1.442695020e+00, v4;
	v5 =	vmul.f32 v5, v6  }
0x3cd: {  	(erf) = vrcp.f32 v8;
	v6 =	vmul.f32 $1.442695020e+00, v7  }
0x3ce: {  	(erf) = vpow2.f32 v4;
	v5 =	vmul.f32 $1.442695020e+00, v5  }
0x3cf: {  	v4 =	vld.idx.msk [tilespmem:v2+s14+$0x0], $0xffff;
	(erf) = vpow2.f32 v6  }
0x3d0: {  	v2 =	vld.idx.msk [tilespmem:v2+s15+$0x0], $0xffff;
	(erf) = vpow2.f32 v5;
	_ =	sdelay $0x4  }
0x3d1: {  	v2 =	vmul.f32 v2, v4  }
0x3d2: {  	s25 =	sadd.s32 $0x10, s21;
	v4 =	vpop (erf)  }
0x3d3: {  	v5 =	vld [tilespmem:s25+$0x0];
	v2 =	vand.u32 $0x7FFFFFFF, v2;
	v6 =	vpop (erf)  }
0x3d4: {  	v2 =	vmul.f32 v6, v2;
	v6 =	vpop (erf)  }
0x3d5: {  	v7 =	vpop (erf)  }
0x3d6: {  	v2 =	vmul.f32 v2, v4;
	v4 =	vsub.f32 v7, v6;
	_ =	sdelay $0x1  }
0x3d7: {  	v2 =	vmul.f32 v4, v2  }
0x3d8: {  	vm13 =	vle.f32 v3, $2.500000000e+01  }
0x3d9: {  	v2 =	vnsel vm13, $0x0, v2  }
0x3da: {  	[tilespmem:v5+s10+$0x0] =	vst.idx.add.f32.msk $0xffff, v2  }
0x3db: {  	_ =	swait.ge [sflag:s11], $0x400  }
0x3dc: {  	[sflag:s11] =	ssyncset.done $0x0  }
0x3dd: {  	[sflag:s11] =	ssyncadd.s32 $0xFFFFFC00  }
0x3de: {  	_ =	swait.ge [sflag:s11], $0x400  }
0x3df: {  	[sflag:s11] =	ssyncset.done $0x0  }
0x3e0: {  	[sflag:s11] =	ssyncadd.s32 $0xFFFFFC00  }
0x3e1: {  	_ =	swait.ge [sflag:s11], $0x400  }
0x3e2: {  	[sflag:s11] =	ssyncset.done $0x0  }
0x3e3: {  	[sflag:s11] =	ssyncadd.s32 $0xFFFFFC00  }
0x3e4: {  	_ =	swait.ge [sflag:s16], $0x200  }
0x3e5: {  	[sflag:s16] =	ssyncset.done $0x0  }
0x3e6: {  	[sflag:s16] =	ssyncadd.s32 $0xFFFFFE00  }
0x3e7: {  	_ =	swait.ge [sflag:s16], $0x200  }
0x3e8: {  	[sflag:s16] =	ssyncset.done $0x0  }
0x3e9: {  	[sflag:s16] =	ssyncadd.s32 $0xFFFFFE00  }
0x3ea: {  	_ =	swait.ge [sflag:s16], $0x200  }
0x3eb: {  	[sflag:s16] =	ssyncset.done $0x0  }
0x3ec: {  	[sflag:s16] =	ssyncadd.s32 $0xFFFFFE00  }
0x3ed: {  	_ =	swait.ge [sflag:s16], $0x200  }
0x3ee: {  	[sflag:s16] =	ssyncset.done $0x0  }
0x3ef: {  	[sflag:s16] =	ssyncadd.s32 $0xFFFFFE00  }
0x3f0: {  	_ =	swait.ge [sflag:s16], $0x200  }
0x3f1: {  	[sflag:s16] =	ssyncset.done $0x0  }
0x3f2: {  	[sflag:s16] =	ssyncadd.s32 $0xFFFFFE00  }
0x3f3: {  	_ =	swait.ge [sflag:s16], $0x200  }
0x3f4: {  	[sflag:s16] =	ssyncset.done $0x0  }
0x3f5: {  	[sflag:s16] =	ssyncadd.s32 $0xFFFFFE00  }
0x3f6: {  	_ =	swait.ge [sflag:s16], $0x200  }
0x3f7: {  	[sflag:s16] =	ssyncset.done $0x0  }
0x3f8: {  	[sflag:s16] =	ssyncadd.s32 $0xFFFFFE00  }
0x3f9: {  	_ =	swait.ge [sflag:s16], $0x200  }
0x3fa: {  	[sflag:s16] =	ssyncset.done $0x0  }
0x3fb: {  	[sflag:s16] =	ssyncadd.s32 $0xFFFFFE00  }
0x3fc: {  	_ =	swait.ge [sflag:s16], $0x200  }
0x3fd: {  	[sflag:s16] =	ssyncset.done $0x0  }
0x3fe: {  	[sflag:s16] =	ssyncadd.s32 $0xFFFFFE00  }
0x3ff: {  	_ =	swait.ge [sflag:s16], $0x200  }
0x400: {  	[sflag:s16] =	ssyncset.done $0x0  }
0x401: {  	[sflag:s16] =	ssyncadd.s32 $0xFFFFFE00  }
0x402: {  	_ =	swait.ge [sflag:s16], $0x200  }
0x403: {  	[sflag:s16] =	ssyncset.done $0x0  }
0x404: {  	[sflag:s16] =	ssyncadd.s32 $0xFFFFFE00  }
0x405: {  	_ =	swait.ge [sflag:s16], $0x200  }
0x406: {  	[sflag:s16] =	ssyncset.done $0x0  }
0x407: {  	[sflag:s16] =	ssyncadd.s32 $0xFFFFFE00  }
0x408: {  	_ =	swait.ge [sflag:s16], $0x200  }
0x409: {  	[sflag:s16] =	ssyncset.done $0x0  }
0x40a: {  	[sflag:s16] =	ssyncadd.s32 $0xFFFFFE00  }
0x40b: {  	_ =	swait.ge [sflag:s16], $0x200  }
0x40c: {  	[sflag:s16] =	ssyncset.done $0x0  }
0x40d: {  	s26 =	simm.s32 $0x0;
	[sflag:s16] =	ssyncadd.s32 $0xFFFFFE00  }
0x40e: {  	v2 =	vmov s26;
	_ =	swait.ge [sflag:s16], $0x200  }
0x40f: {  	v2 =	vshll.u32 v2, $0x3;
	[sflag:s16] =	ssyncset.done $0x0  }
0x410: {  	v2 =	vor.u32 v1, v2;
	[sflag:s16] =	ssyncadd.s32 $0xFFFFFE00  }
0x411: {  	v3 =	vor.u32 $0x2, v2;
	_ =	swait.ge [sflag:s16], $0x200  }
0x412: {  	[sflag:s16] =	ssyncset.done $0x0  }
0x413: {  	s8 =	simm.s32 $0xA000;
	[sflag:s16] =	ssyncadd.s32 $0xFFFFFE00  }
0x414: {  	s7 =	simm.s32 $0x9C00;
	v4 =	vld [tilespmem:s8+$0x0]  }
0x415: {  	v5 =	vld [tilespmem:s7+$0x0]  }
0x416: {  	s21 =	simm.s32 $0xA400;
	v6 =	vld.idx.msk [tilespmem:v3+s30+$0x0], $0xffff  }
0x417: {  	v7 =	vld [tilespmem:s21+$0x0]  }
0x418: {  	v3 =	vld.idx.msk [tilespmem:v3+s29+$0x0], $0xffff;
	_ =	sdelay $0x1  }
0x419: {  	v5 =	vmul.f32 v5, v5;
	v4 =	vmul.f32 v4, v4  }
0x41a: {  	v6 =	vmul.f32 $5.000000000e-01, v6  }
0x41b: {  	v4 =	vadd.f32 v4, v5;
	v5 =	vmul.f32 v7, v7  }
0x41c: {  	v6 =	vadd.f32 v6, v3  }
0x41d: {  	v3 =	vadd.f32 v5, v4  }
0x41e: {  	v4 =	vand.u32 $0x7FFFFF, v6  }
0x41f: {  	v4 =	vor.u32 $0x3F800000, v4;
	v5 =	vand.u32 $0x7FFFFF, v3  }
0x420: {  	v7 =	vmul.f32 $5.000000000e-01, v4;
	v5 =	vor.u32 $0x3F800000, v5  }
0x421: {  	vm14 =	vgt.f32 v4, $1.414213540e+00;
	v8 =	vmul.f32 $5.000000000e-01, v5  }
0x422: {  	v4 =	vsel vm14, v7, v4;
	vm15 =	vgt.f32 v5, $1.414213540e+00  }
0x423: {  	v7 =	vadd.f32 $1.000000000e+00, v4;
	v5 =	vsel vm15, v8, v5  }
0x424: {  	v8 =	vadd.f32 $1.000000000e+00, v5  }
0x425: {  	(erf) = vrcp.f32 v7  }
0x426: {  	(erf) = vrcp.f32 v8;
	_ =	sdelay $0x6  }
0x427: {  	v4 =	vadd.f32 $-1.000000000e+00, v4  }
0x428: {  	v5 =	vadd.f32 $-1.000000000e+00, v5;
	v7 =	vpop (erf)  }
0x429: {  	v4 =	vmul.f32 v7, v4;
	v7 =	vpop (erf)  }
0x42a: {  	v5 =	vmul.f32 v7, v5  }
0x42b: {  	v7 =	vmul.f32 v4, v4  }
0x42c: {  	v54 =	vmul.f32 v5, v5  }
0x42d: {  	v8 =	vor.u32 $0x1, v2;
	v55 =	vmul.f32 $2.857142980e-01, v7  }
0x42e: {  	v57 =	vmul.f32 $2.857142980e-01, v54  }
0x42f: {  	v10 =	vadd.f32 $4.000000060e-01, v55  }
0x430: {  	v12 =	vadd.f32 $4.000000060e-01, v57  }
0x431: {  	v10 =	vmul.f32 v10, v7  }
0x432: {  	v6 =	vshra.s32 v6, $0x17;
	v56 =	vld.idx.msk [tilespmem:v8+s30+$0x0], $0xffff;
	v12 =	vmul.f32 v12, v54  }
0x433: {  	v6 =	vadd.s32 $0xFFFFFF81, v6;
	v10 =	vadd.f32 $6.666666860e-01, v10  }
0x434: {  	v58 =	vshra.s32 v3, $0x17;
	v6 =	vcvt.s32.f32 v6;
	v8 =	vld.idx.msk [tilespmem:v8+s29+$0x0], $0xffff;
	v12 =	vadd.f32 $6.666666860e-01, v12  }
0x435: {  	v59 =	vadd.s32 $0xFFFFFF81, v58;
	v60 =	vsel vm14, $0x3F800000, v0;
	v7 =	vmul.f32 v10, v7  }
0x436: {  	v6 =	vadd.f32 v6, v60;
	v10 =	vcvt.s32.f32 v59;
	v9 =	vmul.f32 v12, v54  }
0x437: {  	v61 =	vsel vm15, $0x3F800000, v0;
	v11 =	vmul.f32 $5.000000000e-01, v56;
	v7 =	vadd.f32 $2.000000000e+00, v7  }
0x438: {  	v10 =	vadd.f32 v10, v61;
	v9 =	vadd.f32 $2.000000000e+00, v9  }
0x439: {  	v6 =	vmul.f32 $6.931471820e-01, v6;
	v8 =	vadd.f32 v11, v8;
	v4 =	vmul.f32 v7, v4  }
0x43a: {  	v7 =	vmul.f32 $6.931471820e-01, v10;
	v5 =	vmul.f32 v9, v5  }
0x43b: {  	v62 =	vadd.f32 $-1.000000000e+00, v8;
	v4 =	vadd.f32 v4, v6  }
0x43c: {  	v5 =	vadd.f32 v5, v7  }
0x43d: {  	v6 =	vsub.f32 $0.0e+00, v8;
	v4 =	vmul.f32 v4, v62  }
0x43e: {  	v5 =	vmul.f32 $5.000000000e-01, v5  }
0x43f: {  	v7 =	vmul.f32 $1.609437940e+00, v6;
	v4 =	vmul.f32 $1.442695020e+00, v4  }
0x440: {  	(erf) = vrcp.f32 v8;
	v5 =	vmul.f32 v5, v6  }
0x441: {  	v6 =	vmul.f32 $1.442695020e+00, v7;
	(erf) = vpow2.f32 v4  }
0x442: {  	v4 =	vld.idx.msk [tilespmem:v2+s29+$0x0], $0xffff;
	v5 =	vmul.f32 $1.442695020e+00, v5  }
0x443: {  	v2 =	vld.idx.msk [tilespmem:v2+s30+$0x0], $0xffff;
	(erf) = vpow2.f32 v6  }
0x444: {  	(erf) = vpow2.f32 v5;
	_ =	sdelay $0x3  }
0x445: {  	v2 =	vmul.f32 v2, v4  }
0x446: {  	v5 =	vpop (erf)  }
0x447: {  	s9 =	simm.s32 $0x5400;
	v2 =	vand.u32 $0x7FFFFFFF, v2;
	v4 =	vpop (erf)  }
0x448: {  	s31 =	simm.s32 $0x10;
	v7 =	vmul.f32 v4, v2;
	v4 =	vld [tilespmem:s9+$0x0]  }
0x449: {  	v6 =	vmov s31;
	v8 =	vpop (erf)  }
0x44a: {  	v2 =	vshll.u32 v6, $0x3;
	v63 =	vpop (erf)  }
0x44b: {  	v2 =	vor.u32 v1, v2;
	v6 =	vmul.f32 v7, v5;
	v7 =	vsub.f32 v63, v8  }
0x44c: {  	s25 =	simm.s32 $0x20;
	v5 =	vor.u32 $0x2, v2  }
.LBB2_12:
0x44d: {  	p1 =	sne.s32 s25, $0x3F0;
	v6 =	vmul.f32 v7, v6  }
0x44e: {  	vm0 =	vle.f32 v3, $2.500000000e+01  }
0x44f: {  	v3 =	vnsel vm0, $0x0, v6  }
0x450: {  	[tilespmem:v4+s10+$0x0] =	vst.idx.add.f32.msk $0xffff, v3  }
0x451: {  	s8 =	sadd.s32 $0x10, s8;
	v3 =	vld.idx.msk [tilespmem:v5+s30+$0x0], $0xffff  }
0x452: {  	s7 =	sadd.s32 $0x10, s7;
	v4 =	vld [tilespmem:s8+$0x0]  }
0x453: {  	v6 =	vld [tilespmem:s7+$0x0]  }
0x454: {  	s21 =	sadd.s32 $0x10, s21;
	v5 =	vld.idx.msk [tilespmem:v5+s29+$0x0], $0xffff  }
0x455: {  	v7 =	vld [tilespmem:s21+$0x0];
	_ =	sdelay $0x2  }
0x456: {  	v4 =	vmul.f32 v4, v4;
	v6 =	vmul.f32 v6, v6  }
0x457: {  	v3 =	vmul.f32 $5.000000000e-01, v3  }
0x458: {  	v4 =	vadd.f32 v4, v6;
	v6 =	vmul.f32 v7, v7  }
0x459: {  	v5 =	vadd.f32 v3, v5  }
0x45a: {  	v3 =	vadd.f32 v6, v4  }
0x45b: {  	v4 =	vand.u32 $0x7FFFFF, v5  }
0x45c: {  	v4 =	vor.u32 $0x3F800000, v4;
	v6 =	vand.u32 $0x7FFFFF, v3  }
0x45d: {  	v7 =	vmul.f32 $5.000000000e-01, v4;
	v6 =	vor.u32 $0x3F800000, v6  }
0x45e: {  	vm1 =	vgt.f32 v4, $1.414213540e+00;
	v8 =	vmul.f32 $5.000000000e-01, v6  }
0x45f: {  	v4 =	vsel vm1, v7, v4;
	vm0 =	vgt.f32 v6, $1.414213540e+00  }
0x460: {  	v7 =	vadd.f32 $1.000000000e+00, v4;
	v6 =	vsel vm0, v8, v6  }
0x461: {  	v8 =	vadd.f32 $1.000000000e+00, v6  }
0x462: {  	(erf) = vrcp.f32 v7  }
0x463: {  	(erf) = vrcp.f32 v8;
	_ =	sdelay $0x6  }
0x464: {  	v4 =	vadd.f32 $-1.000000000e+00, v4  }
0x465: {  	v6 =	vadd.f32 $-1.000000000e+00, v6;
	v7 =	vor.u32 $0x1, v2;
	v8 =	vpop (erf)  }
0x466: {  	v4 =	vmul.f32 v8, v4;
	v8 =	vpop (erf)  }
0x467: {  	v6 =	vmul.f32 v8, v6  }
0x468: {  	v8 =	vmul.f32 v4, v4  }
0x469: {  	v9 =	vmul.f32 v6, v6  }
0x46a: {  	v10 =	vld.idx.msk [tilespmem:v7+s30+$0x0], $0xffff;
	v11 =	vmul.f32 $2.857142980e-01, v8  }
0x46b: {  	v12 =	vmul.f32 $2.857142980e-01, v9  }
0x46c: {  	v11 =	vadd.f32 $4.000000060e-01, v11  }
0x46d: {  	v12 =	vadd.f32 $4.000000060e-01, v12  }
0x46e: {  	v11 =	vmul.f32 v11, v8  }
0x46f: {  	v12 =	vmul.f32 v12, v9  }
0x470: {  	v5 =	vshra.s32 v5, $0x17;
	v10 =	vmul.f32 $5.000000000e-01, v10;
	v7 =	vld.idx.msk [tilespmem:v7+s29+$0x0], $0xffff;
	v11 =	vadd.f32 $6.666666860e-01, v11  }
0x471: {  	v5 =	vadd.s32 $0xFFFFFF81, v5;
	v13 =	vshra.s32 v3, $0x17;
	v12 =	vadd.f32 $6.666666860e-01, v12  }
0x472: {  	v5 =	vcvt.s32.f32 v5;
	v8 =	vmul.f32 v11, v8;
	v11 =	vadd.s32 $0xFFFFFF81, v13  }
0x473: {  	v13 =	vsel vm1, $0x3F800000, v0;
	v11 =	vcvt.s32.f32 v11;
	v9 =	vmul.f32 v12, v9  }
0x474: {  	v5 =	vadd.f32 v5, v13;
	v12 =	vsel vm0, $0x3F800000, v0;
	v8 =	vadd.f32 $2.000000000e+00, v8  }
0x475: {  	v11 =	vadd.f32 v11, v12;
	v9 =	vadd.f32 $2.000000000e+00, v9  }
0x476: {  	v7 =	vadd.f32 v10, v7;
	v5 =	vmul.f32 $6.931471820e-01, v5;
	v4 =	vmul.f32 v8, v4  }
0x477: {  	v8 =	vmul.f32 $6.931471820e-01, v11;
	v6 =	vmul.f32 v9, v6  }
0x478: {  	v9 =	vadd.f32 $-1.000000000e+00, v7  }
0x479: {  	v4 =	vadd.f32 v4, v5;
	v5 =	vadd.f32 v6, v8  }
0x47a: {  	v6 =	vsub.f32 $0.0e+00, v7  }
0x47b: {  	v4 =	vmul.f32 v4, v9;
	v5 =	vmul.f32 $5.000000000e-01, v5  }
0x47c: {  	v8 =	vmul.f32 $1.609437940e+00, v6  }
0x47d: {  	v4 =	vmul.f32 $1.442695020e+00, v4;
	v5 =	vmul.f32 v5, v6  }
0x47e: {  	v6 =	vmul.f32 $1.442695020e+00, v8;
	(erf) = vrcp.f32 v7  }
0x47f: {  	v7 =	vld.idx.msk [tilespmem:v2+s29+$0x0], $0xffff;
	v5 =	vmul.f32 $1.442695020e+00, v5;
	(erf) = vpow2.f32 v4  }
0x480: {  	v2 =	vld.idx.msk [tilespmem:v2+s30+$0x0], $0xffff;
	(erf) = vpow2.f32 v6  }
0x481: {  	(erf) = vpow2.f32 v5;
	_ =	sdelay $0x4  }
0x482: {  	v2 =	vmul.f32 v2, v7  }
0x483: {  	s9 =	sadd.s32 $0x10, s9;
	v5 =	vpop (erf)  }
.Ltmp7:
0x484: {  	v2 =	vand.u32 $0x7FFFFFFF, v2;
	v4 =	vld [tilespmem:s9+$0x0];
	v6 =	vpop (erf);
	(pc) =	sbr.rel @p1 .LBB2_12-.Ltmp7, $4  }
0x485: {  	v9 =	vmov s25;
	v6 =	vmul.f32 v6, v2;
	v8 =	vpop (erf)  }
0x486: {  	v2 =	vshll.u32 v9, $0x3;
	v7 =	vpop (erf)  }
0x487: {  	v2 =	vor.u32 v1, v2;
	v6 =	vmul.f32 v6, v5;
	v7 =	vsub.f32 v7, v8  }
0x488: {  	s25 =	sadd.s32 $0x10, s25;
	v5 =	vor.u32 $0x2, v2  }
0x489: {  	_ = 	snop  }
0x48a: {  	v6 =	vmul.f32 v7, v6  }
0x48b: {  	vm0 =	vle.f32 v3, $2.500000000e+01  }
0x48c: {  	v3 =	vnsel vm0, $0x0, v6  }
0x48d: {  	s8 =	sadd.s32 $0x10, s8;
	[tilespmem:v4+s10+$0x0] =	vst.idx.add.f32.msk $0xffff, v3  }
0x48e: {  	s7 =	sadd.s32 $0x10, s7;
	v3 =	vld [tilespmem:s8+$0x0]  }
0x48f: {  	v4 =	vld [tilespmem:s7+$0x0]  }
0x490: {  	v6 =	vld.idx.msk [tilespmem:v5+s30+$0x0], $0xffff;
	s8 =	sadd.s32 $0x10, s21  }
0x491: {  	v7 =	vld [tilespmem:s8+$0x0]  }
0x492: {  	v5 =	vld.idx.msk [tilespmem:v5+s29+$0x0], $0xffff;
	_ =	sdelay $0x1  }
0x493: {  	v4 =	vmul.f32 v4, v4;
	v3 =	vmul.f32 v3, v3  }
0x494: {  	v6 =	vmul.f32 $5.000000000e-01, v6  }
0x495: {  	v3 =	vadd.f32 v3, v4;
	v4 =	vmul.f32 v7, v7  }
0x496: {  	v5 =	vadd.f32 v6, v5  }
0x497: {  	v3 =	vadd.f32 v4, v3  }
0x498: {  	v4 =	vand.u32 $0x7FFFFF, v5  }
0x499: {  	v4 =	vor.u32 $0x3F800000, v4;
	v6 =	vand.u32 $0x7FFFFF, v3  }
0x49a: {  	v7 =	vmul.f32 $5.000000000e-01, v4;
	v6 =	vor.u32 $0x3F800000, v6  }
0x49b: {  	vm1 =	vgt.f32 v4, $1.414213540e+00;
	v8 =	vmul.f32 $5.000000000e-01, v6  }
0x49c: {  	v4 =	vsel vm1, v7, v4;
	vm12 =	vgt.f32 v6, $1.414213540e+00  }
0x49d: {  	v7 =	vadd.f32 $1.000000000e+00, v4;
	v6 =	vsel vm12, v8, v6  }
0x49e: {  	v8 =	vadd.f32 $1.000000000e+00, v6  }
0x49f: {  	(erf) = vrcp.f32 v7  }
0x4a0: {  	(erf) = vrcp.f32 v8;
	_ =	sdelay $0x6  }
0x4a1: {  	v4 =	vadd.f32 $-1.000000000e+00, v4  }
0x4a2: {  	v6 =	vadd.f32 $-1.000000000e+00, v6;
	v7 =	vpop (erf)  }
0x4a3: {  	v4 =	vmul.f32 v7, v4;
	v7 =	vpop (erf)  }
0x4a4: {  	v6 =	vmul.f32 v7, v6  }
0x4a5: {  	v7 =	vmul.f32 v4, v4  }
0x4a6: {  	v9 =	vmul.f32 v6, v6  }
0x4a7: {  	v8 =	vor.u32 $0x1, v2;
	v10 =	vmul.f32 $2.857142980e-01, v7  }
0x4a8: {  	v12 =	vmul.f32 $2.857142980e-01, v9  }
0x4a9: {  	v10 =	vadd.f32 $4.000000060e-01, v10  }
0x4aa: {  	v12 =	vadd.f32 $4.000000060e-01, v12  }
0x4ab: {  	v10 =	vmul.f32 v10, v7  }
0x4ac: {  	v5 =	vshra.s32 v5, $0x17;
	v11 =	vld.idx.msk [tilespmem:v8+s30+$0x0], $0xffff;
	v12 =	vmul.f32 v12, v9  }
0x4ad: {  	v5 =	vadd.s32 $0xFFFFFF81, v5;
	v10 =	vadd.f32 $6.666666860e-01, v10  }
0x4ae: {  	v13 =	vshra.s32 v3, $0x17;
	v5 =	vcvt.s32.f32 v5;
	v8 =	vld.idx.msk [tilespmem:v8+s29+$0x0], $0xffff;
	v12 =	vadd.f32 $6.666666860e-01, v12  }
0x4af: {  	v50 =	vadd.s32 $0xFFFFFF81, v13;
	v51 =	vsel vm1, $0x3F800000, v0;
	v7 =	vmul.f32 v10, v7  }
0x4b0: {  	v5 =	vadd.f32 v5, v51;
	v10 =	vcvt.s32.f32 v50;
	v9 =	vmul.f32 v12, v9  }
0x4b1: {  	v52 =	vsel vm12, $0x3F800000, v0;
	v11 =	vmul.f32 $5.000000000e-01, v11;
	v7 =	vadd.f32 $2.000000000e+00, v7  }
0x4b2: {  	v10 =	vadd.f32 v10, v52;
	v9 =	vadd.f32 $2.000000000e+00, v9  }
0x4b3: {  	v5 =	vmul.f32 $6.931471820e-01, v5;
	v8 =	vadd.f32 v11, v8;
	v4 =	vmul.f32 v7, v4  }
0x4b4: {  	v7 =	vmul.f32 $6.931471820e-01, v10;
	v6 =	vmul.f32 v9, v6  }
0x4b5: {  	v53 =	vadd.f32 $-1.000000000e+00, v8  }
0x4b6: {  	v4 =	vadd.f32 v4, v5;
	v5 =	vadd.f32 v6, v7  }
0x4b7: {  	v6 =	vsub.f32 $0.0e+00, v8  }
0x4b8: {  	v4 =	vmul.f32 v4, v53;
	v5 =	vmul.f32 $5.000000000e-01, v5  }
0x4b9: {  	v7 =	vmul.f32 $1.609437940e+00, v6  }
0x4ba: {  	v4 =	vmul.f32 $1.442695020e+00, v4;
	v5 =	vmul.f32 v5, v6  }
0x4bb: {  	(erf) = vrcp.f32 v8;
	v6 =	vmul.f32 $1.442695020e+00, v7  }
0x4bc: {  	(erf) = vpow2.f32 v4;
	v5 =	vmul.f32 $1.442695020e+00, v5  }
0x4bd: {  	v4 =	vld.idx.msk [tilespmem:v2+s29+$0x0], $0xffff;
	(erf) = vpow2.f32 v6  }
0x4be: {  	v2 =	vld.idx.msk [tilespmem:v2+s30+$0x0], $0xffff;
	(erf) = vpow2.f32 v5;
	_ =	sdelay $0x4  }
0x4bf: {  	v2 =	vmul.f32 v2, v4  }
0x4c0: {  	s21 =	sadd.s32 $0x10, s9;
	v4 =	vpop (erf)  }
0x4c1: {  	v5 =	vld [tilespmem:s21+$0x0];
	v2 =	vand.u32 $0x7FFFFFFF, v2;
	v6 =	vpop (erf)  }
0x4c2: {  	v2 =	vmul.f32 v6, v2;
	v6 =	vpop (erf)  }
0x4c3: {  	v7 =	vpop (erf)  }
0x4c4: {  	v2 =	vmul.f32 v2, v4;
	v4 =	vsub.f32 v7, v6;
	_ =	sdelay $0x1  }
0x4c5: {  	v2 =	vmul.f32 v4, v2  }
0x4c6: {  	vm13 =	vle.f32 v3, $2.500000000e+01  }
0x4c7: {  	v2 =	vnsel vm13, $0x0, v2  }
0x4c8: {  	s25 =	rddreg [dreg:$0x15];
	s21 =	simm.s32 $0x0;
	[tilespmem:v5+s10+$0x0] =	vst.idx.add.f32.msk $0xffff, v2  }
0x4c9: {  	[tilespmem:s21], [sflag:$0x1] =	stream.linear.gather [hbm4b:s25+s21], $0x350, $0x38;
	[tilespmem:$0x1B8C0] =	vst v63  }
0x4ca: {  	s26 =	rddreg [dreg:$0x16];
	s8 =	simm.s32 $0x400  }
0x4cb: {  	[tilespmem:s8], [sflag:$0x1] =	stream.linear.gather [hbm4b:s26+s21], $0x350, $0x38;
	[tilespmem:$0x1B8C0] =	vst v63  }
0x4cc: {  	s9 =	rddreg [dreg:$0x17];
	s25 =	simm.s32 $0x4800  }
0x4cd: {  	[tilespmem:s25], [sflag:$0x3] =	stream.linear.gather [hbm4b:s9+s21], $0x350, $0x38;
	[tilespmem:$0x1B8C0] =	vst v63  }
0x4ce: {  	s31 =	simm.s32 $0x4C00;
	s26 =	rddreg [dreg:$0x18]  }
0x4cf: {  	[tilespmem:s31], [sflag:$0x3] =	stream.linear.gather [hbm4b:s26+s21], $0x350, $0x38;
	[tilespmem:$0x1B8C0] =	vst v63  }
0x4d0: {  	s9 =	rddreg [dreg:$0x19];
	s26 =	simm.s32 $0x5000  }
0x4d1: {  	[tilespmem:s26], [sflag:$0x3] =	stream.linear.gather [hbm4b:s9+s21], $0x350, $0x38;
	[tilespmem:$0x1B8C0] =	vst v63  }
0x4d2: {  	_ =	swait.ge [sflag:s12], $0x350  }
0x4d3: {  	[sflag:s12] =	ssyncset.done $0x0  }
0x4d4: {  	[sflag:s12] =	ssyncadd.s32 $0xFFFFFCB0  }
0x4d5: {  	_ =	swait.ge [sflag:s12], $0x350  }
0x4d6: {  	[sflag:s12] =	ssyncset.done $0x0  }
0x4d7: {  	[sflag:s12] =	ssyncadd.s32 $0xFFFFFCB0  }
0x4d8: {  	[tilespmem:s14], [sflag:$0x5] =	stream.indirect.gather [hbm4b:s5+s13], $0x4, s21, s13, $0xb8;
	[tilespmem:$0x1B8C0] =	vst v63  }
0x4d9: {  	_ = 	snop  }
0x4da: {  	[tilespmem:s15], [sflag:$0x5] =	stream.indirect.gather [hbm4b:s5+s13], $0x4, s8, s13, $0xb8;
	[tilespmem:$0x1B8C0] =	vst v63  }
0x4db: {  	s9 =	simm.s32 $0xC00  }
0x4dc: {  	[tilespmem:s9], [sflag:$0x5] =	stream.indirect.gather [hbm4b:s5+s13], $0x4, s13, s13, $0xb8;
	[tilespmem:$0x1B8C0] =	vst v63  }
0x4dd: {  	s8 =	simm.s32 $0x480;
	s9 =	simm.s32 $0x2C00  }
0x4de: {  	[tilespmem:s9], [sflag:$0x5] =	stream.indirect.gather [hbm4b:s5+s13], $0x4, s8, s13, $0xb8;
	[tilespmem:$0x1B8C0] =	vst v63  }
0x4df: {  	s8 =	simm.s32 $0x100;
	s9 =	simm.s32 $0x1000  }
0x4e0: {  	[tilespmem:s9], [sflag:$0x5] =	stream.indirect.gather [hbm4b:s5+s13], $0x4, s8, s13, $0xb8;
	[tilespmem:$0x1B8C0] =	vst v63  }
0x4e1: {  	s8 =	simm.s32 $0x500;
	s9 =	simm.s32 $0x3000  }
0x4e2: {  	[tilespmem:s9], [sflag:$0x5] =	stream.indirect.gather [hbm4b:s5+s13], $0x4, s8, s13, $0xb8;
	[tilespmem:$0x1B8C0] =	vst v63  }
0x4e3: {  	s8 =	simm.s32 $0x180;
	s9 =	simm.s32 $0x1400  }
0x4e4: {  	[tilespmem:s9], [sflag:$0x5] =	stream.indirect.gather [hbm4b:s5+s13], $0x4, s8, s13, $0xb8;
	[tilespmem:$0x1B8C0] =	vst v63  }
0x4e5: {  	s8 =	simm.s32 $0x580;
	s9 =	simm.s32 $0x3400  }
0x4e6: {  	[tilespmem:s9], [sflag:$0x5] =	stream.indirect.gather [hbm4b:s5+s13], $0x4, s8, s13, $0xb8;
	[tilespmem:$0x1B8C0] =	vst v63  }
0x4e7: {  	s8 =	simm.s32 $0x200;
	s9 =	simm.s32 $0x1800  }
0x4e8: {  	[tilespmem:s9], [sflag:$0x5] =	stream.indirect.gather [hbm4b:s5+s13], $0x4, s8, s13, $0xb8;
	[tilespmem:$0x1B8C0] =	vst v63  }
0x4e9: {  	s8 =	simm.s32 $0x600;
	s9 =	simm.s32 $0x3800  }
0x4ea: {  	[tilespmem:s9], [sflag:$0x5] =	stream.indirect.gather [hbm4b:s5+s13], $0x4, s8, s13, $0xb8;
	[tilespmem:$0x1B8C0] =	vst v63  }
0x4eb: {  	s8 =	simm.s32 $0x280;
	s9 =	simm.s32 $0x1C00  }
0x4ec: {  	[tilespmem:s9], [sflag:$0x5] =	stream.indirect.gather [hbm4b:s5+s13], $0x4, s8, s13, $0xb8;
	[tilespmem:$0x1B8C0] =	vst v63  }
0x4ed: {  	s8 =	simm.s32 $0x680;
	s9 =	simm.s32 $0x3C00  }
0x4ee: {  	[tilespmem:s9], [sflag:$0x5] =	stream.indirect.gather [hbm4b:s5+s13], $0x4, s8, s13, $0xb8;
	[tilespmem:$0x1B8C0] =	vst v63  }
0x4ef: {  	s7 =	simm.s32 $0x300;
	s8 =	simm.s32 $0x2000;
	s9 =	simm.s32 $0x50  }
0x4f0: {  	[tilespmem:s8], [sflag:$0x5] =	stream.indirect.gather [hbm4b:s5+s9], $0x4, s7, s9, $0xb8;
	[tilespmem:$0x1B8C0] =	vst v63  }
0x4f1: {  	s7 =	simm.s32 $0x700;
	s8 =	simm.s32 $0x4000  }
0x4f2: {  	[tilespmem:s8], [sflag:$0x5] =	stream.indirect.gather [hbm4b:s5+s9], $0x4, s7, s9, $0xb8;
	[tilespmem:$0x1B8C0] =	vst v63  }
0x4f3: {  	_ =	swait.ge [sflag:s0], $0x350  }
0x4f4: {  	[sflag:s0] =	ssyncset.done $0x0  }
0x4f5: {  	[sflag:s0] =	ssyncadd.s32 $0xFFFFFCB0  }
0x4f6: {  	_ =	swait.ge [sflag:s0], $0x350  }
0x4f7: {  	[sflag:s0] =	ssyncset.done $0x0  }
0x4f8: {  	[sflag:s0] =	ssyncadd.s32 $0xFFFFFCB0  }
0x4f9: {  	_ =	swait.ge [sflag:s0], $0x350  }
0x4fa: {  	[sflag:s0] =	ssyncset.done $0x0  }
0x4fb: {  	[sflag:s0] =	ssyncadd.s32 $0xFFFFFCB0  }
0x4fc: {  	_ =	swait.ge [sflag:s1], $0x200  }
0x4fd: {  	[sflag:s1] =	ssyncset.done $0x0  }
0x4fe: {  	[sflag:s1] =	ssyncadd.s32 $0xFFFFFE00  }
0x4ff: {  	_ =	swait.ge [sflag:s1], $0x200  }
0x500: {  	[sflag:s1] =	ssyncset.done $0x0  }
0x501: {  	[sflag:s1] =	ssyncadd.s32 $0xFFFFFE00  }
0x502: {  	_ =	swait.ge [sflag:s1], $0x200  }
0x503: {  	[sflag:s1] =	ssyncset.done $0x0  }
0x504: {  	[sflag:s1] =	ssyncadd.s32 $0xFFFFFE00  }
0x505: {  	_ =	swait.ge [sflag:s1], $0x200  }
0x506: {  	[sflag:s1] =	ssyncset.done $0x0  }
0x507: {  	[sflag:s1] =	ssyncadd.s32 $0xFFFFFE00  }
0x508: {  	_ =	swait.ge [sflag:s1], $0x200  }
0x509: {  	[sflag:s1] =	ssyncset.done $0x0  }
0x50a: {  	[sflag:s1] =	ssyncadd.s32 $0xFFFFFE00  }
0x50b: {  	_ =	swait.ge [sflag:s1], $0x200  }
0x50c: {  	[sflag:s1] =	ssyncset.done $0x0  }
0x50d: {  	[sflag:s1] =	ssyncadd.s32 $0xFFFFFE00  }
0x50e: {  	_ =	swait.ge [sflag:s1], $0x200  }
0x50f: {  	[sflag:s1] =	ssyncset.done $0x0  }
0x510: {  	[sflag:s1] =	ssyncadd.s32 $0xFFFFFE00  }
0x511: {  	_ =	swait.ge [sflag:s1], $0x200  }
0x512: {  	[sflag:s1] =	ssyncset.done $0x0  }
0x513: {  	[sflag:s1] =	ssyncadd.s32 $0xFFFFFE00  }
0x514: {  	_ =	swait.ge [sflag:s1], $0x200  }
0x515: {  	[sflag:s1] =	ssyncset.done $0x0  }
0x516: {  	[sflag:s1] =	ssyncadd.s32 $0xFFFFFE00  }
0x517: {  	_ =	swait.ge [sflag:s1], $0x200  }
0x518: {  	[sflag:s1] =	ssyncset.done $0x0  }
0x519: {  	[sflag:s1] =	ssyncadd.s32 $0xFFFFFE00  }
0x51a: {  	_ =	swait.ge [sflag:s1], $0x200  }
0x51b: {  	[sflag:s1] =	ssyncset.done $0x0  }
0x51c: {  	[sflag:s1] =	ssyncadd.s32 $0xFFFFFE00  }
0x51d: {  	_ =	swait.ge [sflag:s1], $0x200  }
0x51e: {  	[sflag:s1] =	ssyncset.done $0x0  }
0x51f: {  	[sflag:s1] =	ssyncadd.s32 $0xFFFFFE00  }
0x520: {  	v2 =	vmov s21;
	_ =	swait.ge [sflag:s1], $0x140  }
0x521: {  	v2 =	vshll.u32 v2, $0x3;
	[sflag:s1] =	ssyncset.done $0x0  }
0x522: {  	v2 =	vor.u32 v1, v2;
	[sflag:s1] =	ssyncadd.s32 $0xFFFFFEC0  }
0x523: {  	v3 =	vor.u32 $0x2, v2;
	_ =	swait.ge [sflag:s1], $0x140  }
0x524: {  	[sflag:s1] =	ssyncset.done $0x0  }
0x525: {  	[sflag:s1] =	ssyncadd.s32 $0xFFFFFEC0  }
0x526: {  	v4 =	vld [tilespmem:s31+$0x0]  }
0x527: {  	v5 =	vld [tilespmem:s25+$0x0]  }
0x528: {  	v6 =	vld.idx.msk [tilespmem:v3+s15+$0x0], $0xffff  }
0x529: {  	v7 =	vld [tilespmem:s26+$0x0]  }
0x52a: {  	v3 =	vld.idx.msk [tilespmem:v3+s14+$0x0], $0xffff;
	_ =	sdelay $0x1  }
0x52b: {  	v5 =	vmul.f32 v5, v5;
	v4 =	vmul.f32 v4, v4  }
0x52c: {  	v6 =	vmul.f32 $5.000000000e-01, v6  }
0x52d: {  	v4 =	vadd.f32 v4, v5;
	v5 =	vmul.f32 v7, v7  }
0x52e: {  	v6 =	vadd.f32 v6, v3  }
0x52f: {  	v3 =	vadd.f32 v5, v4  }
0x530: {  	v4 =	vand.u32 $0x7FFFFF, v6  }
0x531: {  	v4 =	vor.u32 $0x3F800000, v4;
	v5 =	vand.u32 $0x7FFFFF, v3  }
0x532: {  	v7 =	vmul.f32 $5.000000000e-01, v4;
	v5 =	vor.u32 $0x3F800000, v5  }
0x533: {  	vm14 =	vgt.f32 v4, $1.414213540e+00;
	v8 =	vmul.f32 $5.000000000e-01, v5  }
0x534: {  	v4 =	vsel vm14, v7, v4;
	vm15 =	vgt.f32 v5, $1.414213540e+00  }
0x535: {  	v7 =	vadd.f32 $1.000000000e+00, v4;
	v5 =	vsel vm15, v8, v5  }
0x536: {  	v8 =	vadd.f32 $1.000000000e+00, v5  }
0x537: {  	(erf) = vrcp.f32 v7  }
0x538: {  	(erf) = vrcp.f32 v8;
	_ =	sdelay $0x6  }
0x539: {  	v4 =	vadd.f32 $-1.000000000e+00, v4  }
0x53a: {  	v5 =	vadd.f32 $-1.000000000e+00, v5;
	v7 =	vpop (erf)  }
0x53b: {  	v4 =	vmul.f32 v7, v4;
	v7 =	vpop (erf)  }
0x53c: {  	v5 =	vmul.f32 v7, v5  }
0x53d: {  	v7 =	vmul.f32 v4, v4  }
0x53e: {  	v54 =	vmul.f32 v5, v5  }
0x53f: {  	v8 =	vor.u32 $0x1, v2;
	v55 =	vmul.f32 $2.857142980e-01, v7  }
0x540: {  	v57 =	vmul.f32 $2.857142980e-01, v54  }
0x541: {  	v10 =	vadd.f32 $4.000000060e-01, v55  }
0x542: {  	v12 =	vadd.f32 $4.000000060e-01, v57  }
0x543: {  	v10 =	vmul.f32 v10, v7  }
0x544: {  	v6 =	vshra.s32 v6, $0x17;
	v56 =	vld.idx.msk [tilespmem:v8+s15+$0x0], $0xffff;
	v12 =	vmul.f32 v12, v54  }
0x545: {  	v6 =	vadd.s32 $0xFFFFFF81, v6;
	v10 =	vadd.f32 $6.666666860e-01, v10  }
0x546: {  	v58 =	vshra.s32 v3, $0x17;
	v6 =	vcvt.s32.f32 v6;
	v8 =	vld.idx.msk [tilespmem:v8+s14+$0x0], $0xffff;
	v12 =	vadd.f32 $6.666666860e-01, v12  }
0x547: {  	v59 =	vadd.s32 $0xFFFFFF81, v58;
	v60 =	vsel vm14, $0x3F800000, v0;
	v7 =	vmul.f32 v10, v7  }
0x548: {  	v6 =	vadd.f32 v6, v60;
	v10 =	vcvt.s32.f32 v59;
	v9 =	vmul.f32 v12, v54  }
0x549: {  	v61 =	vsel vm15, $0x3F800000, v0;
	v11 =	vmul.f32 $5.000000000e-01, v56;
	v7 =	vadd.f32 $2.000000000e+00, v7  }
0x54a: {  	v10 =	vadd.f32 v10, v61;
	v9 =	vadd.f32 $2.000000000e+00, v9  }
0x54b: {  	v6 =	vmul.f32 $6.931471820e-01, v6;
	v8 =	vadd.f32 v11, v8;
	v4 =	vmul.f32 v7, v4  }
0x54c: {  	v7 =	vmul.f32 $6.931471820e-01, v10;
	v5 =	vmul.f32 v9, v5  }
0x54d: {  	v62 =	vadd.f32 $-1.000000000e+00, v8;
	v4 =	vadd.f32 v4, v6  }
0x54e: {  	v5 =	vadd.f32 v5, v7  }
0x54f: {  	v6 =	vsub.f32 $0.0e+00, v8;
	v4 =	vmul.f32 v4, v62  }
0x550: {  	v5 =	vmul.f32 $5.000000000e-01, v5  }
0x551: {  	v7 =	vmul.f32 $1.609437940e+00, v6;
	v4 =	vmul.f32 $1.442695020e+00, v4  }
0x552: {  	(erf) = vrcp.f32 v8;
	v5 =	vmul.f32 v5, v6  }
0x553: {  	v6 =	vmul.f32 $1.442695020e+00, v7;
	(erf) = vpow2.f32 v4  }
0x554: {  	v4 =	vld.idx.msk [tilespmem:v2+s14+$0x0], $0xffff;
	v5 =	vmul.f32 $1.442695020e+00, v5  }
0x555: {  	v2 =	vld.idx.msk [tilespmem:v2+s15+$0x0], $0xffff;
	(erf) = vpow2.f32 v6  }
0x556: {  	(erf) = vpow2.f32 v5;
	_ =	sdelay $0x3  }
0x557: {  	v2 =	vmul.f32 v2, v4  }
0x558: {  	v5 =	vpop (erf)  }
0x559: {  	v2 =	vand.u32 $0x7FFFFFFF, v2;
	v4 =	vpop (erf)  }
0x55a: {  	s9 =	simm.s32 $0x10;
	v7 =	vmul.f32 v4, v2;
	v4 =	vld [tilespmem:s21+$0x0]  }
0x55b: {  	v6 =	vmov s9;
	v8 =	vpop (erf)  }
0x55c: {  	v2 =	vshll.u32 v6, $0x3;
	v63 =	vpop (erf)  }
0x55d: {  	v2 =	vor.u32 v1, v2;
	v6 =	vmul.f32 v7, v5;
	v7 =	vsub.f32 v63, v8  }
0x55e: {  	s7 =	simm.s32 $0x20;
	v5 =	vor.u32 $0x2, v2  }
.LBB2_14:
0x55f: {  	p1 =	sne.s32 s7, $0x340;
	v6 =	vmul.f32 v7, v6  }
0x560: {  	vm0 =	vle.f32 v3, $2.500000000e+01  }
0x561: {  	v3 =	vnsel vm0, $0x0, v6  }
0x562: {  	[tilespmem:v4+s10+$0x0] =	vst.idx.add.f32.msk $0xffff, v3  }
0x563: {  	s31 =	sadd.s32 $0x10, s31;
	v3 =	vld.idx.msk [tilespmem:v5+s15+$0x0], $0xffff  }
0x564: {  	s25 =	sadd.s32 $0x10, s25;
	v4 =	vld [tilespmem:s31+$0x0]  }
0x565: {  	v6 =	vld [tilespmem:s25+$0x0]  }
0x566: {  	s26 =	sadd.s32 $0x10, s26;
	v5 =	vld.idx.msk [tilespmem:v5+s14+$0x0], $0xffff  }
0x567: {  	v7 =	vld [tilespmem:s26+$0x0];
	_ =	sdelay $0x2  }
0x568: {  	v4 =	vmul.f32 v4, v4;
	v6 =	vmul.f32 v6, v6  }
0x569: {  	v3 =	vmul.f32 $5.000000000e-01, v3  }
0x56a: {  	v4 =	vadd.f32 v4, v6;
	v6 =	vmul.f32 v7, v7  }
0x56b: {  	v5 =	vadd.f32 v3, v5  }
0x56c: {  	v3 =	vadd.f32 v6, v4  }
0x56d: {  	v4 =	vand.u32 $0x7FFFFF, v5  }
0x56e: {  	v4 =	vor.u32 $0x3F800000, v4;
	v6 =	vand.u32 $0x7FFFFF, v3  }
0x56f: {  	v7 =	vmul.f32 $5.000000000e-01, v4;
	v6 =	vor.u32 $0x3F800000, v6  }
0x570: {  	vm1 =	vgt.f32 v4, $1.414213540e+00;
	v8 =	vmul.f32 $5.000000000e-01, v6  }
0x571: {  	v4 =	vsel vm1, v7, v4;
	vm0 =	vgt.f32 v6, $1.414213540e+00  }
0x572: {  	v7 =	vadd.f32 $1.000000000e+00, v4;
	v6 =	vsel vm0, v8, v6  }
0x573: {  	v8 =	vadd.f32 $1.000000000e+00, v6  }
0x574: {  	(erf) = vrcp.f32 v7  }
0x575: {  	(erf) = vrcp.f32 v8;
	_ =	sdelay $0x6  }
0x576: {  	v4 =	vadd.f32 $-1.000000000e+00, v4  }
0x577: {  	v6 =	vadd.f32 $-1.000000000e+00, v6;
	v7 =	vor.u32 $0x1, v2;
	v8 =	vpop (erf)  }
0x578: {  	v4 =	vmul.f32 v8, v4;
	v8 =	vpop (erf)  }
0x579: {  	v6 =	vmul.f32 v8, v6  }
0x57a: {  	v8 =	vmul.f32 v4, v4  }
0x57b: {  	v9 =	vmul.f32 v6, v6  }
0x57c: {  	v10 =	vld.idx.msk [tilespmem:v7+s15+$0x0], $0xffff;
	v11 =	vmul.f32 $2.857142980e-01, v8  }
0x57d: {  	v12 =	vmul.f32 $2.857142980e-01, v9  }
0x57e: {  	v11 =	vadd.f32 $4.000000060e-01, v11  }
0x57f: {  	v12 =	vadd.f32 $4.000000060e-01, v12  }
0x580: {  	v11 =	vmul.f32 v11, v8  }
0x581: {  	v12 =	vmul.f32 v12, v9  }
0x582: {  	v5 =	vshra.s32 v5, $0x17;
	v10 =	vmul.f32 $5.000000000e-01, v10;
	v7 =	vld.idx.msk [tilespmem:v7+s14+$0x0], $0xffff;
	v11 =	vadd.f32 $6.666666860e-01, v11  }
0x583: {  	v5 =	vadd.s32 $0xFFFFFF81, v5;
	v13 =	vshra.s32 v3, $0x17;
	v12 =	vadd.f32 $6.666666860e-01, v12  }
0x584: {  	v5 =	vcvt.s32.f32 v5;
	v8 =	vmul.f32 v11, v8;
	v11 =	vadd.s32 $0xFFFFFF81, v13  }
0x585: {  	v13 =	vsel vm1, $0x3F800000, v0;
	v11 =	vcvt.s32.f32 v11;
	v9 =	vmul.f32 v12, v9  }
0x586: {  	v5 =	vadd.f32 v5, v13;
	v12 =	vsel vm0, $0x3F800000, v0;
	v8 =	vadd.f32 $2.000000000e+00, v8  }
0x587: {  	v11 =	vadd.f32 v11, v12;
	v9 =	vadd.f32 $2.000000000e+00, v9  }
0x588: {  	v7 =	vadd.f32 v10, v7;
	v5 =	vmul.f32 $6.931471820e-01, v5;
	v4 =	vmul.f32 v8, v4  }
0x589: {  	v8 =	vmul.f32 $6.931471820e-01, v11;
	v6 =	vmul.f32 v9, v6  }
0x58a: {  	v9 =	vadd.f32 $-1.000000000e+00, v7  }
0x58b: {  	v4 =	vadd.f32 v4, v5;
	v5 =	vadd.f32 v6, v8  }
0x58c: {  	v6 =	vsub.f32 $0.0e+00, v7  }
0x58d: {  	v4 =	vmul.f32 v4, v9;
	v5 =	vmul.f32 $5.000000000e-01, v5  }
0x58e: {  	v8 =	vmul.f32 $1.609437940e+00, v6  }
0x58f: {  	v4 =	vmul.f32 $1.442695020e+00, v4;
	v5 =	vmul.f32 v5, v6  }
0x590: {  	v6 =	vmul.f32 $1.442695020e+00, v8;
	(erf) = vrcp.f32 v7  }
0x591: {  	v7 =	vld.idx.msk [tilespmem:v2+s14+$0x0], $0xffff;
	v5 =	vmul.f32 $1.442695020e+00, v5;
	(erf) = vpow2.f32 v4  }
0x592: {  	v2 =	vld.idx.msk [tilespmem:v2+s15+$0x0], $0xffff;
	(erf) = vpow2.f32 v6  }
0x593: {  	(erf) = vpow2.f32 v5;
	_ =	sdelay $0x4  }
0x594: {  	v2 =	vmul.f32 v2, v7  }
0x595: {  	s21 =	sadd.s32 $0x10, s21;
	v5 =	vpop (erf)  }
.Ltmp8:
0x596: {  	v2 =	vand.u32 $0x7FFFFFFF, v2;
	v4 =	vld [tilespmem:s21+$0x0];
	v6 =	vpop (erf);
	(pc) =	sbr.rel @p1 .LBB2_14-.Ltmp8, $4  }
0x597: {  	v9 =	vmov s7;
	v6 =	vmul.f32 v6, v2;
	v8 =	vpop (erf)  }
0x598: {  	v2 =	vshll.u32 v9, $0x3;
	v7 =	vpop (erf)  }
0x599: {  	v2 =	vor.u32 v1, v2;
	v6 =	vmul.f32 v6, v5;
	v7 =	vsub.f32 v7, v8  }
0x59a: {  	s7 =	sadd.s32 $0x10, s7;
	v5 =	vor.u32 $0x2, v2  }
0x59b: {  	_ = 	snop  }
0x59c: {  	v6 =	vmul.f32 v7, v6  }
0x59d: {  	vm0 =	vle.f32 v3, $2.500000000e+01  }
0x59e: {  	v3 =	vnsel vm0, $0x0, v6  }
0x59f: {  	s7 =	sadd.s32 $0x10, s31;
	[tilespmem:v4+s10+$0x0] =	vst.idx.add.f32.msk $0xffff, v3  }
0x5a0: {  	s25 =	sadd.s32 $0x10, s25;
	v3 =	vld [tilespmem:s7+$0x0]  }
0x5a1: {  	v4 =	vld [tilespmem:s25+$0x0]  }
0x5a2: {  	s26 =	sadd.s32 $0x10, s26;
	v38 =	vld.idx.msk [tilespmem:v5+s15+$0x0], $0xffff  }
0x5a3: {  	v39 =	vld [tilespmem:s26+$0x0]  }
0x5a4: {  	v40 =	vld.idx.msk [tilespmem:v5+s14+$0x0], $0xffff;
	_ =	sdelay $0x1  }
0x5a5: {  	v4 =	vmul.f32 v4, v4;
	v3 =	vmul.f32 v3, v3  }
0x5a6: {  	v6 =	vmul.f32 $5.000000000e-01, v38  }
0x5a7: {  	v41 =	vmul.f32 v39, v39;
	v3 =	vadd.f32 v3, v4  }
0x5a8: {  	v5 =	vadd.f32 v6, v40  }
0x5a9: {  	v3 =	vadd.f32 v41, v3  }
0x5aa: {  	v42 =	vand.u32 $0x7FFFFF, v5  }
0x5ab: {  	v4 =	vor.u32 $0x3F800000, v42;
	v43 =	vand.u32 $0x7FFFFF, v3  }
0x5ac: {  	v44 =	vmul.f32 $5.000000000e-01, v4;
	v6 =	vor.u32 $0x3F800000, v43  }
0x5ad: {  	vm1 =	vgt.f32 v4, $1.414213540e+00;
	v8 =	vmul.f32 $5.000000000e-01, v6  }
0x5ae: {  	v4 =	vsel vm1, v44, v4;
	vm14 =	vgt.f32 v6, $1.414213540e+00  }
0x5af: {  	v7 =	vadd.f32 $1.000000000e+00, v4;
	v6 =	vsel vm14, v8, v6  }
0x5b0: {  	v8 =	vadd.f32 $1.000000000e+00, v6  }
0x5b1: {  	(erf) = vrcp.f32 v7  }
0x5b2: {  	(erf) = vrcp.f32 v8;
	_ =	sdelay $0x6  }
0x5b3: {  	v4 =	vadd.f32 $-1.000000000e+00, v4  }
0x5b4: {  	v6 =	vadd.f32 $-1.000000000e+00, v6;
	v7 =	vpop (erf)  }
0x5b5: {  	v45 =	vor.u32 $0x1, v2;
	v4 =	vmul.f32 v7, v4;
	v46 =	vpop (erf)  }
0x5b6: {  	v6 =	vmul.f32 v46, v6  }
0x5b7: {  	v47 =	vmul.f32 v4, v4  }
0x5b8: {  	v9 =	vmul.f32 v6, v6  }
0x5b9: {  	v10 =	vmul.f32 $2.857142980e-01, v47  }
0x5ba: {  	v11 =	vld.idx.msk [tilespmem:v45+s15+$0x0], $0xffff;
	v12 =	vmul.f32 $2.857142980e-01, v9  }
0x5bb: {  	v10 =	vadd.f32 $4.000000060e-01, v10  }
0x5bc: {  	v12 =	vadd.f32 $4.000000060e-01, v12  }
0x5bd: {  	v10 =	vmul.f32 v10, v47  }
0x5be: {  	v12 =	vmul.f32 v12, v9  }
0x5bf: {  	v11 =	vmul.f32 $5.000000000e-01, v11;
	v5 =	vshra.s32 v5, $0x17;
	v10 =	vadd.f32 $6.666666860e-01, v10  }
0x5c0: {  	v5 =	vadd.s32 $0xFFFFFF81, v5;
	v13 =	vshra.s32 v3, $0x17;
	v8 =	vld.idx.msk [tilespmem:v45+s14+$0x0], $0xffff;
	v12 =	vadd.f32 $6.666666860e-01, v12  }
0x5c1: {  	v5 =	vcvt.s32.f32 v5;
	v48 =	vadd.s32 $0xFFFFFF81, v13;
	v7 =	vmul.f32 v10, v47  }
0x5c2: {  	v49 =	vsel vm1, $0x3F800000, v0;
	v10 =	vcvt.s32.f32 v48;
	v9 =	vmul.f32 v12, v9  }
0x5c3: {  	v5 =	vadd.f32 v5, v49;
	v50 =	vsel vm14, $0x3F800000, v0;
	v7 =	vadd.f32 $2.000000000e+00, v7  }
0x5c4: {  	v10 =	vadd.f32 v10, v50;
	v9 =	vadd.f32 $2.000000000e+00, v9  }
0x5c5: {  	v5 =	vmul.f32 $6.931471820e-01, v5;
	v8 =	vadd.f32 v11, v8;
	v4 =	vmul.f32 v7, v4  }
0x5c6: {  	v51 =	vmul.f32 $6.931471820e-01, v10;
	v6 =	vmul.f32 v9, v6  }
0x5c7: {  	v52 =	vadd.f32 $-1.000000000e+00, v8  }
0x5c8: {  	v4 =	vadd.f32 v4, v5;
	v53 =	vadd.f32 v6, v51  }
0x5c9: {  	v54 =	vsub.f32 $0.0e+00, v8  }
0x5ca: {  	v4 =	vmul.f32 v4, v52;
	v5 =	vmul.f32 $5.000000000e-01, v53  }
0x5cb: {  	v55 =	vmul.f32 $1.609437940e+00, v54  }
0x5cc: {  	v4 =	vmul.f32 $1.442695020e+00, v4;
	v5 =	vmul.f32 v5, v54  }
0x5cd: {  	(erf) = vrcp.f32 v8;
	v56 =	vmul.f32 $1.442695020e+00, v55  }
0x5ce: {  	(erf) = vpow2.f32 v4;
	v5 =	vmul.f32 $1.442695020e+00, v5  }
0x5cf: {  	v57 =	vld.idx.msk [tilespmem:v2+s14+$0x0], $0xffff;
	(erf) = vpow2.f32 v56  }
0x5d0: {  	v2 =	vld.idx.msk [tilespmem:v2+s15+$0x0], $0xffff;
	(erf) = vpow2.f32 v5;
	_ =	sdelay $0x4  }
0x5d1: {  	v2 =	vmul.f32 v2, v57  }
0x5d2: {  	s31 =	sadd.s32 $0x10, s21;
	v58 =	vpop (erf)  }
0x5d3: {  	v59 =	vld [tilespmem:s31+$0x0];
	v2 =	vand.u32 $0x7FFFFFFF, v2;
	v60 =	vpop (erf)  }
0x5d4: {  	v2 =	vmul.f32 v60, v2;
	v61 =	vpop (erf)  }
0x5d5: {  	v62 =	vpop (erf)  }
0x5d6: {  	v2 =	vmul.f32 v2, v58;
	v63 =	vsub.f32 v62, v61  }
.Ltmp9:
0x5d7: {  	_ = 	snop;
	(pc) =	sbr.rel @!p0 .LBB2_16-.Ltmp9, $4  }
0x5d8: {  	v2 =	vmul.f32 v63, v2  }
0x5d9: {  	vm15 =	vle.f32 v3, $2.500000000e+01  }
0x5da: {  	v2 =	vnsel vm15, $0x0, v2  }
0x5db: {  	[tilespmem:v59+s10+$0x0] =	vst.idx.add.f32.msk $0xffff, v2  }
0x5dc: {  	[bflag:$0x0] =	sbarrier.arrive $0xFFFF  }
0x5dd: {  	s8 =	rddreg [dreg:$0x0]  }
0x5de: {  	[tilespmem:s18], [sflag:$0x1] =	stream.linear.gather [hbm4b:s8+s6], $0x400, $0x38;
	[tilespmem:$0x1B8C0] =	vst v63  }
0x5df: {  	_ =	swait.ge [sflag:s12], $0x400  }
0x5e0: {  	[sflag:s12] =	ssyncset.done $0x0  }
0x5e1: {  	s7 =	simm.s32 $0xA800;
	[sflag:s12] =	ssyncadd.s32 $0xFFFFFC00  }
0x5e2: {  	[spmem:s4] =	stream.indirect.scatter.add.f32 [tilespmem:s7], [sflag:$0x5], $0x1, s18, s13, $0xb8;
	[tilespmem:$0x1B8C0] =	vst v63  }
0x5e3: {  	s21 =	simm.s32 $0xA880  }
0x5e4: {  	[spmem:s4] =	stream.indirect.scatter.add.f32 [tilespmem:s21], [sflag:$0x5], $0x1, s19, s13, $0xb8;
	[tilespmem:$0x1B8C0] =	vst v63  }
0x5e5: {  	s25 =	simm.s32 $0xA900  }
0x5e6: {  	[spmem:s4] =	stream.indirect.scatter.add.f32 [tilespmem:s25], [sflag:$0x5], $0x1, s22, s13, $0xb8;
	[tilespmem:$0x1B8C0] =	vst v63  }
0x5e7: {  	s26 =	simm.s32 $0xA980  }
0x5e8: {  	[spmem:s4] =	stream.indirect.scatter.add.f32 [tilespmem:s26], [sflag:$0x5], $0x1, s23, s13, $0xb8;
	[tilespmem:$0x1B8C0] =	vst v63  }
0x5e9: {  	s9 =	simm.s32 $0xAA00  }
0x5ea: {  	[spmem:s4] =	stream.indirect.scatter.add.f32 [tilespmem:s9], [sflag:$0x5], $0x1, s24, s13, $0xb8;
	[tilespmem:$0x1B8C0] =	vst v63  }
0x5eb: {  	s21 =	simm.s32 $0xAA80  }
0x5ec: {  	[spmem:s4] =	stream.indirect.scatter.add.f32 [tilespmem:s21], [sflag:$0x5], $0x1, s2, s13, $0xb8;
	[tilespmem:$0x1B8C0] =	vst v63  }
0x5ed: {  	s25 =	simm.s32 $0xAB00  }
0x5ee: {  	[spmem:s4] =	stream.indirect.scatter.add.f32 [tilespmem:s25], [sflag:$0x5], $0x1, s3, s13, $0xb8;
	[tilespmem:$0x1B8C0] =	vst v63  }
0x5ef: {  	s26 =	simm.s32 $0xAB80  }
0x5f0: {  	[spmem:s4] =	stream.indirect.scatter.add.f32 [tilespmem:s26], [sflag:$0x5], $0x1, s20, s13, $0xb8;
	[tilespmem:$0x1B8C0] =	vst v63  }
0x5f1: {  	_ =	swait.ge [sflag:s1], $0x80  }
0x5f2: {  	[sflag:s1] =	ssyncset.done $0x0  }
0x5f3: {  	[sflag:s1] =	ssyncadd.s32 $0xFFFFFF80  }
0x5f4: {  	_ =	swait.ge [sflag:s1], $0x80  }
0x5f5: {  	[sflag:s1] =	ssyncset.done $0x0  }
0x5f6: {  	[sflag:s1] =	ssyncadd.s32 $0xFFFFFF80  }
0x5f7: {  	_ =	swait.ge [sflag:s1], $0x80  }
0x5f8: {  	[sflag:s1] =	ssyncset.done $0x0  }
0x5f9: {  	[sflag:s1] =	ssyncadd.s32 $0xFFFFFF80  }
0x5fa: {  	_ =	swait.ge [sflag:s1], $0x80  }
0x5fb: {  	[sflag:s1] =	ssyncset.done $0x0  }
0x5fc: {  	[sflag:s1] =	ssyncadd.s32 $0xFFFFFF80  }
0x5fd: {  	_ =	swait.ge [sflag:s1], $0x80  }
0x5fe: {  	[sflag:s1] =	ssyncset.done $0x0  }
0x5ff: {  	[sflag:s1] =	ssyncadd.s32 $0xFFFFFF80  }
0x600: {  	_ =	swait.ge [sflag:s1], $0x80  }
0x601: {  	[sflag:s1] =	ssyncset.done $0x0  }
0x602: {  	[sflag:s1] =	ssyncadd.s32 $0xFFFFFF80  }
0x603: {  	_ =	swait.ge [sflag:s1], $0x80  }
0x604: {  	[sflag:s1] =	ssyncset.done $0x0  }
0x605: {  	[sflag:s1] =	ssyncadd.s32 $0xFFFFFF80  }
0x606: {  	s31 =	simm.s32 $0x5800;
	s7 =	simm.s32 $0x1000;
	_ =	swait.ge [sflag:s1], $0x80  }
0x607: {  	s25 =	simm.s32 $0x7;
	s26 =	simm.s32 $0x5400;
	[sflag:s1] =	ssyncset.done $0x0  }
.LBB2_18:
0x608: {  	p1 =	sne.s32 s7, $0x30000;
	[sflag:s1] =	ssyncadd.s32 $0xFFFFFF80;
	s8 =	sadd.s32 $0x80, s8  }
0x609: {  	[tilespmem:s18], [sflag:$0x1] =	stream.linear.gather [hbm4b:s8+s6], $0x400, $0x38;
	[tilespmem:$0x1B8C0] =	vst v63  }
0x60a: {  	s9 =	smov.u32 s7;
	s7 =	sadd.s32 $0x1000, s7;
	_ =	swait.ge [sflag:s12], $0x400  }
0x60b: {  	s9 =	sshra.s32 s9, $0x2;
	[sflag:s12] =	ssyncset.done $0x0  }
0x60c: {  	s21 =	sadd.s32 $0xA800, s9;
	[sflag:s12] =	ssyncadd.s32 $0xFFFFFC00  }
0x60d: {  	[spmem:s4] =	stream.indirect.scatter.add.f32 [tilespmem:s21], [sflag:$0x5], $0x1, s18, s13, $0xb8;
	[tilespmem:$0x1B8C0] =	vst v63  }
0x60e: {  	s21 =	sadd.s32 $0xA880, s9  }
0x60f: {  	[spmem:s4] =	stream.indirect.scatter.add.f32 [tilespmem:s21], [sflag:$0x5], $0x1, s19, s13, $0xb8;
	[tilespmem:$0x1B8C0] =	vst v63  }
0x610: {  	s21 =	sadd.s32 $0xA900, s9  }
0x611: {  	[spmem:s4] =	stream.indirect.scatter.add.f32 [tilespmem:s21], [sflag:$0x5], $0x1, s22, s13, $0xb8;
	[tilespmem:$0x1B8C0] =	vst v63  }
0x612: {  	s21 =	sadd.s32 $0xA980, s9  }
0x613: {  	[spmem:s4] =	stream.indirect.scatter.add.f32 [tilespmem:s21], [sflag:$0x5], $0x1, s23, s13, $0xb8;
	[tilespmem:$0x1B8C0] =	vst v63  }
0x614: {  	s21 =	sadd.s32 $0xAA00, s9  }
0x615: {  	[spmem:s4] =	stream.indirect.scatter.add.f32 [tilespmem:s21], [sflag:$0x5], $0x1, s24, s13, $0xb8;
	[tilespmem:$0x1B8C0] =	vst v63  }
0x616: {  	s21 =	sadd.s32 $0xAA80, s9  }
0x617: {  	[spmem:s4] =	stream.indirect.scatter.add.f32 [tilespmem:s21], [sflag:$0x5], $0x1, s2, s13, $0xb8;
	[tilespmem:$0x1B8C0] =	vst v63  }
0x618: {  	s21 =	sadd.s32 $0xAB00, s9  }
0x619: {  	[spmem:s4] =	stream.indirect.scatter.add.f32 [tilespmem:s21], [sflag:$0x5], $0x1, s3, s13, $0xb8;
	[tilespmem:$0x1B8C0] =	vst v63  }
0x61a: {  	s9 =	sadd.s32 $0xAB80, s9  }
0x61b: {  	[spmem:s4] =	stream.indirect.scatter.add.f32 [tilespmem:s9], [sflag:$0x5], $0x1, s20, s13, $0xb8;
	[tilespmem:$0x1B8C0] =	vst v63  }
0x61c: {  	_ =	swait.ge [sflag:s1], $0x80  }
0x61d: {  	[sflag:s1] =	ssyncset.done $0x0  }
0x61e: {  	[sflag:s1] =	ssyncadd.s32 $0xFFFFFF80  }
0x61f: {  	_ =	swait.ge [sflag:s1], $0x80  }
0x620: {  	[sflag:s1] =	ssyncset.done $0x0  }
0x621: {  	[sflag:s1] =	ssyncadd.s32 $0xFFFFFF80  }
0x622: {  	_ =	swait.ge [sflag:s1], $0x80  }
0x623: {  	[sflag:s1] =	ssyncset.done $0x0  }
0x624: {  	[sflag:s1] =	ssyncadd.s32 $0xFFFFFF80  }
0x625: {  	_ =	swait.ge [sflag:s1], $0x80  }
0x626: {  	[sflag:s1] =	ssyncset.done $0x0  }
0x627: {  	[sflag:s1] =	ssyncadd.s32 $0xFFFFFF80  }
0x628: {  	_ =	swait.ge [sflag:s1], $0x80  }
0x629: {  	[sflag:s1] =	ssyncset.done $0x0  }
0x62a: {  	[sflag:s1] =	ssyncadd.s32 $0xFFFFFF80  }
0x62b: {  	_ =	swait.ge [sflag:s1], $0x80  }
0x62c: {  	[sflag:s1] =	ssyncset.done $0x0  }
0x62d: {  	[sflag:s1] =	ssyncadd.s32 $0xFFFFFF80  }
.Ltmp10:
0x62e: {  	_ =	swait.ge [sflag:s1], $0x80;
	(pc) =	sbr.rel @p1 .LBB2_18-.Ltmp10, $4  }
0x62f: {  	[sflag:s1] =	ssyncset.done $0x0  }
0x630: {  	[sflag:s1] =	ssyncadd.s32 $0xFFFFFF80  }
0x631: {  	_ =	swait.ge [sflag:s1], $0x80  }
0x632: {  	[sflag:s1] =	ssyncset.done $0x0  }
.Ltmp11:
0x633: {  	(pc) =	sbr.rel .LBB2_20-.Ltmp11, $2  }
0x634: {  	_ =	sdelay $0x2  }
0x635: {  	[sflag:s1] =	ssyncadd.s32 $0xFFFFFF80  }
.LBB2_16:
0x636: {  	[spmem:s4] =	stream.linear.scatter [tilespmem:s10], [sflag:$0x7], $0xC400, $0x38;
	[tilespmem:$0x1B8C0] =	vst v63  }
0x637: {  	s25 =	simm.s32 $0x7  }
0x638: {  	_ =	swait.ge [sflag:s25], $0xC400  }
0x639: {  	[sflag:s25] =	ssyncset.done $0x0  }
0x63a: {  	[sflag:s25] =	ssyncadd.s32 $0xFFFF3C00  }
0x63b: {  	s26 =	simm.s32 $0x5400;
	s31 =	simm.s32 $0x5800;
	[bflag:$0x0] =	sbarrier.arrive $0xFFFF  }
.LBB2_20:
0x63c: {  	[bflag:$0x0] =	sbarrier.arrive $0xFFFF  }
0x63d: {  	s8 =	simm.s32 $0x17000;
	s7 =	rddreg [dreg:$0x1a]  }
0x63e: {  	[tilespmem:s8], [sflag:$0x7] =	stream.linear.gather [spmem:s7], $0xC40, $0x38;
	[tilespmem:$0x1B8C0] =	vst v63  }
0x63f: {  	_ =	swait.ge [sflag:s25], $0xC40  }
0x640: {  	s9 =	simm.s32 $0x17C40;
	[sflag:s25] =	ssyncset.done $0x0  }
0x641: {  	s8 =	simm.s32 $0x0;
	s21 =	rddreg [dreg:$0x1b];
	[sflag:s25] =	ssyncadd.s32 $0xFFFFF3C0  }
0x642: {  	[tilespmem:s9], [sflag:$0x7] =	stream.linear.gather [hbm4b:s21+s8], $0xC40, $0x38;
	[tilespmem:$0x1B8C0] =	vst v63  }
0x643: {  	_ =	swait.ge [sflag:s25], $0xC40  }
0x644: {  	[sflag:s25] =	ssyncset.done $0x0  }
0x645: {  	s7 =	simm.s32 $0x40;
	s8 =	simm.s32 $0x0;
	[sflag:s25] =	ssyncadd.s32 $0xFFFFF3C0  }
.LBB2_21:
0x646: {  	p1 =	sne.s32 s7, $0x30C0;
	v2 =	vld [tilespmem:s8+$0x17C40];
	_ =	sdelay $0x2  }
0x647: {  	v3 =	vld [tilespmem:s8+$0x17000]  }
.Ltmp12:
0x648: {  	(pc) =	sbr.rel @p1 .LBB2_21-.Ltmp12, $2  }
0x649: {  	_ =	sdelay $0x2  }
0x64a: {  	s8 =	sshra.s32 s7, $0x2;
	s7 =	sadd.s32 $0x40, s7;
	[tilespmem:v2+s17+$0x0] =	vst.idx.add.f32.msk $0xffff, v3  }
0x64b: {  	v2 =	vld [tilespmem:s8+$0x17C40];
	_ =	sdelay $0x2  }
0x64c: {  	v3 =	vld [tilespmem:s8+$0x17000];
	_ =	sdelay $0x4  }
0x64d: {  	s7 =	rddreg [dreg:$0x1c];
	[tilespmem:v2+s17+$0x0] =	vst.idx.add.f32.msk $0xffff, v3  }
0x64e: {  	[spmem:s7] =	stream.linear.scatter [tilespmem:s17], [sflag:$0x7], $0x200, $0x38;
	[tilespmem:$0x1B8C0] =	vst v63  }
.Ltmp13:
0x64f: {  	_ =	swait.ge [sflag:s25], $0x200;
	(pc) =	sbr.rel @p0 .LBB2_26-.Ltmp13, $4  }
0x650: {  	[sflag:s25] =	ssyncset.done $0x0  }
0x651: {  	[sflag:s25] =	ssyncadd.s32 $0xFFFFFE00  }
0x652: {  	[bflag:$0x0] =	sbarrier.arrive $0xFFFF  }
0x653: {  	s8 =	rddreg [dreg:$0x1f]  }
0x654: {  	s7 =	rddreg [dreg:$0x4];
	s8 =	simm.s32 $0x18A80  }
0x655: {  	[tilespmem:s8], [sflag:$0x7] =	stream.linear.gather [spmem:s7], $0x2000, $0x38;
	[tilespmem:$0x1B8C0] =	vst v63  }
0x656: {  	_ =	swait.ge [sflag:s25], $0x2000  }
0x657: {  	[sflag:s25] =	ssyncset.done $0x0  }
0x658: {  	s8 =	simm.s32 $0x0;
	[sflag:s25] =	ssyncadd.s32 $0xFFFFE000  }
0x659: {  	v2 =	vld [tilespmem:s8+$0x18A80]  }
0x65a: {  	v3 =	vld [tilespmem:s8+$0x18C80];
	_ =	sdelay $0x1  }
0x65b: {  	v4 =	vld [tilespmem:s8+$0x18E80];
	_ =	sdelay $0x1  }
0x65c: {  	v5 =	vld [tilespmem:s8+$0x19080]  }
0x65d: {  	v2 =	vadd.f32 v3, v2  }
0x65e: {  	v3 =	vld [tilespmem:s8+$0x19280]  }
0x65f: {  	v2 =	vadd.f32 v4, v2  }
0x660: {  	v4 =	vld [tilespmem:s8+$0x19480]  }
0x661: {  	v2 =	vadd.f32 v5, v2  }
0x662: {  	v5 =	vld [tilespmem:s8+$0x19680]  }
0x663: {  	v2 =	vadd.f32 v3, v2  }
0x664: {  	v3 =	vld [tilespmem:s8+$0x19880]  }
0x665: {  	s7 =	simm.s32 $0x10;
	v6 =	vld [tilespmem:s8+$0x19A80];
	v2 =	vadd.f32 v4, v2  }
0x666: {  	v7 =	vld [tilespmem:s7+$0x18A80]  }
0x667: {  	v4 =	vld [tilespmem:s8+$0x19C80];
	v2 =	vadd.f32 v5, v2  }
0x668: {  	v5 =	vld [tilespmem:s7+$0x18C80]  }
0x669: {  	v8 =	vld [tilespmem:s7+$0x18E80];
	v2 =	vadd.f32 v3, v2  }
0x66a: {  	v3 =	vld [tilespmem:s8+$0x19E80]  }
0x66b: {  	v9 =	vld [tilespmem:s7+$0x19080];
	v2 =	vadd.f32 v6, v2  }
0x66c: {  	v6 =	vld [tilespmem:s8+$0x1A080]  }
0x66d: {  	v5 =	vadd.f32 v5, v7;
	v7 =	vld [tilespmem:s7+$0x19280];
	v2 =	vadd.f32 v4, v2  }
0x66e: {  	v4 =	vld [tilespmem:s8+$0x1A280]  }
0x66f: {  	v10 =	vld [tilespmem:s7+$0x19480];
	v5 =	vadd.f32 v8, v5;
	v2 =	vadd.f32 v3, v2  }
0x670: {  	v8 =	vld [tilespmem:s8+$0x1A480]  }
0x671: {  	v11 =	vld [tilespmem:s7+$0x19680];
	v3 =	vadd.f32 v9, v5;
	v2 =	vadd.f32 v6, v2  }
0x672: {  	v9 =	vld [tilespmem:s8+$0x1A680]  }
0x673: {  	v5 =	vld [tilespmem:s7+$0x19880];
	v6 =	vadd.f32 v7, v3;
	v4 =	vadd.f32 v4, v2  }
0x674: {  	v3 =	vld [tilespmem:s8+$0x1A880]  }
0x675: {  	v2 =	vld [tilespmem:s7+$0x19C80];
	v7 =	vadd.f32 v10, v6;
	v8 =	vadd.f32 v8, v4  }
0x676: {  	s9 =	simm.s32 $0x20;
	v6 =	vld [tilespmem:s7+$0x19A80]  }
0x677: {  	s21 =	simm.s32 $0xC0;
	v4 =	vld [tilespmem:s9+$0x18A80];
	v7 =	vadd.f32 v11, v7;
	v8 =	vadd.f32 v9, v8  }
.LBB2_24:
0x678: {  	p1 =	sne.s32 s21, $0x7C0;
	v9 =	vld [tilespmem:s9+$0x18C80]  }
0x679: {  	v5 =	vadd.f32 v5, v7;
	v7 =	vld [tilespmem:s7+$0x19E80];
	v3 =	vadd.f32 v3, v8  }
0x67a: {  	v8 =	vld [tilespmem:s9+$0x18E80]  }
0x67b: {  	v5 =	vadd.f32 v6, v5;
	v6 =	vld [tilespmem:s7+$0x1A080];
	v3 =	vmul.f32 $7.199800010e+00, v3  }
0x67c: {  	v10 =	vld [tilespmem:s9+$0x19080]  }
0x67d: {  	v4 =	vadd.f32 v9, v4;
	v2 =	vadd.f32 v2, v5;
	v5 =	vld [tilespmem:s7+$0x1A280];
	[tilespmem:s8+$0x18880] =	vst v3;
	s8 =	smov.u32 s7;
	s7 =	smov.u32 s9  }
0x67e: {  	v3 =	vld [tilespmem:s7+$0x19280]  }
0x67f: {  	v4 =	vadd.f32 v8, v4;
	v2 =	vadd.f32 v7, v2;
	v7 =	vld [tilespmem:s8+$0x1A480]  }
0x680: {  	v8 =	vld [tilespmem:s7+$0x19480]  }
0x681: {  	v4 =	vadd.f32 v10, v4;
	v2 =	vadd.f32 v6, v2;
	v9 =	vld [tilespmem:s8+$0x1A680]  }
0x682: {  	v10 =	vld [tilespmem:s7+$0x19680]  }
.Ltmp14:
0x683: {  	v4 =	vadd.f32 v3, v4;
	v6 =	vadd.f32 v5, v2;
	v3 =	vld [tilespmem:s8+$0x1A880];
	(pc) =	sbr.rel @p1 .LBB2_24-.Ltmp14, $4  }
0x684: {  	v5 =	vld [tilespmem:s7+$0x19880]  }
0x685: {  	v8 =	vadd.f32 v8, v4;
	v2 =	vld [tilespmem:s7+$0x19C80];
	v11 =	vadd.f32 v7, v6  }
0x686: {  	s9 =	sshra.s32 s21, $0x2;
	v6 =	vld [tilespmem:s7+$0x19A80]  }
0x687: {  	s21 =	sadd.s32 $0x40, s21;
	v4 =	vld [tilespmem:s9+$0x18A80];
	v7 =	vadd.f32 v10, v8;
	v8 =	vadd.f32 v9, v11  }
0x688: {  	v9 =	vld [tilespmem:s9+$0x18C80]  }
0x689: {  	v10 =	vld [tilespmem:s7+$0x19E80];
	v3 =	vadd.f32 v3, v8  }
0x68a: {  	v49 =	vld [tilespmem:s9+$0x18E80]  }
0x68b: {  	v11 =	vld [tilespmem:s7+$0x1A080];
	v5 =	vadd.f32 v5, v7;
	v3 =	vmul.f32 $7.199800010e+00, v3  }
0x68c: {  	v50 =	vld [tilespmem:s9+$0x19080]  }
0x68d: {  	v12 =	vld [tilespmem:s7+$0x1A280];
	v5 =	vadd.f32 v6, v5;
	v4 =	vadd.f32 v9, v4;
	[tilespmem:s8+$0x18880] =	vst v3  }
0x68e: {  	v3 =	vld [tilespmem:s9+$0x19280]  }
0x68f: {  	v2 =	vadd.f32 v2, v5;
	v4 =	vadd.f32 v49, v4  }
0x690: {  	v51 =	vld [tilespmem:s9+$0x19480]  }
0x691: {  	v52 =	vld [tilespmem:s7+$0x1A480];
	v2 =	vadd.f32 v10, v2;
	v4 =	vadd.f32 v50, v4  }
0x692: {  	v53 =	vld [tilespmem:s9+$0x19680]  }
0x693: {  	v54 =	vld [tilespmem:s7+$0x1A680];
	v2 =	vadd.f32 v11, v2;
	v3 =	vadd.f32 v3, v4  }
0x694: {  	v55 =	vld [tilespmem:s9+$0x19880]  }
0x695: {  	v56 =	vld [tilespmem:s7+$0x1A880];
	v2 =	vadd.f32 v12, v2;
	v3 =	vadd.f32 v51, v3  }
0x696: {  	v57 =	vld [tilespmem:s9+$0x19A80]  }
0x697: {  	v2 =	vadd.f32 v52, v2;
	v3 =	vadd.f32 v53, v3  }
0x698: {  	v58 =	vld [tilespmem:s9+$0x19C80]  }
0x699: {  	v2 =	vadd.f32 v54, v2;
	v3 =	vadd.f32 v55, v3  }
0x69a: {  	v59 =	vld [tilespmem:s9+$0x19E80]  }
0x69b: {  	v2 =	vadd.f32 v56, v2;
	v3 =	vadd.f32 v57, v3  }
0x69c: {  	v60 =	vld [tilespmem:s9+$0x1A080]  }
0x69d: {  	v2 =	vmul.f32 $7.199800010e+00, v2;
	v3 =	vadd.f32 v58, v3  }
0x69e: {  	v61 =	vld [tilespmem:s9+$0x1A280]  }
0x69f: {  	[tilespmem:s7+$0x18880] =	vst v2;
	v2 =	vadd.f32 v59, v3  }
0x6a0: {  	v3 =	vld [tilespmem:s9+$0x1A480]  }
0x6a1: {  	v2 =	vadd.f32 v60, v2  }
0x6a2: {  	v62 =	vld [tilespmem:s9+$0x1A680]  }
0x6a3: {  	v2 =	vadd.f32 v61, v2  }
0x6a4: {  	v63 =	vld [tilespmem:s9+$0x1A880]  }
0x6a5: {  	v2 =	vadd.f32 v3, v2;
	_ =	sdelay $0x1  }
0x6a6: {  	v2 =	vadd.f32 v62, v2;
	_ =	sdelay $0x1  }
0x6a7: {  	v2 =	vadd.f32 v63, v2;
	_ =	sdelay $0x1  }
0x6a8: {  	v2 =	vmul.f32 $7.199800010e+00, v2;
	_ =	sdelay $0x1  }
.Ltmp15:
0x6a9: {  	s21 =	rddreg [dreg:$0x1d];
	[tilespmem:s9+$0x18880] =	vst v2;
	(pc) =	sbr.rel .LBB2_26-.Ltmp15, $4  }
0x6aa: {  	[hbm4b:s21+s6] =	stream.linear.scatter [tilespmem:s17], [sflag:$0x7], $0x200, $0x38;
	[tilespmem:$0x1B8C0] =	vst v63  }
0x6ab: {  	_ =	swait.ge [sflag:s25], $0x200  }
0x6ac: {  	[sflag:s25] =	ssyncset.done $0x0  }
0x6ad: {  	s8 =	rddreg [dreg:$0x1f];
	[sflag:s25] =	ssyncadd.s32 $0xFFFFFE00  }
.LBB2_27:
0x6ae: {  	_ =	sfence.sel $0x180000  }
0x6af: {  	[bflag:$0x0] =	sbarrier.arrive $0xFFFF  }
0x6b0: {  	_ =	strace $0x90000047  }
0x6b1: {  	[bflag:$0x2] =	sbarrier.arrive $0xFFFF  }
0x6b2: {  	s0 =	rddreg [dreg:$0x5]  }
0x6b3: {  	s0 =	sadd.s32 @!p0 $0x100000, s0  }
0x6b4: {  	[sflag:s0] =	ssyncadd.tile.s32 @!p0 $0x1;
	_ =	shalt  }
.Lfunc_end2:
_tile_overlayer_lowered:
.L_overlay_start_2:
0x6b5: {  	(tag) =	ssettag $0x2  }
0x6b6: {  	s0 =	rddreg [dreg:$0x0];
	s2 =	stileid.u32  }
0x6b7: {  	s1 =	rddreg [dreg:$0x1];
	p0 =	sne.s32 s2, $0x0  }
0x6b8: {  	s3 =	rddreg [dreg:$0x2];
	[bflag:$0x3] =	sbarrier.arrive $0xFFFF;
	s2 =	simm.s32 @!p0 $0x1C07  }
0x6b9: {  	[timem:s3], [sflag:s2] =	dma.local @!p0 [hbm:s0], s1  }
0x6ba: {  	s0 =	simm.s32 @!p0 $0x7  }
0x6bb: {  	_ =	swait.ge @!p0 [sflag:s0], s1  }
0x6bc: {  	s1 =	ssub.s32 @!p0 $0x0, s1;
	[sflag:s0] =	ssyncset.done @!p0 $0x0  }
0x6bd: {  	[sflag:s0] =	ssyncadd.s32 @!p0 s1  }
0x6be: {  	[bflag:$0x3] =	sbarrier.arrive $0xFFFF  }
0x6bf: {  	_ =	shalt  }

</sc_bundles>
